<compile_context>
chip_gen: v7x
topology: tpu7x:2x2x1
jax: 0.10.2.dev20260603
libtpu: 0.0.44.dev20260713+nightly
codegen_flags: <defaults>
</compile_context>

<pallas_src>
import functools

import jax
import jax.numpy as jnp
from jax import lax
from jax.experimental import pallas as pl
from jax.experimental.pallas import tpu as pltpu
from jax.experimental.pallas import tpu_sc as plsc

_B = 256
_S = 512
_E = 128
_NSEG = 3
_EPS = 1e-6

_NC = 2
_NS = 16
_NW = _NC * _NS
_TOK = _B * _S
_PERW = _TOK // _NW
_C = 128
_NCHUNK = _PERW // _C
_L = 16
_NV = _E // _L


def _rsqrt16(x):
    i = lax.bitcast_convert_type(x, jnp.int32)
    i = jnp.int32(0x5F3759DF) - (i >> 1)
    y = lax.bitcast_convert_type(i, jnp.float32)
    half = x * 0.5
    for _ in range(2):
        y = y * (1.5 - half * y * y)
    return y


def _sc_body(wtab, pstab, pttab, widx, psidx, ptidx, gam, bet, out,
             widx_v, psidx_v, ptidx_v, gam_v, bet_v,
             buf0, buf1, buf2, ps_s, pt_s, sem0, sem1, sem2):
    wid = lax.axis_index("s") * _NC + lax.axis_index("c")

    pltpu.sync_copy(widx.at[wid], widx_v)
    pltpu.sync_copy(psidx.at[wid], psidx_v)
    pltpu.sync_copy(ptidx.at[wid], ptidx_v)
    pltpu.sync_copy(gam, gam_v)
    pltpu.sync_copy(bet, bet_v)

    @pl.when(lax.axis_index("s") == 0)
    def _():
        pltpu.sync_copy(pstab, ps_s)
        pltpu.sync_copy(pttab, pt_s)

    plsc.subcore_barrier()

    base = wid * _PERW
    bufs = ((buf0, sem0), (buf1, sem1), (buf2, sem2))

    def fire_word(k, b):
        buf, sem = bufs[b]
        pltpu.async_copy(wtab.at[widx_v.at[k]], buf, sem)

    def drain_word(k, b):
        buf, sem = bufs[b]
        pltpu.make_async_copy(wtab.at[widx_v.at[k]], buf, sem).wait()

    def fire_adds(k, b):
        buf, sem = bufs[b]
        pltpu.async_copy(ps_s.at[psidx_v.at[k]], buf, sem, add=True)
        pltpu.async_copy(pt_s.at[ptidx_v.at[k]], buf, sem, add=True)

    def drain_adds(k, b):
        buf, sem = bufs[b]
        pltpu.make_async_copy(ps_s.at[psidx_v.at[k]], buf, sem).wait()
        pltpu.make_async_copy(pt_s.at[ptidx_v.at[k]], buf, sem).wait()

    def fire_out(k, b):
        buf, sem = bufs[b]
        pltpu.async_copy(buf, out.at[pl.ds(base + k * _C, _C)], sem)

    def drain_out(k, b):
        buf, sem = bufs[b]
        pltpu.make_async_copy(
            buf, out.at[pl.ds(base + k * _C, _C)], sem).wait()

    lanes = lax.iota(jnp.int32, _L)
    gdn = lax.GatherDimensionNumbers(
        offset_dims=(), collapsed_slice_dims=(0,), start_index_map=(0,))

    def shuffle(x, idx):
        return lax.gather(
            x, idx[:, None], gdn, slice_sizes=(1,),
            mode=lax.GatherScatterMode.PROMISE_IN_BOUNDS)

    def hsum(x):
        for k in (1, 2, 4, 8):
            x = x + shuffle(x, lanes ^ k)
        return x

    def compute_chunk(k, b):
        buf, _ = bufs[b]

        @plsc.parallel_loop(0, _C, unroll=2)
        def tok_body(t):
            rw = buf.at[t]
            xs = []
            s1 = jnp.zeros((_L,), jnp.float32)
            s2 = jnp.zeros((_L,), jnp.float32)
            for v in range(_NV):
                x = rw[pl.ds(v * _L, _L)]
                xs.append(x)
                s1 = s1 + x
                s2 = s2 + x * x
            meanv = hsum(s1) * (1.0 / _E)
            varv = hsum(s2) * (1.0 / _E) - meanv * meanv
            inv = _rsqrt16(varv + _EPS)
            for v in range(_NV):
                sl = pl.ds(v * _L, _L)
                y = (xs[v] - meanv) * inv * gam_v[sl] + bet_v[sl]
                rw[sl] = y

        fire_out(k, b)

    fire_word(0, 0)
    fire_word(1, 1)
    drain_word(0, 0)
    fire_adds(0, 0)

    @pl.loop(0, _NCHUNK, step=3)
    def chunk_triple(c):
        for b in (0, 1, 2):
            k = c + b

            @pl.when(jnp.logical_and(k >= 1, k + 2 < _NCHUNK))
            def _():
                drain_out(k - 1, (b + 2) % 3)

            @pl.when(k + 2 < _NCHUNK)
            def _():
                fire_word(k + 2, (b + 2) % 3)

            @pl.when(k + 1 < _NCHUNK)
            def _():
                drain_word(k + 1, (b + 1) % 3)
                fire_adds(k + 1, (b + 1) % 3)

            @pl.when(k < _NCHUNK)
            def _():
                drain_adds(k, b)
                compute_chunk(k, b)

    drain_out(_NCHUNK - 3, (_NCHUNK - 3) % 3)
    drain_out(_NCHUNK - 2, (_NCHUNK - 2) % 3)
    drain_out(_NCHUNK - 1, (_NCHUNK - 1) % 3)


def kernel(src, postag_ids, seg, word_table, pos_table, seg_table,
           postag_table, gamma, beta):
    ps_table = (pos_table[:, None, :] + seg_table[None, :, :]).reshape(
        _S * _NSEG, _E)

    src_i = src.astype(jnp.int32).reshape(_NW, _NCHUNK, _C)
    pos_ids = jnp.arange(_S, dtype=jnp.int32)
    ps_idx = (pos_ids[None, :] * _NSEG + seg.astype(jnp.int32)).reshape(
        _NW, _NCHUNK, _C)
    pt_idx = postag_ids.astype(jnp.int32).reshape(_NW, _NCHUNK, _C)

    mesh = plsc.VectorSubcoreMesh(core_axis_name="c", subcore_axis_name="s")
    run = functools.partial(
        pl.kernel,
        mesh=mesh,
        out_type=jax.ShapeDtypeStruct((_TOK, _E), jnp.float32),
        scratch_types=[
            pltpu.VMEM((_NCHUNK, _C), jnp.int32),
            pltpu.VMEM((_NCHUNK, _C), jnp.int32),
            pltpu.VMEM((_NCHUNK, _C), jnp.int32),
            pltpu.VMEM((_E,), jnp.float32),
            pltpu.VMEM((_E,), jnp.float32),
            pltpu.VMEM((_C, _E), jnp.float32),
            pltpu.VMEM((_C, _E), jnp.float32),
            pltpu.VMEM((_C, _E), jnp.float32),
            pltpu.VMEM_SHARED((_S * _NSEG, _E), jnp.float32),
            pltpu.VMEM_SHARED((50, _E), jnp.float32),
            pltpu.SemaphoreType.DMA,
            pltpu.SemaphoreType.DMA,
            pltpu.SemaphoreType.DMA,
        ],
    )(_sc_body)
    out = run(word_table, ps_table, postag_table, src_i, ps_idx,
              pt_idx, gamma, beta)
    return out.reshape(_B, _S, _E)

# --- scband reference (transcript-rebuilt; emitter-appended) ---
"""Pipeline reference for scband-bert-embedding-42958262895073 (READ-ONLY COPY).

The authoritative reference and input builder live on the scoring server;
editing this copy changes nothing except your own understanding.
"""

import jax, jax.numpy as jnp
import numpy as np

VOCAB = 100000
EMB = 128
MAX_LEN = 512
N_SEG = 3
N_POSTAG = 50
B = 256
S = 512
EPS = 1e-6


def setup_inputs(seed: int = 0) -> dict:
    key = jax.random.key(seed)
    ks = jax.random.split(key, 10)
    src = jax.random.randint(ks[0], (B, S), 0, VOCAB, dtype=jnp.int64 if jax.config.jax_enable_x64 else jnp.int32)
    postag_ids = jax.random.randint(ks[1], (B, S), 0, N_POSTAG, dtype=src.dtype)
    seg = jax.random.randint(ks[2], (B, S), 0, N_SEG, dtype=src.dtype)
    word_table = jax.random.normal(ks[3], (VOCAB, EMB), dtype=jnp.float32) * 0.02
    pos_table = jax.random.normal(ks[4], (MAX_LEN, EMB), dtype=jnp.float32) * 0.02
    seg_table = jax.random.normal(ks[5], (N_SEG, EMB), dtype=jnp.float32) * 0.02
    postag_table = jax.random.normal(ks[6], (N_POSTAG, EMB), dtype=jnp.float32) * 0.02
    gamma = jnp.ones((EMB,), dtype=jnp.float32)
    beta = jnp.zeros((EMB,), dtype=jnp.float32)
    return {
        "src": src,
        "postag_ids": postag_ids,
        "seg": seg,
        "word_table": word_table,
        "pos_table": pos_table,
        "seg_table": seg_table,
        "postag_table": postag_table,
        "gamma": gamma,
        "beta": beta,
    }


def reference(src, postag_ids, seg, word_table, pos_table, seg_table, postag_table, gamma, beta):
    # word embedding gather
    word_emb = jnp.take(word_table, src, axis=0)            # [B, S, E]
    # position embedding: pos=None path -> arange(seq_len) broadcast over batch
    seq_len = src.shape[1]
    pos_ids = jnp.arange(seq_len)
    pos_emb = jnp.take(pos_table, pos_ids, axis=0)[None, :, :]  # [1, S, E]
    seg_emb = jnp.take(seg_table, seg, axis=0)              # [B, S, E]
    postag_emb = jnp.take(postag_table, postag_ids, axis=0) # [B, S, E]
    emb = word_emb + pos_emb + seg_emb + postag_emb
    # LayerNorm over last dim
    mean = jnp.mean(emb, axis=-1, keepdims=True)
    var = jnp.mean(jnp.square(emb - mean), axis=-1, keepdims=True)
    normed = (emb - mean) / jnp.sqrt(var + EPS)
    out = normed * gamma + beta
    # dropout is identity in eval/inference mode
    return out

if __name__ == "__main__":
    import jax
    _d = setup_inputs()
    print(jax.jit(kernel)(*tuple(_d.values())))

</pallas_src>

<mosaic_0001>
#map = affine_map<(d0, d1) -> (0, 0)>
#map1 = affine_map<(d0, d1) -> (0, 0, 0)>
#map2 = affine_map<(d0, d1) -> (0)>
module attributes {stable_mosaic.version = 14 : i64} {
  func.func @_sc_body(%arg0: i32, %arg1: i32, %arg2: memref<100000x128xf32, #tpu.memory_space<hbm>>, %arg3: memref<1536x128xf32, #tpu.memory_space<hbm>>, %arg4: memref<50x128xf32, #tpu.memory_space<hbm>>, %arg5: memref<32x32x128xi32, #tpu.memory_space<hbm>>, %arg6: memref<32x32x128xi32, #tpu.memory_space<hbm>>, %arg7: memref<32x32x128xi32, #tpu.memory_space<hbm>>, %arg8: memref<128xf32, #tpu.memory_space<hbm>>, %arg9: memref<128xf32, #tpu.memory_space<hbm>>, %arg10: memref<131072x128xf32, #tpu.memory_space<hbm>>, %arg11: memref<32x128xi32, #tpu.memory_space<vmem>>, %arg12: memref<32x128xi32, #tpu.memory_space<vmem>>, %arg13: memref<32x128xi32, #tpu.memory_space<vmem>>, %arg14: memref<128xf32, #tpu.memory_space<vmem>>, %arg15: memref<128xf32, #tpu.memory_space<vmem>>, %arg16: memref<128x128xf32, #tpu.memory_space<vmem>>, %arg17: memref<128x128xf32, #tpu.memory_space<vmem>>, %arg18: memref<128x128xf32, #tpu.memory_space<vmem>>, %arg19: memref<1536x128xf32, #tpu.memory_space<vmem_shared>>, %arg20: memref<50x128xf32, #tpu.memory_space<vmem_shared>>, %arg21: memref<!tpu.dma_semaphore, #tpu.memory_space<semaphore_mem>>, %arg22: memref<!tpu.dma_semaphore, #tpu.memory_space<semaphore_mem>>, %arg23: memref<!tpu.dma_semaphore, #tpu.memory_space<semaphore_mem>>) attributes {dimension_semantics = [#tpu.dimension_semantics<core_parallel>, #tpu.dimension_semantics<subcore_parallel>], iteration_bounds = array<i64: 2, 16>, scalar_prefetch = 0 : i64, scratch_operands = 13 : i64, tpu.core_type = #tpu.core_type<sc_vector_subcore>, window_params = [{transform_indices = #map}, {transform_indices = #map}, {transform_indices = #map}, {transform_indices = #map1}, {transform_indices = #map1}, {transform_indices = #map1}, {transform_indices = #map2}, {transform_indices = #map2}, {transform_indices = #map}]} {
    %mul3A = arith.constant 2 : i32
    %mul3A_0 = arith.muli %arg1, %mul3A : i32
    %add3A = arith.addi %mul3A_0, %arg0 : i32
    "tpu.region"() ({
      %run_scoped3A = tpu.sem_alloc : memref<!tpu.dma_semaphore, #tpu.memory_space<semaphore_mem>>
      %dma_start3A_60 = arith.constant 0 : i32
      %dma_start3A_61 = arith.constant 0 : i32
      %dma_start3A_62 = tpu.memref_slice %arg5[%add3A, %dma_start3A_60, %dma_start3A_61] : memref<32x32x128xi32, #tpu.memory_space<hbm>> -> memref<1x32x128xi32, #tpu.memory_space<hbm>>
      %dma_start3A_63 = tpu.memref_squeeze %dma_start3A_62 : memref<1x32x128xi32, #tpu.memory_space<hbm>> -> memref<32x128xi32, #tpu.memory_space<hbm>>
      %dma_start3A_64 = arith.constant 0 : i32
      %dma_start3A_65 = arith.constant 0 : i32
      %dma_start3A_66 = tpu.memref_slice %arg5[%add3A, %dma_start3A_64, %dma_start3A_65] : memref<32x32x128xi32, #tpu.memory_space<hbm>> -> memref<1x32x128xi32, #tpu.memory_space<hbm>>
      %dma_start3A_67 = tpu.memref_squeeze %dma_start3A_66 : memref<1x32x128xi32, #tpu.memory_space<hbm>> -> memref<32x128xi32, #tpu.memory_space<hbm>>
      tpu.enqueue_dma source(%dma_start3A_67 : memref<32x128xi32, #tpu.memory_space<hbm>>) target(%arg11 : memref<32x128xi32, #tpu.memory_space<vmem>>) target_semaphore(%run_scoped3A : memref<!tpu.dma_semaphore, #tpu.memory_space<semaphore_mem>>)
      %dma_wait3A_68 = arith.constant 0 : i32
      %dma_wait3A_69 = arith.constant 0 : i32
      %dma_wait3A_70 = tpu.memref_slice %arg5[%add3A, %dma_wait3A_68, %dma_wait3A_69] : memref<32x32x128xi32, #tpu.memory_space<hbm>> -> memref<1x32x128xi32, #tpu.memory_space<hbm>>
      %dma_wait3A_71 = tpu.memref_squeeze %dma_wait3A_70 : memref<1x32x128xi32, #tpu.memory_space<hbm>> -> memref<32x128xi32, #tpu.memory_space<hbm>>
      %dma_wait3A_72 = arith.constant 0 : i32
      %dma_wait3A_73 = arith.constant 0 : i32
      %dma_wait3A_74 = tpu.memref_slice %arg5[%add3A, %dma_wait3A_72, %dma_wait3A_73] : memref<32x32x128xi32, #tpu.memory_space<hbm>> -> memref<1x32x128xi32, #tpu.memory_space<hbm>>
      %dma_wait3A_75 = tpu.memref_squeeze %dma_wait3A_74 : memref<1x32x128xi32, #tpu.memory_space<hbm>> -> memref<32x128xi32, #tpu.memory_space<hbm>>
      tpu.wait_dma2 semaphore(%run_scoped3A : memref<!tpu.dma_semaphore, #tpu.memory_space<semaphore_mem>>) src(%dma_wait3A_75 : memref<32x128xi32, #tpu.memory_space<hbm>>) dst(%arg11 : memref<32x128xi32, #tpu.memory_space<vmem>>)
      tpu.yield
    }) : () -> ()
    "tpu.region"() ({
      %run_scoped3A = tpu.sem_alloc : memref<!tpu.dma_semaphore, #tpu.memory_space<semaphore_mem>>
      %dma_start3A_60 = arith.constant 0 : i32
      %dma_start3A_61 = arith.constant 0 : i32
      %dma_start3A_62 = tpu.memref_slice %arg6[%add3A, %dma_start3A_60, %dma_start3A_61] : memref<32x32x128xi32, #tpu.memory_space<hbm>> -> memref<1x32x128xi32, #tpu.memory_space<hbm>>
      %dma_start3A_63 = tpu.memref_squeeze %dma_start3A_62 : memref<1x32x128xi32, #tpu.memory_space<hbm>> -> memref<32x128xi32, #tpu.memory_space<hbm>>
      %dma_start3A_64 = arith.constant 0 : i32
      %dma_start3A_65 = arith.constant 0 : i32
      %dma_start3A_66 = tpu.memref_slice %arg6[%add3A, %dma_start3A_64, %dma_start3A_65] : memref<32x32x128xi32, #tpu.memory_space<hbm>> -> memref<1x32x128xi32, #tpu.memory_space<hbm>>
      %dma_start3A_67 = tpu.memref_squeeze %dma_start3A_66 : memref<1x32x128xi32, #tpu.memory_space<hbm>> -> memref<32x128xi32, #tpu.memory_space<hbm>>
      tpu.enqueue_dma source(%dma_start3A_67 : memref<32x128xi32, #tpu.memory_space<hbm>>) target(%arg12 : memref<32x128xi32, #tpu.memory_space<vmem>>) target_semaphore(%run_scoped3A : memref<!tpu.dma_semaphore, #tpu.memory_space<semaphore_mem>>)
      %dma_wait3A_68 = arith.constant 0 : i32
      %dma_wait3A_69 = arith.constant 0 : i32
      %dma_wait3A_70 = tpu.memref_slice %arg6[%add3A, %dma_wait3A_68, %dma_wait3A_69] : memref<32x32x128xi32, #tpu.memory_space<hbm>> -> memref<1x32x128xi32, #tpu.memory_space<hbm>>
      %dma_wait3A_71 = tpu.memref_squeeze %dma_wait3A_70 : memref<1x32x128xi32, #tpu.memory_space<hbm>> -> memref<32x128xi32, #tpu.memory_space<hbm>>
      %dma_wait3A_72 = arith.constant 0 : i32
      %dma_wait3A_73 = arith.constant 0 : i32
      %dma_wait3A_74 = tpu.memref_slice %arg6[%add3A, %dma_wait3A_72, %dma_wait3A_73] : memref<32x32x128xi32, #tpu.memory_space<hbm>> -> memref<1x32x128xi32, #tpu.memory_space<hbm>>
      %dma_wait3A_75 = tpu.memref_squeeze %dma_wait3A_74 : memref<1x32x128xi32, #tpu.memory_space<hbm>> -> memref<32x128xi32, #tpu.memory_space<hbm>>
      tpu.wait_dma2 semaphore(%run_scoped3A : memref<!tpu.dma_semaphore, #tpu.memory_space<semaphore_mem>>) src(%dma_wait3A_75 : memref<32x128xi32, #tpu.memory_space<hbm>>) dst(%arg12 : memref<32x128xi32, #tpu.memory_space<vmem>>)
      tpu.yield
    }) : () -> ()
    "tpu.region"() ({
      %run_scoped3A = tpu.sem_alloc : memref<!tpu.dma_semaphore, #tpu.memory_space<semaphore_mem>>
      %dma_start3A_60 = arith.constant 0 : i32
      %dma_start3A_61 = arith.constant 0 : i32
      %dma_start3A_62 = tpu.memref_slice %arg7[%add3A, %dma_start3A_60, %dma_start3A_61] : memref<32x32x128xi32, #tpu.memory_space<hbm>> -> memref<1x32x128xi32, #tpu.memory_space<hbm>>
      %dma_start3A_63 = tpu.memref_squeeze %dma_start3A_62 : memref<1x32x128xi32, #tpu.memory_space<hbm>> -> memref<32x128xi32, #tpu.memory_space<hbm>>
      %dma_start3A_64 = arith.constant 0 : i32
      %dma_start3A_65 = arith.constant 0 : i32
      %dma_start3A_66 = tpu.memref_slice %arg7[%add3A, %dma_start3A_64, %dma_start3A_65] : memref<32x32x128xi32, #tpu.memory_space<hbm>> -> memref<1x32x128xi32, #tpu.memory_space<hbm>>
      %dma_start3A_67 = tpu.memref_squeeze %dma_start3A_66 : memref<1x32x128xi32, #tpu.memory_space<hbm>> -> memref<32x128xi32, #tpu.memory_space<hbm>>
      tpu.enqueue_dma source(%dma_start3A_67 : memref<32x128xi32, #tpu.memory_space<hbm>>) target(%arg13 : memref<32x128xi32, #tpu.memory_space<vmem>>) target_semaphore(%run_scoped3A : memref<!tpu.dma_semaphore, #tpu.memory_space<semaphore_mem>>)
      %dma_wait3A_68 = arith.constant 0 : i32
      %dma_wait3A_69 = arith.constant 0 : i32
      %dma_wait3A_70 = tpu.memref_slice %arg7[%add3A, %dma_wait3A_68, %dma_wait3A_69] : memref<32x32x128xi32, #tpu.memory_space<hbm>> -> memref<1x32x128xi32, #tpu.memory_space<hbm>>
      %dma_wait3A_71 = tpu.memref_squeeze %dma_wait3A_70 : memref<1x32x128xi32, #tpu.memory_space<hbm>> -> memref<32x128xi32, #tpu.memory_space<hbm>>
      %dma_wait3A_72 = arith.constant 0 : i32
      %dma_wait3A_73 = arith.constant 0 : i32
      %dma_wait3A_74 = tpu.memref_slice %arg7[%add3A, %dma_wait3A_72, %dma_wait3A_73] : memref<32x32x128xi32, #tpu.memory_space<hbm>> -> memref<1x32x128xi32, #tpu.memory_space<hbm>>
      %dma_wait3A_75 = tpu.memref_squeeze %dma_wait3A_74 : memref<1x32x128xi32, #tpu.memory_space<hbm>> -> memref<32x128xi32, #tpu.memory_space<hbm>>
      tpu.wait_dma2 semaphore(%run_scoped3A : memref<!tpu.dma_semaphore, #tpu.memory_space<semaphore_mem>>) src(%dma_wait3A_75 : memref<32x128xi32, #tpu.memory_space<hbm>>) dst(%arg13 : memref<32x128xi32, #tpu.memory_space<vmem>>)
      tpu.yield
    }) : () -> ()
    "tpu.region"() ({
      %run_scoped3A = tpu.sem_alloc : memref<!tpu.dma_semaphore, #tpu.memory_space<semaphore_mem>>
      tpu.enqueue_dma source(%arg8 : memref<128xf32, #tpu.memory_space<hbm>>) target(%arg14 : memref<128xf32, #tpu.memory_space<vmem>>) target_semaphore(%run_scoped3A : memref<!tpu.dma_semaphore, #tpu.memory_space<semaphore_mem>>)
      tpu.wait_dma2 semaphore(%run_scoped3A : memref<!tpu.dma_semaphore, #tpu.memory_space<semaphore_mem>>) src(%arg8 : memref<128xf32, #tpu.memory_space<hbm>>) dst(%arg14 : memref<128xf32, #tpu.memory_space<vmem>>)
      tpu.yield
    }) : () -> ()
    "tpu.region"() ({
      %run_scoped3A = tpu.sem_alloc : memref<!tpu.dma_semaphore, #tpu.memory_space<semaphore_mem>>
      tpu.enqueue_dma source(%arg9 : memref<128xf32, #tpu.memory_space<hbm>>) target(%arg15 : memref<128xf32, #tpu.memory_space<vmem>>) target_semaphore(%run_scoped3A : memref<!tpu.dma_semaphore, #tpu.memory_space<semaphore_mem>>)
      tpu.wait_dma2 semaphore(%run_scoped3A : memref<!tpu.dma_semaphore, #tpu.memory_space<semaphore_mem>>) src(%arg9 : memref<128xf32, #tpu.memory_space<hbm>>) dst(%arg15 : memref<128xf32, #tpu.memory_space<vmem>>)
      tpu.yield
    }) : () -> ()
    %eq3A = arith.constant 0 : i32
    %eq3A_1 = arith.cmpi eq, %arg1, %eq3A : i32
    %convert_element_type3A = arith.extui %eq3A_1 : i1 to i32
    %cond3A = arith.constant 0 : i32
    %cond3A_2 = arith.cmpi ne, %convert_element_type3A, %cond3A : i32
    scf.if %cond3A_2 {
      "tpu.region"() ({
        %run_scoped3A = tpu.sem_alloc : memref<!tpu.dma_semaphore, #tpu.memory_space<semaphore_mem>>
        tpu.enqueue_dma source(%arg3 : memref<1536x128xf32, #tpu.memory_space<hbm>>) target(%arg19 : memref<1536x128xf32, #tpu.memory_space<vmem_shared>>) target_semaphore(%run_scoped3A : memref<!tpu.dma_semaphore, #tpu.memory_space<semaphore_mem>>)
        tpu.wait_dma2 semaphore(%run_scoped3A : memref<!tpu.dma_semaphore, #tpu.memory_space<semaphore_mem>>) src(%arg3 : memref<1536x128xf32, #tpu.memory_space<hbm>>) dst(%arg19 : memref<1536x128xf32, #tpu.memory_space<vmem_shared>>)
        tpu.yield
      }) : () -> ()
      "tpu.region"() ({
        %run_scoped3A = tpu.sem_alloc : memref<!tpu.dma_semaphore, #tpu.memory_space<semaphore_mem>>
        tpu.enqueue_dma source(%arg4 : memref<50x128xf32, #tpu.memory_space<hbm>>) target(%arg20 : memref<50x128xf32, #tpu.memory_space<vmem_shared>>) target_semaphore(%run_scoped3A : memref<!tpu.dma_semaphore, #tpu.memory_space<semaphore_mem>>)
        tpu.wait_dma2 semaphore(%run_scoped3A : memref<!tpu.dma_semaphore, #tpu.memory_space<semaphore_mem>>) src(%arg4 : memref<50x128xf32, #tpu.memory_space<hbm>>) dst(%arg20 : memref<50x128xf32, #tpu.memory_space<vmem_shared>>)
        tpu.yield
      }) : () -> ()
    } else {
    }
    %barrier3A = arith.constant 0 : index
    tpu.barrier barrier_id(%barrier3A)
    %mul3A_3 = arith.constant 4096 : i32
    %mul3A_4 = arith.muli %add3A, %mul3A_3 : i32
    %iota3A = tpu.iota {dimensions = array<i32: 0>} : vector<16xi32>
    %dma_start3A = arith.constant 0 : i32
    %dma_start3A_5 = arith.constant 0 : i32
    %dma_start3A_6 = tpu.memref_slice %arg11[%dma_start3A, %dma_start3A_5] : memref<32x128xi32, #tpu.memory_space<vmem>> -> memref<1x128xi32, #tpu.memory_space<vmem>>
    %dma_start3A_7 = tpu.memref_squeeze %dma_start3A_6 : memref<1x128xi32, #tpu.memory_space<vmem>> -> memref<128xi32, #tpu.memory_space<vmem>>
    %dma_start3A_8 = arith.constant 0 : i32
    %dma_start3A_9 = arith.constant 0 : i32
    %dma_start3A_10 = tpu.memref_slice %arg2[%dma_start3A_8, %dma_start3A_9] : memref<100000x128xf32, #tpu.memory_space<hbm>> -> memref<100000x128xf32, #tpu.memory_space<hbm>>
    tpu.enqueue_indirect_dma source(%dma_start3A_10 : memref<100000x128xf32, #tpu.memory_space<hbm>>) target(%arg16 : memref<128x128xf32, #tpu.memory_space<vmem>>) offsets(%dma_start3A_7 : memref<128xi32, #tpu.memory_space<vmem>>) semaphore(%arg21 : memref<!tpu.dma_semaphore, #tpu.memory_space<semaphore_mem>>)
    %dma_start3A_11 = arith.constant 1 : i32
    %dma_start3A_12 = arith.constant 0 : i32
    %dma_start3A_13 = tpu.memref_slice %arg11[%dma_start3A_11, %dma_start3A_12] : memref<32x128xi32, #tpu.memory_space<vmem>> -> memref<1x128xi32, #tpu.memory_space<vmem>>
    %dma_start3A_14 = tpu.memref_squeeze %dma_start3A_13 : memref<1x128xi32, #tpu.memory_space<vmem>> -> memref<128xi32, #tpu.memory_space<vmem>>
    %dma_start3A_15 = arith.constant 0 : i32
    %dma_start3A_16 = arith.constant 0 : i32
    %dma_start3A_17 = tpu.memref_slice %arg2[%dma_start3A_15, %dma_start3A_16] : memref<100000x128xf32, #tpu.memory_space<hbm>> -> memref<100000x128xf32, #tpu.memory_space<hbm>>
    tpu.enqueue_indirect_dma source(%dma_start3A_17 : memref<100000x128xf32, #tpu.memory_space<hbm>>) target(%arg17 : memref<128x128xf32, #tpu.memory_space<vmem>>) offsets(%dma_start3A_14 : memref<128xi32, #tpu.memory_space<vmem>>) semaphore(%arg22 : memref<!tpu.dma_semaphore, #tpu.memory_space<semaphore_mem>>)
    %dma_wait3A = arith.constant 0 : i32
    %dma_wait3A_18 = arith.constant 0 : i32
    %dma_wait3A_19 = tpu.memref_slice %arg11[%dma_wait3A, %dma_wait3A_18] : memref<32x128xi32, #tpu.memory_space<vmem>> -> memref<1x128xi32, #tpu.memory_space<vmem>>
    %dma_wait3A_20 = tpu.memref_squeeze %dma_wait3A_19 : memref<1x128xi32, #tpu.memory_space<vmem>> -> memref<128xi32, #tpu.memory_space<vmem>>
    %dma_wait3A_21 = arith.constant 0 : i32
    %dma_wait3A_22 = arith.constant 0 : i32
    %dma_wait3A_23 = tpu.memref_slice %arg2[%dma_wait3A_21, %dma_wait3A_22] : memref<100000x128xf32, #tpu.memory_space<hbm>> -> memref<100000x128xf32, #tpu.memory_space<hbm>>
    tpu.wait_indirect_dma semaphore(%arg21 : memref<!tpu.dma_semaphore, #tpu.memory_space<semaphore_mem>>) src(%dma_wait3A_23 : memref<100000x128xf32, #tpu.memory_space<hbm>>) dst(%arg16 : memref<128x128xf32, #tpu.memory_space<vmem>>)
    %dma_start3A_24 = arith.constant 0 : i32
    %dma_start3A_25 = arith.constant 0 : i32
    %dma_start3A_26 = tpu.memref_slice %arg12[%dma_start3A_24, %dma_start3A_25] : memref<32x128xi32, #tpu.memory_space<vmem>> -> memref<1x128xi32, #tpu.memory_space<vmem>>
    %dma_start3A_27 = tpu.memref_squeeze %dma_start3A_26 : memref<1x128xi32, #tpu.memory_space<vmem>> -> memref<128xi32, #tpu.memory_space<vmem>>
    %dma_start3A_28 = arith.constant 0 : i32
    %dma_start3A_29 = arith.constant 0 : i32
    %dma_start3A_30 = tpu.memref_slice %arg19[%dma_start3A_28, %dma_start3A_29] : memref<1536x128xf32, #tpu.memory_space<vmem_shared>> -> memref<1536x128xf32, #tpu.memory_space<vmem_shared>>
    tpu.enqueue_indirect_dma source(%dma_start3A_30 : memref<1536x128xf32, #tpu.memory_space<vmem_shared>>) target(%arg16 : memref<128x128xf32, #tpu.memory_space<vmem>>) offsets(%dma_start3A_27 : memref<128xi32, #tpu.memory_space<vmem>>) semaphore(%arg21 : memref<!tpu.dma_semaphore, #tpu.memory_space<semaphore_mem>>) {add = true}
    %dma_start3A_31 = arith.constant 0 : i32
    %dma_start3A_32 = arith.constant 0 : i32
    %dma_start3A_33 = tpu.memref_slice %arg13[%dma_start3A_31, %dma_start3A_32] : memref<32x128xi32, #tpu.memory_space<vmem>> -> memref<1x128xi32, #tpu.memory_space<vmem>>
    %dma_start3A_34 = tpu.memref_squeeze %dma_start3A_33 : memref<1x128xi32, #tpu.memory_space<vmem>> -> memref<128xi32, #tpu.memory_space<vmem>>
    %dma_start3A_35 = arith.constant 0 : i32
    %dma_start3A_36 = arith.constant 0 : i32
    %dma_start3A_37 = tpu.memref_slice %arg20[%dma_start3A_35, %dma_start3A_36] : memref<50x128xf32, #tpu.memory_space<vmem_shared>> -> memref<50x128xf32, #tpu.memory_space<vmem_shared>>
    tpu.enqueue_indirect_dma source(%dma_start3A_37 : memref<50x128xf32, #tpu.memory_space<vmem_shared>>) target(%arg16 : memref<128x128xf32, #tpu.memory_space<vmem>>) offsets(%dma_start3A_34 : memref<128xi32, #tpu.memory_space<vmem>>) semaphore(%arg21 : memref<!tpu.dma_semaphore, #tpu.memory_space<semaphore_mem>>) {add = true}
    %scan3A = arith.constant 0 : i32
    %scan3A_38 = arith.constant 11 : i32
    %scan3A_39 = arith.addi %scan3A, %scan3A_38 : i32
    %scan3A_40 = arith.constant 1 : i32
    scf.for %scan3A_60 = %scan3A to %scan3A_39 step %scan3A_40  : i32 {
      %mul3A_61 = arith.constant 3 : i32
      %mul3A_62 = arith.muli %scan3A_60, %mul3A_61 : i32
      %add3A_63 = arith.constant 0 : i32
      %add3A_64 = arith.addi %add3A_63, %mul3A_62 : i32
      %add3A_65 = arith.constant 0 : i32
      %add3A_66 = arith.addi %add3A_64, %add3A_65 : i32
      %ge3A = arith.constant 1 : i32
      %ge3A_67 = arith.cmpi sge, %add3A_66, %ge3A : i32
      %add3A_68 = arith.constant 2 : i32
      %add3A_69 = arith.addi %add3A_66, %add3A_68 : i32
      %lt3A = arith.constant 32 : i32
      %lt3A_70 = arith.cmpi slt, %add3A_69, %lt3A : i32
      %and3A = arith.andi %ge3A_67, %lt3A_70 : i1
      %convert_element_type3A_71 = arith.extui %and3A : i1 to i32
      %cond3A_72 = arith.constant 0 : i32
      %cond3A_73 = arith.cmpi ne, %convert_element_type3A_71, %cond3A_72 : i32
      scf.if %cond3A_73 {
        %sub3A = arith.constant 1 : i32
        %sub3A_155 = arith.subi %add3A_66, %sub3A : i32
        %mul3A_156 = arith.constant 128 : i32
        %mul3A_157 = arith.muli %sub3A_155, %mul3A_156 : i32
        %add3A_158 = arith.addi %mul3A_4, %mul3A_157 : i32
        %dma_wait3A_159 = arith.constant 0 : i32
        %dma_wait3A_160 = tpu.memref_slice %arg10[%add3A_158, %dma_wait3A_159] : memref<131072x128xf32, #tpu.memory_space<hbm>> -> memref<128x128xf32, #tpu.memory_space<hbm>>
        %dma_wait3A_161 = arith.constant 0 : i32
        %dma_wait3A_162 = tpu.memref_slice %arg10[%add3A_158, %dma_wait3A_161] : memref<131072x128xf32, #tpu.memory_space<hbm>> -> memref<128x128xf32, #tpu.memory_space<hbm>>
        tpu.wait_dma2 semaphore(%arg23 : memref<!tpu.dma_semaphore, #tpu.memory_space<semaphore_mem>>) src(%arg18 : memref<128x128xf32, #tpu.memory_space<vmem>>) dst(%dma_wait3A_162 : memref<128x128xf32, #tpu.memory_space<hbm>>)
      } else {
      }
      %add3A_74 = arith.constant 2 : i32
      %add3A_75 = arith.addi %add3A_66, %add3A_74 : i32
      %lt3A_76 = arith.constant 32 : i32
      %lt3A_77 = arith.cmpi slt, %add3A_75, %lt3A_76 : i32
      %convert_element_type3A_78 = arith.extui %lt3A_77 : i1 to i32
      %cond3A_79 = arith.constant 0 : i32
      %cond3A_80 = arith.cmpi ne, %convert_element_type3A_78, %cond3A_79 : i32
      scf.if %cond3A_80 {
        %add3A_155 = arith.constant 2 : i32
        %add3A_156 = arith.addi %add3A_66, %add3A_155 : i32
        %dma_start3A_157 = arith.constant 0 : i32
        %dma_start3A_158 = tpu.memref_slice %arg11[%add3A_156, %dma_start3A_157] : memref<32x128xi32, #tpu.memory_space<vmem>> -> memref<1x128xi32, #tpu.memory_space<vmem>>
        %dma_start3A_159 = tpu.memref_squeeze %dma_start3A_158 : memref<1x128xi32, #tpu.memory_space<vmem>> -> memref<128xi32, #tpu.memory_space<vmem>>
        %dma_start3A_160 = arith.constant 0 : i32
        %dma_start3A_161 = arith.constant 0 : i32
        %dma_start3A_162 = tpu.memref_slice %arg2[%dma_start3A_160, %dma_start3A_161] : memref<100000x128xf32, #tpu.memory_space<hbm>> -> memref<100000x128xf32, #tpu.memory_space<hbm>>
        tpu.enqueue_indirect_dma source(%dma_start3A_162 : memref<100000x128xf32, #tpu.memory_space<hbm>>) target(%arg18 : memref<128x128xf32, #tpu.memory_space<vmem>>) offsets(%dma_start3A_159 : memref<128xi32, #tpu.memory_space<vmem>>) semaphore(%arg23 : memref<!tpu.dma_semaphore, #tpu.memory_space<semaphore_mem>>)
      } else {
      }
      %add3A_81 = arith.constant 1 : i32
      %add3A_82 = arith.addi %add3A_66, %add3A_81 : i32
      %lt3A_83 = arith.constant 32 : i32
      %lt3A_84 = arith.cmpi slt, %add3A_82, %lt3A_83 : i32
      %convert_element_type3A_85 = arith.extui %lt3A_84 : i1 to i32
      %cond3A_86 = arith.constant 0 : i32
      %cond3A_87 = arith.cmpi ne, %convert_element_type3A_85, %cond3A_86 : i32
      scf.if %cond3A_87 {
        %add3A_155 = arith.constant 1 : i32
        %add3A_156 = arith.addi %add3A_66, %add3A_155 : i32
        %dma_wait3A_157 = arith.constant 0 : i32
        %dma_wait3A_158 = tpu.memref_slice %arg11[%add3A_156, %dma_wait3A_157] : memref<32x128xi32, #tpu.memory_space<vmem>> -> memref<1x128xi32, #tpu.memory_space<vmem>>
        %dma_wait3A_159 = tpu.memref_squeeze %dma_wait3A_158 : memref<1x128xi32, #tpu.memory_space<vmem>> -> memref<128xi32, #tpu.memory_space<vmem>>
        %dma_wait3A_160 = arith.constant 0 : i32
        %dma_wait3A_161 = arith.constant 0 : i32
        %dma_wait3A_162 = tpu.memref_slice %arg2[%dma_wait3A_160, %dma_wait3A_161] : memref<100000x128xf32, #tpu.memory_space<hbm>> -> memref<100000x128xf32, #tpu.memory_space<hbm>>
        tpu.wait_indirect_dma semaphore(%arg22 : memref<!tpu.dma_semaphore, #tpu.memory_space<semaphore_mem>>) src(%dma_wait3A_162 : memref<100000x128xf32, #tpu.memory_space<hbm>>) dst(%arg17 : memref<128x128xf32, #tpu.memory_space<vmem>>)
        %add3A_163 = arith.constant 1 : i32
        %add3A_164 = arith.addi %add3A_66, %add3A_163 : i32
        %dma_start3A_165 = arith.constant 0 : i32
        %dma_start3A_166 = tpu.memref_slice %arg12[%add3A_164, %dma_start3A_165] : memref<32x128xi32, #tpu.memory_space<vmem>> -> memref<1x128xi32, #tpu.memory_space<vmem>>
        %dma_start3A_167 = tpu.memref_squeeze %dma_start3A_166 : memref<1x128xi32, #tpu.memory_space<vmem>> -> memref<128xi32, #tpu.memory_space<vmem>>
        %dma_start3A_168 = arith.constant 0 : i32
        %dma_start3A_169 = arith.constant 0 : i32
        %dma_start3A_170 = tpu.memref_slice %arg19[%dma_start3A_168, %dma_start3A_169] : memref<1536x128xf32, #tpu.memory_space<vmem_shared>> -> memref<1536x128xf32, #tpu.memory_space<vmem_shared>>
        tpu.enqueue_indirect_dma source(%dma_start3A_170 : memref<1536x128xf32, #tpu.memory_space<vmem_shared>>) target(%arg17 : memref<128x128xf32, #tpu.memory_space<vmem>>) offsets(%dma_start3A_167 : memref<128xi32, #tpu.memory_space<vmem>>) semaphore(%arg22 : memref<!tpu.dma_semaphore, #tpu.memory_space<semaphore_mem>>) {add = true}
        %dma_start3A_171 = arith.constant 0 : i32
        %dma_start3A_172 = tpu.memref_slice %arg13[%add3A_164, %dma_start3A_171] : memref<32x128xi32, #tpu.memory_space<vmem>> -> memref<1x128xi32, #tpu.memory_space<vmem>>
        %dma_start3A_173 = tpu.memref_squeeze %dma_start3A_172 : memref<1x128xi32, #tpu.memory_space<vmem>> -> memref<128xi32, #tpu.memory_space<vmem>>
        %dma_start3A_174 = arith.constant 0 : i32
        %dma_start3A_175 = arith.constant 0 : i32
        %dma_start3A_176 = tpu.memref_slice %arg20[%dma_start3A_174, %dma_start3A_175] : memref<50x128xf32, #tpu.memory_space<vmem_shared>> -> memref<50x128xf32, #tpu.memory_space<vmem_shared>>
        tpu.enqueue_indirect_dma source(%dma_start3A_176 : memref<50x128xf32, #tpu.memory_space<vmem_shared>>) target(%arg17 : memref<128x128xf32, #tpu.memory_space<vmem>>) offsets(%dma_start3A_173 : memref<128xi32, #tpu.memory_space<vmem>>) semaphore(%arg22 : memref<!tpu.dma_semaphore, #tpu.memory_space<semaphore_mem>>) {add = true}
      } else {
      }
      %lt3A_88 = arith.constant 32 : i32
      %lt3A_89 = arith.cmpi slt, %add3A_66, %lt3A_88 : i32
      %convert_element_type3A_90 = arith.extui %lt3A_89 : i1 to i32
      %cond3A_91 = arith.constant 0 : i32
      %cond3A_92 = arith.cmpi ne, %convert_element_type3A_90, %cond3A_91 : i32
      scf.if %cond3A_92 {
        %dma_wait3A_155 = arith.constant 0 : i32
        %dma_wait3A_156 = tpu.memref_slice %arg12[%add3A_66, %dma_wait3A_155] : memref<32x128xi32, #tpu.memory_space<vmem>> -> memref<1x128xi32, #tpu.memory_space<vmem>>
        %dma_wait3A_157 = tpu.memref_squeeze %dma_wait3A_156 : memref<1x128xi32, #tpu.memory_space<vmem>> -> memref<128xi32, #tpu.memory_space<vmem>>
        %dma_wait3A_158 = arith.constant 0 : i32
        %dma_wait3A_159 = arith.constant 0 : i32
        %dma_wait3A_160 = tpu.memref_slice %arg19[%dma_wait3A_158, %dma_wait3A_159] : memref<1536x128xf32, #tpu.memory_space<vmem_shared>> -> memref<1536x128xf32, #tpu.memory_space<vmem_shared>>
        tpu.wait_indirect_dma semaphore(%arg21 : memref<!tpu.dma_semaphore, #tpu.memory_space<semaphore_mem>>) src(%dma_wait3A_160 : memref<1536x128xf32, #tpu.memory_space<vmem_shared>>) dst(%arg16 : memref<128x128xf32, #tpu.memory_space<vmem>>)
        %dma_wait3A_161 = arith.constant 0 : i32
        %dma_wait3A_162 = tpu.memref_slice %arg13[%add3A_66, %dma_wait3A_161] : memref<32x128xi32, #tpu.memory_space<vmem>> -> memref<1x128xi32, #tpu.memory_space<vmem>>
        %dma_wait3A_163 = tpu.memref_squeeze %dma_wait3A_162 : memref<1x128xi32, #tpu.memory_space<vmem>> -> memref<128xi32, #tpu.memory_space<vmem>>
        %dma_wait3A_164 = arith.constant 0 : i32
        %dma_wait3A_165 = arith.constant 0 : i32
        %dma_wait3A_166 = tpu.memref_slice %arg20[%dma_wait3A_164, %dma_wait3A_165] : memref<50x128xf32, #tpu.memory_space<vmem_shared>> -> memref<50x128xf32, #tpu.memory_space<vmem_shared>>
        tpu.wait_indirect_dma semaphore(%arg21 : memref<!tpu.dma_semaphore, #tpu.memory_space<semaphore_mem>>) src(%dma_wait3A_166 : memref<50x128xf32, #tpu.memory_space<vmem_shared>>) dst(%arg16 : memref<128x128xf32, #tpu.memory_space<vmem>>)
        %parallel_loop3A = arith.constant 0 : i32
        %parallel_loop3A_167 = arith.constant 128 : i32
        %parallel_loop3A_168 = arith.constant 1 : i32
        scf.for %parallel_loop3A_176 = %parallel_loop3A to %parallel_loop3A_167 step %parallel_loop3A_168  : i32 {
          %parallel_loop3A_177 = arith.constant 0.000000e+00 : f32
          %parallel_loop3A_178 = vector.broadcast %parallel_loop3A_177 : f32 to vector<16xf32>
          %parallel_loop3A_179 = arith.constant 0.000000e+00 : f32
          %parallel_loop3A_180 = vector.broadcast %parallel_loop3A_179 : f32 to vector<16xf32>
          %parallel_loop3A_181 = arith.constant 0 : i32
          %parallel_loop3A_182 = tpu.memref_slice %arg16[%parallel_loop3A_176, %parallel_loop3A_181] : memref<128x128xf32, #tpu.memory_space<vmem>> -> memref<1x128xf32, #tpu.memory_space<vmem>>
          %parallel_loop3A_183 = tpu.memref_squeeze %parallel_loop3A_182 : memref<1x128xf32, #tpu.memory_space<vmem>> -> memref<128xf32, #tpu.memory_space<vmem>>
          %parallel_loop3A_184 = arith.constant 0 : index
          %parallel_loop3A_185 = tpu.vector_load %parallel_loop3A_183[%parallel_loop3A_184] {strides = array<i32>} : memref<128xf32, #tpu.memory_space<vmem>>, vector<16xf32>,
          %parallel_loop3A_186 = vector.shape_cast %parallel_loop3A_185 : vector<16xf32> to vector<16xf32>
          %parallel_loop3A_187 = arith.addf %parallel_loop3A_178, %parallel_loop3A_186 : vector<16xf32>
          %parallel_loop3A_188 = arith.mulf %parallel_loop3A_186, %parallel_loop3A_186 : vector<16xf32>
          %parallel_loop3A_189 = arith.addf %parallel_loop3A_180, %parallel_loop3A_188 : vector<16xf32>
          %parallel_loop3A_190 = arith.constant 0 : i32
          %parallel_loop3A_191 = tpu.memref_slice %arg16[%parallel_loop3A_176, %parallel_loop3A_190] : memref<128x128xf32, #tpu.memory_space<vmem>> -> memref<1x128xf32, #tpu.memory_space<vmem>>
          %parallel_loop3A_192 = tpu.memref_squeeze %parallel_loop3A_191 : memref<1x128xf32, #tpu.memory_space<vmem>> -> memref<128xf32, #tpu.memory_space<vmem>>
          %parallel_loop3A_193 = arith.constant 16 : index
          %parallel_loop3A_194 = tpu.vector_load %parallel_loop3A_192[%parallel_loop3A_193] {strides = array<i32>} : memref<128xf32, #tpu.memory_space<vmem>>, vector<16xf32>,
          %parallel_loop3A_195 = vector.shape_cast %parallel_loop3A_194 : vector<16xf32> to vector<16xf32>
          %parallel_loop3A_196 = arith.addf %parallel_loop3A_187, %parallel_loop3A_195 : vector<16xf32>
          %parallel_loop3A_197 = arith.mulf %parallel_loop3A_195, %parallel_loop3A_195 : vector<16xf32>
          %parallel_loop3A_198 = arith.addf %parallel_loop3A_189, %parallel_loop3A_197 : vector<16xf32>
          %parallel_loop3A_199 = arith.constant 0 : i32
          %parallel_loop3A_200 = tpu.memref_slice %arg16[%parallel_loop3A_176, %parallel_loop3A_199] : memref<128x128xf32, #tpu.memory_space<vmem>> -> memref<1x128xf32, #tpu.memory_space<vmem>>
          %parallel_loop3A_201 = tpu.memref_squeeze %parallel_loop3A_200 : memref<1x128xf32, #tpu.memory_space<vmem>> -> memref<128xf32, #tpu.memory_space<vmem>>
          %parallel_loop3A_202 = arith.constant 32 : index
          %parallel_loop3A_203 = tpu.vector_load %parallel_loop3A_201[%parallel_loop3A_202] {strides = array<i32>} : memref<128xf32, #tpu.memory_space<vmem>>, vector<16xf32>,
          %parallel_loop3A_204 = vector.shape_cast %parallel_loop3A_203 : vector<16xf32> to vector<16xf32>
          %parallel_loop3A_205 = arith.addf %parallel_loop3A_196, %parallel_loop3A_204 : vector<16xf32>
          %parallel_loop3A_206 = arith.mulf %parallel_loop3A_204, %parallel_loop3A_204 : vector<16xf32>
          %parallel_loop3A_207 = arith.addf %parallel_loop3A_198, %parallel_loop3A_206 : vector<16xf32>
          %parallel_loop3A_208 = arith.constant 0 : i32
          %parallel_loop3A_209 = tpu.memref_slice %arg16[%parallel_loop3A_176, %parallel_loop3A_208] : memref<128x128xf32, #tpu.memory_space<vmem>> -> memref<1x128xf32, #tpu.memory_space<vmem>>
          %parallel_loop3A_210 = tpu.memref_squeeze %parallel_loop3A_209 : memref<1x128xf32, #tpu.memory_space<vmem>> -> memref<128xf32, #tpu.memory_space<vmem>>
          %parallel_loop3A_211 = arith.constant 48 : index
          %parallel_loop3A_212 = tpu.vector_load %parallel_loop3A_210[%parallel_loop3A_211] {strides = array<i32>} : memref<128xf32, #tpu.memory_space<vmem>>, vector<16xf32>,
          %parallel_loop3A_213 = vector.shape_cast %parallel_loop3A_212 : vector<16xf32> to vector<16xf32>
          %parallel_loop3A_214 = arith.addf %parallel_loop3A_205, %parallel_loop3A_213 : vector<16xf32>
          %parallel_loop3A_215 = arith.mulf %parallel_loop3A_213, %parallel_loop3A_213 : vector<16xf32>
          %parallel_loop3A_216 = arith.addf %parallel_loop3A_207, %parallel_loop3A_215 : vector<16xf32>
          %parallel_loop3A_217 = arith.constant 0 : i32
          %parallel_loop3A_218 = tpu.memref_slice %arg16[%parallel_loop3A_176, %parallel_loop3A_217] : memref<128x128xf32, #tpu.memory_space<vmem>> -> memref<1x128xf32, #tpu.memory_space<vmem>>
          %parallel_loop3A_219 = tpu.memref_squeeze %parallel_loop3A_218 : memref<1x128xf32, #tpu.memory_space<vmem>> -> memref<128xf32, #tpu.memory_space<vmem>>
          %parallel_loop3A_220 = arith.constant 64 : index
          %parallel_loop3A_221 = tpu.vector_load %parallel_loop3A_219[%parallel_loop3A_220] {strides = array<i32>} : memref<128xf32, #tpu.memory_space<vmem>>, vector<16xf32>,
          %parallel_loop3A_222 = vector.shape_cast %parallel_loop3A_221 : vector<16xf32> to vector<16xf32>
          %parallel_loop3A_223 = arith.addf %parallel_loop3A_214, %parallel_loop3A_222 : vector<16xf32>
          %parallel_loop3A_224 = arith.mulf %parallel_loop3A_222, %parallel_loop3A_222 : vector<16xf32>
          %parallel_loop3A_225 = arith.addf %parallel_loop3A_216, %parallel_loop3A_224 : vector<16xf32>
          %parallel_loop3A_226 = arith.constant 0 : i32
          %parallel_loop3A_227 = tpu.memref_slice %arg16[%parallel_loop3A_176, %parallel_loop3A_226] : memref<128x128xf32, #tpu.memory_space<vmem>> -> memref<1x128xf32, #tpu.memory_space<vmem>>
          %parallel_loop3A_228 = tpu.memref_squeeze %parallel_loop3A_227 : memref<1x128xf32, #tpu.memory_space<vmem>> -> memref<128xf32, #tpu.memory_space<vmem>>
          %parallel_loop3A_229 = arith.constant 80 : index
          %parallel_loop3A_230 = tpu.vector_load %parallel_loop3A_228[%parallel_loop3A_229] {strides = array<i32>} : memref<128xf32, #tpu.memory_space<vmem>>, vector<16xf32>,
          %parallel_loop3A_231 = vector.shape_cast %parallel_loop3A_230 : vector<16xf32> to vector<16xf32>
          %parallel_loop3A_232 = arith.addf %parallel_loop3A_223, %parallel_loop3A_231 : vector<16xf32>
          %parallel_loop3A_233 = arith.mulf %parallel_loop3A_231, %parallel_loop3A_231 : vector<16xf32>
          %parallel_loop3A_234 = arith.addf %parallel_loop3A_225, %parallel_loop3A_233 : vector<16xf32>
          %parallel_loop3A_235 = arith.constant 0 : i32
          %parallel_loop3A_236 = tpu.memref_slice %arg16[%parallel_loop3A_176, %parallel_loop3A_235] : memref<128x128xf32, #tpu.memory_space<vmem>> -> memref<1x128xf32, #tpu.memory_space<vmem>>
          %parallel_loop3A_237 = tpu.memref_squeeze %parallel_loop3A_236 : memref<1x128xf32, #tpu.memory_space<vmem>> -> memref<128xf32, #tpu.memory_space<vmem>>
          %parallel_loop3A_238 = arith.constant 96 : index
          %parallel_loop3A_239 = tpu.vector_load %parallel_loop3A_237[%parallel_loop3A_238] {strides = array<i32>} : memref<128xf32, #tpu.memory_space<vmem>>, vector<16xf32>,
          %parallel_loop3A_240 = vector.shape_cast %parallel_loop3A_239 : vector<16xf32> to vector<16xf32>
          %parallel_loop3A_241 = arith.addf %parallel_loop3A_232, %parallel_loop3A_240 : vector<16xf32>
          %parallel_loop3A_242 = arith.mulf %parallel_loop3A_240, %parallel_loop3A_240 : vector<16xf32>
          %parallel_loop3A_243 = arith.addf %parallel_loop3A_234, %parallel_loop3A_242 : vector<16xf32>
          %parallel_loop3A_244 = arith.constant 0 : i32
          %parallel_loop3A_245 = tpu.memref_slice %arg16[%parallel_loop3A_176, %parallel_loop3A_244] : memref<128x128xf32, #tpu.memory_space<vmem>> -> memref<1x128xf32, #tpu.memory_space<vmem>>
          %parallel_loop3A_246 = tpu.memref_squeeze %parallel_loop3A_245 : memref<1x128xf32, #tpu.memory_space<vmem>> -> memref<128xf32, #tpu.memory_space<vmem>>
          %parallel_loop3A_247 = arith.constant 112 : index
          %parallel_loop3A_248 = tpu.vector_load %parallel_loop3A_246[%parallel_loop3A_247] {strides = array<i32>} : memref<128xf32, #tpu.memory_space<vmem>>, vector<16xf32>,
          %parallel_loop3A_249 = vector.shape_cast %parallel_loop3A_248 : vector<16xf32> to vector<16xf32>
          %parallel_loop3A_250 = arith.addf %parallel_loop3A_241, %parallel_loop3A_249 : vector<16xf32>
          %parallel_loop3A_251 = arith.mulf %parallel_loop3A_249, %parallel_loop3A_249 : vector<16xf32>
          %parallel_loop3A_252 = arith.addf %parallel_loop3A_243, %parallel_loop3A_251 : vector<16xf32>
          %parallel_loop3A_253 = arith.constant 1 : i32
          %parallel_loop3A_254 = vector.broadcast %parallel_loop3A_253 : i32 to vector<16xi32>
          %parallel_loop3A_255 = arith.xori %iota3A, %parallel_loop3A_254 : vector<16xi32>
          %parallel_loop3A_256 = vector.shape_cast %parallel_loop3A_255 : vector<16xi32> to vector<16x1xi32>
          %parallel_loop3A_257 = vector.shape_cast %parallel_loop3A_256 : vector<16x1xi32> to vector<16xi32>
          %parallel_loop3A_258 = tpu.dynamic_gather %parallel_loop3A_250[%parallel_loop3A_257] in [0] : vector<16xf32>, vector<16xi32> -> vector<16xf32>
          %parallel_loop3A_259 = arith.addf %parallel_loop3A_250, %parallel_loop3A_258 : vector<16xf32>
          %parallel_loop3A_260 = arith.constant 2 : i32
          %parallel_loop3A_261 = vector.broadcast %parallel_loop3A_260 : i32 to vector<16xi32>
          %parallel_loop3A_262 = arith.xori %iota3A, %parallel_loop3A_261 : vector<16xi32>
          %parallel_loop3A_263 = vector.shape_cast %parallel_loop3A_262 : vector<16xi32> to vector<16x1xi32>
          %parallel_loop3A_264 = vector.shape_cast %parallel_loop3A_263 : vector<16x1xi32> to vector<16xi32>
          %parallel_loop3A_265 = tpu.dynamic_gather %parallel_loop3A_259[%parallel_loop3A_264] in [0] : vector<16xf32>, vector<16xi32> -> vector<16xf32>
          %parallel_loop3A_266 = arith.addf %parallel_loop3A_259, %parallel_loop3A_265 : vector<16xf32>
          %parallel_loop3A_267 = arith.constant 4 : i32
          %parallel_loop3A_268 = vector.broadcast %parallel_loop3A_267 : i32 to vector<16xi32>
          %parallel_loop3A_269 = arith.xori %iota3A, %parallel_loop3A_268 : vector<16xi32>
          %parallel_loop3A_270 = vector.shape_cast %parallel_loop3A_269 : vector<16xi32> to vector<16x1xi32>
          %parallel_loop3A_271 = vector.shape_cast %parallel_loop3A_270 : vector<16x1xi32> to vector<16xi32>
          %parallel_loop3A_272 = tpu.dynamic_gather %parallel_loop3A_266[%parallel_loop3A_271] in [0] : vector<16xf32>, vector<16xi32> -> vector<16xf32>
          %parallel_loop3A_273 = arith.addf %parallel_loop3A_266, %parallel_loop3A_272 : vector<16xf32>
          %parallel_loop3A_274 = arith.constant 8 : i32
          %parallel_loop3A_275 = vector.broadcast %parallel_loop3A_274 : i32 to vector<16xi32>
          %parallel_loop3A_276 = arith.xori %iota3A, %parallel_loop3A_275 : vector<16xi32>
          %parallel_loop3A_277 = vector.shape_cast %parallel_loop3A_276 : vector<16xi32> to vector<16x1xi32>
          %parallel_loop3A_278 = vector.shape_cast %parallel_loop3A_277 : vector<16x1xi32> to vector<16xi32>
          %parallel_loop3A_279 = tpu.dynamic_gather %parallel_loop3A_273[%parallel_loop3A_278] in [0] : vector<16xf32>, vector<16xi32> -> vector<16xf32>
          %parallel_loop3A_280 = arith.addf %parallel_loop3A_273, %parallel_loop3A_279 : vector<16xf32>
          %parallel_loop3A_281 = arith.constant 7.812500e-03 : f32
          %parallel_loop3A_282 = vector.broadcast %parallel_loop3A_281 : f32 to vector<16xf32>
          %parallel_loop3A_283 = arith.mulf %parallel_loop3A_280, %parallel_loop3A_282 : vector<16xf32>
          %parallel_loop3A_284 = arith.constant 1 : i32
          %parallel_loop3A_285 = vector.broadcast %parallel_loop3A_284 : i32 to vector<16xi32>
          %parallel_loop3A_286 = arith.xori %iota3A, %parallel_loop3A_285 : vector<16xi32>
          %parallel_loop3A_287 = vector.shape_cast %parallel_loop3A_286 : vector<16xi32> to vector<16x1xi32>
          %parallel_loop3A_288 = vector.shape_cast %parallel_loop3A_287 : vector<16x1xi32> to vector<16xi32>
          %parallel_loop3A_289 = tpu.dynamic_gather %parallel_loop3A_252[%parallel_loop3A_288] in [0] : vector<16xf32>, vector<16xi32> -> vector<16xf32>
          %parallel_loop3A_290 = arith.addf %parallel_loop3A_252, %parallel_loop3A_289 : vector<16xf32>
          %parallel_loop3A_291 = arith.constant 2 : i32
          %parallel_loop3A_292 = vector.broadcast %parallel_loop3A_291 : i32 to vector<16xi32>
          %parallel_loop3A_293 = arith.xori %iota3A, %parallel_loop3A_292 : vector<16xi32>
          %parallel_loop3A_294 = vector.shape_cast %parallel_loop3A_293 : vector<16xi32> to vector<16x1xi32>
          %parallel_loop3A_295 = vector.shape_cast %parallel_loop3A_294 : vector<16x1xi32> to vector<16xi32>
          %parallel_loop3A_296 = tpu.dynamic_gather %parallel_loop3A_290[%parallel_loop3A_295] in [0] : vector<16xf32>, vector<16xi32> -> vector<16xf32>
          %parallel_loop3A_297 = arith.addf %parallel_loop3A_290, %parallel_loop3A_296 : vector<16xf32>
          %parallel_loop3A_298 = arith.constant 4 : i32
          %parallel_loop3A_299 = vector.broadcast %parallel_loop3A_298 : i32 to vector<16xi32>
          %parallel_loop3A_300 = arith.xori %iota3A, %parallel_loop3A_299 : vector<16xi32>
          %parallel_loop3A_301 = vector.shape_cast %parallel_loop3A_300 : vector<16xi32> to vector<16x1xi32>
          %parallel_loop3A_302 = vector.shape_cast %parallel_loop3A_301 : vector<16x1xi32> to vector<16xi32>
          %parallel_loop3A_303 = tpu.dynamic_gather %parallel_loop3A_297[%parallel_loop3A_302] in [0] : vector<16xf32>, vector<16xi32> -> vector<16xf32>
          %parallel_loop3A_304 = arith.addf %parallel_loop3A_297, %parallel_loop3A_303 : vector<16xf32>
          %parallel_loop3A_305 = arith.constant 8 : i32
          %parallel_loop3A_306 = vector.broadcast %parallel_loop3A_305 : i32 to vector<16xi32>
          %parallel_loop3A_307 = arith.xori %iota3A, %parallel_loop3A_306 : vector<16xi32>
          %parallel_loop3A_308 = vector.shape_cast %parallel_loop3A_307 : vector<16xi32> to vector<16x1xi32>
          %parallel_loop3A_309 = vector.shape_cast %parallel_loop3A_308 : vector<16x1xi32> to vector<16xi32>
          %parallel_loop3A_310 = tpu.dynamic_gather %parallel_loop3A_304[%parallel_loop3A_309] in [0] : vector<16xf32>, vector<16xi32> -> vector<16xf32>
          %parallel_loop3A_311 = arith.addf %parallel_loop3A_304, %parallel_loop3A_310 : vector<16xf32>
          %parallel_loop3A_312 = arith.constant 7.812500e-03 : f32
          %parallel_loop3A_313 = vector.broadcast %parallel_loop3A_312 : f32 to vector<16xf32>
          %parallel_loop3A_314 = arith.mulf %parallel_loop3A_311, %parallel_loop3A_313 : vector<16xf32>
          %parallel_loop3A_315 = arith.mulf %parallel_loop3A_283, %parallel_loop3A_283 : vector<16xf32>
          %parallel_loop3A_316 = arith.subf %parallel_loop3A_314, %parallel_loop3A_315 : vector<16xf32>
          %parallel_loop3A_317 = arith.constant 9.99999997E-7 : f32
          %parallel_loop3A_318 = vector.broadcast %parallel_loop3A_317 : f32 to vector<16xf32>
          %parallel_loop3A_319 = arith.addf %parallel_loop3A_316, %parallel_loop3A_318 : vector<16xf32>
          %parallel_loop3A_320 = tpu.bitcast %parallel_loop3A_319 : vector<16xf32> -> vector<16xi32>
          %parallel_loop3A_321 = arith.constant 1 : i32
          %parallel_loop3A_322 = vector.broadcast %parallel_loop3A_321 : i32 to vector<16xi32>
          %parallel_loop3A_323 = arith.shrsi %parallel_loop3A_320, %parallel_loop3A_322 : vector<16xi32>
          %parallel_loop3A_324 = arith.constant 1597463007 : i32
          %parallel_loop3A_325 = vector.broadcast %parallel_loop3A_324 : i32 to vector<16xi32>
          %parallel_loop3A_326 = arith.subi %parallel_loop3A_325, %parallel_loop3A_323 : vector<16xi32>
          %parallel_loop3A_327 = tpu.bitcast %parallel_loop3A_326 : vector<16xi32> -> vector<16xf32>
          %parallel_loop3A_328 = arith.constant 5.000000e-01 : f32
          %parallel_loop3A_329 = vector.broadcast %parallel_loop3A_328 : f32 to vector<16xf32>
          %parallel_loop3A_330 = arith.mulf %parallel_loop3A_319, %parallel_loop3A_329 : vector<16xf32>
          %parallel_loop3A_331 = arith.mulf %parallel_loop3A_330, %parallel_loop3A_327 : vector<16xf32>
          %parallel_loop3A_332 = arith.mulf %parallel_loop3A_331, %parallel_loop3A_327 : vector<16xf32>
          %parallel_loop3A_333 = arith.constant 1.500000e+00 : f32
          %parallel_loop3A_334 = vector.broadcast %parallel_loop3A_333 : f32 to vector<16xf32>
          %parallel_loop3A_335 = arith.subf %parallel_loop3A_334, %parallel_loop3A_332 : vector<16xf32>
          %parallel_loop3A_336 = arith.mulf %parallel_loop3A_327, %parallel_loop3A_335 : vector<16xf32>
          %parallel_loop3A_337 = arith.mulf %parallel_loop3A_330, %parallel_loop3A_336 : vector<16xf32>
          %parallel_loop3A_338 = arith.mulf %parallel_loop3A_337, %parallel_loop3A_336 : vector<16xf32>
          %parallel_loop3A_339 = arith.constant 1.500000e+00 : f32
          %parallel_loop3A_340 = vector.broadcast %parallel_loop3A_339 : f32 to vector<16xf32>
          %parallel_loop3A_341 = arith.subf %parallel_loop3A_340, %parallel_loop3A_338 : vector<16xf32>
          %parallel_loop3A_342 = arith.mulf %parallel_loop3A_336, %parallel_loop3A_341 : vector<16xf32>
          %parallel_loop3A_343 = arith.subf %parallel_loop3A_186, %parallel_loop3A_283 : vector<16xf32>
          %parallel_loop3A_344 = arith.mulf %parallel_loop3A_343, %parallel_loop3A_342 : vector<16xf32>
          %parallel_loop3A_345 = arith.constant 0 : index
          %parallel_loop3A_346 = tpu.vector_load %arg14[%parallel_loop3A_345] {strides = array<i32>} : memref<128xf32, #tpu.memory_space<vmem>>, vector<16xf32>,
          %parallel_loop3A_347 = vector.shape_cast %parallel_loop3A_346 : vector<16xf32> to vector<16xf32>
          %parallel_loop3A_348 = arith.mulf %parallel_loop3A_344, %parallel_loop3A_347 : vector<16xf32>
          %parallel_loop3A_349 = arith.constant 0 : index
          %parallel_loop3A_350 = tpu.vector_load %arg15[%parallel_loop3A_349] {strides = array<i32>} : memref<128xf32, #tpu.memory_space<vmem>>, vector<16xf32>,
          %parallel_loop3A_351 = vector.shape_cast %parallel_loop3A_350 : vector<16xf32> to vector<16xf32>
          %parallel_loop3A_352 = arith.addf %parallel_loop3A_348, %parallel_loop3A_351 : vector<16xf32>
          %parallel_loop3A_353 = arith.constant 0 : i32
          %parallel_loop3A_354 = tpu.memref_slice %arg16[%parallel_loop3A_176, %parallel_loop3A_353] : memref<128x128xf32, #tpu.memory_space<vmem>> -> memref<1x128xf32, #tpu.memory_space<vmem>>
          %parallel_loop3A_355 = tpu.memref_squeeze %parallel_loop3A_354 : memref<1x128xf32, #tpu.memory_space<vmem>> -> memref<128xf32, #tpu.memory_space<vmem>>
          %parallel_loop3A_356 = arith.constant 0 : index
          %parallel_loop3A_357 = tpu.vector_load %parallel_loop3A_355[%parallel_loop3A_356] {strides = array<i32>} : memref<128xf32, #tpu.memory_space<vmem>>, vector<16xf32>,
          %parallel_loop3A_358 = vector.shape_cast %parallel_loop3A_357 : vector<16xf32> to vector<16xf32>
          %parallel_loop3A_359 = vector.shape_cast %parallel_loop3A_352 : vector<16xf32> to vector<16xf32>
          tpu.vector_store %parallel_loop3A_355[%parallel_loop3A_356], %parallel_loop3A_359 {strides = array<i32>} : memref<128xf32, #tpu.memory_space<vmem>>, vector<16xf32>,
          %parallel_loop3A_360 = arith.subf %parallel_loop3A_195, %parallel_loop3A_283 : vector<16xf32>
          %parallel_loop3A_361 = arith.mulf %parallel_loop3A_360, %parallel_loop3A_342 : vector<16xf32>
          %parallel_loop3A_362 = arith.constant 16 : index
          %parallel_loop3A_363 = tpu.vector_load %arg14[%parallel_loop3A_362] {strides = array<i32>} : memref<128xf32, #tpu.memory_space<vmem>>, vector<16xf32>,
          %parallel_loop3A_364 = vector.shape_cast %parallel_loop3A_363 : vector<16xf32> to vector<16xf32>
          %parallel_loop3A_365 = arith.mulf %parallel_loop3A_361, %parallel_loop3A_364 : vector<16xf32>
          %parallel_loop3A_366 = arith.constant 16 : index
          %parallel_loop3A_367 = tpu.vector_load %arg15[%parallel_loop3A_366] {strides = array<i32>} : memref<128xf32, #tpu.memory_space<vmem>>, vector<16xf32>,
          %parallel_loop3A_368 = vector.shape_cast %parallel_loop3A_367 : vector<16xf32> to vector<16xf32>
          %parallel_loop3A_369 = arith.addf %parallel_loop3A_365, %parallel_loop3A_368 : vector<16xf32>
          %parallel_loop3A_370 = arith.constant 0 : i32
          %parallel_loop3A_371 = tpu.memref_slice %arg16[%parallel_loop3A_176, %parallel_loop3A_370] : memref<128x128xf32, #tpu.memory_space<vmem>> -> memref<1x128xf32, #tpu.memory_space<vmem>>
          %parallel_loop3A_372 = tpu.memref_squeeze %parallel_loop3A_371 : memref<1x128xf32, #tpu.memory_space<vmem>> -> memref<128xf32, #tpu.memory_space<vmem>>
          %parallel_loop3A_373 = arith.constant 16 : index
          %parallel_loop3A_374 = tpu.vector_load %parallel_loop3A_372[%parallel_loop3A_373] {strides = array<i32>} : memref<128xf32, #tpu.memory_space<vmem>>, vector<16xf32>,
          %parallel_loop3A_375 = vector.shape_cast %parallel_loop3A_374 : vector<16xf32> to vector<16xf32>
          %parallel_loop3A_376 = vector.shape_cast %parallel_loop3A_369 : vector<16xf32> to vector<16xf32>
          tpu.vector_store %parallel_loop3A_372[%parallel_loop3A_373], %parallel_loop3A_376 {strides = array<i32>} : memref<128xf32, #tpu.memory_space<vmem>>, vector<16xf32>,
          %parallel_loop3A_377 = arith.subf %parallel_loop3A_204, %parallel_loop3A_283 : vector<16xf32>
          %parallel_loop3A_378 = arith.mulf %parallel_loop3A_377, %parallel_loop3A_342 : vector<16xf32>
          %parallel_loop3A_379 = arith.constant 32 : index
          %parallel_loop3A_380 = tpu.vector_load %arg14[%parallel_loop3A_379] {strides = array<i32>} : memref<128xf32, #tpu.memory_space<vmem>>, vector<16xf32>,
          %parallel_loop3A_381 = vector.shape_cast %parallel_loop3A_380 : vector<16xf32> to vector<16xf32>
          %parallel_loop3A_382 = arith.mulf %parallel_loop3A_378, %parallel_loop3A_381 : vector<16xf32>
          %parallel_loop3A_383 = arith.constant 32 : index
          %parallel_loop3A_384 = tpu.vector_load %arg15[%parallel_loop3A_383] {strides = array<i32>} : memref<128xf32, #tpu.memory_space<vmem>>, vector<16xf32>,
          %parallel_loop3A_385 = vector.shape_cast %parallel_loop3A_384 : vector<16xf32> to vector<16xf32>
          %parallel_loop3A_386 = arith.addf %parallel_loop3A_382, %parallel_loop3A_385 : vector<16xf32>
          %parallel_loop3A_387 = arith.constant 0 : i32
          %parallel_loop3A_388 = tpu.memref_slice %arg16[%parallel_loop3A_176, %parallel_loop3A_387] : memref<128x128xf32, #tpu.memory_space<vmem>> -> memref<1x128xf32, #tpu.memory_space<vmem>>
          %parallel_loop3A_389 = tpu.memref_squeeze %parallel_loop3A_388 : memref<1x128xf32, #tpu.memory_space<vmem>> -> memref<128xf32, #tpu.memory_space<vmem>>
          %parallel_loop3A_390 = arith.constant 32 : index
          %parallel_loop3A_391 = tpu.vector_load %parallel_loop3A_389[%parallel_loop3A_390] {strides = array<i32>} : memref<128xf32, #tpu.memory_space<vmem>>, vector<16xf32>,
          %parallel_loop3A_392 = vector.shape_cast %parallel_loop3A_391 : vector<16xf32> to vector<16xf32>
          %parallel_loop3A_393 = vector.shape_cast %parallel_loop3A_386 : vector<16xf32> to vector<16xf32>
          tpu.vector_store %parallel_loop3A_389[%parallel_loop3A_390], %parallel_loop3A_393 {strides = array<i32>} : memref<128xf32, #tpu.memory_space<vmem>>, vector<16xf32>,
          %parallel_loop3A_394 = arith.subf %parallel_loop3A_213, %parallel_loop3A_283 : vector<16xf32>
          %parallel_loop3A_395 = arith.mulf %parallel_loop3A_394, %parallel_loop3A_342 : vector<16xf32>
          %parallel_loop3A_396 = arith.constant 48 : index
          %parallel_loop3A_397 = tpu.vector_load %arg14[%parallel_loop3A_396] {strides = array<i32>} : memref<128xf32, #tpu.memory_space<vmem>>, vector<16xf32>,
          %parallel_loop3A_398 = vector.shape_cast %parallel_loop3A_397 : vector<16xf32> to vector<16xf32>
          %parallel_loop3A_399 = arith.mulf %parallel_loop3A_395, %parallel_loop3A_398 : vector<16xf32>
          %parallel_loop3A_400 = arith.constant 48 : index
          %parallel_loop3A_401 = tpu.vector_load %arg15[%parallel_loop3A_400] {strides = array<i32>} : memref<128xf32, #tpu.memory_space<vmem>>, vector<16xf32>,
          %parallel_loop3A_402 = vector.shape_cast %parallel_loop3A_401 : vector<16xf32> to vector<16xf32>
          %parallel_loop3A_403 = arith.addf %parallel_loop3A_399, %parallel_loop3A_402 : vector<16xf32>
          %parallel_loop3A_404 = arith.constant 0 : i32
          %parallel_loop3A_405 = tpu.memref_slice %arg16[%parallel_loop3A_176, %parallel_loop3A_404] : memref<128x128xf32, #tpu.memory_space<vmem>> -> memref<1x128xf32, #tpu.memory_space<vmem>>
          %parallel_loop3A_406 = tpu.memref_squeeze %parallel_loop3A_405 : memref<1x128xf32, #tpu.memory_space<vmem>> -> memref<128xf32, #tpu.memory_space<vmem>>
          %parallel_loop3A_407 = arith.constant 48 : index
          %parallel_loop3A_408 = tpu.vector_load %parallel_loop3A_406[%parallel_loop3A_407] {strides = array<i32>} : memref<128xf32, #tpu.memory_space<vmem>>, vector<16xf32>,
          %parallel_loop3A_409 = vector.shape_cast %parallel_loop3A_408 : vector<16xf32> to vector<16xf32>
          %parallel_loop3A_410 = vector.shape_cast %parallel_loop3A_403 : vector<16xf32> to vector<16xf32>
          tpu.vector_store %parallel_loop3A_406[%parallel_loop3A_407], %parallel_loop3A_410 {strides = array<i32>} : memref<128xf32, #tpu.memory_space<vmem>>, vector<16xf32>,
          %parallel_loop3A_411 = arith.subf %parallel_loop3A_222, %parallel_loop3A_283 : vector<16xf32>
          %parallel_loop3A_412 = arith.mulf %parallel_loop3A_411, %parallel_loop3A_342 : vector<16xf32>
          %parallel_loop3A_413 = arith.constant 64 : index
          %parallel_loop3A_414 = tpu.vector_load %arg14[%parallel_loop3A_413] {strides = array<i32>} : memref<128xf32, #tpu.memory_space<vmem>>, vector<16xf32>,
          %parallel_loop3A_415 = vector.shape_cast %parallel_loop3A_414 : vector<16xf32> to vector<16xf32>
          %parallel_loop3A_416 = arith.mulf %parallel_loop3A_412, %parallel_loop3A_415 : vector<16xf32>
          %parallel_loop3A_417 = arith.constant 64 : index
          %parallel_loop3A_418 = tpu.vector_load %arg15[%parallel_loop3A_417] {strides = array<i32>} : memref<128xf32, #tpu.memory_space<vmem>>, vector<16xf32>,
          %parallel_loop3A_419 = vector.shape_cast %parallel_loop3A_418 : vector<16xf32> to vector<16xf32>
          %parallel_loop3A_420 = arith.addf %parallel_loop3A_416, %parallel_loop3A_419 : vector<16xf32>
          %parallel_loop3A_421 = arith.constant 0 : i32
          %parallel_loop3A_422 = tpu.memref_slice %arg16[%parallel_loop3A_176, %parallel_loop3A_421] : memref<128x128xf32, #tpu.memory_space<vmem>> -> memref<1x128xf32, #tpu.memory_space<vmem>>
          %parallel_loop3A_423 = tpu.memref_squeeze %parallel_loop3A_422 : memref<1x128xf32, #tpu.memory_space<vmem>> -> memref<128xf32, #tpu.memory_space<vmem>>
          %parallel_loop3A_424 = arith.constant 64 : index
          %parallel_loop3A_425 = tpu.vector_load %parallel_loop3A_423[%parallel_loop3A_424] {strides = array<i32>} : memref<128xf32, #tpu.memory_space<vmem>>, vector<16xf32>,
          %parallel_loop3A_426 = vector.shape_cast %parallel_loop3A_425 : vector<16xf32> to vector<16xf32>
          %parallel_loop3A_427 = vector.shape_cast %parallel_loop3A_420 : vector<16xf32> to vector<16xf32>
          tpu.vector_store %parallel_loop3A_423[%parallel_loop3A_424], %parallel_loop3A_427 {strides = array<i32>} : memref<128xf32, #tpu.memory_space<vmem>>, vector<16xf32>,
          %parallel_loop3A_428 = arith.subf %parallel_loop3A_231, %parallel_loop3A_283 : vector<16xf32>
          %parallel_loop3A_429 = arith.mulf %parallel_loop3A_428, %parallel_loop3A_342 : vector<16xf32>
          %parallel_loop3A_430 = arith.constant 80 : index
          %parallel_loop3A_431 = tpu.vector_load %arg14[%parallel_loop3A_430] {strides = array<i32>} : memref<128xf32, #tpu.memory_space<vmem>>, vector<16xf32>,
          %parallel_loop3A_432 = vector.shape_cast %parallel_loop3A_431 : vector<16xf32> to vector<16xf32>
          %parallel_loop3A_433 = arith.mulf %parallel_loop3A_429, %parallel_loop3A_432 : vector<16xf32>
          %parallel_loop3A_434 = arith.constant 80 : index
          %parallel_loop3A_435 = tpu.vector_load %arg15[%parallel_loop3A_434] {strides = array<i32>} : memref<128xf32, #tpu.memory_space<vmem>>, vector<16xf32>,
          %parallel_loop3A_436 = vector.shape_cast %parallel_loop3A_435 : vector<16xf32> to vector<16xf32>
          %parallel_loop3A_437 = arith.addf %parallel_loop3A_433, %parallel_loop3A_436 : vector<16xf32>
          %parallel_loop3A_438 = arith.constant 0 : i32
          %parallel_loop3A_439 = tpu.memref_slice %arg16[%parallel_loop3A_176, %parallel_loop3A_438] : memref<128x128xf32, #tpu.memory_space<vmem>> -> memref<1x128xf32, #tpu.memory_space<vmem>>
          %parallel_loop3A_440 = tpu.memref_squeeze %parallel_loop3A_439 : memref<1x128xf32, #tpu.memory_space<vmem>> -> memref<128xf32, #tpu.memory_space<vmem>>
          %parallel_loop3A_441 = arith.constant 80 : index
          %parallel_loop3A_442 = tpu.vector_load %parallel_loop3A_440[%parallel_loop3A_441] {strides = array<i32>} : memref<128xf32, #tpu.memory_space<vmem>>, vector<16xf32>,
          %parallel_loop3A_443 = vector.shape_cast %parallel_loop3A_442 : vector<16xf32> to vector<16xf32>
          %parallel_loop3A_444 = vector.shape_cast %parallel_loop3A_437 : vector<16xf32> to vector<16xf32>
          tpu.vector_store %parallel_loop3A_440[%parallel_loop3A_441], %parallel_loop3A_444 {strides = array<i32>} : memref<128xf32, #tpu.memory_space<vmem>>, vector<16xf32>,
          %parallel_loop3A_445 = arith.subf %parallel_loop3A_240, %parallel_loop3A_283 : vector<16xf32>
          %parallel_loop3A_446 = arith.mulf %parallel_loop3A_445, %parallel_loop3A_342 : vector<16xf32>
          %parallel_loop3A_447 = arith.constant 96 : index
          %parallel_loop3A_448 = tpu.vector_load %arg14[%parallel_loop3A_447] {strides = array<i32>} : memref<128xf32, #tpu.memory_space<vmem>>, vector<16xf32>,
          %parallel_loop3A_449 = vector.shape_cast %parallel_loop3A_448 : vector<16xf32> to vector<16xf32>
          %parallel_loop3A_450 = arith.mulf %parallel_loop3A_446, %parallel_loop3A_449 : vector<16xf32>
          %parallel_loop3A_451 = arith.constant 96 : index
          %parallel_loop3A_452 = tpu.vector_load %arg15[%parallel_loop3A_451] {strides = array<i32>} : memref<128xf32, #tpu.memory_space<vmem>>, vector<16xf32>,
          %parallel_loop3A_453 = vector.shape_cast %parallel_loop3A_452 : vector<16xf32> to vector<16xf32>
          %parallel_loop3A_454 = arith.addf %parallel_loop3A_450, %parallel_loop3A_453 : vector<16xf32>
          %parallel_loop3A_455 = arith.constant 0 : i32
          %parallel_loop3A_456 = tpu.memref_slice %arg16[%parallel_loop3A_176, %parallel_loop3A_455] : memref<128x128xf32, #tpu.memory_space<vmem>> -> memref<1x128xf32, #tpu.memory_space<vmem>>
          %parallel_loop3A_457 = tpu.memref_squeeze %parallel_loop3A_456 : memref<1x128xf32, #tpu.memory_space<vmem>> -> memref<128xf32, #tpu.memory_space<vmem>>
          %parallel_loop3A_458 = arith.constant 96 : index
          %parallel_loop3A_459 = tpu.vector_load %parallel_loop3A_457[%parallel_loop3A_458] {strides = array<i32>} : memref<128xf32, #tpu.memory_space<vmem>>, vector<16xf32>,
          %parallel_loop3A_460 = vector.shape_cast %parallel_loop3A_459 : vector<16xf32> to vector<16xf32>
          %parallel_loop3A_461 = vector.shape_cast %parallel_loop3A_454 : vector<16xf32> to vector<16xf32>
          tpu.vector_store %parallel_loop3A_457[%parallel_loop3A_458], %parallel_loop3A_461 {strides = array<i32>} : memref<128xf32, #tpu.memory_space<vmem>>, vector<16xf32>,
          %parallel_loop3A_462 = arith.subf %parallel_loop3A_249, %parallel_loop3A_283 : vector<16xf32>
          %parallel_loop3A_463 = arith.mulf %parallel_loop3A_462, %parallel_loop3A_342 : vector<16xf32>
          %parallel_loop3A_464 = arith.constant 112 : index
          %parallel_loop3A_465 = tpu.vector_load %arg14[%parallel_loop3A_464] {strides = array<i32>} : memref<128xf32, #tpu.memory_space<vmem>>, vector<16xf32>,
          %parallel_loop3A_466 = vector.shape_cast %parallel_loop3A_465 : vector<16xf32> to vector<16xf32>
          %parallel_loop3A_467 = arith.mulf %parallel_loop3A_463, %parallel_loop3A_466 : vector<16xf32>
          %parallel_loop3A_468 = arith.constant 112 : index
          %parallel_loop3A_469 = tpu.vector_load %arg15[%parallel_loop3A_468] {strides = array<i32>} : memref<128xf32, #tpu.memory_space<vmem>>, vector<16xf32>,
          %parallel_loop3A_470 = vector.shape_cast %parallel_loop3A_469 : vector<16xf32> to vector<16xf32>
          %parallel_loop3A_471 = arith.addf %parallel_loop3A_467, %parallel_loop3A_470 : vector<16xf32>
          %parallel_loop3A_472 = arith.constant 0 : i32
          %parallel_loop3A_473 = tpu.memref_slice %arg16[%parallel_loop3A_176, %parallel_loop3A_472] : memref<128x128xf32, #tpu.memory_space<vmem>> -> memref<1x128xf32, #tpu.memory_space<vmem>>
          %parallel_loop3A_474 = tpu.memref_squeeze %parallel_loop3A_473 : memref<1x128xf32, #tpu.memory_space<vmem>> -> memref<128xf32, #tpu.memory_space<vmem>>
          %parallel_loop3A_475 = arith.constant 112 : index
          %parallel_loop3A_476 = tpu.vector_load %parallel_loop3A_474[%parallel_loop3A_475] {strides = array<i32>} : memref<128xf32, #tpu.memory_space<vmem>>, vector<16xf32>,
          %parallel_loop3A_477 = vector.shape_cast %parallel_loop3A_476 : vector<16xf32> to vector<16xf32>
          %parallel_loop3A_478 = vector.shape_cast %parallel_loop3A_471 : vector<16xf32> to vector<16xf32>
          tpu.vector_store %parallel_loop3A_474[%parallel_loop3A_475], %parallel_loop3A_478 {strides = array<i32>} : memref<128xf32, #tpu.memory_space<vmem>>, vector<16xf32>,
        } {sc.loop_unroll_factor = 2 : i64, sc.parallel_access}
        %mul3A_169 = arith.constant 128 : i32
        %mul3A_170 = arith.muli %add3A_66, %mul3A_169 : i32
        %add3A_171 = arith.addi %mul3A_4, %mul3A_170 : i32
        %dma_start3A_172 = arith.constant 0 : i32
        %dma_start3A_173 = tpu.memref_slice %arg10[%add3A_171, %dma_start3A_172] : memref<131072x128xf32, #tpu.memory_space<hbm>> -> memref<128x128xf32, #tpu.memory_space<hbm>>
        %dma_start3A_174 = arith.constant 0 : i32
        %dma_start3A_175 = tpu.memref_slice %arg10[%add3A_171, %dma_start3A_174] : memref<131072x128xf32, #tpu.memory_space<hbm>> -> memref<128x128xf32, #tpu.memory_space<hbm>>
        tpu.enqueue_dma source(%arg16 : memref<128x128xf32, #tpu.memory_space<vmem>>) target(%dma_start3A_175 : memref<128x128xf32, #tpu.memory_space<hbm>>) target_semaphore(%arg21 : memref<!tpu.dma_semaphore, #tpu.memory_space<semaphore_mem>>)
      } else {
      }
      %add3A_93 = arith.constant 1 : i32
      %add3A_94 = arith.addi %add3A_64, %add3A_93 : i32
      %ge3A_95 = arith.constant 1 : i32
      %ge3A_96 = arith.cmpi sge, %add3A_94, %ge3A_95 : i32
      %add3A_97 = arith.constant 2 : i32
      %add3A_98 = arith.addi %add3A_94, %add3A_97 : i32
      %lt3A_99 = arith.constant 32 : i32
      %lt3A_100 = arith.cmpi slt, %add3A_98, %lt3A_99 : i32
      %and3A_101 = arith.andi %ge3A_96, %lt3A_100 : i1
      %convert_element_type3A_102 = arith.extui %and3A_101 : i1 to i32
      %cond3A_103 = arith.constant 0 : i32
      %cond3A_104 = arith.cmpi ne, %convert_element_type3A_102, %cond3A_103 : i32
      scf.if %cond3A_104 {
        %sub3A = arith.constant 1 : i32
        %sub3A_155 = arith.subi %add3A_94, %sub3A : i32
        %mul3A_156 = arith.constant 128 : i32
        %mul3A_157 = arith.muli %sub3A_155, %mul3A_156 : i32
        %add3A_158 = arith.addi %mul3A_4, %mul3A_157 : i32
        %dma_wait3A_159 = arith.constant 0 : i32
        %dma_wait3A_160 = tpu.memref_slice %arg10[%add3A_158, %dma_wait3A_159] : memref<131072x128xf32, #tpu.memory_space<hbm>> -> memref<128x128xf32, #tpu.memory_space<hbm>>
        %dma_wait3A_161 = arith.constant 0 : i32
        %dma_wait3A_162 = tpu.memref_slice %arg10[%add3A_158, %dma_wait3A_161] : memref<131072x128xf32, #tpu.memory_space<hbm>> -> memref<128x128xf32, #tpu.memory_space<hbm>>
        tpu.wait_dma2 semaphore(%arg21 : memref<!tpu.dma_semaphore, #tpu.memory_space<semaphore_mem>>) src(%arg16 : memref<128x128xf32, #tpu.memory_space<vmem>>) dst(%dma_wait3A_162 : memref<128x128xf32, #tpu.memory_space<hbm>>)
      } else {
      }
      %add3A_105 = arith.constant 2 : i32
      %add3A_106 = arith.addi %add3A_94, %add3A_105 : i32
      %lt3A_107 = arith.constant 32 : i32
      %lt3A_108 = arith.cmpi slt, %add3A_106, %lt3A_107 : i32
      %convert_element_type3A_109 = arith.extui %lt3A_108 : i1 to i32
      %cond3A_110 = arith.constant 0 : i32
      %cond3A_111 = arith.cmpi ne, %convert_element_type3A_109, %cond3A_110 : i32
      scf.if %cond3A_111 {
        %add3A_155 = arith.constant 2 : i32
        %add3A_156 = arith.addi %add3A_94, %add3A_155 : i32
        %dma_start3A_157 = arith.constant 0 : i32
        %dma_start3A_158 = tpu.memref_slice %arg11[%add3A_156, %dma_start3A_157] : memref<32x128xi32, #tpu.memory_space<vmem>> -> memref<1x128xi32, #tpu.memory_space<vmem>>
        %dma_start3A_159 = tpu.memref_squeeze %dma_start3A_158 : memref<1x128xi32, #tpu.memory_space<vmem>> -> memref<128xi32, #tpu.memory_space<vmem>>
        %dma_start3A_160 = arith.constant 0 : i32
        %dma_start3A_161 = arith.constant 0 : i32
        %dma_start3A_162 = tpu.memref_slice %arg2[%dma_start3A_160, %dma_start3A_161] : memref<100000x128xf32, #tpu.memory_space<hbm>> -> memref<100000x128xf32, #tpu.memory_space<hbm>>
        tpu.enqueue_indirect_dma source(%dma_start3A_162 : memref<100000x128xf32, #tpu.memory_space<hbm>>) target(%arg16 : memref<128x128xf32, #tpu.memory_space<vmem>>) offsets(%dma_start3A_159 : memref<128xi32, #tpu.memory_space<vmem>>) semaphore(%arg21 : memref<!tpu.dma_semaphore, #tpu.memory_space<semaphore_mem>>)
      } else {
      }
      %add3A_112 = arith.constant 1 : i32
      %add3A_113 = arith.addi %add3A_94, %add3A_112 : i32
      %lt3A_114 = arith.constant 32 : i32
      %lt3A_115 = arith.cmpi slt, %add3A_113, %lt3A_114 : i32
      %convert_element_type3A_116 = arith.extui %lt3A_115 : i1 to i32
      %cond3A_117 = arith.constant 0 : i32
      %cond3A_118 = arith.cmpi ne, %convert_element_type3A_116, %cond3A_117 : i32
      scf.if %cond3A_118 {
        %add3A_155 = arith.constant 1 : i32
        %add3A_156 = arith.addi %add3A_94, %add3A_155 : i32
        %dma_wait3A_157 = arith.constant 0 : i32
        %dma_wait3A_158 = tpu.memref_slice %arg11[%add3A_156, %dma_wait3A_157] : memref<32x128xi32, #tpu.memory_space<vmem>> -> memref<1x128xi32, #tpu.memory_space<vmem>>
        %dma_wait3A_159 = tpu.memref_squeeze %dma_wait3A_158 : memref<1x128xi32, #tpu.memory_space<vmem>> -> memref<128xi32, #tpu.memory_space<vmem>>
        %dma_wait3A_160 = arith.constant 0 : i32
        %dma_wait3A_161 = arith.constant 0 : i32
        %dma_wait3A_162 = tpu.memref_slice %arg2[%dma_wait3A_160, %dma_wait3A_161] : memref<100000x128xf32, #tpu.memory_space<hbm>> -> memref<100000x128xf32, #tpu.memory_space<hbm>>
        tpu.wait_indirect_dma semaphore(%arg23 : memref<!tpu.dma_semaphore, #tpu.memory_space<semaphore_mem>>) src(%dma_wait3A_162 : memref<100000x128xf32, #tpu.memory_space<hbm>>) dst(%arg18 : memref<128x128xf32, #tpu.memory_space<vmem>>)
        %add3A_163 = arith.constant 1 : i32
        %add3A_164 = arith.addi %add3A_94, %add3A_163 : i32
        %dma_start3A_165 = arith.constant 0 : i32
        %dma_start3A_166 = tpu.memref_slice %arg12[%add3A_164, %dma_start3A_165] : memref<32x128xi32, #tpu.memory_space<vmem>> -> memref<1x128xi32, #tpu.memory_space<vmem>>
        %dma_start3A_167 = tpu.memref_squeeze %dma_start3A_166 : memref<1x128xi32, #tpu.memory_space<vmem>> -> memref<128xi32, #tpu.memory_space<vmem>>
        %dma_start3A_168 = arith.constant 0 : i32
        %dma_start3A_169 = arith.constant 0 : i32
        %dma_start3A_170 = tpu.memref_slice %arg19[%dma_start3A_168, %dma_start3A_169] : memref<1536x128xf32, #tpu.memory_space<vmem_shared>> -> memref<1536x128xf32, #tpu.memory_space<vmem_shared>>
        tpu.enqueue_indirect_dma source(%dma_start3A_170 : memref<1536x128xf32, #tpu.memory_space<vmem_shared>>) target(%arg18 : memref<128x128xf32, #tpu.memory_space<vmem>>) offsets(%dma_start3A_167 : memref<128xi32, #tpu.memory_space<vmem>>) semaphore(%arg23 : memref<!tpu.dma_semaphore, #tpu.memory_space<semaphore_mem>>) {add = true}
        %dma_start3A_171 = arith.constant 0 : i32
        %dma_start3A_172 = tpu.memref_slice %arg13[%add3A_164, %dma_start3A_171] : memref<32x128xi32, #tpu.memory_space<vmem>> -> memref<1x128xi32, #tpu.memory_space<vmem>>
        %dma_start3A_173 = tpu.memref_squeeze %dma_start3A_172 : memref<1x128xi32, #tpu.memory_space<vmem>> -> memref<128xi32, #tpu.memory_space<vmem>>
        %dma_start3A_174 = arith.constant 0 : i32
        %dma_start3A_175 = arith.constant 0 : i32
        %dma_start3A_176 = tpu.memref_slice %arg20[%dma_start3A_174, %dma_start3A_175] : memref<50x128xf32, #tpu.memory_space<vmem_shared>> -> memref<50x128xf32, #tpu.memory_space<vmem_shared>>
        tpu.enqueue_indirect_dma source(%dma_start3A_176 : memref<50x128xf32, #tpu.memory_space<vmem_shared>>) target(%arg18 : memref<128x128xf32, #tpu.memory_space<vmem>>) offsets(%dma_start3A_173 : memref<128xi32, #tpu.memory_space<vmem>>) semaphore(%arg23 : memref<!tpu.dma_semaphore, #tpu.memory_space<semaphore_mem>>) {add = true}
      } else {
      }
      %lt3A_119 = arith.constant 32 : i32
      %lt3A_120 = arith.cmpi slt, %add3A_94, %lt3A_119 : i32
      %convert_element_type3A_121 = arith.extui %lt3A_120 : i1 to i32
      %cond3A_122 = arith.constant 0 : i32
      %cond3A_123 = arith.cmpi ne, %convert_element_type3A_121, %cond3A_122 : i32
      scf.if %cond3A_123 {
        %dma_wait3A_155 = arith.constant 0 : i32
        %dma_wait3A_156 = tpu.memref_slice %arg12[%add3A_94, %dma_wait3A_155] : memref<32x128xi32, #tpu.memory_space<vmem>> -> memref<1x128xi32, #tpu.memory_space<vmem>>
        %dma_wait3A_157 = tpu.memref_squeeze %dma_wait3A_156 : memref<1x128xi32, #tpu.memory_space<vmem>> -> memref<128xi32, #tpu.memory_space<vmem>>
        %dma_wait3A_158 = arith.constant 0 : i32
        %dma_wait3A_159 = arith.constant 0 : i32
        %dma_wait3A_160 = tpu.memref_slice %arg19[%dma_wait3A_158, %dma_wait3A_159] : memref<1536x128xf32, #tpu.memory_space<vmem_shared>> -> memref<1536x128xf32, #tpu.memory_space<vmem_shared>>
        tpu.wait_indirect_dma semaphore(%arg22 : memref<!tpu.dma_semaphore, #tpu.memory_space<semaphore_mem>>) src(%dma_wait3A_160 : memref<1536x128xf32, #tpu.memory_space<vmem_shared>>) dst(%arg17 : memref<128x128xf32, #tpu.memory_space<vmem>>)
        %dma_wait3A_161 = arith.constant 0 : i32
        %dma_wait3A_162 = tpu.memref_slice %arg13[%add3A_94, %dma_wait3A_161] : memref<32x128xi32, #tpu.memory_space<vmem>> -> memref<1x128xi32, #tpu.memory_space<vmem>>
        %dma_wait3A_163 = tpu.memref_squeeze %dma_wait3A_162 : memref<1x128xi32, #tpu.memory_space<vmem>> -> memref<128xi32, #tpu.memory_space<vmem>>
        %dma_wait3A_164 = arith.constant 0 : i32
        %dma_wait3A_165 = arith.constant 0 : i32
        %dma_wait3A_166 = tpu.memref_slice %arg20[%dma_wait3A_164, %dma_wait3A_165] : memref<50x128xf32, #tpu.memory_space<vmem_shared>> -> memref<50x128xf32, #tpu.memory_space<vmem_shared>>
        tpu.wait_indirect_dma semaphore(%arg22 : memref<!tpu.dma_semaphore, #tpu.memory_space<semaphore_mem>>) src(%dma_wait3A_166 : memref<50x128xf32, #tpu.memory_space<vmem_shared>>) dst(%arg17 : memref<128x128xf32, #tpu.memory_space<vmem>>)
        %parallel_loop3A = arith.constant 0 : i32
        %parallel_loop3A_167 = arith.constant 128 : i32
        %parallel_loop3A_168 = arith.constant 1 : i32
        scf.for %parallel_loop3A_176 = %parallel_loop3A to %parallel_loop3A_167 step %parallel_loop3A_168  : i32 {
          %parallel_loop3A_177 = arith.constant 0.000000e+00 : f32
          %parallel_loop3A_178 = vector.broadcast %parallel_loop3A_177 : f32 to vector<16xf32>
          %parallel_loop3A_179 = arith.constant 0.000000e+00 : f32
          %parallel_loop3A_180 = vector.broadcast %parallel_loop3A_179 : f32 to vector<16xf32>
          %parallel_loop3A_181 = arith.constant 0 : i32
          %parallel_loop3A_182 = tpu.memref_slice %arg17[%parallel_loop3A_176, %parallel_loop3A_181] : memref<128x128xf32, #tpu.memory_space<vmem>> -> memref<1x128xf32, #tpu.memory_space<vmem>>
          %parallel_loop3A_183 = tpu.memref_squeeze %parallel_loop3A_182 : memref<1x128xf32, #tpu.memory_space<vmem>> -> memref<128xf32, #tpu.memory_space<vmem>>
          %parallel_loop3A_184 = arith.constant 0 : index
          %parallel_loop3A_185 = tpu.vector_load %parallel_loop3A_183[%parallel_loop3A_184] {strides = array<i32>} : memref<128xf32, #tpu.memory_space<vmem>>, vector<16xf32>,
          %parallel_loop3A_186 = vector.shape_cast %parallel_loop3A_185 : vector<16xf32> to vector<16xf32>
          %parallel_loop3A_187 = arith.addf %parallel_loop3A_178, %parallel_loop3A_186 : vector<16xf32>
          %parallel_loop3A_188 = arith.mulf %parallel_loop3A_186, %parallel_loop3A_186 : vector<16xf32>
          %parallel_loop3A_189 = arith.addf %parallel_loop3A_180, %parallel_loop3A_188 : vector<16xf32>
          %parallel_loop3A_190 = arith.constant 0 : i32
          %parallel_loop3A_191 = tpu.memref_slice %arg17[%parallel_loop3A_176, %parallel_loop3A_190] : memref<128x128xf32, #tpu.memory_space<vmem>> -> memref<1x128xf32, #tpu.memory_space<vmem>>
          %parallel_loop3A_192 = tpu.memref_squeeze %parallel_loop3A_191 : memref<1x128xf32, #tpu.memory_space<vmem>> -> memref<128xf32, #tpu.memory_space<vmem>>
          %parallel_loop3A_193 = arith.constant 16 : index
          %parallel_loop3A_194 = tpu.vector_load %parallel_loop3A_192[%parallel_loop3A_193] {strides = array<i32>} : memref<128xf32, #tpu.memory_space<vmem>>, vector<16xf32>,
          %parallel_loop3A_195 = vector.shape_cast %parallel_loop3A_194 : vector<16xf32> to vector<16xf32>
          %parallel_loop3A_196 = arith.addf %parallel_loop3A_187, %parallel_loop3A_195 : vector<16xf32>
          %parallel_loop3A_197 = arith.mulf %parallel_loop3A_195, %parallel_loop3A_195 : vector<16xf32>
          %parallel_loop3A_198 = arith.addf %parallel_loop3A_189, %parallel_loop3A_197 : vector<16xf32>
          %parallel_loop3A_199 = arith.constant 0 : i32
          %parallel_loop3A_200 = tpu.memref_slice %arg17[%parallel_loop3A_176, %parallel_loop3A_199] : memref<128x128xf32, #tpu.memory_space<vmem>> -> memref<1x128xf32, #tpu.memory_space<vmem>>
          %parallel_loop3A_201 = tpu.memref_squeeze %parallel_loop3A_200 : memref<1x128xf32, #tpu.memory_space<vmem>> -> memref<128xf32, #tpu.memory_space<vmem>>
          %parallel_loop3A_202 = arith.constant 32 : index
          %parallel_loop3A_203 = tpu.vector_load %parallel_loop3A_201[%parallel_loop3A_202] {strides = array<i32>} : memref<128xf32, #tpu.memory_space<vmem>>, vector<16xf32>,
          %parallel_loop3A_204 = vector.shape_cast %parallel_loop3A_203 : vector<16xf32> to vector<16xf32>
          %parallel_loop3A_205 = arith.addf %parallel_loop3A_196, %parallel_loop3A_204 : vector<16xf32>
          %parallel_loop3A_206 = arith.mulf %parallel_loop3A_204, %parallel_loop3A_204 : vector<16xf32>
          %parallel_loop3A_207 = arith.addf %parallel_loop3A_198, %parallel_loop3A_206 : vector<16xf32>
          %parallel_loop3A_208 = arith.constant 0 : i32
          %parallel_loop3A_209 = tpu.memref_slice %arg17[%parallel_loop3A_176, %parallel_loop3A_208] : memref<128x128xf32, #tpu.memory_space<vmem>> -> memref<1x128xf32, #tpu.memory_space<vmem>>
          %parallel_loop3A_210 = tpu.memref_squeeze %parallel_loop3A_209 : memref<1x128xf32, #tpu.memory_space<vmem>> -> memref<128xf32, #tpu.memory_space<vmem>>
          %parallel_loop3A_211 = arith.constant 48 : index
          %parallel_loop3A_212 = tpu.vector_load %parallel_loop3A_210[%parallel_loop3A_211] {strides = array<i32>} : memref<128xf32, #tpu.memory_space<vmem>>, vector<16xf32>,
          %parallel_loop3A_213 = vector.shape_cast %parallel_loop3A_212 : vector<16xf32> to vector<16xf32>
          %parallel_loop3A_214 = arith.addf %parallel_loop3A_205, %parallel_loop3A_213 : vector<16xf32>
          %parallel_loop3A_215 = arith.mulf %parallel_loop3A_213, %parallel_loop3A_213 : vector<16xf32>
          %parallel_loop3A_216 = arith.addf %parallel_loop3A_207, %parallel_loop3A_215 : vector<16xf32>
          %parallel_loop3A_217 = arith.constant 0 : i32
          %parallel_loop3A_218 = tpu.memref_slice %arg17[%parallel_loop3A_176, %parallel_loop3A_217] : memref<128x128xf32, #tpu.memory_space<vmem>> -> memref<1x128xf32, #tpu.memory_space<vmem>>
          %parallel_loop3A_219 = tpu.memref_squeeze %parallel_loop3A_218 : memref<1x128xf32, #tpu.memory_space<vmem>> -> memref<128xf32, #tpu.memory_space<vmem>>
          %parallel_loop3A_220 = arith.constant 64 : index
          %parallel_loop3A_221 = tpu.vector_load %parallel_loop3A_219[%parallel_loop3A_220] {strides = array<i32>} : memref<128xf32, #tpu.memory_space<vmem>>, vector<16xf32>,
          %parallel_loop3A_222 = vector.shape_cast %parallel_loop3A_221 : vector<16xf32> to vector<16xf32>
          %parallel_loop3A_223 = arith.addf %parallel_loop3A_214, %parallel_loop3A_222 : vector<16xf32>
          %parallel_loop3A_224 = arith.mulf %parallel_loop3A_222, %parallel_loop3A_222 : vector<16xf32>
          %parallel_loop3A_225 = arith.addf %parallel_loop3A_216, %parallel_loop3A_224 : vector<16xf32>
          %parallel_loop3A_226 = arith.constant 0 : i32
          %parallel_loop3A_227 = tpu.memref_slice %arg17[%parallel_loop3A_176, %parallel_loop3A_226] : memref<128x128xf32, #tpu.memory_space<vmem>> -> memref<1x128xf32, #tpu.memory_space<vmem>>
          %parallel_loop3A_228 = tpu.memref_squeeze %parallel_loop3A_227 : memref<1x128xf32, #tpu.memory_space<vmem>> -> memref<128xf32, #tpu.memory_space<vmem>>
          %parallel_loop3A_229 = arith.constant 80 : index
          %parallel_loop3A_230 = tpu.vector_load %parallel_loop3A_228[%parallel_loop3A_229] {strides = array<i32>} : memref<128xf32, #tpu.memory_space<vmem>>, vector<16xf32>,
          %parallel_loop3A_231 = vector.shape_cast %parallel_loop3A_230 : vector<16xf32> to vector<16xf32>
          %parallel_loop3A_232 = arith.addf %parallel_loop3A_223, %parallel_loop3A_231 : vector<16xf32>
          %parallel_loop3A_233 = arith.mulf %parallel_loop3A_231, %parallel_loop3A_231 : vector<16xf32>
          %parallel_loop3A_234 = arith.addf %parallel_loop3A_225, %parallel_loop3A_233 : vector<16xf32>
          %parallel_loop3A_235 = arith.constant 0 : i32
          %parallel_loop3A_236 = tpu.memref_slice %arg17[%parallel_loop3A_176, %parallel_loop3A_235] : memref<128x128xf32, #tpu.memory_space<vmem>> -> memref<1x128xf32, #tpu.memory_space<vmem>>
          %parallel_loop3A_237 = tpu.memref_squeeze %parallel_loop3A_236 : memref<1x128xf32, #tpu.memory_space<vmem>> -> memref<128xf32, #tpu.memory_space<vmem>>
          %parallel_loop3A_238 = arith.constant 96 : index
          %parallel_loop3A_239 = tpu.vector_load %parallel_loop3A_237[%parallel_loop3A_238] {strides = array<i32>} : memref<128xf32, #tpu.memory_space<vmem>>, vector<16xf32>,
          %parallel_loop3A_240 = vector.shape_cast %parallel_loop3A_239 : vector<16xf32> to vector<16xf32>
          %parallel_loop3A_241 = arith.addf %parallel_loop3A_232, %parallel_loop3A_240 : vector<16xf32>
          %parallel_loop3A_242 = arith.mulf %parallel_loop3A_240, %parallel_loop3A_240 : vector<16xf32>
          %parallel_loop3A_243 = arith.addf %parallel_loop3A_234, %parallel_loop3A_242 : vector<16xf32>
          %parallel_loop3A_244 = arith.constant 0 : i32
          %parallel_loop3A_245 = tpu.memref_slice %arg17[%parallel_loop3A_176, %parallel_loop3A_244] : memref<128x128xf32, #tpu.memory_space<vmem>> -> memref<1x128xf32, #tpu.memory_space<vmem>>
          %parallel_loop3A_246 = tpu.memref_squeeze %parallel_loop3A_245 : memref<1x128xf32, #tpu.memory_space<vmem>> -> memref<128xf32, #tpu.memory_space<vmem>>
          %parallel_loop3A_247 = arith.constant 112 : index
          %parallel_loop3A_248 = tpu.vector_load %parallel_loop3A_246[%parallel_loop3A_247] {strides = array<i32>} : memref<128xf32, #tpu.memory_space<vmem>>, vector<16xf32>,
          %parallel_loop3A_249 = vector.shape_cast %parallel_loop3A_248 : vector<16xf32> to vector<16xf32>
          %parallel_loop3A_250 = arith.addf %parallel_loop3A_241, %parallel_loop3A_249 : vector<16xf32>
          %parallel_loop3A_251 = arith.mulf %parallel_loop3A_249, %parallel_loop3A_249 : vector<16xf32>
          %parallel_loop3A_252 = arith.addf %parallel_loop3A_243, %parallel_loop3A_251 : vector<16xf32>
          %parallel_loop3A_253 = arith.constant 1 : i32
          %parallel_loop3A_254 = vector.broadcast %parallel_loop3A_253 : i32 to vector<16xi32>
          %parallel_loop3A_255 = arith.xori %iota3A, %parallel_loop3A_254 : vector<16xi32>
          %parallel_loop3A_256 = vector.shape_cast %parallel_loop3A_255 : vector<16xi32> to vector<16x1xi32>
          %parallel_loop3A_257 = vector.shape_cast %parallel_loop3A_256 : vector<16x1xi32> to vector<16xi32>
          %parallel_loop3A_258 = tpu.dynamic_gather %parallel_loop3A_250[%parallel_loop3A_257] in [0] : vector<16xf32>, vector<16xi32> -> vector<16xf32>
          %parallel_loop3A_259 = arith.addf %parallel_loop3A_250, %parallel_loop3A_258 : vector<16xf32>
          %parallel_loop3A_260 = arith.constant 2 : i32
          %parallel_loop3A_261 = vector.broadcast %parallel_loop3A_260 : i32 to vector<16xi32>
          %parallel_loop3A_262 = arith.xori %iota3A, %parallel_loop3A_261 : vector<16xi32>
          %parallel_loop3A_263 = vector.shape_cast %parallel_loop3A_262 : vector<16xi32> to vector<16x1xi32>
          %parallel_loop3A_264 = vector.shape_cast %parallel_loop3A_263 : vector<16x1xi32> to vector<16xi32>
          %parallel_loop3A_265 = tpu.dynamic_gather %parallel_loop3A_259[%parallel_loop3A_264] in [0] : vector<16xf32>, vector<16xi32> -> vector<16xf32>
          %parallel_loop3A_266 = arith.addf %parallel_loop3A_259, %parallel_loop3A_265 : vector<16xf32>
          %parallel_loop3A_267 = arith.constant 4 : i32
          %parallel_loop3A_268 = vector.broadcast %parallel_loop3A_267 : i32 to vector<16xi32>
          %parallel_loop3A_269 = arith.xori %iota3A, %parallel_loop3A_268 : vector<16xi32>
          %parallel_loop3A_270 = vector.shape_cast %parallel_loop3A_269 : vector<16xi32> to vector<16x1xi32>
          %parallel_loop3A_271 = vector.shape_cast %parallel_loop3A_270 : vector<16x1xi32> to vector<16xi32>
          %parallel_loop3A_272 = tpu.dynamic_gather %parallel_loop3A_266[%parallel_loop3A_271] in [0] : vector<16xf32>, vector<16xi32> -> vector<16xf32>
          %parallel_loop3A_273 = arith.addf %parallel_loop3A_266, %parallel_loop3A_272 : vector<16xf32>
          %parallel_loop3A_274 = arith.constant 8 : i32
          %parallel_loop3A_275 = vector.broadcast %parallel_loop3A_274 : i32 to vector<16xi32>
          %parallel_loop3A_276 = arith.xori %iota3A, %parallel_loop3A_275 : vector<16xi32>
          %parallel_loop3A_277 = vector.shape_cast %parallel_loop3A_276 : vector<16xi32> to vector<16x1xi32>
          %parallel_loop3A_278 = vector.shape_cast %parallel_loop3A_277 : vector<16x1xi32> to vector<16xi32>
          %parallel_loop3A_279 = tpu.dynamic_gather %parallel_loop3A_273[%parallel_loop3A_278] in [0] : vector<16xf32>, vector<16xi32> -> vector<16xf32>
          %parallel_loop3A_280 = arith.addf %parallel_loop3A_273, %parallel_loop3A_279 : vector<16xf32>
          %parallel_loop3A_281 = arith.constant 7.812500e-03 : f32
          %parallel_loop3A_282 = vector.broadcast %parallel_loop3A_281 : f32 to vector<16xf32>
          %parallel_loop3A_283 = arith.mulf %parallel_loop3A_280, %parallel_loop3A_282 : vector<16xf32>
          %parallel_loop3A_284 = arith.constant 1 : i32
          %parallel_loop3A_285 = vector.broadcast %parallel_loop3A_284 : i32 to vector<16xi32>
          %parallel_loop3A_286 = arith.xori %iota3A, %parallel_loop3A_285 : vector<16xi32>
          %parallel_loop3A_287 = vector.shape_cast %parallel_loop3A_286 : vector<16xi32> to vector<16x1xi32>
          %parallel_loop3A_288 = vector.shape_cast %parallel_loop3A_287 : vector<16x1xi32> to vector<16xi32>
          %parallel_loop3A_289 = tpu.dynamic_gather %parallel_loop3A_252[%parallel_loop3A_288] in [0] : vector<16xf32>, vector<16xi32> -> vector<16xf32>
          %parallel_loop3A_290 = arith.addf %parallel_loop3A_252, %parallel_loop3A_289 : vector<16xf32>
          %parallel_loop3A_291 = arith.constant 2 : i32
          %parallel_loop3A_292 = vector.broadcast %parallel_loop3A_291 : i32 to vector<16xi32>
          %parallel_loop3A_293 = arith.xori %iota3A, %parallel_loop3A_292 : vector<16xi32>
          %parallel_loop3A_294 = vector.shape_cast %parallel_loop3A_293 : vector<16xi32> to vector<16x1xi32>
          %parallel_loop3A_295 = vector.shape_cast %parallel_loop3A_294 : vector<16x1xi32> to vector<16xi32>
          %parallel_loop3A_296 = tpu.dynamic_gather %parallel_loop3A_290[%parallel_loop3A_295] in [0] : vector<16xf32>, vector<16xi32> -> vector<16xf32>
          %parallel_loop3A_297 = arith.addf %parallel_loop3A_290, %parallel_loop3A_296 : vector<16xf32>
          %parallel_loop3A_298 = arith.constant 4 : i32
          %parallel_loop3A_299 = vector.broadcast %parallel_loop3A_298 : i32 to vector<16xi32>
          %parallel_loop3A_300 = arith.xori %iota3A, %parallel_loop3A_299 : vector<16xi32>
          %parallel_loop3A_301 = vector.shape_cast %parallel_loop3A_300 : vector<16xi32> to vector<16x1xi32>
          %parallel_loop3A_302 = vector.shape_cast %parallel_loop3A_301 : vector<16x1xi32> to vector<16xi32>
          %parallel_loop3A_303 = tpu.dynamic_gather %parallel_loop3A_297[%parallel_loop3A_302] in [0] : vector<16xf32>, vector<16xi32> -> vector<16xf32>
          %parallel_loop3A_304 = arith.addf %parallel_loop3A_297, %parallel_loop3A_303 : vector<16xf32>
          %parallel_loop3A_305 = arith.constant 8 : i32
          %parallel_loop3A_306 = vector.broadcast %parallel_loop3A_305 : i32 to vector<16xi32>
          %parallel_loop3A_307 = arith.xori %iota3A, %parallel_loop3A_306 : vector<16xi32>
          %parallel_loop3A_308 = vector.shape_cast %parallel_loop3A_307 : vector<16xi32> to vector<16x1xi32>
          %parallel_loop3A_309 = vector.shape_cast %parallel_loop3A_308 : vector<16x1xi32> to vector<16xi32>
          %parallel_loop3A_310 = tpu.dynamic_gather %parallel_loop3A_304[%parallel_loop3A_309] in [0] : vector<16xf32>, vector<16xi32> -> vector<16xf32>
          %parallel_loop3A_311 = arith.addf %parallel_loop3A_304, %parallel_loop3A_310 : vector<16xf32>
          %parallel_loop3A_312 = arith.constant 7.812500e-03 : f32
          %parallel_loop3A_313 = vector.broadcast %parallel_loop3A_312 : f32 to vector<16xf32>
          %parallel_loop3A_314 = arith.mulf %parallel_loop3A_311, %parallel_loop3A_313 : vector<16xf32>
          %parallel_loop3A_315 = arith.mulf %parallel_loop3A_283, %parallel_loop3A_283 : vector<16xf32>
          %parallel_loop3A_316 = arith.subf %parallel_loop3A_314, %parallel_loop3A_315 : vector<16xf32>
          %parallel_loop3A_317 = arith.constant 9.99999997E-7 : f32
          %parallel_loop3A_318 = vector.broadcast %parallel_loop3A_317 : f32 to vector<16xf32>
          %parallel_loop3A_319 = arith.addf %parallel_loop3A_316, %parallel_loop3A_318 : vector<16xf32>
          %parallel_loop3A_320 = tpu.bitcast %parallel_loop3A_319 : vector<16xf32> -> vector<16xi32>
          %parallel_loop3A_321 = arith.constant 1 : i32
          %parallel_loop3A_322 = vector.broadcast %parallel_loop3A_321 : i32 to vector<16xi32>
          %parallel_loop3A_323 = arith.shrsi %parallel_loop3A_320, %parallel_loop3A_322 : vector<16xi32>
          %parallel_loop3A_324 = arith.constant 1597463007 : i32
          %parallel_loop3A_325 = vector.broadcast %parallel_loop3A_324 : i32 to vector<16xi32>
          %parallel_loop3A_326 = arith.subi %parallel_loop3A_325, %parallel_loop3A_323 : vector<16xi32>
          %parallel_loop3A_327 = tpu.bitcast %parallel_loop3A_326 : vector<16xi32> -> vector<16xf32>
          %parallel_loop3A_328 = arith.constant 5.000000e-01 : f32
          %parallel_loop3A_329 = vector.broadcast %parallel_loop3A_328 : f32 to vector<16xf32>
          %parallel_loop3A_330 = arith.mulf %parallel_loop3A_319, %parallel_loop3A_329 : vector<16xf32>
          %parallel_loop3A_331 = arith.mulf %parallel_loop3A_330, %parallel_loop3A_327 : vector<16xf32>
          %parallel_loop3A_332 = arith.mulf %parallel_loop3A_331, %parallel_loop3A_327 : vector<16xf32>
          %parallel_loop3A_333 = arith.constant 1.500000e+00 : f32
          %parallel_loop3A_334 = vector.broadcast %parallel_loop3A_333 : f32 to vector<16xf32>
          %parallel_loop3A_335 = arith.subf %parallel_loop3A_334, %parallel_loop3A_332 : vector<16xf32>
          %parallel_loop3A_336 = arith.mulf %parallel_loop3A_327, %parallel_loop3A_335 : vector<16xf32>
          %parallel_loop3A_337 = arith.mulf %parallel_loop3A_330, %parallel_loop3A_336 : vector<16xf32>
          %parallel_loop3A_338 = arith.mulf %parallel_loop3A_337, %parallel_loop3A_336 : vector<16xf32>
          %parallel_loop3A_339 = arith.constant 1.500000e+00 : f32
          %parallel_loop3A_340 = vector.broadcast %parallel_loop3A_339 : f32 to vector<16xf32>
          %parallel_loop3A_341 = arith.subf %parallel_loop3A_340, %parallel_loop3A_338 : vector<16xf32>
          %parallel_loop3A_342 = arith.mulf %parallel_loop3A_336, %parallel_loop3A_341 : vector<16xf32>
          %parallel_loop3A_343 = arith.subf %parallel_loop3A_186, %parallel_loop3A_283 : vector<16xf32>
          %parallel_loop3A_344 = arith.mulf %parallel_loop3A_343, %parallel_loop3A_342 : vector<16xf32>
          %parallel_loop3A_345 = arith.constant 0 : index
          %parallel_loop3A_346 = tpu.vector_load %arg14[%parallel_loop3A_345] {strides = array<i32>} : memref<128xf32, #tpu.memory_space<vmem>>, vector<16xf32>,
          %parallel_loop3A_347 = vector.shape_cast %parallel_loop3A_346 : vector<16xf32> to vector<16xf32>
          %parallel_loop3A_348 = arith.mulf %parallel_loop3A_344, %parallel_loop3A_347 : vector<16xf32>
          %parallel_loop3A_349 = arith.constant 0 : index
          %parallel_loop3A_350 = tpu.vector_load %arg15[%parallel_loop3A_349] {strides = array<i32>} : memref<128xf32, #tpu.memory_space<vmem>>, vector<16xf32>,
          %parallel_loop3A_351 = vector.shape_cast %parallel_loop3A_350 : vector<16xf32> to vector<16xf32>
          %parallel_loop3A_352 = arith.addf %parallel_loop3A_348, %parallel_loop3A_351 : vector<16xf32>
          %parallel_loop3A_353 = arith.constant 0 : i32
          %parallel_loop3A_354 = tpu.memref_slice %arg17[%parallel_loop3A_176, %parallel_loop3A_353] : memref<128x128xf32, #tpu.memory_space<vmem>> -> memref<1x128xf32, #tpu.memory_space<vmem>>
          %parallel_loop3A_355 = tpu.memref_squeeze %parallel_loop3A_354 : memref<1x128xf32, #tpu.memory_space<vmem>> -> memref<128xf32, #tpu.memory_space<vmem>>
          %parallel_loop3A_356 = arith.constant 0 : index
          %parallel_loop3A_357 = tpu.vector_load %parallel_loop3A_355[%parallel_loop3A_356] {strides = array<i32>} : memref<128xf32, #tpu.memory_space<vmem>>, vector<16xf32>,
          %parallel_loop3A_358 = vector.shape_cast %parallel_loop3A_357 : vector<16xf32> to vector<16xf32>
          %parallel_loop3A_359 = vector.shape_cast %parallel_loop3A_352 : vector<16xf32> to vector<16xf32>
          tpu.vector_store %parallel_loop3A_355[%parallel_loop3A_356], %parallel_loop3A_359 {strides = array<i32>} : memref<128xf32, #tpu.memory_space<vmem>>, vector<16xf32>,
          %parallel_loop3A_360 = arith.subf %parallel_loop3A_195, %parallel_loop3A_283 : vector<16xf32>
          %parallel_loop3A_361 = arith.mulf %parallel_loop3A_360, %parallel_loop3A_342 : vector<16xf32>
          %parallel_loop3A_362 = arith.constant 16 : index
          %parallel_loop3A_363 = tpu.vector_load %arg14[%parallel_loop3A_362] {strides = array<i32>} : memref<128xf32, #tpu.memory_space<vmem>>, vector<16xf32>,
          %parallel_loop3A_364 = vector.shape_cast %parallel_loop3A_363 : vector<16xf32> to vector<16xf32>
          %parallel_loop3A_365 = arith.mulf %parallel_loop3A_361, %parallel_loop3A_364 : vector<16xf32>
          %parallel_loop3A_366 = arith.constant 16 : index
          %parallel_loop3A_367 = tpu.vector_load %arg15[%parallel_loop3A_366] {strides = array<i32>} : memref<128xf32, #tpu.memory_space<vmem>>, vector<16xf32>,
          %parallel_loop3A_368 = vector.shape_cast %parallel_loop3A_367 : vector<16xf32> to vector<16xf32>
          %parallel_loop3A_369 = arith.addf %parallel_loop3A_365, %parallel_loop3A_368 : vector<16xf32>
          %parallel_loop3A_370 = arith.constant 0 : i32
          %parallel_loop3A_371 = tpu.memref_slice %arg17[%parallel_loop3A_176, %parallel_loop3A_370] : memref<128x128xf32, #tpu.memory_space<vmem>> -> memref<1x128xf32, #tpu.memory_space<vmem>>
          %parallel_loop3A_372 = tpu.memref_squeeze %parallel_loop3A_371 : memref<1x128xf32, #tpu.memory_space<vmem>> -> memref<128xf32, #tpu.memory_space<vmem>>
          %parallel_loop3A_373 = arith.constant 16 : index
          %parallel_loop3A_374 = tpu.vector_load %parallel_loop3A_372[%parallel_loop3A_373] {strides = array<i32>} : memref<128xf32, #tpu.memory_space<vmem>>, vector<16xf32>,
          %parallel_loop3A_375 = vector.shape_cast %parallel_loop3A_374 : vector<16xf32> to vector<16xf32>
          %parallel_loop3A_376 = vector.shape_cast %parallel_loop3A_369 : vector<16xf32> to vector<16xf32>
          tpu.vector_store %parallel_loop3A_372[%parallel_loop3A_373], %parallel_loop3A_376 {strides = array<i32>} : memref<128xf32, #tpu.memory_space<vmem>>, vector<16xf32>,
          %parallel_loop3A_377 = arith.subf %parallel_loop3A_204, %parallel_loop3A_283 : vector<16xf32>
          %parallel_loop3A_378 = arith.mulf %parallel_loop3A_377, %parallel_loop3A_342 : vector<16xf32>
          %parallel_loop3A_379 = arith.constant 32 : index
          %parallel_loop3A_380 = tpu.vector_load %arg14[%parallel_loop3A_379] {strides = array<i32>} : memref<128xf32, #tpu.memory_space<vmem>>, vector<16xf32>,
          %parallel_loop3A_381 = vector.shape_cast %parallel_loop3A_380 : vector<16xf32> to vector<16xf32>
          %parallel_loop3A_382 = arith.mulf %parallel_loop3A_378, %parallel_loop3A_381 : vector<16xf32>
          %parallel_loop3A_383 = arith.constant 32 : index
          %parallel_loop3A_384 = tpu.vector_load %arg15[%parallel_loop3A_383] {strides = array<i32>} : memref<128xf32, #tpu.memory_space<vmem>>, vector<16xf32>,
          %parallel_loop3A_385 = vector.shape_cast %parallel_loop3A_384 : vector<16xf32> to vector<16xf32>
          %parallel_loop3A_386 = arith.addf %parallel_loop3A_382, %parallel_loop3A_385 : vector<16xf32>
          %parallel_loop3A_387 = arith.constant 0 : i32
          %parallel_loop3A_388 = tpu.memref_slice %arg17[%parallel_loop3A_176, %parallel_loop3A_387] : memref<128x128xf32, #tpu.memory_space<vmem>> -> memref<1x128xf32, #tpu.memory_space<vmem>>
          %parallel_loop3A_389 = tpu.memref_squeeze %parallel_loop3A_388 : memref<1x128xf32, #tpu.memory_space<vmem>> -> memref<128xf32, #tpu.memory_space<vmem>>
          %parallel_loop3A_390 = arith.constant 32 : index
          %parallel_loop3A_391 = tpu.vector_load %parallel_loop3A_389[%parallel_loop3A_390] {strides = array<i32>} : memref<128xf32, #tpu.memory_space<vmem>>, vector<16xf32>,
          %parallel_loop3A_392 = vector.shape_cast %parallel_loop3A_391 : vector<16xf32> to vector<16xf32>
          %parallel_loop3A_393 = vector.shape_cast %parallel_loop3A_386 : vector<16xf32> to vector<16xf32>
          tpu.vector_store %parallel_loop3A_389[%parallel_loop3A_390], %parallel_loop3A_393 {strides = array<i32>} : memref<128xf32, #tpu.memory_space<vmem>>, vector<16xf32>,
          %parallel_loop3A_394 = arith.subf %parallel_loop3A_213, %parallel_loop3A_283 : vector<16xf32>
          %parallel_loop3A_395 = arith.mulf %parallel_loop3A_394, %parallel_loop3A_342 : vector<16xf32>
          %parallel_loop3A_396 = arith.constant 48 : index
          %parallel_loop3A_397 = tpu.vector_load %arg14[%parallel_loop3A_396] {strides = array<i32>} : memref<128xf32, #tpu.memory_space<vmem>>, vector<16xf32>,
          %parallel_loop3A_398 = vector.shape_cast %parallel_loop3A_397 : vector<16xf32> to vector<16xf32>
          %parallel_loop3A_399 = arith.mulf %parallel_loop3A_395, %parallel_loop3A_398 : vector<16xf32>
          %parallel_loop3A_400 = arith.constant 48 : index
          %parallel_loop3A_401 = tpu.vector_load %arg15[%parallel_loop3A_400] {strides = array<i32>} : memref<128xf32, #tpu.memory_space<vmem>>, vector<16xf32>,
          %parallel_loop3A_402 = vector.shape_cast %parallel_loop3A_401 : vector<16xf32> to vector<16xf32>
          %parallel_loop3A_403 = arith.addf %parallel_loop3A_399, %parallel_loop3A_402 : vector<16xf32>
          %parallel_loop3A_404 = arith.constant 0 : i32
          %parallel_loop3A_405 = tpu.memref_slice %arg17[%parallel_loop3A_176, %parallel_loop3A_404] : memref<128x128xf32, #tpu.memory_space<vmem>> -> memref<1x128xf32, #tpu.memory_space<vmem>>
          %parallel_loop3A_406 = tpu.memref_squeeze %parallel_loop3A_405 : memref<1x128xf32, #tpu.memory_space<vmem>> -> memref<128xf32, #tpu.memory_space<vmem>>
          %parallel_loop3A_407 = arith.constant 48 : index
          %parallel_loop3A_408 = tpu.vector_load %parallel_loop3A_406[%parallel_loop3A_407] {strides = array<i32>} : memref<128xf32, #tpu.memory_space<vmem>>, vector<16xf32>,
          %parallel_loop3A_409 = vector.shape_cast %parallel_loop3A_408 : vector<16xf32> to vector<16xf32>
          %parallel_loop3A_410 = vector.shape_cast %parallel_loop3A_403 : vector<16xf32> to vector<16xf32>
          tpu.vector_store %parallel_loop3A_406[%parallel_loop3A_407], %parallel_loop3A_410 {strides = array<i32>} : memref<128xf32, #tpu.memory_space<vmem>>, vector<16xf32>,
          %parallel_loop3A_411 = arith.subf %parallel_loop3A_222, %parallel_loop3A_283 : vector<16xf32>
          %parallel_loop3A_412 = arith.mulf %parallel_loop3A_411, %parallel_loop3A_342 : vector<16xf32>
          %parallel_loop3A_413 = arith.constant 64 : index
          %parallel_loop3A_414 = tpu.vector_load %arg14[%parallel_loop3A_413] {strides = array<i32>} : memref<128xf32, #tpu.memory_space<vmem>>, vector<16xf32>,
          %parallel_loop3A_415 = vector.shape_cast %parallel_loop3A_414 : vector<16xf32> to vector<16xf32>
          %parallel_loop3A_416 = arith.mulf %parallel_loop3A_412, %parallel_loop3A_415 : vector<16xf32>
          %parallel_loop3A_417 = arith.constant 64 : index
          %parallel_loop3A_418 = tpu.vector_load %arg15[%parallel_loop3A_417] {strides = array<i32>} : memref<128xf32, #tpu.memory_space<vmem>>, vector<16xf32>,
          %parallel_loop3A_419 = vector.shape_cast %parallel_loop3A_418 : vector<16xf32> to vector<16xf32>
          %parallel_loop3A_420 = arith.addf %parallel_loop3A_416, %parallel_loop3A_419 : vector<16xf32>
          %parallel_loop3A_421 = arith.constant 0 : i32
          %parallel_loop3A_422 = tpu.memref_slice %arg17[%parallel_loop3A_176, %parallel_loop3A_421] : memref<128x128xf32, #tpu.memory_space<vmem>> -> memref<1x128xf32, #tpu.memory_space<vmem>>
          %parallel_loop3A_423 = tpu.memref_squeeze %parallel_loop3A_422 : memref<1x128xf32, #tpu.memory_space<vmem>> -> memref<128xf32, #tpu.memory_space<vmem>>
          %parallel_loop3A_424 = arith.constant 64 : index
          %parallel_loop3A_425 = tpu.vector_load %parallel_loop3A_423[%parallel_loop3A_424] {strides = array<i32>} : memref<128xf32, #tpu.memory_space<vmem>>, vector<16xf32>,
          %parallel_loop3A_426 = vector.shape_cast %parallel_loop3A_425 : vector<16xf32> to vector<16xf32>
          %parallel_loop3A_427 = vector.shape_cast %parallel_loop3A_420 : vector<16xf32> to vector<16xf32>
          tpu.vector_store %parallel_loop3A_423[%parallel_loop3A_424], %parallel_loop3A_427 {strides = array<i32>} : memref<128xf32, #tpu.memory_space<vmem>>, vector<16xf32>,
          %parallel_loop3A_428 = arith.subf %parallel_loop3A_231, %parallel_loop3A_283 : vector<16xf32>
          %parallel_loop3A_429 = arith.mulf %parallel_loop3A_428, %parallel_loop3A_342 : vector<16xf32>
          %parallel_loop3A_430 = arith.constant 80 : index
          %parallel_loop3A_431 = tpu.vector_load %arg14[%parallel_loop3A_430] {strides = array<i32>} : memref<128xf32, #tpu.memory_space<vmem>>, vector<16xf32>,
          %parallel_loop3A_432 = vector.shape_cast %parallel_loop3A_431 : vector<16xf32> to vector<16xf32>
          %parallel_loop3A_433 = arith.mulf %parallel_loop3A_429, %parallel_loop3A_432 : vector<16xf32>
          %parallel_loop3A_434 = arith.constant 80 : index
          %parallel_loop3A_435 = tpu.vector_load %arg15[%parallel_loop3A_434] {strides = array<i32>} : memref<128xf32, #tpu.memory_space<vmem>>, vector<16xf32>,
          %parallel_loop3A_436 = vector.shape_cast %parallel_loop3A_435 : vector<16xf32> to vector<16xf32>
          %parallel_loop3A_437 = arith.addf %parallel_loop3A_433, %parallel_loop3A_436 : vector<16xf32>
          %parallel_loop3A_438 = arith.constant 0 : i32
          %parallel_loop3A_439 = tpu.memref_slice %arg17[%parallel_loop3A_176, %parallel_loop3A_438] : memref<128x128xf32, #tpu.memory_space<vmem>> -> memref<1x128xf32, #tpu.memory_space<vmem>>
          %parallel_loop3A_440 = tpu.memref_squeeze %parallel_loop3A_439 : memref<1x128xf32, #tpu.memory_space<vmem>> -> memref<128xf32, #tpu.memory_space<vmem>>
          %parallel_loop3A_441 = arith.constant 80 : index
          %parallel_loop3A_442 = tpu.vector_load %parallel_loop3A_440[%parallel_loop3A_441] {strides = array<i32>} : memref<128xf32, #tpu.memory_space<vmem>>, vector<16xf32>,
          %parallel_loop3A_443 = vector.shape_cast %parallel_loop3A_442 : vector<16xf32> to vector<16xf32>
          %parallel_loop3A_444 = vector.shape_cast %parallel_loop3A_437 : vector<16xf32> to vector<16xf32>
          tpu.vector_store %parallel_loop3A_440[%parallel_loop3A_441], %parallel_loop3A_444 {strides = array<i32>} : memref<128xf32, #tpu.memory_space<vmem>>, vector<16xf32>,
          %parallel_loop3A_445 = arith.subf %parallel_loop3A_240, %parallel_loop3A_283 : vector<16xf32>
          %parallel_loop3A_446 = arith.mulf %parallel_loop3A_445, %parallel_loop3A_342 : vector<16xf32>
          %parallel_loop3A_447 = arith.constant 96 : index
          %parallel_loop3A_448 = tpu.vector_load %arg14[%parallel_loop3A_447] {strides = array<i32>} : memref<128xf32, #tpu.memory_space<vmem>>, vector<16xf32>,
          %parallel_loop3A_449 = vector.shape_cast %parallel_loop3A_448 : vector<16xf32> to vector<16xf32>
          %parallel_loop3A_450 = arith.mulf %parallel_loop3A_446, %parallel_loop3A_449 : vector<16xf32>
          %parallel_loop3A_451 = arith.constant 96 : index
          %parallel_loop3A_452 = tpu.vector_load %arg15[%parallel_loop3A_451] {strides = array<i32>} : memref<128xf32, #tpu.memory_space<vmem>>, vector<16xf32>,
          %parallel_loop3A_453 = vector.shape_cast %parallel_loop3A_452 : vector<16xf32> to vector<16xf32>
          %parallel_loop3A_454 = arith.addf %parallel_loop3A_450, %parallel_loop3A_453 : vector<16xf32>
          %parallel_loop3A_455 = arith.constant 0 : i32
          %parallel_loop3A_456 = tpu.memref_slice %arg17[%parallel_loop3A_176, %parallel_loop3A_455] : memref<128x128xf32, #tpu.memory_space<vmem>> -> memref<1x128xf32, #tpu.memory_space<vmem>>
          %parallel_loop3A_457 = tpu.memref_squeeze %parallel_loop3A_456 : memref<1x128xf32, #tpu.memory_space<vmem>> -> memref<128xf32, #tpu.memory_space<vmem>>
          %parallel_loop3A_458 = arith.constant 96 : index
          %parallel_loop3A_459 = tpu.vector_load %parallel_loop3A_457[%parallel_loop3A_458] {strides = array<i32>} : memref<128xf32, #tpu.memory_space<vmem>>, vector<16xf32>,
          %parallel_loop3A_460 = vector.shape_cast %parallel_loop3A_459 : vector<16xf32> to vector<16xf32>
          %parallel_loop3A_461 = vector.shape_cast %parallel_loop3A_454 : vector<16xf32> to vector<16xf32>
          tpu.vector_store %parallel_loop3A_457[%parallel_loop3A_458], %parallel_loop3A_461 {strides = array<i32>} : memref<128xf32, #tpu.memory_space<vmem>>, vector<16xf32>,
          %parallel_loop3A_462 = arith.subf %parallel_loop3A_249, %parallel_loop3A_283 : vector<16xf32>
          %parallel_loop3A_463 = arith.mulf %parallel_loop3A_462, %parallel_loop3A_342 : vector<16xf32>
          %parallel_loop3A_464 = arith.constant 112 : index
          %parallel_loop3A_465 = tpu.vector_load %arg14[%parallel_loop3A_464] {strides = array<i32>} : memref<128xf32, #tpu.memory_space<vmem>>, vector<16xf32>,
          %parallel_loop3A_466 = vector.shape_cast %parallel_loop3A_465 : vector<16xf32> to vector<16xf32>
          %parallel_loop3A_467 = arith.mulf %parallel_loop3A_463, %parallel_loop3A_466 : vector<16xf32>
          %parallel_loop3A_468 = arith.constant 112 : index
          %parallel_loop3A_469 = tpu.vector_load %arg15[%parallel_loop3A_468] {strides = array<i32>} : memref<128xf32, #tpu.memory_space<vmem>>, vector<16xf32>,
          %parallel_loop3A_470 = vector.shape_cast %parallel_loop3A_469 : vector<16xf32> to vector<16xf32>
          %parallel_loop3A_471 = arith.addf %parallel_loop3A_467, %parallel_loop3A_470 : vector<16xf32>
          %parallel_loop3A_472 = arith.constant 0 : i32
          %parallel_loop3A_473 = tpu.memref_slice %arg17[%parallel_loop3A_176, %parallel_loop3A_472] : memref<128x128xf32, #tpu.memory_space<vmem>> -> memref<1x128xf32, #tpu.memory_space<vmem>>
          %parallel_loop3A_474 = tpu.memref_squeeze %parallel_loop3A_473 : memref<1x128xf32, #tpu.memory_space<vmem>> -> memref<128xf32, #tpu.memory_space<vmem>>
          %parallel_loop3A_475 = arith.constant 112 : index
          %parallel_loop3A_476 = tpu.vector_load %parallel_loop3A_474[%parallel_loop3A_475] {strides = array<i32>} : memref<128xf32, #tpu.memory_space<vmem>>, vector<16xf32>,
          %parallel_loop3A_477 = vector.shape_cast %parallel_loop3A_476 : vector<16xf32> to vector<16xf32>
          %parallel_loop3A_478 = vector.shape_cast %parallel_loop3A_471 : vector<16xf32> to vector<16xf32>
          tpu.vector_store %parallel_loop3A_474[%parallel_loop3A_475], %parallel_loop3A_478 {strides = array<i32>} : memref<128xf32, #tpu.memory_space<vmem>>, vector<16xf32>,
        } {sc.loop_unroll_factor = 2 : i64, sc.parallel_access}
        %mul3A_169 = arith.constant 128 : i32
        %mul3A_170 = arith.muli %add3A_94, %mul3A_169 : i32
        %add3A_171 = arith.addi %mul3A_4, %mul3A_170 : i32
        %dma_start3A_172 = arith.constant 0 : i32
        %dma_start3A_173 = tpu.memref_slice %arg10[%add3A_171, %dma_start3A_172] : memref<131072x128xf32, #tpu.memory_space<hbm>> -> memref<128x128xf32, #tpu.memory_space<hbm>>
        %dma_start3A_174 = arith.constant 0 : i32
        %dma_start3A_175 = tpu.memref_slice %arg10[%add3A_171, %dma_start3A_174] : memref<131072x128xf32, #tpu.memory_space<hbm>> -> memref<128x128xf32, #tpu.memory_space<hbm>>
        tpu.enqueue_dma source(%arg17 : memref<128x128xf32, #tpu.memory_space<vmem>>) target(%dma_start3A_175 : memref<128x128xf32, #tpu.memory_space<hbm>>) target_semaphore(%arg22 : memref<!tpu.dma_semaphore, #tpu.memory_space<semaphore_mem>>)
      } else {
      }
      %add3A_124 = arith.constant 2 : i32
      %add3A_125 = arith.addi %add3A_64, %add3A_124 : i32
      %ge3A_126 = arith.constant 1 : i32
      %ge3A_127 = arith.cmpi sge, %add3A_125, %ge3A_126 : i32
      %add3A_128 = arith.constant 2 : i32
      %add3A_129 = arith.addi %add3A_125, %add3A_128 : i32
      %lt3A_130 = arith.constant 32 : i32
      %lt3A_131 = arith.cmpi slt, %add3A_129, %lt3A_130 : i32
      %and3A_132 = arith.andi %ge3A_127, %lt3A_131 : i1
      %convert_element_type3A_133 = arith.extui %and3A_132 : i1 to i32
      %cond3A_134 = arith.constant 0 : i32
      %cond3A_135 = arith.cmpi ne, %convert_element_type3A_133, %cond3A_134 : i32
      scf.if %cond3A_135 {
        %sub3A = arith.constant 1 : i32
        %sub3A_155 = arith.subi %add3A_125, %sub3A : i32
        %mul3A_156 = arith.constant 128 : i32
        %mul3A_157 = arith.muli %sub3A_155, %mul3A_156 : i32
        %add3A_158 = arith.addi %mul3A_4, %mul3A_157 : i32
        %dma_wait3A_159 = arith.constant 0 : i32
        %dma_wait3A_160 = tpu.memref_slice %arg10[%add3A_158, %dma_wait3A_159] : memref<131072x128xf32, #tpu.memory_space<hbm>> -> memref<128x128xf32, #tpu.memory_space<hbm>>
        %dma_wait3A_161 = arith.constant 0 : i32
        %dma_wait3A_162 = tpu.memref_slice %arg10[%add3A_158, %dma_wait3A_161] : memref<131072x128xf32, #tpu.memory_space<hbm>> -> memref<128x128xf32, #tpu.memory_space<hbm>>
        tpu.wait_dma2 semaphore(%arg22 : memref<!tpu.dma_semaphore, #tpu.memory_space<semaphore_mem>>) src(%arg17 : memref<128x128xf32, #tpu.memory_space<vmem>>) dst(%dma_wait3A_162 : memref<128x128xf32, #tpu.memory_space<hbm>>)
      } else {
      }
      %add3A_136 = arith.constant 2 : i32
      %add3A_137 = arith.addi %add3A_125, %add3A_136 : i32
      %lt3A_138 = arith.constant 32 : i32
      %lt3A_139 = arith.cmpi slt, %add3A_137, %lt3A_138 : i32
      %convert_element_type3A_140 = arith.extui %lt3A_139 : i1 to i32
      %cond3A_141 = arith.constant 0 : i32
      %cond3A_142 = arith.cmpi ne, %convert_element_type3A_140, %cond3A_141 : i32
      scf.if %cond3A_142 {
        %add3A_155 = arith.constant 2 : i32
        %add3A_156 = arith.addi %add3A_125, %add3A_155 : i32
        %dma_start3A_157 = arith.constant 0 : i32
        %dma_start3A_158 = tpu.memref_slice %arg11[%add3A_156, %dma_start3A_157] : memref<32x128xi32, #tpu.memory_space<vmem>> -> memref<1x128xi32, #tpu.memory_space<vmem>>
        %dma_start3A_159 = tpu.memref_squeeze %dma_start3A_158 : memref<1x128xi32, #tpu.memory_space<vmem>> -> memref<128xi32, #tpu.memory_space<vmem>>
        %dma_start3A_160 = arith.constant 0 : i32
        %dma_start3A_161 = arith.constant 0 : i32
        %dma_start3A_162 = tpu.memref_slice %arg2[%dma_start3A_160, %dma_start3A_161] : memref<100000x128xf32, #tpu.memory_space<hbm>> -> memref<100000x128xf32, #tpu.memory_space<hbm>>
        tpu.enqueue_indirect_dma source(%dma_start3A_162 : memref<100000x128xf32, #tpu.memory_space<hbm>>) target(%arg17 : memref<128x128xf32, #tpu.memory_space<vmem>>) offsets(%dma_start3A_159 : memref<128xi32, #tpu.memory_space<vmem>>) semaphore(%arg22 : memref<!tpu.dma_semaphore, #tpu.memory_space<semaphore_mem>>)
      } else {
      }
      %add3A_143 = arith.constant 1 : i32
      %add3A_144 = arith.addi %add3A_125, %add3A_143 : i32
      %lt3A_145 = arith.constant 32 : i32
      %lt3A_146 = arith.cmpi slt, %add3A_144, %lt3A_145 : i32
      %convert_element_type3A_147 = arith.extui %lt3A_146 : i1 to i32
      %cond3A_148 = arith.constant 0 : i32
      %cond3A_149 = arith.cmpi ne, %convert_element_type3A_147, %cond3A_148 : i32
      scf.if %cond3A_149 {
        %add3A_155 = arith.constant 1 : i32
        %add3A_156 = arith.addi %add3A_125, %add3A_155 : i32
        %dma_wait3A_157 = arith.constant 0 : i32
        %dma_wait3A_158 = tpu.memref_slice %arg11[%add3A_156, %dma_wait3A_157] : memref<32x128xi32, #tpu.memory_space<vmem>> -> memref<1x128xi32, #tpu.memory_space<vmem>>
        %dma_wait3A_159 = tpu.memref_squeeze %dma_wait3A_158 : memref<1x128xi32, #tpu.memory_space<vmem>> -> memref<128xi32, #tpu.memory_space<vmem>>
        %dma_wait3A_160 = arith.constant 0 : i32
        %dma_wait3A_161 = arith.constant 0 : i32
        %dma_wait3A_162 = tpu.memref_slice %arg2[%dma_wait3A_160, %dma_wait3A_161] : memref<100000x128xf32, #tpu.memory_space<hbm>> -> memref<100000x128xf32, #tpu.memory_space<hbm>>
        tpu.wait_indirect_dma semaphore(%arg21 : memref<!tpu.dma_semaphore, #tpu.memory_space<semaphore_mem>>) src(%dma_wait3A_162 : memref<100000x128xf32, #tpu.memory_space<hbm>>) dst(%arg16 : memref<128x128xf32, #tpu.memory_space<vmem>>)
        %add3A_163 = arith.constant 1 : i32
        %add3A_164 = arith.addi %add3A_125, %add3A_163 : i32
        %dma_start3A_165 = arith.constant 0 : i32
        %dma_start3A_166 = tpu.memref_slice %arg12[%add3A_164, %dma_start3A_165] : memref<32x128xi32, #tpu.memory_space<vmem>> -> memref<1x128xi32, #tpu.memory_space<vmem>>
        %dma_start3A_167 = tpu.memref_squeeze %dma_start3A_166 : memref<1x128xi32, #tpu.memory_space<vmem>> -> memref<128xi32, #tpu.memory_space<vmem>>
        %dma_start3A_168 = arith.constant 0 : i32
        %dma_start3A_169 = arith.constant 0 : i32
        %dma_start3A_170 = tpu.memref_slice %arg19[%dma_start3A_168, %dma_start3A_169] : memref<1536x128xf32, #tpu.memory_space<vmem_shared>> -> memref<1536x128xf32, #tpu.memory_space<vmem_shared>>
        tpu.enqueue_indirect_dma source(%dma_start3A_170 : memref<1536x128xf32, #tpu.memory_space<vmem_shared>>) target(%arg16 : memref<128x128xf32, #tpu.memory_space<vmem>>) offsets(%dma_start3A_167 : memref<128xi32, #tpu.memory_space<vmem>>) semaphore(%arg21 : memref<!tpu.dma_semaphore, #tpu.memory_space<semaphore_mem>>) {add = true}
        %dma_start3A_171 = arith.constant 0 : i32
        %dma_start3A_172 = tpu.memref_slice %arg13[%add3A_164, %dma_start3A_171] : memref<32x128xi32, #tpu.memory_space<vmem>> -> memref<1x128xi32, #tpu.memory_space<vmem>>
        %dma_start3A_173 = tpu.memref_squeeze %dma_start3A_172 : memref<1x128xi32, #tpu.memory_space<vmem>> -> memref<128xi32, #tpu.memory_space<vmem>>
        %dma_start3A_174 = arith.constant 0 : i32
        %dma_start3A_175 = arith.constant 0 : i32
        %dma_start3A_176 = tpu.memref_slice %arg20[%dma_start3A_174, %dma_start3A_175] : memref<50x128xf32, #tpu.memory_space<vmem_shared>> -> memref<50x128xf32, #tpu.memory_space<vmem_shared>>
        tpu.enqueue_indirect_dma source(%dma_start3A_176 : memref<50x128xf32, #tpu.memory_space<vmem_shared>>) target(%arg16 : memref<128x128xf32, #tpu.memory_space<vmem>>) offsets(%dma_start3A_173 : memref<128xi32, #tpu.memory_space<vmem>>) semaphore(%arg21 : memref<!tpu.dma_semaphore, #tpu.memory_space<semaphore_mem>>) {add = true}
      } else {
      }
      %lt3A_150 = arith.constant 32 : i32
      %lt3A_151 = arith.cmpi slt, %add3A_125, %lt3A_150 : i32
      %convert_element_type3A_152 = arith.extui %lt3A_151 : i1 to i32
      %cond3A_153 = arith.constant 0 : i32
      %cond3A_154 = arith.cmpi ne, %convert_element_type3A_152, %cond3A_153 : i32
      scf.if %cond3A_154 {
        %dma_wait3A_155 = arith.constant 0 : i32
        %dma_wait3A_156 = tpu.memref_slice %arg12[%add3A_125, %dma_wait3A_155] : memref<32x128xi32, #tpu.memory_space<vmem>> -> memref<1x128xi32, #tpu.memory_space<vmem>>
        %dma_wait3A_157 = tpu.memref_squeeze %dma_wait3A_156 : memref<1x128xi32, #tpu.memory_space<vmem>> -> memref<128xi32, #tpu.memory_space<vmem>>
        %dma_wait3A_158 = arith.constant 0 : i32
        %dma_wait3A_159 = arith.constant 0 : i32
        %dma_wait3A_160 = tpu.memref_slice %arg19[%dma_wait3A_158, %dma_wait3A_159] : memref<1536x128xf32, #tpu.memory_space<vmem_shared>> -> memref<1536x128xf32, #tpu.memory_space<vmem_shared>>
        tpu.wait_indirect_dma semaphore(%arg23 : memref<!tpu.dma_semaphore, #tpu.memory_space<semaphore_mem>>) src(%dma_wait3A_160 : memref<1536x128xf32, #tpu.memory_space<vmem_shared>>) dst(%arg18 : memref<128x128xf32, #tpu.memory_space<vmem>>)
        %dma_wait3A_161 = arith.constant 0 : i32
        %dma_wait3A_162 = tpu.memref_slice %arg13[%add3A_125, %dma_wait3A_161] : memref<32x128xi32, #tpu.memory_space<vmem>> -> memref<1x128xi32, #tpu.memory_space<vmem>>
        %dma_wait3A_163 = tpu.memref_squeeze %dma_wait3A_162 : memref<1x128xi32, #tpu.memory_space<vmem>> -> memref<128xi32, #tpu.memory_space<vmem>>
        %dma_wait3A_164 = arith.constant 0 : i32
        %dma_wait3A_165 = arith.constant 0 : i32
        %dma_wait3A_166 = tpu.memref_slice %arg20[%dma_wait3A_164, %dma_wait3A_165] : memref<50x128xf32, #tpu.memory_space<vmem_shared>> -> memref<50x128xf32, #tpu.memory_space<vmem_shared>>
        tpu.wait_indirect_dma semaphore(%arg23 : memref<!tpu.dma_semaphore, #tpu.memory_space<semaphore_mem>>) src(%dma_wait3A_166 : memref<50x128xf32, #tpu.memory_space<vmem_shared>>) dst(%arg18 : memref<128x128xf32, #tpu.memory_space<vmem>>)
        %parallel_loop3A = arith.constant 0 : i32
        %parallel_loop3A_167 = arith.constant 128 : i32
        %parallel_loop3A_168 = arith.constant 1 : i32
        scf.for %parallel_loop3A_176 = %parallel_loop3A to %parallel_loop3A_167 step %parallel_loop3A_168  : i32 {
          %parallel_loop3A_177 = arith.constant 0.000000e+00 : f32
          %parallel_loop3A_178 = vector.broadcast %parallel_loop3A_177 : f32 to vector<16xf32>
          %parallel_loop3A_179 = arith.constant 0.000000e+00 : f32
          %parallel_loop3A_180 = vector.broadcast %parallel_loop3A_179 : f32 to vector<16xf32>
          %parallel_loop3A_181 = arith.constant 0 : i32
          %parallel_loop3A_182 = tpu.memref_slice %arg18[%parallel_loop3A_176, %parallel_loop3A_181] : memref<128x128xf32, #tpu.memory_space<vmem>> -> memref<1x128xf32, #tpu.memory_space<vmem>>
          %parallel_loop3A_183 = tpu.memref_squeeze %parallel_loop3A_182 : memref<1x128xf32, #tpu.memory_space<vmem>> -> memref<128xf32, #tpu.memory_space<vmem>>
          %parallel_loop3A_184 = arith.constant 0 : index
          %parallel_loop3A_185 = tpu.vector_load %parallel_loop3A_183[%parallel_loop3A_184] {strides = array<i32>} : memref<128xf32, #tpu.memory_space<vmem>>, vector<16xf32>,
          %parallel_loop3A_186 = vector.shape_cast %parallel_loop3A_185 : vector<16xf32> to vector<16xf32>
          %parallel_loop3A_187 = arith.addf %parallel_loop3A_178, %parallel_loop3A_186 : vector<16xf32>
          %parallel_loop3A_188 = arith.mulf %parallel_loop3A_186, %parallel_loop3A_186 : vector<16xf32>
          %parallel_loop3A_189 = arith.addf %parallel_loop3A_180, %parallel_loop3A_188 : vector<16xf32>
          %parallel_loop3A_190 = arith.constant 0 : i32
          %parallel_loop3A_191 = tpu.memref_slice %arg18[%parallel_loop3A_176, %parallel_loop3A_190] : memref<128x128xf32, #tpu.memory_space<vmem>> -> memref<1x128xf32, #tpu.memory_space<vmem>>
          %parallel_loop3A_192 = tpu.memref_squeeze %parallel_loop3A_191 : memref<1x128xf32, #tpu.memory_space<vmem>> -> memref<128xf32, #tpu.memory_space<vmem>>
          %parallel_loop3A_193 = arith.constant 16 : index
          %parallel_loop3A_194 = tpu.vector_load %parallel_loop3A_192[%parallel_loop3A_193] {strides = array<i32>} : memref<128xf32, #tpu.memory_space<vmem>>, vector<16xf32>,
          %parallel_loop3A_195 = vector.shape_cast %parallel_loop3A_194 : vector<16xf32> to vector<16xf32>
          %parallel_loop3A_196 = arith.addf %parallel_loop3A_187, %parallel_loop3A_195 : vector<16xf32>
          %parallel_loop3A_197 = arith.mulf %parallel_loop3A_195, %parallel_loop3A_195 : vector<16xf32>
          %parallel_loop3A_198 = arith.addf %parallel_loop3A_189, %parallel_loop3A_197 : vector<16xf32>
          %parallel_loop3A_199 = arith.constant 0 : i32
          %parallel_loop3A_200 = tpu.memref_slice %arg18[%parallel_loop3A_176, %parallel_loop3A_199] : memref<128x128xf32, #tpu.memory_space<vmem>> -> memref<1x128xf32, #tpu.memory_space<vmem>>
          %parallel_loop3A_201 = tpu.memref_squeeze %parallel_loop3A_200 : memref<1x128xf32, #tpu.memory_space<vmem>> -> memref<128xf32, #tpu.memory_space<vmem>>
          %parallel_loop3A_202 = arith.constant 32 : index
          %parallel_loop3A_203 = tpu.vector_load %parallel_loop3A_201[%parallel_loop3A_202] {strides = array<i32>} : memref<128xf32, #tpu.memory_space<vmem>>, vector<16xf32>,
          %parallel_loop3A_204 = vector.shape_cast %parallel_loop3A_203 : vector<16xf32> to vector<16xf32>
          %parallel_loop3A_205 = arith.addf %parallel_loop3A_196, %parallel_loop3A_204 : vector<16xf32>
          %parallel_loop3A_206 = arith.mulf %parallel_loop3A_204, %parallel_loop3A_204 : vector<16xf32>
          %parallel_loop3A_207 = arith.addf %parallel_loop3A_198, %parallel_loop3A_206 : vector<16xf32>
          %parallel_loop3A_208 = arith.constant 0 : i32
          %parallel_loop3A_209 = tpu.memref_slice %arg18[%parallel_loop3A_176, %parallel_loop3A_208] : memref<128x128xf32, #tpu.memory_space<vmem>> -> memref<1x128xf32, #tpu.memory_space<vmem>>
          %parallel_loop3A_210 = tpu.memref_squeeze %parallel_loop3A_209 : memref<1x128xf32, #tpu.memory_space<vmem>> -> memref<128xf32, #tpu.memory_space<vmem>>
          %parallel_loop3A_211 = arith.constant 48 : index
          %parallel_loop3A_212 = tpu.vector_load %parallel_loop3A_210[%parallel_loop3A_211] {strides = array<i32>} : memref<128xf32, #tpu.memory_space<vmem>>, vector<16xf32>,
          %parallel_loop3A_213 = vector.shape_cast %parallel_loop3A_212 : vector<16xf32> to vector<16xf32>
          %parallel_loop3A_214 = arith.addf %parallel_loop3A_205, %parallel_loop3A_213 : vector<16xf32>
          %parallel_loop3A_215 = arith.mulf %parallel_loop3A_213, %parallel_loop3A_213 : vector<16xf32>
          %parallel_loop3A_216 = arith.addf %parallel_loop3A_207, %parallel_loop3A_215 : vector<16xf32>
          %parallel_loop3A_217 = arith.constant 0 : i32
          %parallel_loop3A_218 = tpu.memref_slice %arg18[%parallel_loop3A_176, %parallel_loop3A_217] : memref<128x128xf32, #tpu.memory_space<vmem>> -> memref<1x128xf32, #tpu.memory_space<vmem>>
          %parallel_loop3A_219 = tpu.memref_squeeze %parallel_loop3A_218 : memref<1x128xf32, #tpu.memory_space<vmem>> -> memref<128xf32, #tpu.memory_space<vmem>>
          %parallel_loop3A_220 = arith.constant 64 : index
          %parallel_loop3A_221 = tpu.vector_load %parallel_loop3A_219[%parallel_loop3A_220] {strides = array<i32>} : memref<128xf32, #tpu.memory_space<vmem>>, vector<16xf32>,
          %parallel_loop3A_222 = vector.shape_cast %parallel_loop3A_221 : vector<16xf32> to vector<16xf32>
          %parallel_loop3A_223 = arith.addf %parallel_loop3A_214, %parallel_loop3A_222 : vector<16xf32>
          %parallel_loop3A_224 = arith.mulf %parallel_loop3A_222, %parallel_loop3A_222 : vector<16xf32>
          %parallel_loop3A_225 = arith.addf %parallel_loop3A_216, %parallel_loop3A_224 : vector<16xf32>
          %parallel_loop3A_226 = arith.constant 0 : i32
          %parallel_loop3A_227 = tpu.memref_slice %arg18[%parallel_loop3A_176, %parallel_loop3A_226] : memref<128x128xf32, #tpu.memory_space<vmem>> -> memref<1x128xf32, #tpu.memory_space<vmem>>
          %parallel_loop3A_228 = tpu.memref_squeeze %parallel_loop3A_227 : memref<1x128xf32, #tpu.memory_space<vmem>> -> memref<128xf32, #tpu.memory_space<vmem>>
          %parallel_loop3A_229 = arith.constant 80 : index
          %parallel_loop3A_230 = tpu.vector_load %parallel_loop3A_228[%parallel_loop3A_229] {strides = array<i32>} : memref<128xf32, #tpu.memory_space<vmem>>, vector<16xf32>,
          %parallel_loop3A_231 = vector.shape_cast %parallel_loop3A_230 : vector<16xf32> to vector<16xf32>
          %parallel_loop3A_232 = arith.addf %parallel_loop3A_223, %parallel_loop3A_231 : vector<16xf32>
          %parallel_loop3A_233 = arith.mulf %parallel_loop3A_231, %parallel_loop3A_231 : vector<16xf32>
          %parallel_loop3A_234 = arith.addf %parallel_loop3A_225, %parallel_loop3A_233 : vector<16xf32>
          %parallel_loop3A_235 = arith.constant 0 : i32
          %parallel_loop3A_236 = tpu.memref_slice %arg18[%parallel_loop3A_176, %parallel_loop3A_235] : memref<128x128xf32, #tpu.memory_space<vmem>> -> memref<1x128xf32, #tpu.memory_space<vmem>>
          %parallel_loop3A_237 = tpu.memref_squeeze %parallel_loop3A_236 : memref<1x128xf32, #tpu.memory_space<vmem>> -> memref<128xf32, #tpu.memory_space<vmem>>
          %parallel_loop3A_238 = arith.constant 96 : index
          %parallel_loop3A_239 = tpu.vector_load %parallel_loop3A_237[%parallel_loop3A_238] {strides = array<i32>} : memref<128xf32, #tpu.memory_space<vmem>>, vector<16xf32>,
          %parallel_loop3A_240 = vector.shape_cast %parallel_loop3A_239 : vector<16xf32> to vector<16xf32>
          %parallel_loop3A_241 = arith.addf %parallel_loop3A_232, %parallel_loop3A_240 : vector<16xf32>
          %parallel_loop3A_242 = arith.mulf %parallel_loop3A_240, %parallel_loop3A_240 : vector<16xf32>
          %parallel_loop3A_243 = arith.addf %parallel_loop3A_234, %parallel_loop3A_242 : vector<16xf32>
          %parallel_loop3A_244 = arith.constant 0 : i32
          %parallel_loop3A_245 = tpu.memref_slice %arg18[%parallel_loop3A_176, %parallel_loop3A_244] : memref<128x128xf32, #tpu.memory_space<vmem>> -> memref<1x128xf32, #tpu.memory_space<vmem>>
          %parallel_loop3A_246 = tpu.memref_squeeze %parallel_loop3A_245 : memref<1x128xf32, #tpu.memory_space<vmem>> -> memref<128xf32, #tpu.memory_space<vmem>>
          %parallel_loop3A_247 = arith.constant 112 : index
          %parallel_loop3A_248 = tpu.vector_load %parallel_loop3A_246[%parallel_loop3A_247] {strides = array<i32>} : memref<128xf32, #tpu.memory_space<vmem>>, vector<16xf32>,
          %parallel_loop3A_249 = vector.shape_cast %parallel_loop3A_248 : vector<16xf32> to vector<16xf32>
          %parallel_loop3A_250 = arith.addf %parallel_loop3A_241, %parallel_loop3A_249 : vector<16xf32>
          %parallel_loop3A_251 = arith.mulf %parallel_loop3A_249, %parallel_loop3A_249 : vector<16xf32>
          %parallel_loop3A_252 = arith.addf %parallel_loop3A_243, %parallel_loop3A_251 : vector<16xf32>
          %parallel_loop3A_253 = arith.constant 1 : i32
          %parallel_loop3A_254 = vector.broadcast %parallel_loop3A_253 : i32 to vector<16xi32>
          %parallel_loop3A_255 = arith.xori %iota3A, %parallel_loop3A_254 : vector<16xi32>
          %parallel_loop3A_256 = vector.shape_cast %parallel_loop3A_255 : vector<16xi32> to vector<16x1xi32>
          %parallel_loop3A_257 = vector.shape_cast %parallel_loop3A_256 : vector<16x1xi32> to vector<16xi32>
          %parallel_loop3A_258 = tpu.dynamic_gather %parallel_loop3A_250[%parallel_loop3A_257] in [0] : vector<16xf32>, vector<16xi32> -> vector<16xf32>
          %parallel_loop3A_259 = arith.addf %parallel_loop3A_250, %parallel_loop3A_258 : vector<16xf32>
          %parallel_loop3A_260 = arith.constant 2 : i32
          %parallel_loop3A_261 = vector.broadcast %parallel_loop3A_260 : i32 to vector<16xi32>
          %parallel_loop3A_262 = arith.xori %iota3A, %parallel_loop3A_261 : vector<16xi32>
          %parallel_loop3A_263 = vector.shape_cast %parallel_loop3A_262 : vector<16xi32> to vector<16x1xi32>
          %parallel_loop3A_264 = vector.shape_cast %parallel_loop3A_263 : vector<16x1xi32> to vector<16xi32>
          %parallel_loop3A_265 = tpu.dynamic_gather %parallel_loop3A_259[%parallel_loop3A_264] in [0] : vector<16xf32>, vector<16xi32> -> vector<16xf32>
          %parallel_loop3A_266 = arith.addf %parallel_loop3A_259, %parallel_loop3A_265 : vector<16xf32>
          %parallel_loop3A_267 = arith.constant 4 : i32
          %parallel_loop3A_268 = vector.broadcast %parallel_loop3A_267 : i32 to vector<16xi32>
          %parallel_loop3A_269 = arith.xori %iota3A, %parallel_loop3A_268 : vector<16xi32>
          %parallel_loop3A_270 = vector.shape_cast %parallel_loop3A_269 : vector<16xi32> to vector<16x1xi32>
          %parallel_loop3A_271 = vector.shape_cast %parallel_loop3A_270 : vector<16x1xi32> to vector<16xi32>
          %parallel_loop3A_272 = tpu.dynamic_gather %parallel_loop3A_266[%parallel_loop3A_271] in [0] : vector<16xf32>, vector<16xi32> -> vector<16xf32>
          %parallel_loop3A_273 = arith.addf %parallel_loop3A_266, %parallel_loop3A_272 : vector<16xf32>
          %parallel_loop3A_274 = arith.constant 8 : i32
          %parallel_loop3A_275 = vector.broadcast %parallel_loop3A_274 : i32 to vector<16xi32>
          %parallel_loop3A_276 = arith.xori %iota3A, %parallel_loop3A_275 : vector<16xi32>
          %parallel_loop3A_277 = vector.shape_cast %parallel_loop3A_276 : vector<16xi32> to vector<16x1xi32>
          %parallel_loop3A_278 = vector.shape_cast %parallel_loop3A_277 : vector<16x1xi32> to vector<16xi32>
          %parallel_loop3A_279 = tpu.dynamic_gather %parallel_loop3A_273[%parallel_loop3A_278] in [0] : vector<16xf32>, vector<16xi32> -> vector<16xf32>
          %parallel_loop3A_280 = arith.addf %parallel_loop3A_273, %parallel_loop3A_279 : vector<16xf32>
          %parallel_loop3A_281 = arith.constant 7.812500e-03 : f32
          %parallel_loop3A_282 = vector.broadcast %parallel_loop3A_281 : f32 to vector<16xf32>
          %parallel_loop3A_283 = arith.mulf %parallel_loop3A_280, %parallel_loop3A_282 : vector<16xf32>
          %parallel_loop3A_284 = arith.constant 1 : i32
          %parallel_loop3A_285 = vector.broadcast %parallel_loop3A_284 : i32 to vector<16xi32>
          %parallel_loop3A_286 = arith.xori %iota3A, %parallel_loop3A_285 : vector<16xi32>
          %parallel_loop3A_287 = vector.shape_cast %parallel_loop3A_286 : vector<16xi32> to vector<16x1xi32>
          %parallel_loop3A_288 = vector.shape_cast %parallel_loop3A_287 : vector<16x1xi32> to vector<16xi32>
          %parallel_loop3A_289 = tpu.dynamic_gather %parallel_loop3A_252[%parallel_loop3A_288] in [0] : vector<16xf32>, vector<16xi32> -> vector<16xf32>
          %parallel_loop3A_290 = arith.addf %parallel_loop3A_252, %parallel_loop3A_289 : vector<16xf32>
          %parallel_loop3A_291 = arith.constant 2 : i32
          %parallel_loop3A_292 = vector.broadcast %parallel_loop3A_291 : i32 to vector<16xi32>
          %parallel_loop3A_293 = arith.xori %iota3A, %parallel_loop3A_292 : vector<16xi32>
          %parallel_loop3A_294 = vector.shape_cast %parallel_loop3A_293 : vector<16xi32> to vector<16x1xi32>
          %parallel_loop3A_295 = vector.shape_cast %parallel_loop3A_294 : vector<16x1xi32> to vector<16xi32>
          %parallel_loop3A_296 = tpu.dynamic_gather %parallel_loop3A_290[%parallel_loop3A_295] in [0] : vector<16xf32>, vector<16xi32> -> vector<16xf32>
          %parallel_loop3A_297 = arith.addf %parallel_loop3A_290, %parallel_loop3A_296 : vector<16xf32>
          %parallel_loop3A_298 = arith.constant 4 : i32
          %parallel_loop3A_299 = vector.broadcast %parallel_loop3A_298 : i32 to vector<16xi32>
          %parallel_loop3A_300 = arith.xori %iota3A, %parallel_loop3A_299 : vector<16xi32>
          %parallel_loop3A_301 = vector.shape_cast %parallel_loop3A_300 : vector<16xi32> to vector<16x1xi32>
          %parallel_loop3A_302 = vector.shape_cast %parallel_loop3A_301 : vector<16x1xi32> to vector<16xi32>
          %parallel_loop3A_303 = tpu.dynamic_gather %parallel_loop3A_297[%parallel_loop3A_302] in [0] : vector<16xf32>, vector<16xi32> -> vector<16xf32>
          %parallel_loop3A_304 = arith.addf %parallel_loop3A_297, %parallel_loop3A_303 : vector<16xf32>
          %parallel_loop3A_305 = arith.constant 8 : i32
          %parallel_loop3A_306 = vector.broadcast %parallel_loop3A_305 : i32 to vector<16xi32>
          %parallel_loop3A_307 = arith.xori %iota3A, %parallel_loop3A_306 : vector<16xi32>
          %parallel_loop3A_308 = vector.shape_cast %parallel_loop3A_307 : vector<16xi32> to vector<16x1xi32>
          %parallel_loop3A_309 = vector.shape_cast %parallel_loop3A_308 : vector<16x1xi32> to vector<16xi32>
          %parallel_loop3A_310 = tpu.dynamic_gather %parallel_loop3A_304[%parallel_loop3A_309] in [0] : vector<16xf32>, vector<16xi32> -> vector<16xf32>
          %parallel_loop3A_311 = arith.addf %parallel_loop3A_304, %parallel_loop3A_310 : vector<16xf32>
          %parallel_loop3A_312 = arith.constant 7.812500e-03 : f32
          %parallel_loop3A_313 = vector.broadcast %parallel_loop3A_312 : f32 to vector<16xf32>
          %parallel_loop3A_314 = arith.mulf %parallel_loop3A_311, %parallel_loop3A_313 : vector<16xf32>
          %parallel_loop3A_315 = arith.mulf %parallel_loop3A_283, %parallel_loop3A_283 : vector<16xf32>
          %parallel_loop3A_316 = arith.subf %parallel_loop3A_314, %parallel_loop3A_315 : vector<16xf32>
          %parallel_loop3A_317 = arith.constant 9.99999997E-7 : f32
          %parallel_loop3A_318 = vector.broadcast %parallel_loop3A_317 : f32 to vector<16xf32>
          %parallel_loop3A_319 = arith.addf %parallel_loop3A_316, %parallel_loop3A_318 : vector<16xf32>
          %parallel_loop3A_320 = tpu.bitcast %parallel_loop3A_319 : vector<16xf32> -> vector<16xi32>
          %parallel_loop3A_321 = arith.constant 1 : i32
          %parallel_loop3A_322 = vector.broadcast %parallel_loop3A_321 : i32 to vector<16xi32>
          %parallel_loop3A_323 = arith.shrsi %parallel_loop3A_320, %parallel_loop3A_322 : vector<16xi32>
          %parallel_loop3A_324 = arith.constant 1597463007 : i32
          %parallel_loop3A_325 = vector.broadcast %parallel_loop3A_324 : i32 to vector<16xi32>
          %parallel_loop3A_326 = arith.subi %parallel_loop3A_325, %parallel_loop3A_323 : vector<16xi32>
          %parallel_loop3A_327 = tpu.bitcast %parallel_loop3A_326 : vector<16xi32> -> vector<16xf32>
          %parallel_loop3A_328 = arith.constant 5.000000e-01 : f32
          %parallel_loop3A_329 = vector.broadcast %parallel_loop3A_328 : f32 to vector<16xf32>
          %parallel_loop3A_330 = arith.mulf %parallel_loop3A_319, %parallel_loop3A_329 : vector<16xf32>
          %parallel_loop3A_331 = arith.mulf %parallel_loop3A_330, %parallel_loop3A_327 : vector<16xf32>
          %parallel_loop3A_332 = arith.mulf %parallel_loop3A_331, %parallel_loop3A_327 : vector<16xf32>
          %parallel_loop3A_333 = arith.constant 1.500000e+00 : f32
          %parallel_loop3A_334 = vector.broadcast %parallel_loop3A_333 : f32 to vector<16xf32>
          %parallel_loop3A_335 = arith.subf %parallel_loop3A_334, %parallel_loop3A_332 : vector<16xf32>
          %parallel_loop3A_336 = arith.mulf %parallel_loop3A_327, %parallel_loop3A_335 : vector<16xf32>
          %parallel_loop3A_337 = arith.mulf %parallel_loop3A_330, %parallel_loop3A_336 : vector<16xf32>
          %parallel_loop3A_338 = arith.mulf %parallel_loop3A_337, %parallel_loop3A_336 : vector<16xf32>
          %parallel_loop3A_339 = arith.constant 1.500000e+00 : f32
          %parallel_loop3A_340 = vector.broadcast %parallel_loop3A_339 : f32 to vector<16xf32>
          %parallel_loop3A_341 = arith.subf %parallel_loop3A_340, %parallel_loop3A_338 : vector<16xf32>
          %parallel_loop3A_342 = arith.mulf %parallel_loop3A_336, %parallel_loop3A_341 : vector<16xf32>
          %parallel_loop3A_343 = arith.subf %parallel_loop3A_186, %parallel_loop3A_283 : vector<16xf32>
          %parallel_loop3A_344 = arith.mulf %parallel_loop3A_343, %parallel_loop3A_342 : vector<16xf32>
          %parallel_loop3A_345 = arith.constant 0 : index
          %parallel_loop3A_346 = tpu.vector_load %arg14[%parallel_loop3A_345] {strides = array<i32>} : memref<128xf32, #tpu.memory_space<vmem>>, vector<16xf32>,
          %parallel_loop3A_347 = vector.shape_cast %parallel_loop3A_346 : vector<16xf32> to vector<16xf32>
          %parallel_loop3A_348 = arith.mulf %parallel_loop3A_344, %parallel_loop3A_347 : vector<16xf32>
          %parallel_loop3A_349 = arith.constant 0 : index
          %parallel_loop3A_350 = tpu.vector_load %arg15[%parallel_loop3A_349] {strides = array<i32>} : memref<128xf32, #tpu.memory_space<vmem>>, vector<16xf32>,
          %parallel_loop3A_351 = vector.shape_cast %parallel_loop3A_350 : vector<16xf32> to vector<16xf32>
          %parallel_loop3A_352 = arith.addf %parallel_loop3A_348, %parallel_loop3A_351 : vector<16xf32>
          %parallel_loop3A_353 = arith.constant 0 : i32
          %parallel_loop3A_354 = tpu.memref_slice %arg18[%parallel_loop3A_176, %parallel_loop3A_353] : memref<128x128xf32, #tpu.memory_space<vmem>> -> memref<1x128xf32, #tpu.memory_space<vmem>>
          %parallel_loop3A_355 = tpu.memref_squeeze %parallel_loop3A_354 : memref<1x128xf32, #tpu.memory_space<vmem>> -> memref<128xf32, #tpu.memory_space<vmem>>
          %parallel_loop3A_356 = arith.constant 0 : index
          %parallel_loop3A_357 = tpu.vector_load %parallel_loop3A_355[%parallel_loop3A_356] {strides = array<i32>} : memref<128xf32, #tpu.memory_space<vmem>>, vector<16xf32>,
          %parallel_loop3A_358 = vector.shape_cast %parallel_loop3A_357 : vector<16xf32> to vector<16xf32>
          %parallel_loop3A_359 = vector.shape_cast %parallel_loop3A_352 : vector<16xf32> to vector<16xf32>
          tpu.vector_store %parallel_loop3A_355[%parallel_loop3A_356], %parallel_loop3A_359 {strides = array<i32>} : memref<128xf32, #tpu.memory_space<vmem>>, vector<16xf32>,
          %parallel_loop3A_360 = arith.subf %parallel_loop3A_195, %parallel_loop3A_283 : vector<16xf32>
          %parallel_loop3A_361 = arith.mulf %parallel_loop3A_360, %parallel_loop3A_342 : vector<16xf32>
          %parallel_loop3A_362 = arith.constant 16 : index
          %parallel_loop3A_363 = tpu.vector_load %arg14[%parallel_loop3A_362] {strides = array<i32>} : memref<128xf32, #tpu.memory_space<vmem>>, vector<16xf32>,
          %parallel_loop3A_364 = vector.shape_cast %parallel_loop3A_363 : vector<16xf32> to vector<16xf32>
          %parallel_loop3A_365 = arith.mulf %parallel_loop3A_361, %parallel_loop3A_364 : vector<16xf32>
          %parallel_loop3A_366 = arith.constant 16 : index
          %parallel_loop3A_367 = tpu.vector_load %arg15[%parallel_loop3A_366] {strides = array<i32>} : memref<128xf32, #tpu.memory_space<vmem>>, vector<16xf32>,
          %parallel_loop3A_368 = vector.shape_cast %parallel_loop3A_367 : vector<16xf32> to vector<16xf32>
          %parallel_loop3A_369 = arith.addf %parallel_loop3A_365, %parallel_loop3A_368 : vector<16xf32>
          %parallel_loop3A_370 = arith.constant 0 : i32
          %parallel_loop3A_371 = tpu.memref_slice %arg18[%parallel_loop3A_176, %parallel_loop3A_370] : memref<128x128xf32, #tpu.memory_space<vmem>> -> memref<1x128xf32, #tpu.memory_space<vmem>>
          %parallel_loop3A_372 = tpu.memref_squeeze %parallel_loop3A_371 : memref<1x128xf32, #tpu.memory_space<vmem>> -> memref<128xf32, #tpu.memory_space<vmem>>
          %parallel_loop3A_373 = arith.constant 16 : index
          %parallel_loop3A_374 = tpu.vector_load %parallel_loop3A_372[%parallel_loop3A_373] {strides = array<i32>} : memref<128xf32, #tpu.memory_space<vmem>>, vector<16xf32>,
          %parallel_loop3A_375 = vector.shape_cast %parallel_loop3A_374 : vector<16xf32> to vector<16xf32>
          %parallel_loop3A_376 = vector.shape_cast %parallel_loop3A_369 : vector<16xf32> to vector<16xf32>
          tpu.vector_store %parallel_loop3A_372[%parallel_loop3A_373], %parallel_loop3A_376 {strides = array<i32>} : memref<128xf32, #tpu.memory_space<vmem>>, vector<16xf32>,
          %parallel_loop3A_377 = arith.subf %parallel_loop3A_204, %parallel_loop3A_283 : vector<16xf32>
          %parallel_loop3A_378 = arith.mulf %parallel_loop3A_377, %parallel_loop3A_342 : vector<16xf32>
          %parallel_loop3A_379 = arith.constant 32 : index
          %parallel_loop3A_380 = tpu.vector_load %arg14[%parallel_loop3A_379] {strides = array<i32>} : memref<128xf32, #tpu.memory_space<vmem>>, vector<16xf32>,
          %parallel_loop3A_381 = vector.shape_cast %parallel_loop3A_380 : vector<16xf32> to vector<16xf32>
          %parallel_loop3A_382 = arith.mulf %parallel_loop3A_378, %parallel_loop3A_381 : vector<16xf32>
          %parallel_loop3A_383 = arith.constant 32 : index
          %parallel_loop3A_384 = tpu.vector_load %arg15[%parallel_loop3A_383] {strides = array<i32>} : memref<128xf32, #tpu.memory_space<vmem>>, vector<16xf32>,
          %parallel_loop3A_385 = vector.shape_cast %parallel_loop3A_384 : vector<16xf32> to vector<16xf32>
          %parallel_loop3A_386 = arith.addf %parallel_loop3A_382, %parallel_loop3A_385 : vector<16xf32>
          %parallel_loop3A_387 = arith.constant 0 : i32
          %parallel_loop3A_388 = tpu.memref_slice %arg18[%parallel_loop3A_176, %parallel_loop3A_387] : memref<128x128xf32, #tpu.memory_space<vmem>> -> memref<1x128xf32, #tpu.memory_space<vmem>>
          %parallel_loop3A_389 = tpu.memref_squeeze %parallel_loop3A_388 : memref<1x128xf32, #tpu.memory_space<vmem>> -> memref<128xf32, #tpu.memory_space<vmem>>
          %parallel_loop3A_390 = arith.constant 32 : index
          %parallel_loop3A_391 = tpu.vector_load %parallel_loop3A_389[%parallel_loop3A_390] {strides = array<i32>} : memref<128xf32, #tpu.memory_space<vmem>>, vector<16xf32>,
          %parallel_loop3A_392 = vector.shape_cast %parallel_loop3A_391 : vector<16xf32> to vector<16xf32>
          %parallel_loop3A_393 = vector.shape_cast %parallel_loop3A_386 : vector<16xf32> to vector<16xf32>
          tpu.vector_store %parallel_loop3A_389[%parallel_loop3A_390], %parallel_loop3A_393 {strides = array<i32>} : memref<128xf32, #tpu.memory_space<vmem>>, vector<16xf32>,
          %parallel_loop3A_394 = arith.subf %parallel_loop3A_213, %parallel_loop3A_283 : vector<16xf32>
          %parallel_loop3A_395 = arith.mulf %parallel_loop3A_394, %parallel_loop3A_342 : vector<16xf32>
          %parallel_loop3A_396 = arith.constant 48 : index
          %parallel_loop3A_397 = tpu.vector_load %arg14[%parallel_loop3A_396] {strides = array<i32>} : memref<128xf32, #tpu.memory_space<vmem>>, vector<16xf32>,
          %parallel_loop3A_398 = vector.shape_cast %parallel_loop3A_397 : vector<16xf32> to vector<16xf32>
          %parallel_loop3A_399 = arith.mulf %parallel_loop3A_395, %parallel_loop3A_398 : vector<16xf32>
          %parallel_loop3A_400 = arith.constant 48 : index
          %parallel_loop3A_401 = tpu.vector_load %arg15[%parallel_loop3A_400] {strides = array<i32>} : memref<128xf32, #tpu.memory_space<vmem>>, vector<16xf32>,
          %parallel_loop3A_402 = vector.shape_cast %parallel_loop3A_401 : vector<16xf32> to vector<16xf32>
          %parallel_loop3A_403 = arith.addf %parallel_loop3A_399, %parallel_loop3A_402 : vector<16xf32>
          %parallel_loop3A_404 = arith.constant 0 : i32
          %parallel_loop3A_405 = tpu.memref_slice %arg18[%parallel_loop3A_176, %parallel_loop3A_404] : memref<128x128xf32, #tpu.memory_space<vmem>> -> memref<1x128xf32, #tpu.memory_space<vmem>>
          %parallel_loop3A_406 = tpu.memref_squeeze %parallel_loop3A_405 : memref<1x128xf32, #tpu.memory_space<vmem>> -> memref<128xf32, #tpu.memory_space<vmem>>
          %parallel_loop3A_407 = arith.constant 48 : index
          %parallel_loop3A_408 = tpu.vector_load %parallel_loop3A_406[%parallel_loop3A_407] {strides = array<i32>} : memref<128xf32, #tpu.memory_space<vmem>>, vector<16xf32>,
          %parallel_loop3A_409 = vector.shape_cast %parallel_loop3A_408 : vector<16xf32> to vector<16xf32>
          %parallel_loop3A_410 = vector.shape_cast %parallel_loop3A_403 : vector<16xf32> to vector<16xf32>
          tpu.vector_store %parallel_loop3A_406[%parallel_loop3A_407], %parallel_loop3A_410 {strides = array<i32>} : memref<128xf32, #tpu.memory_space<vmem>>, vector<16xf32>,
          %parallel_loop3A_411 = arith.subf %parallel_loop3A_222, %parallel_loop3A_283 : vector<16xf32>
          %parallel_loop3A_412 = arith.mulf %parallel_loop3A_411, %parallel_loop3A_342 : vector<16xf32>
          %parallel_loop3A_413 = arith.constant 64 : index
          %parallel_loop3A_414 = tpu.vector_load %arg14[%parallel_loop3A_413] {strides = array<i32>} : memref<128xf32, #tpu.memory_space<vmem>>, vector<16xf32>,
          %parallel_loop3A_415 = vector.shape_cast %parallel_loop3A_414 : vector<16xf32> to vector<16xf32>
          %parallel_loop3A_416 = arith.mulf %parallel_loop3A_412, %parallel_loop3A_415 : vector<16xf32>
          %parallel_loop3A_417 = arith.constant 64 : index
          %parallel_loop3A_418 = tpu.vector_load %arg15[%parallel_loop3A_417] {strides = array<i32>} : memref<128xf32, #tpu.memory_space<vmem>>, vector<16xf32>,
          %parallel_loop3A_419 = vector.shape_cast %parallel_loop3A_418 : vector<16xf32> to vector<16xf32>
          %parallel_loop3A_420 = arith.addf %parallel_loop3A_416, %parallel_loop3A_419 : vector<16xf32>
          %parallel_loop3A_421 = arith.constant 0 : i32
          %parallel_loop3A_422 = tpu.memref_slice %arg18[%parallel_loop3A_176, %parallel_loop3A_421] : memref<128x128xf32, #tpu.memory_space<vmem>> -> memref<1x128xf32, #tpu.memory_space<vmem>>
          %parallel_loop3A_423 = tpu.memref_squeeze %parallel_loop3A_422 : memref<1x128xf32, #tpu.memory_space<vmem>> -> memref<128xf32, #tpu.memory_space<vmem>>
          %parallel_loop3A_424 = arith.constant 64 : index
          %parallel_loop3A_425 = tpu.vector_load %parallel_loop3A_423[%parallel_loop3A_424] {strides = array<i32>} : memref<128xf32, #tpu.memory_space<vmem>>, vector<16xf32>,
          %parallel_loop3A_426 = vector.shape_cast %parallel_loop3A_425 : vector<16xf32> to vector<16xf32>
          %parallel_loop3A_427 = vector.shape_cast %parallel_loop3A_420 : vector<16xf32> to vector<16xf32>
          tpu.vector_store %parallel_loop3A_423[%parallel_loop3A_424], %parallel_loop3A_427 {strides = array<i32>} : memref<128xf32, #tpu.memory_space<vmem>>, vector<16xf32>,
          %parallel_loop3A_428 = arith.subf %parallel_loop3A_231, %parallel_loop3A_283 : vector<16xf32>
          %parallel_loop3A_429 = arith.mulf %parallel_loop3A_428, %parallel_loop3A_342 : vector<16xf32>
          %parallel_loop3A_430 = arith.constant 80 : index
          %parallel_loop3A_431 = tpu.vector_load %arg14[%parallel_loop3A_430] {strides = array<i32>} : memref<128xf32, #tpu.memory_space<vmem>>, vector<16xf32>,
          %parallel_loop3A_432 = vector.shape_cast %parallel_loop3A_431 : vector<16xf32> to vector<16xf32>
          %parallel_loop3A_433 = arith.mulf %parallel_loop3A_429, %parallel_loop3A_432 : vector<16xf32>
          %parallel_loop3A_434 = arith.constant 80 : index
          %parallel_loop3A_435 = tpu.vector_load %arg15[%parallel_loop3A_434] {strides = array<i32>} : memref<128xf32, #tpu.memory_space<vmem>>, vector<16xf32>,
          %parallel_loop3A_436 = vector.shape_cast %parallel_loop3A_435 : vector<16xf32> to vector<16xf32>
          %parallel_loop3A_437 = arith.addf %parallel_loop3A_433, %parallel_loop3A_436 : vector<16xf32>
          %parallel_loop3A_438 = arith.constant 0 : i32
          %parallel_loop3A_439 = tpu.memref_slice %arg18[%parallel_loop3A_176, %parallel_loop3A_438] : memref<128x128xf32, #tpu.memory_space<vmem>> -> memref<1x128xf32, #tpu.memory_space<vmem>>
          %parallel_loop3A_440 = tpu.memref_squeeze %parallel_loop3A_439 : memref<1x128xf32, #tpu.memory_space<vmem>> -> memref<128xf32, #tpu.memory_space<vmem>>
          %parallel_loop3A_441 = arith.constant 80 : index
          %parallel_loop3A_442 = tpu.vector_load %parallel_loop3A_440[%parallel_loop3A_441] {strides = array<i32>} : memref<128xf32, #tpu.memory_space<vmem>>, vector<16xf32>,
          %parallel_loop3A_443 = vector.shape_cast %parallel_loop3A_442 : vector<16xf32> to vector<16xf32>
          %parallel_loop3A_444 = vector.shape_cast %parallel_loop3A_437 : vector<16xf32> to vector<16xf32>
          tpu.vector_store %parallel_loop3A_440[%parallel_loop3A_441], %parallel_loop3A_444 {strides = array<i32>} : memref<128xf32, #tpu.memory_space<vmem>>, vector<16xf32>,
          %parallel_loop3A_445 = arith.subf %parallel_loop3A_240, %parallel_loop3A_283 : vector<16xf32>
          %parallel_loop3A_446 = arith.mulf %parallel_loop3A_445, %parallel_loop3A_342 : vector<16xf32>
          %parallel_loop3A_447 = arith.constant 96 : index
          %parallel_loop3A_448 = tpu.vector_load %arg14[%parallel_loop3A_447] {strides = array<i32>} : memref<128xf32, #tpu.memory_space<vmem>>, vector<16xf32>,
          %parallel_loop3A_449 = vector.shape_cast %parallel_loop3A_448 : vector<16xf32> to vector<16xf32>
          %parallel_loop3A_450 = arith.mulf %parallel_loop3A_446, %parallel_loop3A_449 : vector<16xf32>
          %parallel_loop3A_451 = arith.constant 96 : index
          %parallel_loop3A_452 = tpu.vector_load %arg15[%parallel_loop3A_451] {strides = array<i32>} : memref<128xf32, #tpu.memory_space<vmem>>, vector<16xf32>,
          %parallel_loop3A_453 = vector.shape_cast %parallel_loop3A_452 : vector<16xf32> to vector<16xf32>
          %parallel_loop3A_454 = arith.addf %parallel_loop3A_450, %parallel_loop3A_453 : vector<16xf32>
          %parallel_loop3A_455 = arith.constant 0 : i32
          %parallel_loop3A_456 = tpu.memref_slice %arg18[%parallel_loop3A_176, %parallel_loop3A_455] : memref<128x128xf32, #tpu.memory_space<vmem>> -> memref<1x128xf32, #tpu.memory_space<vmem>>
          %parallel_loop3A_457 = tpu.memref_squeeze %parallel_loop3A_456 : memref<1x128xf32, #tpu.memory_space<vmem>> -> memref<128xf32, #tpu.memory_space<vmem>>
          %parallel_loop3A_458 = arith.constant 96 : index
          %parallel_loop3A_459 = tpu.vector_load %parallel_loop3A_457[%parallel_loop3A_458] {strides = array<i32>} : memref<128xf32, #tpu.memory_space<vmem>>, vector<16xf32>,
          %parallel_loop3A_460 = vector.shape_cast %parallel_loop3A_459 : vector<16xf32> to vector<16xf32>
          %parallel_loop3A_461 = vector.shape_cast %parallel_loop3A_454 : vector<16xf32> to vector<16xf32>
          tpu.vector_store %parallel_loop3A_457[%parallel_loop3A_458], %parallel_loop3A_461 {strides = array<i32>} : memref<128xf32, #tpu.memory_space<vmem>>, vector<16xf32>,
          %parallel_loop3A_462 = arith.subf %parallel_loop3A_249, %parallel_loop3A_283 : vector<16xf32>
          %parallel_loop3A_463 = arith.mulf %parallel_loop3A_462, %parallel_loop3A_342 : vector<16xf32>
          %parallel_loop3A_464 = arith.constant 112 : index
          %parallel_loop3A_465 = tpu.vector_load %arg14[%parallel_loop3A_464] {strides = array<i32>} : memref<128xf32, #tpu.memory_space<vmem>>, vector<16xf32>,
          %parallel_loop3A_466 = vector.shape_cast %parallel_loop3A_465 : vector<16xf32> to vector<16xf32>
          %parallel_loop3A_467 = arith.mulf %parallel_loop3A_463, %parallel_loop3A_466 : vector<16xf32>
          %parallel_loop3A_468 = arith.constant 112 : index
          %parallel_loop3A_469 = tpu.vector_load %arg15[%parallel_loop3A_468] {strides = array<i32>} : memref<128xf32, #tpu.memory_space<vmem>>, vector<16xf32>,
          %parallel_loop3A_470 = vector.shape_cast %parallel_loop3A_469 : vector<16xf32> to vector<16xf32>
          %parallel_loop3A_471 = arith.addf %parallel_loop3A_467, %parallel_loop3A_470 : vector<16xf32>
          %parallel_loop3A_472 = arith.constant 0 : i32
          %parallel_loop3A_473 = tpu.memref_slice %arg18[%parallel_loop3A_176, %parallel_loop3A_472] : memref<128x128xf32, #tpu.memory_space<vmem>> -> memref<1x128xf32, #tpu.memory_space<vmem>>
          %parallel_loop3A_474 = tpu.memref_squeeze %parallel_loop3A_473 : memref<1x128xf32, #tpu.memory_space<vmem>> -> memref<128xf32, #tpu.memory_space<vmem>>
          %parallel_loop3A_475 = arith.constant 112 : index
          %parallel_loop3A_476 = tpu.vector_load %parallel_loop3A_474[%parallel_loop3A_475] {strides = array<i32>} : memref<128xf32, #tpu.memory_space<vmem>>, vector<16xf32>,
          %parallel_loop3A_477 = vector.shape_cast %parallel_loop3A_476 : vector<16xf32> to vector<16xf32>
          %parallel_loop3A_478 = vector.shape_cast %parallel_loop3A_471 : vector<16xf32> to vector<16xf32>
          tpu.vector_store %parallel_loop3A_474[%parallel_loop3A_475], %parallel_loop3A_478 {strides = array<i32>} : memref<128xf32, #tpu.memory_space<vmem>>, vector<16xf32>,
        } {sc.loop_unroll_factor = 2 : i64, sc.parallel_access}
        %mul3A_169 = arith.constant 128 : i32
        %mul3A_170 = arith.muli %add3A_125, %mul3A_169 : i32
        %add3A_171 = arith.addi %mul3A_4, %mul3A_170 : i32
        %dma_start3A_172 = arith.constant 0 : i32
        %dma_start3A_173 = tpu.memref_slice %arg10[%add3A_171, %dma_start3A_172] : memref<131072x128xf32, #tpu.memory_space<hbm>> -> memref<128x128xf32, #tpu.memory_space<hbm>>
        %dma_start3A_174 = arith.constant 0 : i32
        %dma_start3A_175 = tpu.memref_slice %arg10[%add3A_171, %dma_start3A_174] : memref<131072x128xf32, #tpu.memory_space<hbm>> -> memref<128x128xf32, #tpu.memory_space<hbm>>
        tpu.enqueue_dma source(%arg18 : memref<128x128xf32, #tpu.memory_space<vmem>>) target(%dma_start3A_175 : memref<128x128xf32, #tpu.memory_space<hbm>>) target_semaphore(%arg23 : memref<!tpu.dma_semaphore, #tpu.memory_space<semaphore_mem>>)
      } else {
      }
    }
    %scan3A_41 = arith.constant 11 : i32
    %add3A_42 = arith.constant 3712 : i32
    %add3A_43 = arith.addi %mul3A_4, %add3A_42 : i32
    %dma_wait3A_44 = arith.constant 0 : i32
    %dma_wait3A_45 = tpu.memref_slice %arg10[%add3A_43, %dma_wait3A_44] : memref<131072x128xf32, #tpu.memory_space<hbm>> -> memref<128x128xf32, #tpu.memory_space<hbm>>
    %dma_wait3A_46 = arith.constant 0 : i32
    %dma_wait3A_47 = tpu.memref_slice %arg10[%add3A_43, %dma_wait3A_46] : memref<131072x128xf32, #tpu.memory_space<hbm>> -> memref<128x128xf32, #tpu.memory_space<hbm>>
    tpu.wait_dma2 semaphore(%arg23 : memref<!tpu.dma_semaphore, #tpu.memory_space<semaphore_mem>>) src(%arg18 : memref<128x128xf32, #tpu.memory_space<vmem>>) dst(%dma_wait3A_47 : memref<128x128xf32, #tpu.memory_space<hbm>>)
    %add3A_48 = arith.constant 3840 : i32
    %add3A_49 = arith.addi %mul3A_4, %add3A_48 : i32
    %dma_wait3A_50 = arith.constant 0 : i32
    %dma_wait3A_51 = tpu.memref_slice %arg10[%add3A_49, %dma_wait3A_50] : memref<131072x128xf32, #tpu.memory_space<hbm>> -> memref<128x128xf32, #tpu.memory_space<hbm>>
    %dma_wait3A_52 = arith.constant 0 : i32
    %dma_wait3A_53 = tpu.memref_slice %arg10[%add3A_49, %dma_wait3A_52] : memref<131072x128xf32, #tpu.memory_space<hbm>> -> memref<128x128xf32, #tpu.memory_space<hbm>>
    tpu.wait_dma2 semaphore(%arg21 : memref<!tpu.dma_semaphore, #tpu.memory_space<semaphore_mem>>) src(%arg16 : memref<128x128xf32, #tpu.memory_space<vmem>>) dst(%dma_wait3A_53 : memref<128x128xf32, #tpu.memory_space<hbm>>)
    %add3A_54 = arith.constant 3968 : i32
    %add3A_55 = arith.addi %mul3A_4, %add3A_54 : i32
    %dma_wait3A_56 = arith.constant 0 : i32
    %dma_wait3A_57 = tpu.memref_slice %arg10[%add3A_55, %dma_wait3A_56] : memref<131072x128xf32, #tpu.memory_space<hbm>> -> memref<128x128xf32, #tpu.memory_space<hbm>>
    %dma_wait3A_58 = arith.constant 0 : i32
    %dma_wait3A_59 = tpu.memref_slice %arg10[%add3A_55, %dma_wait3A_58] : memref<131072x128xf32, #tpu.memory_space<hbm>> -> memref<128x128xf32, #tpu.memory_space<hbm>>
    tpu.wait_dma2 semaphore(%arg22 : memref<!tpu.dma_semaphore, #tpu.memory_space<semaphore_mem>>) src(%arg17 : memref<128x128xf32, #tpu.memory_space<vmem>>) dst(%dma_wait3A_59 : memref<128x128xf32, #tpu.memory_space<hbm>>)
    return
  }
}

</mosaic_0001>

<sc_bundles>
// kernel: kernel.3.cloned.1.call-start
scs
__scs_entry_jumppad:
0x0: {  	(pc) =	sbr.rel $0x88, $3  }
0x1: {  	(tag) =	ssettag $0x0;
	lr =	simm.s32 $0x1  }
0x2: {  	[smem:$0x3F98] =	sst lr;
	_ =	strace $0xD0000000  }
0x3: {  	_ = 	snop  }
0x4: {  	_ = 	snop  }
0x5: {  	_ = 	snop  }
0x6: {  	_ = 	snop  }
0x7: {  	_ = 	snop  }
__scs_overlays_trampoline_lowered:
0x8: {  	[smem:$0x3FA7] =	sst s0  }
0x9: {  	[smem:$0x3FA8] =	sst s1  }
0xa: {  	[smem:$0x3FA9] =	sst s2  }
0xb: {  	[smem:$0x3FAA] =	sst s3  }
0xc: {  	[smem:$0x3FAB] =	sst s4  }
0xd: {  	[smem:$0x3FAC] =	sst s5  }
0xe: {  	[smem:$0x3FAD] =	sst s6  }
0xf: {  	[smem:$0x3FAE] =	sst s7  }
0x10: {  	[smem:$0x3FAF] =	sst s8  }
0x11: {  	[smem:$0x3FB0] =	sst s9;
	s0 =	simm.s32 @!p0 $0x0  }
0x12: {  	s1 =	sld [smem:$0x3F96];
	s0 =	simm.s32 @p0 $0x1  }
0x13: {  	[smem:$0x3FB1] =	sst s0;
	s0 =	simm.s32 @!p1 $0x0  }
0x14: {  	s2 =	sld [smem:$0x3F95];
	s0 =	simm.s32 @p1 $0x1  }
0x15: {  	[smem:$0x3FB2] =	sst s0;
	s0 =	simm.s32 @!p2 $0x0  }
0x16: {  	s3 =	sld [smem:$0x3FDB];
	s0 =	simm.s32 @p2 $0x1  }
0x17: {  	s4 =	simm.s32 $0x1BF5;
	[smem:$0x3FB4] =	sst s0  }
0x18: {  	s0 =	sld [smem:$0x3F97];
	_ =	swait.ge [sflag:s4], $0x0  }
0x19: {  	s7 =	sld [smem:$0x3F98]  }
0x1a: {  	s8 =	sadd.s32 $0xFFFFE003, lr  }
0x1b: {  	s9 =	sadd.s32 $0xFFFFFEF7, lr;
	s5 =	simm.s32 $0xFFFFFFFF;
	p2 =	slt.u32 s8, $0xFFFFF086  }
0x1c: {  	p1 =	slt.u32 s9, $0xF7A;
	s5 =	simm.s32 @!p2 $0x0  }
0x1d: {  	s5 =	simm.s32 @p1 $0x1;
	p0 =	seq.s32 s7, s2  }
0x1e: {  	s7 =	smul.u32 @!p0 $0xF7A, s2;
	p2 =	seq.s32 @!p0 s5, $0x0  }
0x1f: {  	s9 =	smul.u32 $0xF7A, s1;
	s8 =	simm.s32 @!p0 $0x1BF5;
	p2 =	por !p2, p0  }
0x20: {  	[sflag:s8] =	ssyncset.s32 @!p0 $0xFFFFF086;
	s6 =	sadd.s32 @!p0 s3, s7;
	s7 =	simm.s32 @!p0 $0x108  }
0x21: {  	s3 =	sadd.s32 s3, s9;
	s6 =	sadd.s32 @!p0 $0x88, s6;
	s7 =	simm.s32 @p2 $0x1082  }
0x22: {  	[simem:s7], [sflag:s8] =	dma.local @!p0 [hbm:s6], $0xF7A  }
0x23: {  	s9 =	sor.u32 $0xD0000000, s2;
	s6 =	simm.s32 $0x108;
	_ =	swait.ge @!p0 [sflag:s8], $0x0  }
0x24: {  	s3 =	sadd.s32 $0x88, s3;
	s6 =	simm.s32 @!p1 $0x1082;
	[sflag:s4] =	ssyncset.s32 $0xFFFFF086  }
0x25: {  	[simem:s6], [sflag:s4] =	dma.local [hbm:s3], $0xF7A  }
0x26: {  	[smem:$0x3F98] =	sst s1;
	(tag) =	ssettag s2;
	_ =	strace s9  }
0x27: {  	s1 =	sld [smem:$0x3FA8]  }
0x28: {  	s2 =	sld [smem:$0x3FA9]  }
0x29: {  	s4 =	sld [smem:$0x3FAB]  }
0x2a: {  	p0 =	seq.s32 s5, $0x0;
	s5 =	sld [smem:$0x3FAC]  }
0x2b: {  	s6 =	sld [smem:$0x3FAD]  }
0x2c: {  	s7 =	sld [smem:$0x3FAE]  }
0x2d: {  	s3 =	simm.s32 $0x108;
	s8 =	sld [smem:$0x3FAF]  }
0x2e: {  	s3 =	simm.s32 @!p0 $0x1082;
	s9 =	sld [smem:$0x3FB0]  }
0x2f: {  	lr =	sadd.s32 s0, s3;
	s0 =	sld [smem:$0x3FA7]  }
0x30: {  	s3 =	sld [smem:$0x3FAA]  }
0x31: {  	[smem:$0x3FB3] =	sst s10  }
0x32: {  	s10 =	sld [smem:$0x3FB1];
	_ =	sdelay $0x3  }
0x33: {  	p0 =	seq.s32 s10, $0x1;
	s10 =	sld [smem:$0x3FB3];
	_ =	sdelay $0x3  }
0x34: {  	[smem:$0x3FB3] =	sst s10  }
0x35: {  	s10 =	sld [smem:$0x3FB2];
	_ =	sdelay $0x3  }
0x36: {  	p1 =	seq.s32 s10, $0x1;
	s10 =	sld [smem:$0x3FB3];
	_ =	sdelay $0x3  }
0x37: {  	[smem:$0x3FB3] =	sst s10  }
0x38: {  	s10 =	sld [smem:$0x3FB4]  }
0x39: {  	_ = 	snop;
	(pc) =	sbr.ind lr, $3  }
0x3a: {  	_ = 	snop  }
0x3b: {  	_ = 	snop  }
0x3c: {  	p2 =	seq.s32 s10, $0x1;
	s10 =	sld [smem:$0x3FB3]  }
0x3d: {  	_ =	shalt  }
0x3e: {  	_ =	shalt  }
0x3f: {  	_ =	shalt  }
0x40: {  	_ =	shalt  }
0x41: {  	_ =	shalt  }
0x42: {  	_ =	shalt  }
0x43: {  	_ =	shalt  }
0x44: {  	_ =	shalt  }
0x45: {  	_ =	shalt  }
0x46: {  	_ =	shalt  }
0x47: {  	_ =	shalt  }
0x48: {  	_ =	shalt  }
0x49: {  	_ =	shalt  }
0x4a: {  	_ =	shalt  }
0x4b: {  	_ =	shalt  }
0x4c: {  	_ =	shalt  }
0x4d: {  	_ =	shalt  }
0x4e: {  	_ =	shalt  }
0x4f: {  	_ =	shalt  }
0x50: {  	_ =	shalt  }
0x51: {  	_ =	shalt  }
0x52: {  	_ =	shalt  }
0x53: {  	_ =	shalt  }
0x54: {  	_ =	shalt  }
0x55: {  	_ =	shalt  }
0x56: {  	_ =	shalt  }
0x57: {  	_ =	shalt  }
0x58: {  	_ =	shalt  }
0x59: {  	_ =	shalt  }
0x5a: {  	_ =	shalt  }
0x5b: {  	_ =	shalt  }
0x5c: {  	_ =	shalt  }
0x5d: {  	_ =	shalt  }
0x5e: {  	_ =	shalt  }
0x5f: {  	_ =	shalt  }
0x60: {  	_ =	shalt  }
0x61: {  	_ =	shalt  }
0x62: {  	_ =	shalt  }
0x63: {  	_ =	shalt  }
0x64: {  	_ =	shalt  }
0x65: {  	_ =	shalt  }
0x66: {  	_ =	shalt  }
0x67: {  	_ =	shalt  }
0x68: {  	_ =	shalt  }
0x69: {  	_ =	shalt  }
0x6a: {  	_ =	shalt  }
0x6b: {  	_ =	shalt  }
0x6c: {  	_ =	shalt  }
0x6d: {  	_ =	shalt  }
0x6e: {  	_ =	shalt  }
0x6f: {  	_ =	shalt  }
0x70: {  	_ =	shalt  }
0x71: {  	_ =	shalt  }
0x72: {  	_ =	shalt  }
0x73: {  	_ =	shalt  }
0x74: {  	_ =	shalt  }
0x75: {  	_ =	shalt  }
0x76: {  	_ =	shalt  }
0x77: {  	_ =	shalt  }
0x78: {  	_ =	shalt  }
0x79: {  	_ =	shalt  }
0x7a: {  	_ =	shalt  }
0x7b: {  	_ =	shalt  }
0x7c: {  	_ =	shalt  }
0x7d: {  	_ =	shalt  }
0x7e: {  	_ =	shalt  }
0x7f: {  	_ =	shalt  }
0x80: {  	_ =	shalt  }
0x81: {  	_ =	shalt  }
0x82: {  	_ =	shalt  }
0x83: {  	_ =	shalt  }
0x84: {  	_ =	shalt  }
0x85: {  	_ =	shalt  }
0x86: {  	_ =	shalt  }
0x87: {  	_ =	shalt  }
.Lfunc_end0:
.L_simem_size_0:
called_computation_lowered:
.L_overlay_start_0:
0x88: {  	s2 =	sld [smem:$0x3FD9]  }
0x89: {  	s3 =	sld [smem:$0x3FFE];
	_ =	sdelay $0x1  }
0x8a: {  	s1 =	srdreg.scid  }
0x8b: {  	s0 =	sand.u32 $0x1, s1  }
0x8c: {  	s17 =	sshll.u32 s0, $0xA;
	s2 =	sadd.s32 s3, s2  }
0x8d: {  	s2 =	sadd.s32 s2, s17  }
0x8e: {  	[smem:$0x3FBF] =	sst s2  }
0x8f: {  	_ = 	snop  }
0x90: {  	s2 =	sld [smem:$0x3FC6]  }
0x91: {  	s18 =	sld [smem:$0x3FC3]  }
0x92: {  	s4 =	sld [smem:$0x3FC2]  }
0x93: {  	s5 =	sld [smem:$0x3FC1]  }
0x94: {  	s6 =	sld [smem:$0x3FD0];
	(tm) =	ssettm $0x1  }
0x95: {  	s7 =	sld [smem:$0x3FFB];
	_ =	sdelay $0x3  }
0x96: {  	_ =	strace s7  }
0x97: {  	s7 =	sld [smem:$0x3FFC];
	_ =	sdelay $0x3  }
0x98: {  	_ =	strace s7  }
0x99: {  	s7 =	sld [smem:$0x3FFD];
	_ =	sdelay $0x3  }
0x9a: {  	_ =	strace s7  }
0x9b: {  	_ =	strace $0x8FFFFFFF  }
0x9c: {  	s19 =	sld [smem:$0x3FDB];
	_ =	sdelay $0x1  }
0x9d: {  	s8 =	simm.s32 $_scs_section_size  }
0x9e: {  	s9 =	simm.s32 $_size__tile_overlayer_lowered;
	s10 =	simm.s32 $_tile_overlayer_lowered  }
0x9f: {  	s22 =	simm.s32 $0x1BFF;
	s21 =	sshll.u32 s10, $0x1;
	s7 =	sadd.s32 s8, s19  }
0xa0: {  	s11 =	simm.s32 $0x0;
	s20 =	sshll.u32 s9, $0x1;
	s9 =	sadd.s32 s21, s7  }
0xa1: {  	[timem:s11], [sflag:s22] =	dma.local [hbm:s9], s20  }
0xa2: {  	_ =	swait.ge [sflag:s22], s20  }
0xa3: {  	s8 =	ssub.s32 $0x0, s20;
	[sflag:s22] =	ssyncset.done $0x0  }
0xa4: {  	[sflag:s22] =	ssyncadd.s32 s8;
	_ =	sdelay $0x1  }
0xa5: {  	s23 =	simm.s32 $0x1B8B  }
0xa6: {  	_ =	swait.ge [sflag:s23], $0x1  }
0xa7: {  	[sflag:s23] =	ssyncset.done $0x0  }
0xa8: {  	s25 =	simm.s32 $0x1B8E;
	s24 =	sld [smem:$0x3FFE];
	[sflag:s23] =	ssyncadd.s32 $0xFFFFFFFF  }
0xa9: {  	s26 =	simm.s32 $execute0_lowered;
	[smem:$0x3FD2] =	sst s25  }
0xaa: {  	s9 =	sshll.u32 s26, $0x1;
	_ =	strace $0x80000046;
	[dreg:$0x1] =	wrdreg $0xFFFFFFFF  }
0xab: {  	s28 =	simm.s32 $_size_execute0_lowered;
	s7 =	sadd.s32 s7, s9;
	[dreg:$0x0] =	wrdreg $0x0  }
0xac: {  	s9 =	sshll.u32 s28, $0x1;
	[dreg:$0x2] =	wrdreg s7  }
0xad: {  	[dreg:$0x3] =	wrdreg s9  }
0xae: {  	[dreg:$0x4] =	wrdreg $0xC0  }
0xaf: {  	_ =	task [dreg:s11], $0x5FFFF  }
0xb0: {  	[dreg:$0x1] =	wrdreg $0xFFFFFFFF  }
0xb1: {  	[dreg:$0x0] =	wrdreg $0x60  }
0xb2: {  	[dreg:$0x2] =	wrdreg s2  }
0xb3: {  	[dreg:$0x3] =	wrdreg s24  }
0xb4: {  	[dreg:$0x4] =	wrdreg s18  }
0xb5: {  	[dreg:$0x5] =	wrdreg s4  }
0xb6: {  	[dreg:$0x6] =	wrdreg s5  }
0xb7: {  	[dreg:$0x7] =	wrdreg s6  }
0xb8: {  	[dreg:$0x8] =	wrdreg $0xF1000  }
0xb9: {  	[dreg:$0x9] =	wrdreg $0x121000  }
0xba: {  	[dreg:$0xa] =	wrdreg $0x9  }
0xbb: {  	_ =	task.clear_ibuf [dreg:s11], $0xBFFFF;
	_ =	strace $0x90000046  }
0xbc: {  	s29 =	simm.s32 $0x9;
	_ =	strace $0x80000048  }
0xbd: {  	_ =	swait.ge [sflag:s29], $0x1  }
0xbe: {  	[sflag:s29] =	ssyncadd.s32 $0xFFFFFFFF  }
0xbf: {  	_ =	strace $0x90000048  }
0xc0: {  	_ =	sfence  }
0xc1: {  	s30 =	sld [smem:$0x0];
	_ =	sdelay $0x2  }
0xc2: {  	s31 =	sshll.u32 s1, $0xD;
	s1 =	sshrl.u32 s1, $0x2  }
0xc3: {  	s3 =	sand.u32 $0x4000, s31;
	s1 =	sadd.s32 s1, s30  }
0xc4: {  	s0 =	sor.u32 s3, s0;
	s1 =	sshll.u32 s1, $0x11  }
0xc5: {  	s0 =	sor.u32 s1, s0  }
0xc6: {  	s0 =	sadd.s32 $0x8F2B, s0  }
0xc7: {  	[sflag:s0] =	ssyncadd.remote.s32 $0x1  }
0xc8: {  	_ =	sfence.sel $0xFFFF  }
0xc9: {  	[dreg:$0x0] =	wrdreg $0xFFFFFFFF;
	(pc) =	sbr.abs _section_cstart, $3  }
0xca: {  	[dreg:$0x1] =	wrdreg $0xFFFFFFFF  }
0xcb: {  	_ =	task.clear_ibuf [dreg:s11], $0x2FFFF;
	_ =	strace $0x9FFFFFFF  }
0xcc: {  	(tm) =	ssettm $0x7FFFFFFF  }
0xcd: {  	_ =	shalt  }
tec
execute0_lowered:
.L_overlay_start_1:
0x0: {  	(tag) =	ssettag $0x1  }
0x1: {  	s0 =	rddreg [dreg:$0x0]  }
0x2: {  	s1 =	rddreg [dreg:$0x1]  }
0x3: {  	s4 =	rddreg [dreg:$0x5];
	s2 =	srdreg.scid  }
0x4: {  	s5 =	rddreg [dreg:$0x6];
	s3 =	stileid.u32  }
0x5: {  	v0 =	vimm.s32 $0xEFCDAB89;
	s6 =	rddreg [dreg:$0x7];
	v1 =	vimm.s32 $0x67452301;
	v2 =	vimm.s32 $0xDCFE98BA;
	s8 =	simm.s32 $0x0;
	s16 =	simm.s32 $0x4  }
0x6: {  	v3 =	vimm.s32 $0x54761032;
	v4 =	vimm.s32 $0xBA98FEDC;
	s28 =	simm.s32 $0xB100;
	s29 =	simm.s32 $0x2;
	s30 =	simm.s32 $0x3  }
0x7: {  	v5 =	vimm.s32 $0x32107654;
	v6 =	vimm.s32 $0xFEDCBA98;
	s31 =	simm.s32 $0x0;
	s2 =	sand.u32 $0x1, s2;
	s7 =	sshll.u32 s3, $0xD  }
0x8: {  	v7 =	vimm.s32 $0x76543210;
	v0 =	vunpack.c.l.s4.s8 v0;
	v1 =	vunpack.c.l.s4.s8 v1;
	[smem:$0x7FF] =	sst s8;
	p0 =	sne.s32 s3, $0x0;
	s9 =	sshll.u32 s2, $0xC  }
0x9: {  	v2 =	vunpack.c.l.s4.s8 v2;
	v3 =	vunpack.c.l.s4.s8 v3;
	v4 =	vunpack.c.l.s4.s8 v4;
	s2 =	ssub.s32 $0x2, s2;
	_ =	strace $0x80000047;
	s21 =	sshrl.u32 @!p0 s5, $0x3  }
0xa: {  	v5 =	vunpack.c.l.s4.s8 v5;
	v6 =	vunpack.c.l.s4.s8 v6;
	v7 =	vunpack.c.l.s4.s8 v7;
	s22 =	sshrl.u32 @!p0 s6, $0x3;
	s9 =	sor.u32 s9, s7;
	s10 =	sshrl.u32 s2, $0x1  }
0xb: {  	v0 =	vunpack.c.0.s8.s32 v0;
	v1 =	vunpack.c.0.s8.s32 v1;
	v2 =	vunpack.c.0.s8.s32 v2;
	s7 =	sshrl.u32 s9, $0x3;
	s23 =	ssub.s32 s2, s10;
	s26 =	sshll.u32 s9, $0x4  }
.Ltmp0:
0xc: {  	v3 =	vunpack.c.0.s8.s32 v3;
	v4 =	vunpack.c.0.s8.s32 v4;
	v5 =	vunpack.c.0.s8.s32 v5;
	s7 =	sadd.s32 s7, s1;
	s1 =	sadd.s32 $0xC400, s1;
	(pc) =	sbr.rel .LBB2_1-.Ltmp0, $4  }
0xd: {  	s14 =	sadd.s32 s4, s26;
	s15 =	smax.u32 s23, $0x1;
	v0 =	vcombine.low v1, v0;
	v1 =	vunpack.c.0.s8.s32 v6;
	s23 =	simm.s32 $0x80  }
0xe: {  	v2 =	vcombine.low v3, v2;
	v3 =	vcombine.low v5, v4;
	v4 =	vunpack.c.0.s8.s32 v7;
	s26 =	simm.s32 $0x1;
	[dreg:$0x9] =	wrdreg s1;
	s24 =	sadd.s32 $0x4400, s7  }
0xf: {  	s25 =	sadd.s32 $0x400, s7;
	s13 =	sadd.s32 $0x8400, s7;
	[dreg:$0xa] =	wrdreg s24;
	v0 =	vand.u32 $0xF, v0;
	v5 =	vand.u32 $0xF, v1  }
0x10: {  	[dreg:$0xb] =	wrdreg s25;
	s24 =	simm.s32 $0x3100;
	s25 =	simm.s32 $0x7100;
	v1 =	vand.u32 $0xF, v2;
	v2 =	vand.u32 $0xF, v3;
	v3 =	vcombine.low v5, v4  }
.LBB2_14:
0x11: {  	_ =	swait.ge [sflag:s30], $0x4000  }
0x12: {  	[sflag:s30] =	ssyncset.done $0x0  }
0x13: {  	s31 =	sadd.s32 $0x1, s31;
	[sflag:s30] =	ssyncadd.s32 $0xFFFFC000  }
0x14: {  	p1 =	sne.s32 s31, s15;
	_ =	swait.ge [sflag:s26], $0x4000  }
.Ltmp1:
0x15: {  	[sflag:s26] =	ssyncset.done $0x0;
	(pc) =	sbr.rel @!p1 .LBB2_15-.Ltmp1, $4  }
0x16: {  	[sflag:s26] =	ssyncadd.s32 $0xFFFFC000  }
0x17: {  	_ =	swait.ge [sflag:s29], $0x4000  }
0x18: {  	[sflag:s29] =	ssyncset.done $0x0  }
0x19: {  	[sflag:s29] =	ssyncadd.s32 $0xFFFFC000  }
.LBB2_1:
0x1a: {  	s1 =	rddreg [dreg:$0xa]  }
0x1b: {  	[tilespmem:s8], [sflag:$0x4] =	stream.linear.gather [hbm4b:s1+s8], $0x1000, $0x38;
	[tilespmem:$0x12290] =	vst v63  }
0x1c: {  	_ =	swait.ge [sflag:s16], $0x1000  }
0x1d: {  	[sflag:s16] =	ssyncset.done $0x0  }
0x1e: {  	s7 =	simm.s32 $0x1000;
	s17 =	rddreg [dreg:$0xb];
	[sflag:s16] =	ssyncadd.s32 $0xFFFFF000  }
0x1f: {  	[tilespmem:s7], [sflag:$0x4] =	stream.linear.gather [hbm4b:s17+s8], $0x1000, $0x38;
	[tilespmem:$0x12290] =	vst v63  }
0x20: {  	_ =	swait.ge [sflag:s16], $0x1000  }
0x21: {  	[sflag:s16] =	ssyncset.done $0x0  }
0x22: {  	s10 =	simm.s32 $0x2000;
	[sflag:s16] =	ssyncadd.s32 $0xFFFFF000  }
0x23: {  	[tilespmem:s10], [sflag:$0x4] =	stream.linear.gather [hbm4b:s13+s8], $0x1000, $0x38;
	[tilespmem:$0x12290] =	vst v63  }
0x24: {  	_ =	swait.ge [sflag:s16], $0x1000  }
0x25: {  	[sflag:s16] =	ssyncset.done $0x0  }
0x26: {  	[sflag:s16] =	ssyncadd.s32 $0xFFFFF000  }
0x27: {  	s2 =	simm.s32 $0x3000;
	s18 =	rddreg [dreg:$0x3]  }
0x28: {  	[tilespmem:s2], [sflag:$0x4] =	stream.linear.gather [hbm4b:s18+s8], $0x80, $0x38;
	[tilespmem:$0x12290] =	vst v63  }
0x29: {  	_ =	swait.ge [sflag:s16], $0x80  }
0x2a: {  	[sflag:s16] =	ssyncset.done $0x0  }
0x2b: {  	[sflag:s16] =	ssyncadd.s32 $0xFFFFFF80  }
0x2c: {  	s20 =	simm.s32 $0x3080;
	s19 =	rddreg [dreg:$0x4]  }
0x2d: {  	[tilespmem:s20], [sflag:$0x4] =	stream.linear.gather [hbm4b:s19+s8], $0x80, $0x38;
	[tilespmem:$0x12290] =	vst v63  }
0x2e: {  	_ =	swait.ge [sflag:s16], $0x80  }
0x2f: {  	[sflag:s16] =	ssyncset.done $0x0  }
0x30: {  	s1 =	simm.s32 @!p0 $0x1C04;
	s2 =	rddreg [dreg:$0x9];
	[sflag:s16] =	ssyncadd.s32 $0xFFFFFF80  }
0x31: {  	[spmem:s21], [sflag:s1] =	dma.local @!p0 [hbm:s2], $0x6000  }
0x32: {  	s2 =	simm.s32 @!p0 $0x4  }
0x33: {  	_ =	swait.ge @!p0 [sflag:s2], $0x6000  }
0x34: {  	[sflag:s2] =	ssyncset.done @!p0 $0x0  }
0x35: {  	[sflag:s2] =	ssyncadd.s32 @!p0 $0xFFFFA000  }
0x36: {  	s3 =	rddreg [dreg:$0x2]  }
0x37: {  	[spmem:s22], [sflag:s1] =	dma.local @!p0 [hbm:s3], $0x320  }
0x38: {  	_ =	swait.ge @!p0 [sflag:s2], $0x320  }
0x39: {  	[sflag:s2] =	ssyncset.done @!p0 $0x0  }
0x3a: {  	[sflag:s2] =	ssyncadd.s32 @!p0 $0xFFFFFCE0  }
0x3b: {  	[bflag:$0x0] =	sbarrier.arrive $0xFFFF  }
0x3c: {  	[tilespmem:s24], [sflag:$0x1] =	stream.indirect.gather [hbm4b:s0+s23], $0x80, s8, s23, $0xb8;
	[tilespmem:$0x12290] =	vst v63  }
0x3d: {  	_ = 	snop  }
0x3e: {  	[tilespmem:s25], [sflag:$0x2] =	stream.indirect.gather [hbm4b:s0+s23], $0x80, s23, s23, $0xb8;
	[tilespmem:$0x12290] =	vst v63  }
0x3f: {  	_ =	swait.ge [sflag:s26], $0x4000  }
0x40: {  	[sflag:s26] =	ssyncset.done $0x0  }
0x41: {  	[sflag:s26] =	ssyncadd.s32 $0xFFFFC000  }
0x42: {  	[tilespmem:s24], [sflag:$0x1] =	stream.indirect.gather.add.f32 [spmem:s5], $0x80, s7, s23, $0xb8;
	[tilespmem:$0x12290] =	vst v63  }
0x43: {  	s7 =	simm.s32 $0x0  }
0x44: {  	[tilespmem:s24], [sflag:$0x1] =	stream.indirect.gather.add.f32 [spmem:s6], $0x80, s10, s23, $0xb8;
	[tilespmem:$0x12290] =	vst v63  }
.LBB2_2:
0x45: {  	p1 =	seq.s32 s7, $0x0  }
.Ltmp2:
0x46: {  	_ = 	snop;
	(pc) =	sbr.rel @p1 .LBB2_5-.Ltmp2, $3  }
0x47: {  	_ = 	snop  }
0x48: {  	s3 =	smul.u32 $0x3, s7;
	_ =	sdelay $0x1  }
0x49: {  	s1 =	sadd.s32 $0x2, s3  }
0x4a: {  	p1 =	seq.s32 s7, $0xA  }
.Ltmp3:
0x4b: {  	_ = 	snop;
	(pc) =	sbr.rel @p1 .LBB2_6-.Ltmp3, $1  }
0x4c: {  	_ =	sdelay $0x3  }
0x4d: {  	_ =	swait.ge [sflag:s30], $0x4000  }
0x4e: {  	[sflag:s30] =	ssyncset.done $0x0  }
0x4f: {  	[sflag:s30] =	ssyncadd.s32 $0xFFFFC000  }
.LBB2_5:
0x50: {  	s2 =	sshll.u32 s1, $0x7  }
0x51: {  	s2 =	sand.u32 $0x3FFFFF80, s2  }
0x52: {  	[tilespmem:s28], [sflag:$0x3] =	stream.indirect.gather [hbm4b:s0+s23], $0x80, s2, s23, $0xb8;
	[tilespmem:$0x12290] =	vst v63  }
.LBB2_6:
0x53: {  	s2 =	sadd.s32 $0x1, s3;
	_ =	swait.ge [sflag:s29], $0x4000  }
0x54: {  	[sflag:s29] =	ssyncset.done $0x0;
	s10 =	sshll.u32 s2, $0x7  }
0x55: {  	[sflag:s29] =	ssyncadd.s32 $0xFFFFC000;
	s11 =	sadd.s32 $0x1000, s10  }
0x56: {  	[tilespmem:s25], [sflag:$0x2] =	stream.indirect.gather.add.f32 [spmem:s5], $0x80, s11, s23, $0xb8;
	[tilespmem:$0x12290] =	vst v63  }
0x57: {  	s10 =	sadd.s32 $0x2000, s10  }
0x58: {  	[tilespmem:s25], [sflag:$0x2] =	stream.indirect.gather.add.f32 [spmem:s6], $0x80, s10, s23, $0xb8;
	[tilespmem:$0x12290] =	vst v63  }
0x59: {  	_ =	swait.ge [sflag:s26], $0x4000  }
0x5a: {  	[sflag:s26] =	ssyncset.done $0x0  }
0x5b: {  	[sflag:s26] =	ssyncadd.s32 $0xFFFFC000  }
0x5c: {  	_ =	swait.ge [sflag:s26], $0x4000  }
0x5d: {  	[sflag:s26] =	ssyncset.done $0x0  }
0x5e: {  	s19 =	simm.s32 $0x3180;
	[sflag:s26] =	ssyncadd.s32 $0xFFFFC000  }
0x5f: {  	v5 =	vld [tilespmem:s19+$0x0];
	_ =	sdelay $0x1  }
0x60: {  	v25 =	vld [tilespmem:s19+$0x10];
	_ =	sdelay $0x1  }
0x61: {  	v24 =	vld [tilespmem:s19+$0x20]  }
0x62: {  	v4 =	vadd.f32 $0.0e+00, v5  }
0x63: {  	v10 =	vld [tilespmem:s19+$0x30]  }
0x64: {  	v6 =	vmul.f32 v5, v5;
	v7 =	vmul.f32 v25, v25;
	v4 =	vadd.f32 v25, v4  }
0x65: {  	v12 =	vld [tilespmem:s19+$0x40]  }
0x66: {  	v6 =	vadd.f32 v7, v6;
	v7 =	vmul.f32 v24, v24;
	v4 =	vadd.f32 v24, v4  }
0x67: {  	v11 =	vld [tilespmem:s19+$0x50]  }
0x68: {  	v6 =	vadd.f32 v7, v6;
	v7 =	vmul.f32 v10, v10;
	v4 =	vadd.f32 v10, v4  }
0x69: {  	v15 =	vld [tilespmem:s19+$0x60]  }
0x6a: {  	v6 =	vadd.f32 v7, v6;
	v7 =	vmul.f32 v12, v12;
	v8 =	vadd.f32 v12, v4  }
0x6b: {  	v4 =	vld [tilespmem:s19+$0x70]  }
0x6c: {  	v6 =	vadd.f32 v7, v6;
	v7 =	vmul.f32 v11, v11;
	v8 =	vadd.f32 v11, v8;
	_ =	sdelay $0x1  }
0x6d: {  	v6 =	vadd.f32 v7, v6;
	v7 =	vmul.f32 v15, v15;
	v8 =	vadd.f32 v15, v8;
	_ =	sdelay $0x1  }
0x6e: {  	v6 =	vadd.f32 v7, v6;
	v7 =	vadd.f32 v4, v8;
	v8 =	vmul.f32 v4, v4;
	_ =	sdelay $0x1  }
0x6f: {  	v26 =	vld [tilespmem:s19+$0xFFFFFF80];
	v6 =	vadd.f32 v8, v6;
	v8 =	vperm.xlane v7, v0;
	_ =	sdelay $0x1  }
0x70: {  	v22 =	vld [tilespmem:s19+$0xFFFFFF90];
	v7 =	vadd.f32 v8, v7;
	v8 =	vperm.xlane v6, v0;
	_ =	sdelay $0x1  }
0x71: {  	v21 =	vld [tilespmem:s19+$0xFFFFFFA0];
	v9 =	vperm.xlane v7, v1;
	v6 =	vadd.f32 v8, v6  }
0x72: {  	v8 =	vadd.f32 $0.0e+00, v26  }
0x73: {  	v16 =	vld [tilespmem:s19+$0xFFFFFFB0];
	v7 =	vadd.f32 v9, v7;
	v9 =	vperm.xlane v6, v1  }
0x74: {  	v13 =	vmul.f32 v26, v26;
	v17 =	vmul.f32 v22, v22;
	v8 =	vadd.f32 v22, v8  }
0x75: {  	v19 =	vld [tilespmem:s19+$0xFFFFFFC0];
	v18 =	vperm.xlane v7, v2;
	v6 =	vadd.f32 v9, v6  }
0x76: {  	v13 =	vadd.f32 v17, v13;
	v9 =	vmul.f32 v21, v21;
	v8 =	vadd.f32 v21, v8  }
0x77: {  	v14 =	vld [tilespmem:s19+$0xFFFFFFD0];
	v7 =	vadd.f32 v18, v7;
	v18 =	vperm.xlane v6, v2  }
0x78: {  	v20 =	vmul.f32 v16, v16;
	v8 =	vadd.f32 v16, v8;
	v9 =	vadd.f32 v9, v13  }
0x79: {  	v17 =	vld [tilespmem:s19+$0xFFFFFFE0];
	v23 =	vperm.xlane v7, v3;
	v6 =	vadd.f32 v18, v6  }
0x7a: {  	v18 =	vmul.f32 v19, v19;
	v8 =	vadd.f32 v19, v8;
	v9 =	vadd.f32 v20, v9  }
0x7b: {  	v13 =	vld [tilespmem:s19+$0xFFFFFFF0];
	v7 =	vadd.f32 v23, v7;
	v20 =	vperm.xlane v6, v3  }
0x7c: {  	v23 =	vmul.f32 v14, v14;
	v8 =	vadd.f32 v14, v8;
	v9 =	vadd.f32 v18, v9  }
0x7d: {  	v7 =	vmul.f32 $7.812500000e-03, v7;
	v6 =	vadd.f32 v20, v6  }
0x7e: {  	v18 =	vmul.f32 v17, v17;
	v8 =	vadd.f32 v17, v8;
	v9 =	vadd.f32 v23, v9  }
0x7f: {  	v6 =	vmul.f32 $7.812500000e-03, v6;
	v20 =	vmul.f32 v7, v7  }
0x80: {  	v23 =	vmul.f32 v13, v13;
	v8 =	vadd.f32 v13, v8;
	v9 =	vadd.f32 v18, v9  }
0x81: {  	v6 =	vsub.f32 v6, v20  }
0x82: {  	v18 =	vperm.xlane v8, v0;
	v9 =	vadd.f32 v23, v9  }
0x83: {  	v6 =	vadd.f32 $9.999999970e-07, v6  }
0x84: {  	v8 =	vadd.f32 v18, v8;
	v18 =	vperm.xlane v9, v0  }
0x85: {  	v20 =	vshra.s32 v6, $0x1;
	v6 =	vmul.f32 $5.000000000e-01, v6  }
0x86: {  	v23 =	vperm.xlane v8, v1;
	v9 =	vadd.f32 v18, v9;
	v20 =	vsub.s32 $0x5F3759DF, v20  }
0x87: {  	v18 =	vmul.f32 v20, v6  }
0x88: {  	v8 =	vadd.f32 v23, v8;
	v23 =	vperm.xlane v9, v1  }
0x89: {  	v18 =	vmul.f32 v20, v18  }
0x8a: {  	v27 =	vperm.xlane v8, v2;
	v9 =	vadd.f32 v23, v9  }
0x8b: {  	v18 =	vsub.f32 $1.500000000e+00, v18  }
0x8c: {  	v8 =	vadd.f32 v27, v8;
	v23 =	vperm.xlane v9, v2  }
0x8d: {  	s20 =	simm.s32 $0x3280;
	v18 =	vmul.f32 v20, v18  }
0x8e: {  	v28 =	vld [tilespmem:s20+$0x0];
	v20 =	vperm.xlane v8, v3;
	v9 =	vadd.f32 v23, v9  }
0x8f: {  	v6 =	vmul.f32 v18, v6  }
0x90: {  	v27 =	vld [tilespmem:s20+$0x10];
	v8 =	vadd.f32 v20, v8;
	v20 =	vperm.xlane v9, v3  }
0x91: {  	v6 =	vmul.f32 v6, v18  }
0x92: {  	v23 =	vld [tilespmem:s20+$0x20];
	v30 =	vmul.f32 $7.812500000e-03, v8;
	v8 =	vadd.f32 v20, v9  }
0x93: {  	v31 =	vld [tilespmem:$0x3000];
	v32 =	vadd.f32 $0.0e+00, v28;
	v6 =	vsub.f32 $1.500000000e+00, v6  }
0x94: {  	v20 =	vld [tilespmem:s20+$0x30];
	v9 =	vmul.f32 v30, v30;
	v8 =	vmul.f32 $7.812500000e-03, v8  }
0x95: {  	v29 =	vld [tilespmem:$0x3080];
	v5 =	vsub.f32 v5, v7;
	v32 =	vadd.f32 v27, v32;
	v18 =	vmul.f32 v6, v18  }
0x96: {  	v33 =	vmul.f32 v27, v27;
	v6 =	vmul.f32 v28, v28;
	v9 =	vsub.f32 v8, v9;
	v8 =	vld [tilespmem:s20+$0x40]  }
0x97: {  	v32 =	vadd.f32 v23, v32;
	v5 =	vmul.f32 v18, v5  }
0x98: {  	v34 =	vmul.f32 v23, v23;
	v33 =	vadd.f32 v33, v6;
	v9 =	vadd.f32 $9.999999970e-07, v9  }
0x99: {  	v47 =	vmul.f32 v20, v20;
	v6 =	vld [tilespmem:s20+$0x50];
	v5 =	vmul.f32 v5, v31  }
0x9a: {  	v32 =	vadd.f32 v20, v32;
	v33 =	vadd.f32 v34, v33;
	v35 =	vshra.s32 v9, $0x1  }
0x9b: {  	v38 =	vmul.f32 $5.000000000e-01, v9;
	v48 =	vmul.f32 v8, v8;
	v36 =	vadd.f32 v5, v29;
	v5 =	vld [tilespmem:s20+$0x60]  }
0x9c: {  	v9 =	vld [tilespmem:s20+$0x70];
	v32 =	vadd.f32 v8, v32;
	v39 =	vsub.s32 $0x5F3759DF, v35;
	v33 =	vadd.f32 v47, v33  }
0x9d: {  	v37 =	vmul.f32 v39, v38;
	[tilespmem:s19+$0x0] =	vst v36;
	v36 =	vld [tilespmem:s20+$0xFFFFFF80]  }
0x9e: {  	v50 =	vmul.f32 v6, v6;
	v32 =	vadd.f32 v6, v32;
	v33 =	vadd.f32 v48, v33;
	v49 =	vld [tilespmem:$0x3010]  }
0x9f: {  	v25 =	vsub.f32 v25, v7;
	v24 =	vsub.f32 v24, v7;
	v41 =	vmul.f32 v39, v37;
	v37 =	vld [tilespmem:s20+$0xFFFFFF90]  }
0xa0: {  	v40 =	vld [tilespmem:$0x3090];
	v33 =	vadd.f32 v50, v33;
	v51 =	vmul.f32 v5, v5;
	v32 =	vadd.f32 v5, v32  }
0xa1: {  	v63 =	vsub.f32 v10, v7;
	v12 =	vsub.f32 v12, v7;
	v25 =	vmul.f32 v18, v25  }
0xa2: {  	v52 =	vmul.f32 v9, v9;
	v33 =	vadd.f32 v51, v33;
	v32 =	vadd.f32 v9, v32  }
0xa3: {  	v35 =	vld [tilespmem:s20+$0xFFFFFFA0];
	v41 =	vsub.f32 $1.500000000e+00, v41;
	v53 =	vadd.f32 $0.0e+00, v36;
	v25 =	vmul.f32 v25, v49  }
0xa4: {  	v24 =	vmul.f32 v18, v24;
	v33 =	vadd.f32 v52, v33;
	v42 =	vperm.xlane v32, v0  }
0xa5: {  	v34 =	vld [tilespmem:s20+$0xFFFFFFB0];
	v39 =	vmul.f32 v39, v41;
	v41 =	vadd.f32 v37, v53;
	v25 =	vadd.f32 v25, v40  }
0xa6: {  	v40 =	vsub.f32 v26, v30;
	v42 =	vadd.f32 v42, v32;
	v26 =	vperm.xlane v33, v0  }
0xa7: {  	v11 =	vsub.f32 v11, v7;
	v43 =	vmul.f32 v36, v36;
	v32 =	vld [tilespmem:s20+$0xFFFFFFC0];
	[tilespmem:s19+$0x10] =	vst v25;
	v25 =	vmul.f32 v37, v37  }
0xa8: {  	v41 =	vadd.f32 v35, v41;
	v44 =	vld [tilespmem:$0x3020];
	v45 =	vperm.xlane v42, v1;
	v33 =	vadd.f32 v26, v33  }
0xa9: {  	v46 =	vmul.f32 v35, v35;
	v38 =	vmul.f32 v39, v38;
	v26 =	vld [tilespmem:s20+$0xFFFFFFD0];
	v43 =	vadd.f32 v25, v43  }
0xaa: {  	v47 =	vld [tilespmem:$0x30A0];
	v41 =	vadd.f32 v34, v41;
	v42 =	vadd.f32 v45, v42;
	v54 =	vperm.xlane v33, v1  }
0xab: {  	v48 =	vmul.f32 v34, v34;
	v38 =	vmul.f32 v38, v39;
	v43 =	vadd.f32 v46, v43  }
0xac: {  	v25 =	vld [tilespmem:s20+$0xFFFFFFE0];
	v41 =	vadd.f32 v32, v41;
	v55 =	vperm.xlane v42, v2;
	v33 =	vadd.f32 v54, v33  }
0xad: {  	v56 =	vmul.f32 v32, v32;
	v44 =	vmul.f32 v24, v44;
	v43 =	vadd.f32 v48, v43  }
0xae: {  	v24 =	vld [tilespmem:s20+$0xFFFFFFF0];
	v41 =	vadd.f32 v26, v41;
	v42 =	vadd.f32 v55, v42;
	v57 =	vperm.xlane v33, v2  }
0xaf: {  	v58 =	vmul.f32 v26, v26;
	v44 =	vadd.f32 v44, v47;
	v43 =	vadd.f32 v56, v43  }
0xb0: {  	v38 =	vsub.f32 $1.500000000e+00, v38;
	v59 =	vperm.xlane v42, v3;
	v33 =	vadd.f32 v57, v33  }
0xb1: {  	v60 =	vmul.f32 v25, v25;
	v41 =	vadd.f32 v25, v41;
	[tilespmem:s19+$0x20] =	vst v44;
	v43 =	vadd.f32 v58, v43  }
0xb2: {  	v38 =	vmul.f32 v38, v39;
	v44 =	vld [tilespmem:$0x3030];
	v42 =	vadd.f32 v59, v42;
	v61 =	vperm.xlane v33, v3  }
0xb3: {  	v62 =	vmul.f32 v24, v24;
	v41 =	vadd.f32 v24, v41;
	v43 =	vadd.f32 v60, v43  }
0xb4: {  	v53 =	vmul.f32 v18, v63;
	v51 =	vld [tilespmem:$0x30B0];
	v10 =	vmul.f32 $7.812500000e-03, v42;
	v33 =	vadd.f32 v61, v33  }
0xb5: {  	v40 =	vmul.f32 v38, v40;
	v52 =	vperm.xlane v41, v0;
	v43 =	vadd.f32 v62, v43  }
0xb6: {  	v4 =	vsub.f32 v4, v7;
	v33 =	vmul.f32 $7.812500000e-03, v33;
	v54 =	vmul.f32 v10, v10  }
0xb7: {  	v55 =	vadd.f32 v52, v41;
	v56 =	vmul.f32 v53, v44;
	v57 =	vperm.xlane v43, v0  }
0xb8: {  	v22 =	vsub.f32 v22, v30;
	v31 =	vmul.f32 v40, v31;
	v33 =	vsub.f32 v33, v54  }
0xb9: {  	v58 =	vperm.xlane v55, v1;
	v41 =	vadd.f32 v56, v51;
	v42 =	vadd.f32 v57, v43  }
0xba: {  	v29 =	vadd.f32 v31, v29;
	v33 =	vadd.f32 $9.999999970e-07, v33  }
0xbb: {  	v21 =	vsub.f32 v21, v30;
	v39 =	vadd.f32 v58, v55;
	[tilespmem:s19+$0x30] =	vst v41;
	v59 =	vperm.xlane v42, v1  }
0xbc: {  	v16 =	vsub.f32 v16, v30;
	[tilespmem:s19+$0xFFFFFF80] =	vst v29;
	v41 =	vld [tilespmem:$0x3040];
	v60 =	vshra.s32 v33, $0x1;
	v33 =	vmul.f32 $5.000000000e-01, v33  }
0xbd: {  	v49 =	vld [tilespmem:$0x3010];
	v44 =	vperm.xlane v39, v2;
	v43 =	vsub.s32 $0x5F3759DF, v60;
	v40 =	vadd.f32 v59, v42  }
0xbe: {  	v19 =	vsub.f32 v19, v30;
	v14 =	vsub.f32 v14, v30;
	v61 =	vld [tilespmem:$0x30C0];
	v62 =	vmul.f32 v43, v33  }
0xbf: {  	v12 =	vmul.f32 v18, v12;
	v31 =	vadd.f32 v44, v39;
	v63 =	vperm.xlane v40, v2  }
0xc0: {  	v17 =	vsub.f32 v17, v30;
	v22 =	vmul.f32 v38, v22;
	v48 =	vmul.f32 v43, v62  }
0xc1: {  	v29 =	vperm.xlane v31, v3;
	v12 =	vmul.f32 v12, v41;
	v39 =	vadd.f32 v63, v40  }
0xc2: {  	v53 =	vmul.f32 v38, v21;
	v22 =	vmul.f32 v22, v49;
	v50 =	vsub.f32 $1.500000000e+00, v48  }
0xc3: {  	s17 =	simm.s32 $0x3380;
	v51 =	vld [tilespmem:$0x3090];
	v29 =	vadd.f32 v29, v31;
	v12 =	vadd.f32 v12, v61;
	v52 =	vperm.xlane v39, v3  }
0xc4: {  	v13 =	vsub.f32 v13, v30;
	v30 =	vld [tilespmem:s17+$0x0];
	v56 =	vmul.f32 v18, v11;
	v40 =	vmul.f32 v43, v50  }
0xc5: {  	v58 =	vsub.f32 v28, v10;
	v28 =	vld [tilespmem:s17+$0x20];
	v31 =	vmul.f32 $7.812500000e-03, v29;
	[tilespmem:s19+$0x40] =	vst v12;
	v12 =	vadd.f32 v52, v39  }
0xc6: {  	v23 =	vsub.f32 v23, v10;
	v29 =	vmul.f32 v38, v16;
	v16 =	vld [tilespmem:$0x3050];
	v21 =	vmul.f32 v40, v33  }
0xc7: {  	v20 =	vsub.f32 v20, v10;
	v54 =	vmul.f32 v31, v31;
	v33 =	vld [tilespmem:s17+$0x10];
	v12 =	vmul.f32 $7.812500000e-03, v12  }
0xc8: {  	v55 =	vmul.f32 v21, v40;
	v21 =	vmul.f32 v38, v19;
	v19 =	vadd.f32 v22, v51;
	v22 =	vld [tilespmem:$0x30D0]  }
0xc9: {  	v11 =	vmul.f32 v38, v14;
	v14 =	vmul.f32 v38, v17;
	v12 =	vsub.f32 v12, v54  }
0xca: {  	v61 =	vmul.f32 v30, v30;
	v50 =	vsub.f32 v27, v10;
	v47 =	vsub.f32 v36, v31  }
0xcb: {  	v44 =	vld [tilespmem:$0x3000];
	v39 =	vsub.f32 $1.500000000e+00, v55;
	v17 =	vmul.f32 v56, v16;
	v57 =	vadd.f32 $9.999999970e-07, v12  }
0xcc: {  	[tilespmem:s19+$0xFFFFFF90] =	vst v19;
	v19 =	vld [tilespmem:s17+$0x30];
	v12 =	vmul.f32 v38, v13;
	v13 =	vadd.f32 $0.0e+00, v30;
	v62 =	vmul.f32 v33, v33  }
0xcd: {  	v60 =	vld [tilespmem:$0x3020];
	v56 =	vmul.f32 v28, v28;
	v16 =	vmul.f32 v39, v40;
	v22 =	vadd.f32 v17, v22  }
0xce: {  	v41 =	vld [tilespmem:$0x3080];
	v17 =	vshra.s32 v57, $0x1;
	v13 =	vadd.f32 v33, v13;
	v42 =	vmul.f32 $5.000000000e-01, v57  }
0xcf: {  	v39 =	vadd.f32 v62, v61;
	v59 =	vmul.f32 v16, v58;
	v63 =	vsub.s32 $0x5F3759DF, v17;
	v17 =	vld [tilespmem:s17+$0x40]  }
0xd0: {  	v36 =	vsub.f32 v37, v31;
	v57 =	vadd.f32 v28, v13  }
0xd1: {  	[tilespmem:s19+$0x50] =	vst v22;
	v22 =	vmul.f32 v63, v42;
	v13 =	vld [tilespmem:s17+$0x50];
	v39 =	vadd.f32 v56, v39;
	v37 =	vmul.f32 v59, v44  }
0xd2: {  	v58 =	vmul.f32 v19, v19;
	v49 =	vmul.f32 v53, v60;
	v46 =	vadd.f32 v19, v57  }
0xd3: {  	v59 =	vsub.f32 v15, v7;
	v15 =	vld [tilespmem:s17+$0x60];
	v22 =	vmul.f32 v63, v22;
	v37 =	vadd.f32 v37, v41  }
0xd4: {  	v27 =	vld [tilespmem:s17+$0xFFFFFF80];
	v39 =	vadd.f32 v58, v39;
	v60 =	vmul.f32 v17, v17;
	v61 =	vadd.f32 v17, v46  }
0xd5: {  	v8 =	vsub.f32 v8, v10;
	v62 =	vsub.f32 $1.500000000e+00, v22;
	v22 =	vld [tilespmem:s17+$0x70];
	[tilespmem:s20+$0x0] =	vst v37  }
0xd6: {  	v52 =	vmul.f32 v13, v13;
	v37 =	vld [tilespmem:$0x3010];
	v40 =	vadd.f32 v60, v39;
	v43 =	vadd.f32 v13, v61  }
0xd7: {  	v23 =	vmul.f32 v16, v23;
	v48 =	vld [tilespmem:$0x3060];
	v38 =	vmul.f32 v18, v59;
	v39 =	vsub.f32 v34, v31  }
0xd8: {  	v51 =	vld [tilespmem:$0x3090];
	v58 =	vmul.f32 v15, v15;
	v57 =	vadd.f32 v52, v40;
	v43 =	vadd.f32 v15, v43  }
0xd9: {  	v56 =	vld [tilespmem:$0x30E0];
	v34 =	vmul.f32 v63, v62;
	v63 =	vmul.f32 v16, v50;
	v40 =	vsub.f32 v32, v31  }
0xda: {  	v32 =	vld [tilespmem:s17+$0xFFFFFF90];
	v59 =	vmul.f32 v22, v22;
	v50 =	vadd.f32 v58, v57;
	v43 =	vadd.f32 v22, v43  }
0xdb: {  	v6 =	vsub.f32 v6, v10;
	v53 =	vmul.f32 v27, v27;
	v45 =	vmul.f32 v63, v37  }
0xdc: {  	v38 =	vmul.f32 v48, v38;
	v37 =	vld [tilespmem:s17+$0xFFFFFFA0];
	v50 =	vadd.f32 v59, v50;
	v61 =	vperm.xlane v43, v0  }
0xdd: {  	v60 =	vadd.f32 $0.0e+00, v27;
	v42 =	vmul.f32 v34, v42;
	v45 =	vadd.f32 v45, v51  }
0xde: {  	v52 =	vadd.f32 v56, v38;
	v38 =	vld [tilespmem:s17+$0xFFFFFFB0];
	v51 =	vadd.f32 v61, v43;
	v54 =	vperm.xlane v50, v0  }
0xdf: {  	v5 =	vsub.f32 v5, v10;
	v46 =	vld [tilespmem:s17+$0xFFFFFFC0];
	v42 =	vmul.f32 v42, v34;
	v55 =	vmul.f32 v32, v32;
	[tilespmem:s20+$0x10] =	vst v45  }
0xe0: {  	v62 =	vadd.f32 v32, v60;
	v48 =	vld [tilespmem:$0x3020];
	v57 =	vperm.xlane v51, v1;
	v50 =	vadd.f32 v54, v50  }
0xe1: {  	v42 =	vsub.f32 $1.500000000e+00, v42;
	v45 =	vld [tilespmem:s17+$0xFFFFFFD0];
	v53 =	vadd.f32 v55, v53;
	v60 =	vmul.f32 v37, v37  }
0xe2: {  	v63 =	vadd.f32 v37, v62;
	v56 =	vld [tilespmem:$0x30A0];
	v51 =	vadd.f32 v57, v51;
	v62 =	vperm.xlane v50, v1  }
0xe3: {  	v58 =	vmul.f32 v38, v38;
	v43 =	vmul.f32 v42, v34;
	v53 =	vadd.f32 v60, v53  }
0xe4: {  	v42 =	vld [tilespmem:s17+$0xFFFFFFE0];
	v61 =	vadd.f32 v38, v63;
	v59 =	vperm.xlane v51, v2;
	v50 =	vadd.f32 v62, v50  }
0xe5: {  	v60 =	vmul.f32 v46, v46;
	v53 =	vadd.f32 v58, v53;
	v23 =	vmul.f32 v23, v48  }
0xe6: {  	v63 =	vadd.f32 v46, v61;
	v51 =	vadd.f32 v59, v51;
	v61 =	vperm.xlane v50, v2  }
0xe7: {  	v34 =	vld [tilespmem:s17+$0xFFFFFFF0];
	v62 =	vmul.f32 v45, v45;
	v53 =	vadd.f32 v60, v53;
	v23 =	vadd.f32 v23, v56  }
0xe8: {  	v48 =	vadd.f32 v45, v63;
	v50 =	vadd.f32 v61, v50  }
0xe9: {  	v63 =	vmul.f32 v42, v42;
	v60 =	vperm.xlane v51, v3;
	v53 =	vadd.f32 v62, v53;
	[tilespmem:s20+$0x20] =	vst v23  }
0xea: {  	v20 =	vmul.f32 v16, v20;
	v23 =	vadd.f32 v42, v48;
	v48 =	vld [tilespmem:$0x3030];
	v62 =	vperm.xlane v50, v3  }
0xeb: {  	v47 =	vmul.f32 v43, v47;
	v51 =	vadd.f32 v60, v51;
	v53 =	vadd.f32 v63, v53  }
0xec: {  	v61 =	vmul.f32 v34, v34;
	v57 =	vld [tilespmem:$0x30B0];
	v56 =	vadd.f32 v34, v23;
	v63 =	vadd.f32 v62, v50  }
0xed: {  	v9 =	vsub.f32 v9, v10;
	[tilespmem:s19+$0x60] =	vst v52;
	v44 =	vmul.f32 v47, v44;
	v23 =	vmul.f32 $7.812500000e-03, v51  }
0xee: {  	v59 =	vld [tilespmem:$0x3070];
	v61 =	vadd.f32 v61, v53;
	v60 =	vperm.xlane v56, v0;
	v7 =	vmul.f32 $7.812500000e-03, v63  }
0xef: {  	v35 =	vsub.f32 v35, v31;
	v58 =	vld [tilespmem:$0x30A0];
	v62 =	vmul.f32 v23, v23;
	v20 =	vmul.f32 v20, v48  }
0xf0: {  	v41 =	vadd.f32 v44, v41;
	v53 =	vperm.xlane v61, v0;
	v63 =	vadd.f32 v60, v56  }
0xf1: {  	v4 =	vmul.f32 v18, v4;
	v7 =	vsub.f32 v7, v62;
	v18 =	vadd.f32 v20, v57  }
0xf2: {  	v26 =	vsub.f32 v26, v31;
	[tilespmem:s20+$0xFFFFFF80] =	vst v41;
	v55 =	vadd.f32 v53, v61;
	v54 =	vperm.xlane v63, v1  }
0xf3: {  	v8 =	vmul.f32 v16, v8;
	v4 =	vmul.f32 v59, v4;
	v48 =	vld [tilespmem:$0x3010];
	v7 =	vadd.f32 $9.999999970e-07, v7;
	[tilespmem:s20+$0x30] =	vst v18  }
0xf4: {  	v20 =	vadd.f32 v49, v58;
	v57 =	vperm.xlane v55, v1;
	v56 =	vadd.f32 v54, v63;
	v58 =	vld [tilespmem:$0x3040]  }
0xf5: {  	v59 =	vld [tilespmem:$0x3090];
	v18 =	vmul.f32 v43, v36;
	v60 =	vshra.s32 v7, $0x1;
	v7 =	vmul.f32 $5.000000000e-01, v7  }
0xf6: {  	[tilespmem:s19+$0xFFFFFFA0] =	vst v20;
	v41 =	vadd.f32 v57, v55;
	v61 =	vld [tilespmem:$0x30C0];
	v20 =	vperm.xlane v56, v2;
	v50 =	vsub.s32 $0x5F3759DF, v60  }
0xf7: {  	v6 =	vmul.f32 v16, v6;
	v52 =	vsub.f32 v25, v31;
	v25 =	vld [tilespmem:$0x3030];
	v62 =	vmul.f32 v50, v7  }
0xf8: {  	v63 =	vld [tilespmem:$0x30F0];
	v18 =	vmul.f32 v18, v48;
	v20 =	vadd.f32 v20, v56;
	v56 =	vperm.xlane v41, v2  }
0xf9: {  	v48 =	vsub.f32 v24, v31;
	v24 =	vld [tilespmem:$0x30B0];
	v31 =	vmul.f32 v50, v62;
	v8 =	vmul.f32 v8, v58  }
0xfa: {  	v18 =	vadd.f32 v18, v59;
	v57 =	vperm.xlane v20, v3;
	v36 =	vadd.f32 v56, v41  }
0xfb: {  	v58 =	vmul.f32 v43, v35;
	v31 =	vsub.f32 $1.500000000e+00, v31;
	v8 =	vadd.f32 v8, v61  }
0xfc: {  	v29 =	vmul.f32 v29, v25;
	[tilespmem:s20+$0xFFFFFF90] =	vst v18;
	v18 =	vadd.f32 v57, v20;
	v59 =	vperm.xlane v36, v3  }
0xfd: {  	v25 =	vadd.f32 v63, v4;
	v4 =	vld [tilespmem:$0x3020];
	v20 =	vmul.f32 v43, v39;
	v31 =	vmul.f32 v50, v31;
	[tilespmem:s20+$0x40] =	vst v8  }
0xfe: {  	v8 =	vadd.f32 v29, v24;
	v41 =	vmul.f32 $7.812500000e-03, v18;
	v24 =	vadd.f32 v59, v36;
	v60 =	vld [tilespmem:$0x3050]  }
0xff: {  	v33 =	vsub.f32 v33, v23;
	v61 =	vld [tilespmem:$0x30A0];
	v18 =	vmul.f32 v43, v40;
	v7 =	vmul.f32 v31, v7  }
0x100: {  	s18 =	simm.s32 $0x3480;
	[tilespmem:s19+$0xFFFFFFB0] =	vst v8;
	v62 =	vmul.f32 v41, v41;
	v8 =	vsub.f32 v27, v41;
	v24 =	vmul.f32 $7.812500000e-03, v24;
	v27 =	vld [tilespmem:$0x30D0]  }
0x101: {  	v44 =	vsub.f32 v32, v41;
	v40 =	vsub.f32 v37, v41;
	v32 =	vld [tilespmem:s18+$0x10];
	v7 =	vmul.f32 v7, v31  }
0x102: {  	v35 =	vld [tilespmem:s18+$0x0];
	v29 =	vmul.f32 v43, v26;
	v39 =	vsub.f32 v38, v41;
	v24 =	vsub.f32 v24, v62  }
0x103: {  	v53 =	vld [tilespmem:$0x3000];
	v38 =	vsub.f32 v46, v41;
	v7 =	vsub.f32 $1.500000000e+00, v7;
	v6 =	vmul.f32 v6, v60  }
0x104: {  	v54 =	vld [tilespmem:$0x3080];
	v4 =	vmul.f32 v58, v4;
	v37 =	vsub.f32 v45, v41;
	v24 =	vadd.f32 $9.999999970e-07, v24  }
0x105: {  	v31 =	vmul.f32 v7, v31;
	v7 =	vsub.f32 v30, v23;
	v6 =	vadd.f32 v6, v27;
	v27 =	vld [tilespmem:s18+$0x20]  }
0x106: {  	v26 =	vld [tilespmem:s18+$0x30];
	v36 =	vsub.f32 v42, v41;
	v51 =	vadd.f32 v4, v61;
	v30 =	vmul.f32 v32, v32  }
0x107: {  	v42 =	vld [tilespmem:s18+$0xFFFFFF80];
	v4 =	vshra.s32 v24, $0x1;
	[tilespmem:s20+$0x50] =	vst v6;
	v6 =	vmul.f32 v31, v7;
	v7 =	vadd.f32 $0.0e+00, v35  }
0x108: {  	v50 =	vld [tilespmem:$0x3040];
	v45 =	vmul.f32 $5.000000000e-01, v24;
	v46 =	vsub.s32 $0x5F3759DF, v4;
	v4 =	vmul.f32 v35, v35  }
0x109: {  	v28 =	vsub.f32 v28, v23;
	v24 =	vld [tilespmem:s18+$0x40];
	v63 =	vmul.f32 v6, v53;
	v7 =	vadd.f32 v32, v7  }
0x10a: {  	v60 =	vmul.f32 v46, v45;
	v47 =	vld [tilespmem:$0x3060];
	v4 =	vadd.f32 v30, v4;
	v61 =	vmul.f32 v27, v27  }
0x10b: {  	v30 =	vld [tilespmem:s18+$0x50];
	v62 =	vadd.f32 v63, v54;
	v63 =	vadd.f32 v27, v7  }
0x10c: {  	v55 =	vld [tilespmem:$0x30E0];
	v49 =	vmul.f32 v46, v60;
	v60 =	vmul.f32 v26, v26;
	v56 =	vadd.f32 v61, v4  }
0x10d: {  	v19 =	vsub.f32 v19, v23;
	v7 =	vld [tilespmem:s18+$0x60];
	v4 =	vmul.f32 v43, v48;
	[tilespmem:s17+$0x0] =	vst v62;
	v61 =	vadd.f32 v26, v63  }
0x10e: {  	v48 =	vsub.f32 $1.500000000e+00, v49;
	v63 =	vmul.f32 v24, v24;
	v49 =	vld [tilespmem:$0x3010];
	v62 =	vadd.f32 v60, v56  }
0x10f: {  	v33 =	vmul.f32 v31, v33;
	v60 =	vmul.f32 v16, v5;
	v5 =	vld [tilespmem:s18+$0x70];
	v61 =	vadd.f32 v24, v61  }
0x110: {  	v46 =	vmul.f32 v46, v48;
	v59 =	vld [tilespmem:$0x3090];
	v62 =	vadd.f32 v63, v62;
	v63 =	vmul.f32 v30, v30  }
0x111: {  	v6 =	vmul.f32 v43, v52;
	v43 =	vld [tilespmem:s18+$0xFFFFFF90];
	v47 =	vmul.f32 v47, v60;
	v60 =	vadd.f32 v30, v61  }
0x112: {  	v45 =	vmul.f32 v46, v45;
	v61 =	vmul.f32 v7, v7;
	v48 =	vadd.f32 v63, v62  }
0x113: {  	v55 =	vadd.f32 v55, v47;
	v47 =	vld [tilespmem:s18+$0xFFFFFFA0];
	v33 =	vmul.f32 v33, v49;
	v62 =	vadd.f32 v7, v60  }
0x114: {  	v63 =	vadd.f32 $0.0e+00, v42;
	v45 =	vmul.f32 v45, v46;
	v52 =	vadd.f32 v61, v48  }
0x115: {  	v60 =	vmul.f32 v5, v5;
	v48 =	vld [tilespmem:s18+$0xFFFFFFB0];
	v33 =	vadd.f32 v33, v59;
	v49 =	vadd.f32 v5, v62  }
0x116: {  	v58 =	vmul.f32 v21, v50;
	v28 =	vmul.f32 v31, v28;
	v61 =	vadd.f32 v43, v63  }
0x117: {  	v50 =	vld [tilespmem:s18+$0xFFFFFFC0];
	v21 =	vsub.f32 $1.500000000e+00, v45;
	[tilespmem:s17+$0x10] =	vst v33;
	v33 =	vadd.f32 v60, v52;
	v62 =	vperm.xlane v49, v0  }
0x118: {  	v56 =	vmul.f32 v42, v42;
	v57 =	vmul.f32 v43, v43;
	v45 =	vadd.f32 v47, v61;
	v59 =	vld [tilespmem:$0x3020]  }
0x119: {  	v21 =	vmul.f32 v21, v46;
	v46 =	vld [tilespmem:s18+$0xFFFFFFD0];
	v52 =	vadd.f32 v62, v49;
	v60 =	vperm.xlane v33, v0  }
0x11a: {  	v56 =	vadd.f32 v57, v56;
	v61 =	vmul.f32 v47, v47;
	v57 =	vld [tilespmem:$0x30A0];
	v45 =	vadd.f32 v48, v45  }
0x11b: {  	v19 =	vmul.f32 v31, v19;
	v49 =	vld [tilespmem:s18+$0xFFFFFFE0];
	v33 =	vadd.f32 v60, v33;
	v60 =	vperm.xlane v52, v1  }
0x11c: {  	v56 =	vadd.f32 v61, v56;
	v61 =	vmul.f32 v48, v48;
	v62 =	vadd.f32 v50, v45  }
0x11d: {  	v45 =	vld [tilespmem:s18+$0xFFFFFFF0];
	v28 =	vmul.f32 v28, v59;
	v52 =	vadd.f32 v60, v52;
	v59 =	vperm.xlane v33, v1  }
0x11e: {  	v56 =	vadd.f32 v61, v56;
	v60 =	vmul.f32 v50, v50;
	v61 =	vadd.f32 v46, v62  }
0x11f: {  	v28 =	vadd.f32 v28, v57;
	v57 =	vperm.xlane v52, v2;
	v33 =	vadd.f32 v59, v33  }
0x120: {  	v59 =	vmul.f32 v46, v46;
	v56 =	vadd.f32 v60, v56;
	v61 =	vadd.f32 v49, v61  }
0x121: {  	v8 =	vmul.f32 v21, v8;
	[tilespmem:s17+$0x20] =	vst v28;
	v28 =	vadd.f32 v57, v52;
	v63 =	vperm.xlane v33, v2  }
0x122: {  	v60 =	vmul.f32 v49, v49;
	v56 =	vadd.f32 v59, v56;
	v61 =	vadd.f32 v45, v61;
	v59 =	vld [tilespmem:$0x3030]  }
0x123: {  	v8 =	vmul.f32 v8, v53;
	v33 =	vadd.f32 v63, v33;
	v52 =	vperm.xlane v28, v3  }
0x124: {  	v57 =	vmul.f32 v45, v45;
	v53 =	vadd.f32 v60, v56;
	v56 =	vld [tilespmem:$0x30B0];
	v62 =	vperm.xlane v61, v0  }
0x125: {  	[tilespmem:s20+$0xFFFFFFA0] =	vst v51;
	v54 =	vadd.f32 v8, v54;
	v60 =	vld [tilespmem:$0x30C0];
	v28 =	vadd.f32 v52, v28;
	v52 =	vperm.xlane v33, v3  }
0x126: {  	v9 =	vmul.f32 v16, v9;
	v16 =	vld [tilespmem:$0x3030];
	v53 =	vadd.f32 v57, v53;
	v10 =	vadd.f32 v62, v61  }
0x127: {  	[tilespmem:s17+$0xFFFFFF80] =	vst v54;
	v19 =	vmul.f32 v19, v59;
	v8 =	vmul.f32 $7.812500000e-03, v28;
	v28 =	vadd.f32 v52, v33  }
0x128: {  	v17 =	vsub.f32 v17, v23;
	[tilespmem:s20+$0x60] =	vst v55;
	v54 =	vld [tilespmem:$0x3010];
	v61 =	vperm.xlane v53, v0;
	v63 =	vperm.xlane v10, v1  }
0x129: {  	v33 =	vld [tilespmem:$0x3070];
	v19 =	vadd.f32 v19, v56;
	v28 =	vmul.f32 $7.812500000e-03, v28;
	v62 =	vmul.f32 v8, v8  }
0x12a: {  	v17 =	vmul.f32 v31, v17;
	v51 =	vadd.f32 v58, v60;
	v58 =	vld [tilespmem:$0x30B0];
	v52 =	vadd.f32 v61, v53  }
0x12b: {  	v16 =	vmul.f32 v20, v16;
	v56 =	vld [tilespmem:$0x30F0];
	v10 =	vadd.f32 v63, v10;
	[tilespmem:s17+$0x30] =	vst v19;
	v19 =	vsub.f32 v28, v62  }
0x12c: {  	v28 =	vmul.f32 v21, v44;
	v60 =	vperm.xlane v52, v1;
	v61 =	vld [tilespmem:$0x3040]  }
0x12d: {  	v53 =	vsub.f32 v34, v41;
	v62 =	vld [tilespmem:$0x3090];
	v63 =	vperm.xlane v10, v2;
	v19 =	vadd.f32 $9.999999970e-07, v19  }
0x12e: {  	v9 =	vmul.f32 v33, v9;
	v28 =	vmul.f32 v28, v54;
	v52 =	vadd.f32 v60, v52;
	v54 =	vld [tilespmem:$0x30C0]  }
0x12f: {  	v10 =	vadd.f32 v63, v10;
	v57 =	vshra.s32 v19, $0x1;
	v19 =	vmul.f32 $5.000000000e-01, v19  }
0x130: {  	[tilespmem:s19+$0xFFFFFFC0] =	vst v51;
	v16 =	vadd.f32 v16, v58;
	v59 =	vperm.xlane v52, v2;
	v60 =	vsub.s32 $0x5F3759DF, v57  }
0x131: {  	v34 =	vadd.f32 v56, v9;
	v9 =	vld [tilespmem:$0x3050];
	v17 =	vmul.f32 v17, v61;
	v61 =	vmul.f32 v60, v19  }
0x132: {  	v28 =	vadd.f32 v28, v62;
	v62 =	vperm.xlane v10, v3;
	v44 =	vadd.f32 v59, v52  }
0x133: {  	v63 =	vld [tilespmem:$0x30D0];
	[tilespmem:s20+$0xFFFFFFB0] =	vst v16;
	v17 =	vadd.f32 v17, v54;
	v20 =	vmul.f32 v60, v61  }
0x134: {  	[tilespmem:s17+$0xFFFFFF90] =	vst v28;
	v10 =	vadd.f32 v62, v10;
	v28 =	vperm.xlane v44, v3  }
0x135: {  	v40 =	vmul.f32 v21, v40;
	v33 =	vmul.f32 v21, v39;
	v59 =	vld [tilespmem:$0x3040];
	[tilespmem:s17+$0x40] =	vst v17;
	v17 =	vsub.f32 $1.500000000e+00, v20  }
0x136: {  	v9 =	vmul.f32 v11, v9;
	v54 =	vmul.f32 $7.812500000e-03, v10;
	v10 =	vadd.f32 v28, v44;
	v11 =	vld [tilespmem:$0x3050]  }
0x137: {  	v13 =	vsub.f32 v13, v23;
	v39 =	vmul.f32 v21, v38;
	v57 =	vld [tilespmem:$0x3020];
	v17 =	vmul.f32 v60, v17  }
0x138: {  	v9 =	vadd.f32 v9, v63;
	v16 =	vmul.f32 v54, v54;
	v58 =	vld [tilespmem:$0x30D0];
	v10 =	vmul.f32 $7.812500000e-03, v10  }
0x139: {  	v20 =	vld [tilespmem:$0x30A0];
	v51 =	vsub.f32 v42, v54;
	v60 =	vmul.f32 v31, v13;
	v19 =	vmul.f32 v17, v19  }
0x13a: {  	v61 =	vld [tilespmem:$0x30C0];
	v42 =	vsub.f32 v43, v54;
	v41 =	vsub.f32 v48, v54;
	v18 =	vmul.f32 v18, v59  }
0x13b: {  	v52 =	vld [tilespmem:$0x3000];
	[tilespmem:s19+$0xFFFFFFD0] =	vst v9;
	v10 =	vsub.f32 v10, v16;
	v9 =	vmul.f32 v60, v11;
	v16 =	vmul.f32 v19, v17  }
0x13c: {  	v38 =	vsub.f32 v50, v54;
	v48 =	vld [tilespmem:$0x3080];
	v13 =	vmul.f32 v21, v37;
	v19 =	vmul.f32 v40, v57  }
0x13d: {  	s10 =	simm.s32 $0x3580;
	v43 =	vld [tilespmem:$0x3060];
	v11 =	vmul.f32 v21, v36;
	v62 =	vadd.f32 v9, v58;
	v16 =	vsub.f32 $1.500000000e+00, v16  }
0x13e: {  	v9 =	vmul.f32 v21, v53;
	v50 =	vadd.f32 v19, v20;
	v19 =	vadd.f32 $9.999999970e-07, v10;
	v21 =	vld [tilespmem:s10+$0x0]  }
0x13f: {  	v28 =	vsub.f32 v47, v54;
	v47 =	vadd.f32 v18, v61;
	v18 =	vld [tilespmem:s10+$0x30];
	v10 =	vmul.f32 v16, v17  }
0x140: {  	v20 =	vld [tilespmem:s10+$0x10];
	[tilespmem:s17+$0x50] =	vst v62;
	v16 =	vsub.f32 v35, v8;
	v17 =	vshra.s32 v19, $0x1;
	v44 =	vmul.f32 $5.000000000e-01, v19  }
0x141: {  	v15 =	vsub.f32 v15, v23;
	v36 =	vsub.f32 v46, v54;
	v46 =	vld [tilespmem:$0x3060];
	v17 =	vsub.s32 $0x5F3759DF, v17  }
0x142: {  	v22 =	vsub.f32 v22, v23;
	v19 =	vld [tilespmem:s10+$0x20];
	v16 =	vmul.f32 v10, v16;
	v63 =	vmul.f32 v17, v44  }
0x143: {  	v15 =	vmul.f32 v31, v15;
	v35 =	vsub.f32 v49, v54;
	v49 =	vld [tilespmem:$0x30E0];
	v53 =	vadd.f32 $0.0e+00, v21  }
0x144: {  	v37 =	vsub.f32 v45, v54;
	v57 =	vld [tilespmem:$0x30E0];
	v61 =	vmul.f32 v16, v52;
	v63 =	vmul.f32 v17, v63  }
0x145: {  	v40 =	vld [tilespmem:s10+$0xFFFFFF80];
	v60 =	vmul.f32 v21, v21;
	v62 =	vmul.f32 v20, v20;
	v53 =	vadd.f32 v20, v53  }
0x146: {  	v16 =	vld [tilespmem:s10+$0x40];
	v56 =	vadd.f32 v61, v48;
	v46 =	vmul.f32 v46, v15;
	v61 =	vsub.f32 $1.500000000e+00, v63  }
0x147: {  	v45 =	vadd.f32 v62, v60;
	v60 =	vmul.f32 v19, v19;
	v15 =	vld [tilespmem:s10+$0x50];
	v53 =	vadd.f32 v19, v53  }
0x148: {  	v14 =	vmul.f32 v43, v14;
	[tilespmem:s18+$0x0] =	vst v56;
	v46 =	vadd.f32 v49, v46;
	v43 =	vmul.f32 v17, v61;
	v17 =	vld [tilespmem:s10+$0x60]  }
0x149: {  	v62 =	vmul.f32 v18, v18;
	v45 =	vadd.f32 v60, v45;
	v55 =	vld [tilespmem:$0x3010];
	v53 =	vadd.f32 v18, v53  }
0x14a: {  	v22 =	vmul.f32 v31, v22;
	v32 =	vsub.f32 v32, v8;
	v27 =	vsub.f32 v27, v8;
	v54 =	vld [tilespmem:$0x3090];
	[tilespmem:s17+$0x60] =	vst v46  }
0x14b: {  	v45 =	vadd.f32 v62, v45;
	v63 =	vmul.f32 v16, v16;
	v56 =	vld [tilespmem:$0x3070];
	v53 =	vadd.f32 v16, v53  }
0x14c: {  	v60 =	vmul.f32 v10, v32;
	v49 =	vadd.f32 v57, v14;
	v14 =	vld [tilespmem:s10+$0x70];
	v44 =	vmul.f32 v43, v44  }
0x14d: {  	v32 =	vld [tilespmem:s10+$0xFFFFFF90];
	v23 =	vadd.f32 v63, v45;
	v61 =	vmul.f32 v15, v15;
	v62 =	vadd.f32 v15, v53  }
0x14e: {  	v58 =	vadd.f32 $0.0e+00, v40;
	v63 =	vmul.f32 v60, v55;
	v60 =	vmul.f32 v44, v43  }
0x14f: {  	v23 =	vadd.f32 v61, v23;
	v31 =	vmul.f32 v17, v17;
	v44 =	vld [tilespmem:s10+$0xFFFFFFA0];
	v61 =	vadd.f32 v17, v62  }
0x150: {  	v53 =	vadd.f32 v63, v54;
	v55 =	vsub.f32 $1.500000000e+00, v60;
	v56 =	vmul.f32 v56, v22  }
0x151: {  	v46 =	vld [tilespmem:s10+$0xFFFFFFB0];
	v22 =	vadd.f32 v31, v23;
	v23 =	vmul.f32 v14, v14;
	v31 =	vadd.f32 v14, v61  }
0x152: {  	v45 =	vld [tilespmem:s10+$0xFFFFFFC0];
	v57 =	vmul.f32 v32, v32;
	v54 =	vmul.f32 v40, v40;
	[tilespmem:s18+$0x10] =	vst v53;
	v53 =	vadd.f32 v32, v58  }
0x153: {  	v55 =	vmul.f32 v55, v43;
	v59 =	vadd.f32 v23, v22;
	v58 =	vld [tilespmem:$0x3020];
	v22 =	vperm.xlane v31, v0  }
0x154: {  	v43 =	vld [tilespmem:s10+$0xFFFFFFD0];
	v54 =	vadd.f32 v57, v54;
	v60 =	vmul.f32 v44, v44;
	v53 =	vadd.f32 v44, v53  }
0x155: {  	v27 =	vmul.f32 v10, v27;
	v61 =	vld [tilespmem:$0x30A0];
	v57 =	vperm.xlane v59, v0;
	v31 =	vadd.f32 v22, v31  }
0x156: {  	v62 =	vmul.f32 v46, v46;
	v54 =	vadd.f32 v60, v54;
	v53 =	vadd.f32 v46, v53  }
0x157: {  	v26 =	vsub.f32 v26, v8;
	v23 =	vld [tilespmem:s10+$0xFFFFFFE0];
	v57 =	vadd.f32 v57, v59;
	v59 =	vperm.xlane v31, v1  }
0x158: {  	v54 =	vadd.f32 v62, v54;
	v27 =	vmul.f32 v27, v58;
	v53 =	vadd.f32 v45, v53  }
0x159: {  	v22 =	vld [tilespmem:s10+$0xFFFFFFF0];
	v58 =	vmul.f32 v45, v45;
	v31 =	vadd.f32 v59, v31;
	v59 =	vperm.xlane v57, v1  }
0x15a: {  	v60 =	vmul.f32 v43, v43;
	v53 =	vadd.f32 v43, v53;
	v27 =	vadd.f32 v27, v61  }
0x15b: {  	v54 =	vadd.f32 v58, v54;
	v62 =	vperm.xlane v31, v2;
	v57 =	vadd.f32 v59, v57  }
0x15c: {  	v51 =	vmul.f32 v55, v51;
	v61 =	vmul.f32 v23, v23;
	v53 =	vadd.f32 v23, v53;
	[tilespmem:s18+$0x20] =	vst v27  }
0x15d: {  	v54 =	vadd.f32 v60, v54;
	v31 =	vadd.f32 v62, v31;
	v58 =	vperm.xlane v57, v2;
	v60 =	vld [tilespmem:$0x3030]  }
0x15e: {  	v51 =	vmul.f32 v51, v52;
	v27 =	vmul.f32 v22, v22;
	v53 =	vadd.f32 v22, v53  }
0x15f: {  	v52 =	vadd.f32 v61, v54;
	v54 =	vperm.xlane v31, v3;
	v57 =	vadd.f32 v58, v57;
	v58 =	vld [tilespmem:$0x30B0]  }
0x160: {  	v26 =	vmul.f32 v10, v26;
	v48 =	vadd.f32 v51, v48;
	v61 =	vperm.xlane v53, v0  }
0x161: {  	[tilespmem:s17+$0xFFFFFFA0] =	vst v50;
	v59 =	vld [tilespmem:$0x30F0];
	v50 =	vadd.f32 v27, v52;
	v27 =	vadd.f32 v54, v31;
	v31 =	vperm.xlane v57, v3  }
0x162: {  	v24 =	vsub.f32 v24, v8;
	[tilespmem:s18+$0xFFFFFF80] =	vst v48;
	v53 =	vadd.f32 v61, v53;
	v26 =	vmul.f32 v26, v60  }
0x163: {  	v63 =	vperm.xlane v50, v0;
	v60 =	vld [tilespmem:$0x3010];
	v27 =	vmul.f32 $7.812500000e-03, v27;
	v31 =	vadd.f32 v31, v57  }
0x164: {  	v24 =	vmul.f32 v10, v24;
	v62 =	vld [tilespmem:$0x3090];
	v61 =	vperm.xlane v53, v1;
	v26 =	vadd.f32 v26, v58  }
0x165: {  	v52 =	vld [tilespmem:$0x3030];
	v48 =	vadd.f32 v63, v50;
	v31 =	vmul.f32 $7.812500000e-03, v31;
	v63 =	vmul.f32 v27, v27  }
0x166: {  	v42 =	vmul.f32 v55, v42;
	v51 =	vadd.f32 v59, v56;
	v53 =	vadd.f32 v61, v53;
	[tilespmem:s18+$0x30] =	vst v26  }
0x167: {  	[tilespmem:s20+$0xFFFFFFC0] =	vst v47;
	v58 =	vmul.f32 v55, v28;
	v56 =	vperm.xlane v48, v1;
	v31 =	vsub.f32 v31, v63;
	v47 =	vld [tilespmem:$0x3040]  }
0x168: {  	v30 =	vsub.f32 v30, v8;
	v50 =	vld [tilespmem:$0x3050];
	v42 =	vmul.f32 v42, v60;
	v59 =	vperm.xlane v53, v2  }
0x169: {  	v28 =	vmul.f32 v55, v41;
	v41 =	vld [tilespmem:$0x30C0];
	v60 =	vadd.f32 v56, v48;
	v31 =	vadd.f32 $9.999999970e-07, v31  }
0x16a: {  	v33 =	vmul.f32 v33, v52;
	v48 =	vld [tilespmem:$0x30B0];
	v42 =	vadd.f32 v42, v62;
	v52 =	vadd.f32 v59, v53  }
0x16b: {  	v53 =	vld [tilespmem:$0x30D0];
	v61 =	vperm.xlane v60, v2;
	v62 =	vshra.s32 v31, $0x1;
	v57 =	vmul.f32 $5.000000000e-01, v31  }
0x16c: {  	[tilespmem:s19+$0xFFFFFFE0] =	vst v49;
	v63 =	vperm.xlane v52, v3;
	v56 =	vsub.s32 $0x5F3759DF, v62;
	v47 =	vmul.f32 v24, v47  }
0x16d: {  	v26 =	vmul.f32 v55, v38;
	v59 =	vld [tilespmem:$0x3070];
	v38 =	vadd.f32 v61, v60;
	v60 =	vmul.f32 v56, v57  }
0x16e: {  	v29 =	vmul.f32 v29, v50;
	v31 =	vld [tilespmem:$0x30F0];
	[tilespmem:s18+$0xFFFFFF90] =	vst v42;
	v61 =	vadd.f32 v63, v52;
	v41 =	vadd.f32 v47, v41  }
0x16f: {  	v33 =	vadd.f32 v33, v48;
	v47 =	vld [tilespmem:$0x3020];
	v62 =	vperm.xlane v38, v3;
	v63 =	vmul.f32 v56, v60  }
0x170: {  	v24 =	vmul.f32 v55, v36;
	v52 =	vld [tilespmem:$0x30A0];
	v29 =	vadd.f32 v29, v53;
	v36 =	vmul.f32 $7.812500000e-03, v61;
	[tilespmem:s18+$0x40] =	vst v41  }
0x171: {  	v35 =	vmul.f32 v55, v35;
	[tilespmem:s17+$0xFFFFFFB0] =	vst v33;
	v60 =	vadd.f32 v62, v38;
	v61 =	vsub.f32 $1.500000000e+00, v63;
	v42 =	vld [tilespmem:$0x3050]  }
0x172: {  	v38 =	vmul.f32 v55, v37;
	v49 =	vld [tilespmem:$0x3040];
	v62 =	vmul.f32 v36, v36;
	v37 =	vsub.f32 v40, v36  }
0x173: {  	v63 =	vmul.f32 $7.812500000e-03, v60;
	v33 =	vsub.f32 v32, v36;
	v60 =	vld [tilespmem:$0x30D0];
	v50 =	vmul.f32 v56, v61  }
0x174: {  	v48 =	vld [tilespmem:$0x30C0];
	[tilespmem:s20+$0xFFFFFFD0] =	vst v29;
	v32 =	vsub.f32 v44, v36;
	v47 =	vmul.f32 v58, v47;
	v61 =	vmul.f32 v10, v30  }
0x175: {  	[tilespmem:s19+$0x70] =	vst v25;
	v44 =	vld [tilespmem:$0x3060];
	v29 =	vsub.f32 v45, v36;
	v25 =	vsub.f32 v63, v62;
	v62 =	vmul.f32 v50, v57  }
0x176: {  	[tilespmem:s20+$0x70] =	vst v34;
	v41 =	vld [tilespmem:$0x30E0];
	v30 =	vsub.f32 v46, v36;
	v47 =	vadd.f32 v47, v52;
	v63 =	vmul.f32 v61, v42  }
0x177: {  	[tilespmem:s17+$0x70] =	vst v51;
	v40 =	vld [tilespmem:$0x3080];
	v45 =	vmul.f32 v39, v49;
	v46 =	vadd.f32 $9.999999970e-07, v25;
	v34 =	vmul.f32 v62, v50  }
0x178: {  	s12 =	simm.s32 $0x3680;
	s11 =	simm.s32 $0x8;
	v39 =	vmul.f32 v59, v12;
	v42 =	vld [tilespmem:$0x3000];
	v25 =	vsub.f32 v43, v36;
	[tilespmem:s18+$0xFFFFFFA0] =	vst v47;
	v43 =	vadd.f32 v63, v60  }
.LBB2_7:
0x179: {  	v47 =	vld [tilespmem:s12+$0x0];
	s11 =	sadd.s32 $0x2, s11;
	v49 =	vshra.s32 v46, $0x1;
	v46 =	vmul.f32 $5.000000000e-01, v46;
	v51 =	vsub.f32 $1.500000000e+00, v34;
	v12 =	vmovc v4;
	v4 =	vmovc v9  }
0x17a: {  	v34 =	vsub.f32 v23, v36;
	v23 =	vadd.f32 v45, v48;
	v9 =	vmovc v38;
	v52 =	vld [tilespmem:s12+$0x10];
	p1 =	slt.u32 s11, $0x7E;
	v49 =	vsub.s32 $0x5F3759DF, v49;
	[tilespmem:s18+$0x50] =	vst v43  }
0x17b: {  	v54 =	vsub.f32 v21, v27;
	v43 =	vmul.f32 v49, v46;
	v45 =	vmul.f32 v51, v50;
	v48 =	vld [tilespmem:$0x3060]  }
0x17c: {  	v38 =	vsub.f32 v22, v36;
	v22 =	vsub.f32 v7, v8;
	v50 =	vld [tilespmem:s12+$0x20];
	[tilespmem:s17+$0xFFFFFFC0] =	vst v23;
	v23 =	vmul.f32 v44, v6  }
0x17d: {  	v7 =	vmovc v17;
	v31 =	vadd.f32 v31, v39;
	v43 =	vmul.f32 v49, v43;
	v44 =	vmul.f32 v45, v54;
	v51 =	vld [tilespmem:$0x30E0]  }
0x17e: {  	v22 =	vmul.f32 v10, v22;
	v6 =	vmovc v11;
	v17 =	vadd.f32 $0.0e+00, v47;
	v53 =	vmul.f32 v47, v47;
	v36 =	vld [tilespmem:s12+$0x30];
	v21 =	vmovc v47  }
0x17f: {  	v11 =	vmovc v35;
	v39 =	vld [tilespmem:s12+$0xFFFFFF80];
	v47 =	vmul.f32 v52, v52;
	v43 =	vsub.f32 $1.500000000e+00, v43;
	v44 =	vmul.f32 v44, v42;
	[tilespmem:s19+$0xFFFFFFF0] =	vst v31;
	s19 =	smov.u32 s20;
	s20 =	smov.u32 s17;
	s17 =	smov.u32 s18  }
0x180: {  	v23 =	vadd.f32 v41, v23;
	s18 =	smov.u32 s10;
	s10 =	smov.u32 s12;
	v17 =	vadd.f32 v52, v17;
	v35 =	vld [tilespmem:s12+$0x40];
	v22 =	vmul.f32 v48, v22  }
0x181: {  	v31 =	vadd.f32 v47, v53;
	v47 =	vmul.f32 v50, v50;
	v48 =	vld [tilespmem:s12+$0x70];
	v44 =	vadd.f32 v44, v40  }
0x182: {  	v49 =	vmul.f32 v49, v43;
	v53 =	vadd.f32 v50, v17;
	v41 =	vld [tilespmem:s12+$0x50];
	v22 =	vadd.f32 v51, v22;
	[tilespmem:s19+$0xFFFFFFE0] =	vst v23  }
0x183: {  	v23 =	vadd.f32 v47, v31;
	v31 =	vmul.f32 v36, v36;
	v17 =	vld [tilespmem:s12+$0x60];
	[tilespmem:s18+$0x0] =	vst v44  }
0x184: {  	v51 =	vadd.f32 $0.0e+00, v39;
	v54 =	vmul.f32 v39, v39;
	v43 =	vadd.f32 v36, v53;
	v47 =	vld [tilespmem:$0x3010];
	[tilespmem:s17+$0x60] =	vst v22  }
0x185: {  	v22 =	vadd.f32 v31, v23;
	v23 =	vmul.f32 v35, v35;
	v31 =	vsub.f32 v20, v27;
	v53 =	vld [tilespmem:$0x3070];
	v20 =	vmovc v52  }
0x186: {  	v58 =	vsub.f32 v5, v8;
	v5 =	vmovc v14;
	v46 =	vmul.f32 v49, v46;
	v43 =	vadd.f32 v35, v43;
	v52 =	vld [tilespmem:$0x3090]  }
0x187: {  	v14 =	vmovc v48;
	v22 =	vadd.f32 v23, v22;
	v23 =	vmul.f32 v41, v41;
	v31 =	vmul.f32 v45, v31;
	v55 =	vld [tilespmem:$0x30F0]  }
0x188: {  	v57 =	vmul.f32 v10, v58;
	v10 =	vmovc v45;
	v56 =	vmul.f32 v46, v49;
	v44 =	vld [tilespmem:s12+$0xFFFFFF90];
	v43 =	vadd.f32 v41, v43  }
0x189: {  	v8 =	vmovc v27;
	v45 =	vld [tilespmem:s12+$0xFFFFFFA0];
	v22 =	vadd.f32 v23, v22;
	v23 =	vmul.f32 v17, v17;
	v31 =	vmul.f32 v31, v47  }
0x18a: {  	v56 =	vsub.f32 $1.500000000e+00, v56;
	v46 =	vld [tilespmem:s12+$0xFFFFFFB0];
	v27 =	vadd.f32 v17, v43;
	v53 =	vmul.f32 v53, v57  }
0x18b: {  	v47 =	vld [tilespmem:s12+$0xFFFFFFC0];
	v22 =	vadd.f32 v23, v22;
	v31 =	vadd.f32 v31, v52  }
0x18c: {  	v52 =	vmul.f32 v48, v14;
	v43 =	vld [tilespmem:s12+$0xFFFFFFD0];
	v27 =	vadd.f32 v14, v27;
	v53 =	vadd.f32 v55, v53  }
0x18d: {  	v48 =	vmul.f32 v56, v49;
	v51 =	vadd.f32 v44, v51;
	v55 =	vmul.f32 v44, v44;
	v23 =	vld [tilespmem:s12+$0xFFFFFFE0];
	[tilespmem:s18+$0x10] =	vst v31  }
0x18e: {  	v49 =	vadd.f32 v52, v22;
	v31 =	vmul.f32 v45, v45;
	v52 =	vperm.xlane v27, v0;
	v56 =	vld [tilespmem:$0x3020];
	[tilespmem:s17+$0x70] =	vst v53  }
0x18f: {  	v57 =	vsub.f32 v19, v8;
	v19 =	vmovc v50;
	v51 =	vadd.f32 v45, v51;
	v53 =	vmul.f32 v46, v46;
	v22 =	vld [tilespmem:s12+$0xFFFFFFF0]  }
0x190: {  	v50 =	vadd.f32 v55, v54;
	v27 =	vadd.f32 v52, v27;
	v52 =	vperm.xlane v49, v0;
	v54 =	vld [tilespmem:$0x30A0]  }
0x191: {  	v57 =	vmul.f32 v10, v57;
	v55 =	vmul.f32 v47, v47;
	v51 =	vadd.f32 v46, v51;
	v58 =	vld [tilespmem:$0x3030]  }
0x192: {  	v31 =	vadd.f32 v31, v50;
	v50 =	vperm.xlane v27, v1;
	v52 =	vadd.f32 v52, v49;
	v59 =	vld [tilespmem:$0x30B0]  }
0x193: {  	v49 =	vadd.f32 v47, v51;
	v51 =	vmul.f32 v43, v43;
	v56 =	vmul.f32 v57, v56;
	v57 =	vld [tilespmem:$0x3050]  }
0x194: {  	v31 =	vadd.f32 v53, v31;
	v27 =	vadd.f32 v50, v27;
	v50 =	vperm.xlane v52, v1;
	v53 =	vld [tilespmem:$0x30D0]  }
0x195: {  	v61 =	vmul.f32 v23, v23;
	v60 =	vadd.f32 v43, v49;
	v54 =	vadd.f32 v56, v54;
	v49 =	vld [tilespmem:$0x3070]  }
0x196: {  	v55 =	vadd.f32 v55, v31;
	v56 =	vperm.xlane v27, v2;
	v50 =	vadd.f32 v50, v52;
	v31 =	vld [tilespmem:$0x30F0]  }
0x197: {  	v37 =	vmul.f32 v48, v37;
	v52 =	vadd.f32 v23, v60;
	v60 =	vmul.f32 v22, v22;
	[tilespmem:s18+$0x20] =	vst v54  }
0x198: {  	v51 =	vadd.f32 v51, v55;
	v27 =	vadd.f32 v56, v27;
	v54 =	vperm.xlane v50, v2;
	v55 =	vld [tilespmem:$0x3030]  }
0x199: {  	v37 =	vmul.f32 v37, v42;
	v42 =	vsub.f32 v18, v8;
	v18 =	vmovc v36;
	v52 =	vadd.f32 v22, v52  }
0x19a: {  	v36 =	vadd.f32 v61, v51;
	v51 =	vperm.xlane v27, v3;
	v50 =	vadd.f32 v54, v50;
	v54 =	vld [tilespmem:$0x30B0]  }
0x19b: {  	v37 =	vadd.f32 v37, v40;
	v40 =	vmul.f32 v10, v42;
	v56 =	vperm.xlane v52, v0  }
0x19c: {  	v36 =	vadd.f32 v60, v36;
	v27 =	vadd.f32 v51, v27;
	v42 =	vperm.xlane v50, v3  }
0x19d: {  	v33 =	vmul.f32 v48, v33;
	v51 =	vadd.f32 v56, v52;
	[tilespmem:s18+$0xFFFFFF80] =	vst v37;
	v37 =	vmul.f32 v40, v55  }
0x19e: {  	v40 =	vperm.xlane v36, v0;
	v27 =	vmul.f32 $7.812500000e-03, v27;
	v42 =	vadd.f32 v42, v50;
	v50 =	vld [tilespmem:$0x3010]  }
0x19f: {  	v56 =	vmul.f32 v48, v32;
	v52 =	vperm.xlane v51, v1;
	v55 =	vld [tilespmem:$0x3090];
	v32 =	vadd.f32 v37, v54  }
0x1a0: {  	v36 =	vadd.f32 v40, v36;
	v37 =	vmul.f32 $7.812500000e-03, v42;
	v40 =	vmul.f32 v27, v27  }
0x1a1: {  	v42 =	vadd.f32 v52, v51;
	[tilespmem:s18+$0x30] =	vst v32;
	v32 =	vmul.f32 v28, v58;
	v28 =	vmul.f32 v48, v30  }
0x1a2: {  	v30 =	vperm.xlane v36, v1;
	v51 =	vmul.f32 v48, v29;
	v37 =	vsub.f32 v37, v40;
	v29 =	vld [tilespmem:$0x3040]  }
0x1a3: {  	v40 =	vperm.xlane v42, v2;
	v33 =	vmul.f32 v33, v50;
	v50 =	vsub.f32 v16, v8;
	v16 =	vmovc v35  }
0x1a4: {  	v25 =	vmul.f32 v48, v25;
	v30 =	vadd.f32 v30, v36;
	v35 =	vadd.f32 $9.999999970e-07, v37;
	v36 =	vld [tilespmem:$0x30C0]  }
0x1a5: {  	v37 =	vadd.f32 v40, v42;
	v33 =	vadd.f32 v33, v55;
	v40 =	vmul.f32 v10, v50  }
0x1a6: {  	v42 =	vperm.xlane v30, v2;
	v50 =	vshra.s32 v35, $0x1;
	v52 =	vmul.f32 $5.000000000e-01, v35  }
0x1a7: {  	v35 =	vperm.xlane v37, v3;
	v50 =	vsub.s32 $0x5F3759DF, v50;
	[tilespmem:s18+$0xFFFFFF90] =	vst v33;
	v29 =	vmul.f32 v40, v29  }
0x1a8: {  	v32 =	vadd.f32 v32, v59;
	v30 =	vadd.f32 v42, v30;
	v33 =	vmul.f32 v50, v52;
	v40 =	vld [tilespmem:$0x3020]  }
0x1a9: {  	v35 =	vadd.f32 v35, v37;
	v42 =	vld [tilespmem:$0x30A0];
	v29 =	vadd.f32 v29, v36;
	v37 =	vmul.f32 v13, v57;
	v13 =	vmovc v24  }
0x1aa: {  	v54 =	vperm.xlane v30, v3;
	v24 =	vmov v25;
	v33 =	vmul.f32 v50, v33;
	[tilespmem:s17+$0xFFFFFFB0] =	vst v32  }
0x1ab: {  	v36 =	vmul.f32 $7.812500000e-03, v35;
	v35 =	vmul.f32 v48, v34;
	[tilespmem:s18+$0x40] =	vst v29;
	v25 =	vld [tilespmem:$0x3040];
	v29 =	vadd.f32 v37, v53  }
0x1ac: {  	v38 =	vmul.f32 v48, v38;
	v30 =	vadd.f32 v54, v30;
	v32 =	vsub.f32 $1.500000000e+00, v33;
	v34 =	vld [tilespmem:$0x3050]  }
0x1ad: {  	v53 =	vmul.f32 v36, v36;
	v37 =	vsub.f32 v39, v36;
	v39 =	vsub.f32 v15, v8;
	v48 =	vld [tilespmem:$0x30C0];
	[tilespmem:s20+$0xFFFFFFD0] =	vst v29  }
0x1ae: {  	v29 =	vmul.f32 $7.812500000e-03, v30;
	v33 =	vsub.f32 v44, v36;
	v15 =	vmovc v41;
	v50 =	vmul.f32 v50, v32;
	v54 =	vld [tilespmem:$0x30D0]  }
.Ltmp4:
0x1af: {  	v40 =	vmul.f32 v56, v40;
	v32 =	vsub.f32 v45, v36;
	v39 =	vmul.f32 v10, v39;
	v44 =	vld [tilespmem:$0x3060];
	(pc) =	sbr.rel @p1 .LBB2_7-.Ltmp4, $4  }
0x1b0: {  	v30 =	vsub.f32 v46, v36;
	v45 =	vsub.f32 v29, v53;
	v52 =	vmul.f32 v50, v52;
	v41 =	vld [tilespmem:$0x30E0]  }
0x1b1: {  	v29 =	vsub.f32 v47, v36;
	v47 =	vadd.f32 v40, v42;
	v39 =	vmul.f32 v39, v34  }
0x1b2: {  	v46 =	vadd.f32 $9.999999970e-07, v45;
	v45 =	vmul.f32 v26, v25;
	v26 =	vmovc v51;
	v40 =	vld [tilespmem:$0x3080];
	v34 =	vmul.f32 v52, v50  }
0x1b3: {  	s12 =	sadd.s32 $0x100, s12;
	v25 =	vsub.f32 v43, v36;
	v42 =	vld [tilespmem:$0x3000];
	[tilespmem:s18+$0xFFFFFFA0] =	vst v47;
	v43 =	vadd.f32 v39, v54;
	v39 =	vmul.f32 v49, v12  }
0x1b4: {  	v12 =	vshra.s32 v46, $0x1;
	v60 =	vmul.f32 $5.000000000e-01, v46  }
0x1b5: {  	v12 =	vsub.s32 $0x5F3759DF, v12  }
0x1b6: {  	v47 =	vmul.f32 v12, v60;
	_ =	sdelay $0x1  }
0x1b7: {  	v47 =	vmul.f32 v12, v47;
	_ =	sdelay $0x1  }
0x1b8: {  	v47 =	vsub.f32 $1.500000000e+00, v47;
	_ =	sdelay $0x1  }
0x1b9: {  	v12 =	vmul.f32 v12, v47  }
0x1ba: {  	v34 =	vsub.f32 $1.500000000e+00, v34  }
0x1bb: {  	v46 =	vmul.f32 v12, v60  }
0x1bc: {  	v21 =	vsub.f32 v21, v27;
	v34 =	vmul.f32 v34, v50  }
0x1bd: {  	v46 =	vmul.f32 v46, v12  }
0x1be: {  	v21 =	vmul.f32 v34, v21  }
0x1bf: {  	v46 =	vsub.f32 $1.500000000e+00, v46  }
0x1c0: {  	v21 =	vmul.f32 v21, v42  }
0x1c1: {  	v12 =	vmul.f32 v46, v12  }
0x1c2: {  	v21 =	vadd.f32 v21, v40  }
0x1c3: {  	v37 =	vmul.f32 v12, v37  }
0x1c4: {  	[tilespmem:s10+$0x0] =	vst v21  }
0x1c5: {  	v21 =	vld [tilespmem:$0x3010];
	v37 =	vmul.f32 v37, v42  }
0x1c6: {  	v20 =	vsub.f32 v20, v27  }
0x1c7: {  	v61 =	vld [tilespmem:$0x3090];
	v37 =	vadd.f32 v37, v40  }
0x1c8: {  	v20 =	vmul.f32 v34, v20  }
0x1c9: {  	[tilespmem:s10+$0xFFFFFF80] =	vst v37  }
0x1ca: {  	v20 =	vmul.f32 v20, v21;
	v21 =	vld [tilespmem:$0x3010];
	_ =	sdelay $0x1  }
0x1cb: {  	v20 =	vadd.f32 v20, v61;
	v37 =	vld [tilespmem:$0x3090]  }
0x1cc: {  	v33 =	vmul.f32 v12, v33  }
0x1cd: {  	[tilespmem:s10+$0x10] =	vst v20  }
0x1ce: {  	v20 =	vld [tilespmem:$0x3020];
	v21 =	vmul.f32 v33, v21  }
0x1cf: {  	v19 =	vsub.f32 v19, v27  }
0x1d0: {  	v62 =	vld [tilespmem:$0x30A0];
	v21 =	vadd.f32 v21, v37  }
0x1d1: {  	v19 =	vmul.f32 v34, v19  }
0x1d2: {  	[tilespmem:s10+$0xFFFFFF90] =	vst v21  }
0x1d3: {  	v19 =	vmul.f32 v19, v20;
	v20 =	vld [tilespmem:$0x3020];
	_ =	sdelay $0x1  }
0x1d4: {  	v19 =	vadd.f32 v19, v62;
	v21 =	vld [tilespmem:$0x30A0]  }
0x1d5: {  	v32 =	vmul.f32 v12, v32  }
0x1d6: {  	[tilespmem:s10+$0x20] =	vst v19  }
0x1d7: {  	v19 =	vld [tilespmem:$0x3030];
	v20 =	vmul.f32 v32, v20  }
0x1d8: {  	v18 =	vsub.f32 v18, v27  }
0x1d9: {  	v63 =	vld [tilespmem:$0x30B0];
	v20 =	vadd.f32 v20, v21  }
0x1da: {  	v18 =	vmul.f32 v34, v18  }
0x1db: {  	v21 =	vld [tilespmem:$0x3030];
	[tilespmem:s10+$0xFFFFFFA0] =	vst v20  }
0x1dc: {  	v18 =	vmul.f32 v18, v19;
	v19 =	vld [tilespmem:$0x3030]  }
0x1dd: {  	v20 =	vld [tilespmem:$0x30B0]  }
0x1de: {  	v18 =	vadd.f32 v18, v63;
	v37 =	vld [tilespmem:$0x30B0]  }
0x1df: {  	v30 =	vmul.f32 v12, v30  }
0x1e0: {  	[tilespmem:s10+$0x30] =	vst v18;
	v18 =	vmul.f32 v28, v21  }
0x1e1: {  	v21 =	vld [tilespmem:$0x3040];
	v19 =	vmul.f32 v30, v19  }
0x1e2: {  	v16 =	vsub.f32 v16, v27;
	v18 =	vadd.f32 v18, v20  }
0x1e3: {  	v20 =	vld [tilespmem:$0x30C0];
	v19 =	vadd.f32 v19, v37  }
0x1e4: {  	v16 =	vmul.f32 v34, v16;
	[tilespmem:s18+$0xFFFFFFB0] =	vst v18  }
0x1e5: {  	v18 =	vld [tilespmem:$0x3040];
	[tilespmem:s10+$0xFFFFFFB0] =	vst v19  }
0x1e6: {  	v16 =	vmul.f32 v16, v21;
	v19 =	vld [tilespmem:$0x3040]  }
0x1e7: {  	v21 =	vld [tilespmem:$0x30C0]  }
0x1e8: {  	[tilespmem:s18+$0x50] =	vst v43;
	v16 =	vadd.f32 v16, v20;
	v20 =	vld [tilespmem:$0x30C0]  }
0x1e9: {  	v29 =	vmul.f32 v12, v29;
	v28 =	vadd.f32 v45, v48;
	v30 =	vld [tilespmem:$0x3060]  }
0x1ea: {  	v7 =	vsub.f32 v7, v8;
	v40 =	vld [tilespmem:$0x30E0];
	[tilespmem:s10+$0x40] =	vst v16;
	v16 =	vmul.f32 v26, v18  }
0x1eb: {  	[tilespmem:s17+$0xFFFFFFC0] =	vst v28;
	v18 =	vld [tilespmem:$0x3050];
	v19 =	vmul.f32 v29, v19  }
0x1ec: {  	v15 =	vsub.f32 v15, v27;
	v7 =	vmul.f32 v10, v7;
	v26 =	vld [tilespmem:$0x3050];
	v16 =	vadd.f32 v16, v21  }
0x1ed: {  	v21 =	vld [tilespmem:$0x30D0];
	v19 =	vadd.f32 v19, v20  }
0x1ee: {  	v15 =	vmul.f32 v34, v15;
	v7 =	vmul.f32 v30, v7;
	[tilespmem:s18+$0xFFFFFFC0] =	vst v16;
	v20 =	vld [tilespmem:$0x30D0]  }
0x1ef: {  	v16 =	vld [tilespmem:$0x3050];
	[tilespmem:s10+$0xFFFFFFC0] =	vst v19  }
0x1f0: {  	v7 =	vadd.f32 v40, v7;
	v15 =	vmul.f32 v15, v18;
	v18 =	vld [tilespmem:$0x3050]  }
0x1f1: {  	v13 =	vmul.f32 v13, v26;
	v19 =	vld [tilespmem:$0x30D0]  }
0x1f2: {  	[tilespmem:s18+$0x60] =	vst v7;
	v7 =	vadd.f32 v15, v21;
	v15 =	vld [tilespmem:$0x30D0]  }
0x1f3: {  	v25 =	vmul.f32 v12, v25;
	v21 =	vld [tilespmem:$0x3070];
	v13 =	vadd.f32 v13, v20  }
0x1f4: {  	[tilespmem:s10+$0x50] =	vst v7;
	v20 =	vld [tilespmem:$0x30F0];
	v7 =	vmul.f32 v24, v16  }
0x1f5: {  	[tilespmem:s17+$0xFFFFFFD0] =	vst v13;
	v13 =	vld [tilespmem:$0x3060];
	v16 =	vmul.f32 v25, v18  }
0x1f6: {  	v17 =	vsub.f32 v17, v27;
	v7 =	vadd.f32 v7, v19;
	v19 =	vld [tilespmem:$0x30E0]  }
0x1f7: {  	v18 =	vld [tilespmem:$0x3060];
	v15 =	vadd.f32 v16, v15  }
0x1f8: {  	v6 =	vmul.f32 v44, v6;
	v17 =	vmul.f32 v34, v17;
	[tilespmem:s18+$0xFFFFFFD0] =	vst v7;
	v16 =	vld [tilespmem:$0x30E0]  }
0x1f9: {  	v7 =	vld [tilespmem:$0x3060];
	[tilespmem:s10+$0xFFFFFFD0] =	vst v15  }
0x1fa: {  	v6 =	vadd.f32 v41, v6;
	v13 =	vmul.f32 v13, v17;
	v15 =	vld [tilespmem:$0x3060]  }
0x1fb: {  	v17 =	vsub.f32 v23, v36;
	v23 =	vld [tilespmem:$0x30E0]  }
0x1fc: {  	[tilespmem:s20+$0xFFFFFFE0] =	vst v6;
	v6 =	vmul.f32 v18, v11;
	v11 =	vadd.f32 v19, v13;
	v13 =	vld [tilespmem:$0x30E0]  }
0x1fd: {  	v18 =	vld [tilespmem:$0x3070];
	v17 =	vmul.f32 v12, v17  }
0x1fe: {  	v19 =	vld [tilespmem:$0x30F0];
	v6 =	vadd.f32 v16, v6;
	v7 =	vmul.f32 v7, v35;
	[tilespmem:s10+$0x60] =	vst v11  }
0x1ff: {  	v5 =	vsub.f32 v5, v8;
	v11 =	vld [tilespmem:$0x3070];
	v15 =	vmul.f32 v15, v17  }
0x200: {  	[tilespmem:s17+$0xFFFFFFE0] =	vst v6;
	v6 =	vld [tilespmem:$0x30F0];
	v7 =	vadd.f32 v23, v7  }
0x201: {  	v5 =	vmul.f32 v10, v5;
	v8 =	vld [tilespmem:$0x3070];
	v13 =	vadd.f32 v13, v15  }
0x202: {  	v10 =	vsub.f32 v14, v27;
	v14 =	vld [tilespmem:$0x30F0];
	[tilespmem:s18+$0xFFFFFFE0] =	vst v7  }
0x203: {  	v5 =	vmul.f32 v21, v5;
	v7 =	vld [tilespmem:$0x3070];
	[tilespmem:s10+$0xFFFFFFE0] =	vst v13  }
0x204: {  	v10 =	vmul.f32 v34, v10;
	v13 =	vld [tilespmem:$0x3070]  }
0x205: {  	v5 =	vadd.f32 v20, v5;
	v4 =	vmul.f32 v18, v4;
	v15 =	vsub.f32 v22, v36;
	v17 =	vld [tilespmem:$0x30F0]  }
0x206: {  	v16 =	vadd.f32 v31, v39;
	v10 =	vmul.f32 v11, v10;
	v11 =	vld [tilespmem:$0x30F0]  }
0x207: {  	[tilespmem:s18+$0x70] =	vst v5;
	v4 =	vadd.f32 v19, v4;
	v12 =	vmul.f32 v12, v15;
	v8 =	vmul.f32 v8, v9  }
0x208: {  	[tilespmem:s19+$0xFFFFFFF0] =	vst v16;
	v5 =	vadd.f32 v6, v10;
	v6 =	vmul.f32 v7, v38  }
0x209: {  	s11 =	smul.u32 $0x180, s7;
	[tilespmem:s20+$0xFFFFFFF0] =	vst v4;
	v4 =	vadd.f32 v14, v8;
	v7 =	vmul.f32 v13, v12  }
0x20a: {  	[tilespmem:s10+$0x70] =	vst v5;
	v5 =	vadd.f32 v17, v6  }
0x20b: {  	s11 =	sadd.s32 s9, s11;
	[tilespmem:s17+$0xFFFFFFF0] =	vst v4;
	v4 =	vadd.f32 v11, v7  }
0x20c: {  	p1 =	seq.s32 s7, $0xA;
	s11 =	sshll.u32 s11, $0x4;
	[tilespmem:s18+$0xFFFFFFF0] =	vst v5  }
0x20d: {  	s20 =	sadd.s32 s4, s11;
	[tilespmem:s10+$0xFFFFFFF0] =	vst v4;
	s10 =	simm.s32 @!p1 $0x1  }
0x20e: {  	[hbm4b:s20+s8] =	stream.linear.scatter [tilespmem:s24], [sflag:$0x1], $0x4000, $0x38;
	[tilespmem:$0x12290] =	vst v63  }
0x20f: {  	_ =	swait.ge @!p1 [sflag:s10], $0x4000  }
0x210: {  	s3 =	sadd.s32 $0x3, s3;
	[sflag:s10] =	ssyncset.done @!p1 $0x0  }
0x211: {  	[sflag:s10] =	ssyncadd.s32 @!p1 $0xFFFFC000;
	s10 =	sshll.u32 @!p1 s3, $0x7  }
0x212: {  	s12 =	simm.s32 @!p1 $0x3100;
	s11 =	simm.s32 @!p1 $0x80;
	s10 =	sand.u32 @!p1 $0x3FFFFF80, s10  }
0x213: {  	[tilespmem:s12], [sflag:$0x1] =	stream.indirect.gather @!p1 [hbm4b:s0+s11], $0x80, s10, s11, $0xb8;
	[tilespmem:$0x12290] =	vst v63  }
0x214: {  	s10 =	simm.s32 @!p1 $0x3  }
0x215: {  	_ =	swait.ge @!p1 [sflag:s10], $0x4000  }
0x216: {  	s12 =	sshll.u32 @!p1 s1, $0x7;
	[sflag:s10] =	ssyncset.done @!p1 $0x0  }
0x217: {  	s17 =	simm.s32 @!p1 $0xB100;
	[sflag:s10] =	ssyncadd.s32 @!p1 $0xFFFFC000;
	s10 =	sadd.s32 @!p1 $0x1000, s12  }
0x218: {  	[tilespmem:s17], [sflag:$0x3] =	stream.indirect.gather.add.f32 @!p1 [spmem:s5], $0x80, s10, s11, $0xb8;
	[tilespmem:$0x12290] =	vst v63  }
0x219: {  	s10 =	sadd.s32 @!p1 $0x2000, s12  }
0x21a: {  	[tilespmem:s17], [sflag:$0x3] =	stream.indirect.gather.add.f32 @!p1 [spmem:s6], $0x80, s10, s11, $0xb8;
	[tilespmem:$0x12290] =	vst v63  }
0x21b: {  	_ =	swait.ge [sflag:s29], $0x4000  }
0x21c: {  	[sflag:s29] =	ssyncset.done $0x0  }
0x21d: {  	[sflag:s29] =	ssyncadd.s32 $0xFFFFC000  }
0x21e: {  	_ =	swait.ge [sflag:s29], $0x4000  }
0x21f: {  	[sflag:s29] =	ssyncset.done $0x0  }
0x220: {  	s19 =	simm.s32 $0x7180;
	[sflag:s29] =	ssyncadd.s32 $0xFFFFC000  }
0x221: {  	v5 =	vld [tilespmem:s19+$0x0];
	_ =	sdelay $0x1  }
0x222: {  	v25 =	vld [tilespmem:s19+$0x10];
	_ =	sdelay $0x1  }
0x223: {  	v24 =	vld [tilespmem:s19+$0x20]  }
0x224: {  	v4 =	vadd.f32 $0.0e+00, v5  }
0x225: {  	v10 =	vld [tilespmem:s19+$0x30]  }
0x226: {  	v6 =	vmul.f32 v5, v5;
	v7 =	vmul.f32 v25, v25;
	v4 =	vadd.f32 v25, v4  }
0x227: {  	v12 =	vld [tilespmem:s19+$0x40]  }
0x228: {  	v6 =	vadd.f32 v7, v6;
	v7 =	vmul.f32 v24, v24;
	v4 =	vadd.f32 v24, v4  }
0x229: {  	v11 =	vld [tilespmem:s19+$0x50]  }
0x22a: {  	v6 =	vadd.f32 v7, v6;
	v7 =	vmul.f32 v10, v10;
	v4 =	vadd.f32 v10, v4  }
0x22b: {  	v15 =	vld [tilespmem:s19+$0x60]  }
0x22c: {  	v6 =	vadd.f32 v7, v6;
	v7 =	vmul.f32 v12, v12;
	v8 =	vadd.f32 v12, v4  }
0x22d: {  	v4 =	vld [tilespmem:s19+$0x70]  }
0x22e: {  	v6 =	vadd.f32 v7, v6;
	v7 =	vmul.f32 v11, v11;
	v8 =	vadd.f32 v11, v8;
	_ =	sdelay $0x1  }
0x22f: {  	v6 =	vadd.f32 v7, v6;
	v7 =	vmul.f32 v15, v15;
	v8 =	vadd.f32 v15, v8;
	_ =	sdelay $0x1  }
0x230: {  	v6 =	vadd.f32 v7, v6;
	v7 =	vadd.f32 v4, v8;
	v8 =	vmul.f32 v4, v4;
	_ =	sdelay $0x1  }
0x231: {  	v26 =	vld [tilespmem:s19+$0xFFFFFF80];
	v6 =	vadd.f32 v8, v6;
	v8 =	vperm.xlane v7, v0;
	_ =	sdelay $0x1  }
0x232: {  	v22 =	vld [tilespmem:s19+$0xFFFFFF90];
	v7 =	vadd.f32 v8, v7;
	v8 =	vperm.xlane v6, v0;
	_ =	sdelay $0x1  }
0x233: {  	v21 =	vld [tilespmem:s19+$0xFFFFFFA0];
	v9 =	vperm.xlane v7, v1;
	v6 =	vadd.f32 v8, v6  }
0x234: {  	v8 =	vadd.f32 $0.0e+00, v26  }
0x235: {  	v16 =	vld [tilespmem:s19+$0xFFFFFFB0];
	v7 =	vadd.f32 v9, v7;
	v9 =	vperm.xlane v6, v1  }
0x236: {  	v13 =	vmul.f32 v26, v26;
	v17 =	vmul.f32 v22, v22;
	v8 =	vadd.f32 v22, v8  }
0x237: {  	v19 =	vld [tilespmem:s19+$0xFFFFFFC0];
	v18 =	vperm.xlane v7, v2;
	v6 =	vadd.f32 v9, v6  }
0x238: {  	v13 =	vadd.f32 v17, v13;
	v8 =	vadd.f32 v21, v8  }
0x239: {  	v14 =	vld [tilespmem:s19+$0xFFFFFFD0];
	v9 =	vmul.f32 v21, v21;
	v7 =	vadd.f32 v18, v7;
	v18 =	vperm.xlane v6, v2  }
0x23a: {  	v20 =	vmul.f32 v16, v16;
	v8 =	vadd.f32 v16, v8  }
0x23b: {  	v17 =	vld [tilespmem:s19+$0xFFFFFFE0];
	v9 =	vadd.f32 v9, v13;
	v23 =	vperm.xlane v7, v3;
	v6 =	vadd.f32 v18, v6  }
0x23c: {  	v18 =	vmul.f32 v19, v19;
	v8 =	vadd.f32 v19, v8  }
0x23d: {  	v13 =	vld [tilespmem:s19+$0xFFFFFFF0];
	v9 =	vadd.f32 v20, v9;
	v7 =	vadd.f32 v23, v7;
	v20 =	vperm.xlane v6, v3  }
0x23e: {  	v23 =	vmul.f32 v14, v14;
	v8 =	vadd.f32 v14, v8  }
0x23f: {  	v9 =	vadd.f32 v18, v9;
	v7 =	vmul.f32 $7.812500000e-03, v7;
	v6 =	vadd.f32 v20, v6  }
0x240: {  	v18 =	vmul.f32 v17, v17;
	v8 =	vadd.f32 v17, v8  }
0x241: {  	v9 =	vadd.f32 v23, v9;
	v6 =	vmul.f32 $7.812500000e-03, v6;
	v20 =	vmul.f32 v7, v7  }
0x242: {  	v8 =	vadd.f32 v13, v8  }
0x243: {  	v23 =	vmul.f32 v13, v13;
	v9 =	vadd.f32 v18, v9;
	v6 =	vsub.f32 v6, v20  }
0x244: {  	v18 =	vperm.xlane v8, v0  }
0x245: {  	v9 =	vadd.f32 v23, v9;
	v6 =	vadd.f32 $9.999999970e-07, v6  }
0x246: {  	v8 =	vadd.f32 v18, v8  }
0x247: {  	v18 =	vperm.xlane v9, v0;
	v20 =	vshra.s32 v6, $0x1;
	v6 =	vmul.f32 $5.000000000e-01, v6  }
0x248: {  	v23 =	vperm.xlane v8, v1;
	v20 =	vsub.s32 $0x5F3759DF, v20  }
0x249: {  	v9 =	vadd.f32 v18, v9;
	v18 =	vmul.f32 v20, v6  }
0x24a: {  	v8 =	vadd.f32 v23, v8  }
0x24b: {  	v23 =	vperm.xlane v9, v1;
	v18 =	vmul.f32 v20, v18  }
0x24c: {  	v27 =	vperm.xlane v8, v2  }
0x24d: {  	v9 =	vadd.f32 v23, v9;
	v18 =	vsub.f32 $1.500000000e+00, v18  }
0x24e: {  	v8 =	vadd.f32 v27, v8  }
0x24f: {  	v23 =	vperm.xlane v9, v2;
	v18 =	vmul.f32 v20, v18  }
0x250: {  	s20 =	simm.s32 $0x7280;
	v20 =	vperm.xlane v8, v3  }
0x251: {  	v28 =	vld [tilespmem:s20+$0x0];
	v9 =	vadd.f32 v23, v9;
	v6 =	vmul.f32 v18, v6  }
0x252: {  	v8 =	vadd.f32 v20, v8  }
0x253: {  	v27 =	vld [tilespmem:s20+$0x10];
	v20 =	vperm.xlane v9, v3;
	v6 =	vmul.f32 v6, v18  }
0x254: {  	v30 =	vmul.f32 $7.812500000e-03, v8  }
0x255: {  	v23 =	vld [tilespmem:s20+$0x20];
	v8 =	vadd.f32 v20, v9;
	v6 =	vsub.f32 $1.500000000e+00, v6  }
0x256: {  	v31 =	vld [tilespmem:$0x3000];
	v42 =	vadd.f32 $0.0e+00, v28;
	v9 =	vmul.f32 v30, v30  }
0x257: {  	v5 =	vsub.f32 v5, v7;
	v20 =	vld [tilespmem:s20+$0x30];
	v8 =	vmul.f32 $7.812500000e-03, v8;
	v18 =	vmul.f32 v6, v18  }
0x258: {  	v29 =	vld [tilespmem:$0x3080];
	v43 =	vmul.f32 v27, v27;
	v32 =	vadd.f32 v27, v42;
	v6 =	vmul.f32 v28, v28  }
0x259: {  	v9 =	vsub.f32 v8, v9;
	v8 =	vld [tilespmem:s20+$0x40];
	v5 =	vmul.f32 v18, v5  }
0x25a: {  	v44 =	vmul.f32 v23, v23;
	v32 =	vadd.f32 v23, v32;
	v33 =	vadd.f32 v43, v6  }
0x25b: {  	v9 =	vadd.f32 $9.999999970e-07, v9;
	v6 =	vld [tilespmem:s20+$0x50];
	v5 =	vmul.f32 v5, v31  }
0x25c: {  	v45 =	vmul.f32 v20, v20;
	v32 =	vadd.f32 v20, v32;
	v33 =	vadd.f32 v44, v33  }
0x25d: {  	v46 =	vshra.s32 v9, $0x1;
	v47 =	vadd.f32 v5, v29;
	v5 =	vld [tilespmem:s20+$0x60]  }
0x25e: {  	v36 =	vld [tilespmem:s20+$0xFFFFFF80];
	v48 =	vmul.f32 v8, v8;
	v32 =	vadd.f32 v8, v32;
	v33 =	vadd.f32 v45, v33  }
0x25f: {  	v49 =	vmul.f32 $5.000000000e-01, v9;
	v9 =	vld [tilespmem:s20+$0x70];
	v50 =	vsub.s32 $0x5F3759DF, v46;
	[tilespmem:s19+$0x0] =	vst v47  }
0x260: {  	v52 =	vmul.f32 v6, v6;
	v32 =	vadd.f32 v6, v32;
	v33 =	vadd.f32 v48, v33;
	v51 =	vld [tilespmem:$0x3010]  }
0x261: {  	v35 =	vld [tilespmem:s20+$0xFFFFFFA0];
	v25 =	vsub.f32 v25, v7;
	v53 =	vmul.f32 v50, v49  }
0x262: {  	v54 =	vld [tilespmem:$0x3090];
	v33 =	vadd.f32 v52, v33;
	v55 =	vmul.f32 v5, v5;
	v32 =	vadd.f32 v5, v32  }
0x263: {  	v37 =	vld [tilespmem:s20+$0xFFFFFF90];
	v59 =	vadd.f32 $0.0e+00, v36;
	v25 =	vmul.f32 v18, v25;
	v56 =	vmul.f32 v50, v53  }
0x264: {  	v57 =	vmul.f32 v9, v9;
	v33 =	vadd.f32 v55, v33;
	v32 =	vadd.f32 v9, v32  }
0x265: {  	v60 =	vmul.f32 v36, v36;
	v41 =	vsub.f32 $1.500000000e+00, v56;
	v25 =	vmul.f32 v25, v51  }
0x266: {  	v63 =	vmul.f32 v35, v35;
	v33 =	vadd.f32 v57, v33;
	v58 =	vperm.xlane v32, v0  }
0x267: {  	v34 =	vld [tilespmem:s20+$0xFFFFFFB0];
	v40 =	vsub.f32 v26, v30;
	v39 =	vmul.f32 v50, v41;
	v25 =	vadd.f32 v25, v54  }
0x268: {  	v41 =	vadd.f32 v37, v59;
	v42 =	vadd.f32 v58, v32;
	v26 =	vperm.xlane v33, v0  }
0x269: {  	v24 =	vsub.f32 v24, v7;
	v12 =	vsub.f32 v12, v7;
	v32 =	vld [tilespmem:s20+$0xFFFFFFC0];
	[tilespmem:s19+$0x10] =	vst v25;
	v25 =	vmul.f32 v37, v37  }
0x26a: {  	v41 =	vadd.f32 v35, v41;
	v61 =	vld [tilespmem:$0x3020];
	v62 =	vperm.xlane v42, v1;
	v33 =	vadd.f32 v26, v33  }
0x26b: {  	v24 =	vmul.f32 v18, v24;
	v38 =	vmul.f32 v39, v49;
	v26 =	vld [tilespmem:s20+$0xFFFFFFD0];
	v43 =	vadd.f32 v25, v60  }
0x26c: {  	v41 =	vadd.f32 v34, v41;
	v52 =	vld [tilespmem:$0x30A0];
	v42 =	vadd.f32 v62, v42;
	v53 =	vperm.xlane v33, v1  }
0x26d: {  	v54 =	vmul.f32 v34, v34;
	v38 =	vmul.f32 v38, v39;
	v43 =	vadd.f32 v63, v43  }
0x26e: {  	v25 =	vld [tilespmem:s20+$0xFFFFFFE0];
	v41 =	vadd.f32 v32, v41;
	v55 =	vperm.xlane v42, v2;
	v33 =	vadd.f32 v53, v33  }
0x26f: {  	v56 =	vmul.f32 v32, v32;
	v44 =	vmul.f32 v24, v61;
	v43 =	vadd.f32 v54, v43  }
0x270: {  	v24 =	vld [tilespmem:s20+$0xFFFFFFF0];
	v41 =	vadd.f32 v26, v41;
	v42 =	vadd.f32 v55, v42;
	v57 =	vperm.xlane v33, v2  }
0x271: {  	v58 =	vmul.f32 v26, v26;
	v44 =	vadd.f32 v44, v52;
	v43 =	vadd.f32 v56, v43  }
0x272: {  	v38 =	vsub.f32 $1.500000000e+00, v38;
	v59 =	vperm.xlane v42, v3;
	v33 =	vadd.f32 v57, v33  }
0x273: {  	v60 =	vmul.f32 v25, v25;
	v41 =	vadd.f32 v25, v41;
	[tilespmem:s19+$0x20] =	vst v44;
	v43 =	vadd.f32 v58, v43  }
0x274: {  	v63 =	vsub.f32 v10, v7;
	v44 =	vld [tilespmem:$0x3030];
	v42 =	vadd.f32 v59, v42;
	v61 =	vperm.xlane v33, v3  }
0x275: {  	v62 =	vmul.f32 v24, v24;
	v41 =	vadd.f32 v24, v41;
	v43 =	vadd.f32 v60, v43  }
0x276: {  	v38 =	vmul.f32 v38, v39;
	v51 =	vld [tilespmem:$0x30B0];
	v10 =	vmul.f32 $7.812500000e-03, v42;
	v33 =	vadd.f32 v61, v33  }
0x277: {  	v53 =	vmul.f32 v18, v63;
	v52 =	vperm.xlane v41, v0;
	v43 =	vadd.f32 v62, v43  }
0x278: {  	v11 =	vsub.f32 v11, v7;
	v33 =	vmul.f32 $7.812500000e-03, v33;
	v54 =	vmul.f32 v10, v10  }
0x279: {  	v55 =	vadd.f32 v52, v41;
	v56 =	vmul.f32 v53, v44;
	v57 =	vperm.xlane v43, v0  }
0x27a: {  	v4 =	vsub.f32 v4, v7;
	v40 =	vmul.f32 v38, v40;
	v33 =	vsub.f32 v33, v54  }
0x27b: {  	v58 =	vperm.xlane v55, v1;
	v41 =	vadd.f32 v56, v51;
	v42 =	vadd.f32 v57, v43  }
0x27c: {  	v22 =	vsub.f32 v22, v30;
	v31 =	vmul.f32 v40, v31;
	v33 =	vadd.f32 $9.999999970e-07, v33  }
0x27d: {  	v21 =	vsub.f32 v21, v30;
	v39 =	vadd.f32 v58, v55;
	[tilespmem:s19+$0x30] =	vst v41;
	v59 =	vperm.xlane v42, v1  }
0x27e: {  	v29 =	vadd.f32 v31, v29;
	v41 =	vld [tilespmem:$0x3040];
	v60 =	vshra.s32 v33, $0x1;
	v33 =	vmul.f32 $5.000000000e-01, v33  }
0x27f: {  	v44 =	vperm.xlane v39, v2;
	v43 =	vsub.s32 $0x5F3759DF, v60;
	v40 =	vadd.f32 v59, v42  }
0x280: {  	v16 =	vsub.f32 v16, v30;
	v19 =	vsub.f32 v19, v30;
	[tilespmem:s19+$0xFFFFFF80] =	vst v29;
	v61 =	vld [tilespmem:$0x30C0];
	v62 =	vmul.f32 v43, v33  }
0x281: {  	v12 =	vmul.f32 v18, v12;
	v49 =	vld [tilespmem:$0x3010];
	v31 =	vadd.f32 v44, v39;
	v63 =	vperm.xlane v40, v2  }
0x282: {  	v14 =	vsub.f32 v14, v30;
	v17 =	vsub.f32 v17, v30;
	v48 =	vmul.f32 v43, v62  }
0x283: {  	v29 =	vperm.xlane v31, v3;
	v12 =	vmul.f32 v12, v41;
	v39 =	vadd.f32 v63, v40  }
0x284: {  	v22 =	vmul.f32 v38, v22;
	v53 =	vmul.f32 v38, v21;
	v50 =	vsub.f32 $1.500000000e+00, v48  }
0x285: {  	v51 =	vld [tilespmem:$0x3090];
	v29 =	vadd.f32 v29, v31;
	v12 =	vadd.f32 v12, v61;
	v52 =	vperm.xlane v39, v3  }
0x286: {  	s17 =	simm.s32 $0x7380;
	v13 =	vsub.f32 v13, v30;
	v22 =	vmul.f32 v22, v49;
	v40 =	vmul.f32 v43, v50  }
0x287: {  	v30 =	vld [tilespmem:s17+$0x0];
	v56 =	vmul.f32 v18, v11;
	v31 =	vmul.f32 $7.812500000e-03, v29;
	[tilespmem:s19+$0x40] =	vst v12;
	v12 =	vadd.f32 v52, v39  }
0x288: {  	v23 =	vsub.f32 v23, v10;
	v29 =	vmul.f32 v38, v16;
	v16 =	vld [tilespmem:$0x3050];
	v21 =	vmul.f32 v40, v33  }
0x289: {  	v20 =	vsub.f32 v20, v10;
	v54 =	vmul.f32 v31, v31;
	v33 =	vld [tilespmem:s17+$0x10];
	v12 =	vmul.f32 $7.812500000e-03, v12  }
0x28a: {  	v55 =	vmul.f32 v21, v40;
	v21 =	vmul.f32 v38, v19;
	v19 =	vadd.f32 v22, v51;
	v22 =	vld [tilespmem:$0x30D0]  }
0x28b: {  	v11 =	vmul.f32 v38, v14;
	v14 =	vmul.f32 v38, v17;
	v58 =	vsub.f32 v28, v10  }
0x28c: {  	v28 =	vld [tilespmem:s17+$0x20];
	v61 =	vmul.f32 v30, v30;
	v47 =	vsub.f32 v36, v31;
	v12 =	vsub.f32 v12, v54  }
0x28d: {  	v44 =	vld [tilespmem:$0x3000];
	v36 =	vsub.f32 v37, v31;
	v39 =	vsub.f32 $1.500000000e+00, v55;
	v17 =	vmul.f32 v56, v16  }
0x28e: {  	v41 =	vld [tilespmem:$0x3080];
	v57 =	vadd.f32 $9.999999970e-07, v12;
	v12 =	vmul.f32 v38, v13;
	v13 =	vadd.f32 $0.0e+00, v30  }
0x28f: {  	[tilespmem:s19+$0xFFFFFF90] =	vst v19;
	v19 =	vld [tilespmem:s17+$0x30];
	v62 =	vmul.f32 v33, v33;
	v16 =	vmul.f32 v39, v40;
	v22 =	vadd.f32 v17, v22  }
0x290: {  	v60 =	vld [tilespmem:$0x3020];
	v17 =	vshra.s32 v57, $0x1;
	v13 =	vadd.f32 v33, v13;
	v42 =	vmul.f32 $5.000000000e-01, v57  }
0x291: {  	v39 =	vadd.f32 v62, v61;
	v59 =	vmul.f32 v16, v58;
	v63 =	vsub.s32 $0x5F3759DF, v17;
	v17 =	vld [tilespmem:s17+$0x40]  }
0x292: {  	v55 =	vmul.f32 v28, v28;
	v62 =	vsub.f32 v27, v10;
	v56 =	vadd.f32 v28, v13  }
0x293: {  	v58 =	vsub.f32 v15, v7;
	[tilespmem:s19+$0x50] =	vst v22;
	v22 =	vmul.f32 v63, v42;
	v13 =	vld [tilespmem:s17+$0x50];
	v37 =	vmul.f32 v59, v44  }
0x294: {  	v39 =	vadd.f32 v55, v39;
	v57 =	vmul.f32 v19, v19;
	v46 =	vadd.f32 v19, v56  }
0x295: {  	v15 =	vld [tilespmem:s17+$0x60];
	v49 =	vmul.f32 v53, v60;
	v22 =	vmul.f32 v63, v22;
	v37 =	vadd.f32 v37, v41  }
0x296: {  	v27 =	vld [tilespmem:s17+$0xFFFFFF80];
	v39 =	vadd.f32 v57, v39;
	v59 =	vmul.f32 v17, v17;
	v60 =	vadd.f32 v17, v46  }
0x297: {  	v8 =	vsub.f32 v8, v10;
	v61 =	vsub.f32 $1.500000000e+00, v22;
	v22 =	vld [tilespmem:s17+$0x70];
	[tilespmem:s20+$0x0] =	vst v37  }
0x298: {  	v52 =	vmul.f32 v13, v13;
	v37 =	vld [tilespmem:$0x3010];
	v40 =	vadd.f32 v59, v39;
	v43 =	vadd.f32 v13, v60  }
0x299: {  	v23 =	vmul.f32 v16, v23;
	v48 =	vld [tilespmem:$0x3060];
	v38 =	vmul.f32 v18, v58;
	v39 =	vsub.f32 v34, v31  }
0x29a: {  	v58 =	vmul.f32 v15, v15;
	v51 =	vld [tilespmem:$0x3090];
	v57 =	vadd.f32 v52, v40;
	v43 =	vadd.f32 v15, v43  }
0x29b: {  	v56 =	vld [tilespmem:$0x30E0];
	v34 =	vmul.f32 v63, v61;
	v63 =	vmul.f32 v16, v62;
	v40 =	vsub.f32 v32, v31  }
0x29c: {  	v32 =	vld [tilespmem:s17+$0xFFFFFF90];
	v59 =	vmul.f32 v22, v22;
	v50 =	vadd.f32 v58, v57;
	v43 =	vadd.f32 v22, v43  }
0x29d: {  	v6 =	vsub.f32 v6, v10;
	v53 =	vmul.f32 v27, v27;
	v45 =	vmul.f32 v63, v37  }
0x29e: {  	v38 =	vmul.f32 v48, v38;
	v37 =	vld [tilespmem:s17+$0xFFFFFFA0];
	v50 =	vadd.f32 v59, v50;
	v61 =	vperm.xlane v43, v0  }
0x29f: {  	v60 =	vadd.f32 $0.0e+00, v27;
	v42 =	vmul.f32 v34, v42;
	v45 =	vadd.f32 v45, v51  }
0x2a0: {  	v52 =	vadd.f32 v56, v38;
	v38 =	vld [tilespmem:s17+$0xFFFFFFB0];
	v51 =	vadd.f32 v61, v43;
	v54 =	vperm.xlane v50, v0  }
0x2a1: {  	v5 =	vsub.f32 v5, v10;
	v46 =	vld [tilespmem:s17+$0xFFFFFFC0];
	v42 =	vmul.f32 v42, v34;
	v55 =	vmul.f32 v32, v32;
	[tilespmem:s20+$0x10] =	vst v45  }
0x2a2: {  	v62 =	vadd.f32 v32, v60;
	v48 =	vld [tilespmem:$0x3020];
	v57 =	vperm.xlane v51, v1;
	v50 =	vadd.f32 v54, v50  }
0x2a3: {  	v42 =	vsub.f32 $1.500000000e+00, v42;
	v45 =	vld [tilespmem:s17+$0xFFFFFFD0];
	v53 =	vadd.f32 v55, v53;
	v60 =	vmul.f32 v37, v37  }
0x2a4: {  	v63 =	vadd.f32 v37, v62;
	v56 =	vld [tilespmem:$0x30A0];
	v51 =	vadd.f32 v57, v51;
	v62 =	vperm.xlane v50, v1  }
0x2a5: {  	v58 =	vmul.f32 v38, v38;
	v43 =	vmul.f32 v42, v34;
	v53 =	vadd.f32 v60, v53  }
0x2a6: {  	v42 =	vld [tilespmem:s17+$0xFFFFFFE0];
	v61 =	vadd.f32 v38, v63;
	v59 =	vperm.xlane v51, v2;
	v50 =	vadd.f32 v62, v50  }
0x2a7: {  	v60 =	vmul.f32 v46, v46;
	v53 =	vadd.f32 v58, v53;
	v23 =	vmul.f32 v23, v48  }
0x2a8: {  	v63 =	vadd.f32 v46, v61;
	v51 =	vadd.f32 v59, v51;
	v61 =	vperm.xlane v50, v2  }
0x2a9: {  	v34 =	vld [tilespmem:s17+$0xFFFFFFF0];
	v62 =	vmul.f32 v45, v45;
	v53 =	vadd.f32 v60, v53;
	v23 =	vadd.f32 v23, v56  }
0x2aa: {  	v48 =	vadd.f32 v45, v63;
	v50 =	vadd.f32 v61, v50  }
0x2ab: {  	v63 =	vmul.f32 v42, v42;
	v60 =	vperm.xlane v51, v3;
	v53 =	vadd.f32 v62, v53;
	[tilespmem:s20+$0x20] =	vst v23  }
0x2ac: {  	v20 =	vmul.f32 v16, v20;
	v23 =	vadd.f32 v42, v48;
	v48 =	vld [tilespmem:$0x3030];
	v62 =	vperm.xlane v50, v3  }
0x2ad: {  	v47 =	vmul.f32 v43, v47;
	v51 =	vadd.f32 v60, v51;
	v53 =	vadd.f32 v63, v53  }
0x2ae: {  	v61 =	vmul.f32 v34, v34;
	v57 =	vld [tilespmem:$0x30B0];
	v56 =	vadd.f32 v34, v23;
	v63 =	vadd.f32 v62, v50  }
0x2af: {  	v9 =	vsub.f32 v9, v10;
	[tilespmem:s19+$0x60] =	vst v52;
	v44 =	vmul.f32 v47, v44;
	v23 =	vmul.f32 $7.812500000e-03, v51  }
0x2b0: {  	v59 =	vld [tilespmem:$0x3070];
	v61 =	vadd.f32 v61, v53;
	v60 =	vperm.xlane v56, v0;
	v7 =	vmul.f32 $7.812500000e-03, v63  }
0x2b1: {  	v35 =	vsub.f32 v35, v31;
	v58 =	vld [tilespmem:$0x30A0];
	v62 =	vmul.f32 v23, v23;
	v20 =	vmul.f32 v20, v48  }
0x2b2: {  	v41 =	vadd.f32 v44, v41;
	v53 =	vperm.xlane v61, v0;
	v63 =	vadd.f32 v60, v56  }
0x2b3: {  	v4 =	vmul.f32 v18, v4;
	v7 =	vsub.f32 v7, v62;
	v18 =	vadd.f32 v20, v57  }
0x2b4: {  	v26 =	vsub.f32 v26, v31;
	[tilespmem:s20+$0xFFFFFF80] =	vst v41;
	v55 =	vadd.f32 v53, v61;
	v54 =	vperm.xlane v63, v1  }
0x2b5: {  	v8 =	vmul.f32 v16, v8;
	v4 =	vmul.f32 v59, v4;
	v48 =	vld [tilespmem:$0x3010];
	v7 =	vadd.f32 $9.999999970e-07, v7;
	[tilespmem:s20+$0x30] =	vst v18  }
0x2b6: {  	v20 =	vadd.f32 v49, v58;
	v57 =	vperm.xlane v55, v1;
	v56 =	vadd.f32 v54, v63;
	v58 =	vld [tilespmem:$0x3040]  }
0x2b7: {  	v59 =	vld [tilespmem:$0x3090];
	v18 =	vmul.f32 v43, v36;
	v60 =	vshra.s32 v7, $0x1;
	v7 =	vmul.f32 $5.000000000e-01, v7  }
0x2b8: {  	[tilespmem:s19+$0xFFFFFFA0] =	vst v20;
	v41 =	vadd.f32 v57, v55;
	v61 =	vld [tilespmem:$0x30C0];
	v20 =	vperm.xlane v56, v2;
	v50 =	vsub.s32 $0x5F3759DF, v60  }
0x2b9: {  	v6 =	vmul.f32 v16, v6;
	v52 =	vsub.f32 v25, v31;
	v25 =	vld [tilespmem:$0x3030];
	v62 =	vmul.f32 v50, v7  }
0x2ba: {  	v63 =	vld [tilespmem:$0x30F0];
	v18 =	vmul.f32 v18, v48;
	v20 =	vadd.f32 v20, v56;
	v56 =	vperm.xlane v41, v2  }
0x2bb: {  	v48 =	vsub.f32 v24, v31;
	v24 =	vld [tilespmem:$0x30B0];
	v31 =	vmul.f32 v50, v62;
	v8 =	vmul.f32 v8, v58  }
0x2bc: {  	v18 =	vadd.f32 v18, v59;
	v57 =	vperm.xlane v20, v3;
	v36 =	vadd.f32 v56, v41  }
0x2bd: {  	v58 =	vmul.f32 v43, v35;
	v31 =	vsub.f32 $1.500000000e+00, v31;
	v8 =	vadd.f32 v8, v61  }
0x2be: {  	v29 =	vmul.f32 v29, v25;
	[tilespmem:s20+$0xFFFFFF90] =	vst v18;
	v18 =	vadd.f32 v57, v20;
	v59 =	vperm.xlane v36, v3  }
0x2bf: {  	v25 =	vadd.f32 v63, v4;
	v4 =	vld [tilespmem:$0x3020];
	v20 =	vmul.f32 v43, v39;
	v31 =	vmul.f32 v50, v31;
	[tilespmem:s20+$0x40] =	vst v8  }
0x2c0: {  	v8 =	vadd.f32 v29, v24;
	v41 =	vmul.f32 $7.812500000e-03, v18;
	v24 =	vadd.f32 v59, v36;
	v60 =	vld [tilespmem:$0x3050]  }
0x2c1: {  	v33 =	vsub.f32 v33, v23;
	v61 =	vld [tilespmem:$0x30A0];
	v18 =	vmul.f32 v43, v40;
	v7 =	vmul.f32 v31, v7  }
0x2c2: {  	s18 =	simm.s32 $0x7480;
	[tilespmem:s19+$0xFFFFFFB0] =	vst v8;
	v62 =	vmul.f32 v41, v41;
	v8 =	vsub.f32 v27, v41;
	v24 =	vmul.f32 $7.812500000e-03, v24;
	v27 =	vld [tilespmem:$0x30D0]  }
0x2c3: {  	v44 =	vsub.f32 v32, v41;
	v40 =	vsub.f32 v37, v41;
	v32 =	vld [tilespmem:s18+$0x10];
	v7 =	vmul.f32 v7, v31  }
0x2c4: {  	v35 =	vld [tilespmem:s18+$0x0];
	v29 =	vmul.f32 v43, v26;
	v39 =	vsub.f32 v38, v41;
	v24 =	vsub.f32 v24, v62  }
0x2c5: {  	v53 =	vld [tilespmem:$0x3000];
	v38 =	vsub.f32 v46, v41;
	v7 =	vsub.f32 $1.500000000e+00, v7;
	v6 =	vmul.f32 v6, v60  }
0x2c6: {  	v54 =	vld [tilespmem:$0x3080];
	v4 =	vmul.f32 v58, v4;
	v37 =	vsub.f32 v45, v41;
	v24 =	vadd.f32 $9.999999970e-07, v24  }
0x2c7: {  	v31 =	vmul.f32 v7, v31;
	v7 =	vsub.f32 v30, v23;
	v6 =	vadd.f32 v6, v27;
	v27 =	vld [tilespmem:s18+$0x20]  }
0x2c8: {  	v26 =	vld [tilespmem:s18+$0x30];
	v36 =	vsub.f32 v42, v41;
	v51 =	vadd.f32 v4, v61;
	v30 =	vmul.f32 v32, v32  }
0x2c9: {  	v42 =	vld [tilespmem:s18+$0xFFFFFF80];
	v4 =	vshra.s32 v24, $0x1;
	[tilespmem:s20+$0x50] =	vst v6;
	v6 =	vmul.f32 v31, v7;
	v7 =	vadd.f32 $0.0e+00, v35  }
0x2ca: {  	v50 =	vld [tilespmem:$0x3040];
	v45 =	vmul.f32 $5.000000000e-01, v24;
	v46 =	vsub.s32 $0x5F3759DF, v4;
	v4 =	vmul.f32 v35, v35  }
0x2cb: {  	v28 =	vsub.f32 v28, v23;
	v24 =	vld [tilespmem:s18+$0x40];
	v63 =	vmul.f32 v6, v53;
	v7 =	vadd.f32 v32, v7  }
0x2cc: {  	v60 =	vmul.f32 v46, v45;
	v47 =	vld [tilespmem:$0x3060];
	v4 =	vadd.f32 v30, v4;
	v61 =	vmul.f32 v27, v27  }
0x2cd: {  	v30 =	vld [tilespmem:s18+$0x50];
	v62 =	vadd.f32 v63, v54;
	v63 =	vadd.f32 v27, v7  }
0x2ce: {  	v55 =	vld [tilespmem:$0x30E0];
	v49 =	vmul.f32 v46, v60;
	v60 =	vmul.f32 v26, v26;
	v56 =	vadd.f32 v61, v4  }
0x2cf: {  	v19 =	vsub.f32 v19, v23;
	v7 =	vld [tilespmem:s18+$0x60];
	v4 =	vmul.f32 v43, v48;
	[tilespmem:s17+$0x0] =	vst v62;
	v61 =	vadd.f32 v26, v63  }
0x2d0: {  	v48 =	vsub.f32 $1.500000000e+00, v49;
	v63 =	vmul.f32 v24, v24;
	v49 =	vld [tilespmem:$0x3010];
	v62 =	vadd.f32 v60, v56  }
0x2d1: {  	v33 =	vmul.f32 v31, v33;
	v60 =	vmul.f32 v16, v5;
	v5 =	vld [tilespmem:s18+$0x70];
	v61 =	vadd.f32 v24, v61  }
0x2d2: {  	v46 =	vmul.f32 v46, v48;
	v59 =	vld [tilespmem:$0x3090];
	v62 =	vadd.f32 v63, v62;
	v63 =	vmul.f32 v30, v30  }
0x2d3: {  	v6 =	vmul.f32 v43, v52;
	v43 =	vld [tilespmem:s18+$0xFFFFFF90];
	v47 =	vmul.f32 v47, v60;
	v60 =	vadd.f32 v30, v61  }
0x2d4: {  	v45 =	vmul.f32 v46, v45;
	v61 =	vmul.f32 v7, v7;
	v48 =	vadd.f32 v63, v62  }
0x2d5: {  	v55 =	vadd.f32 v55, v47;
	v47 =	vld [tilespmem:s18+$0xFFFFFFA0];
	v33 =	vmul.f32 v33, v49;
	v62 =	vadd.f32 v7, v60  }
0x2d6: {  	v63 =	vadd.f32 $0.0e+00, v42;
	v45 =	vmul.f32 v45, v46;
	v52 =	vadd.f32 v61, v48  }
0x2d7: {  	v60 =	vmul.f32 v5, v5;
	v48 =	vld [tilespmem:s18+$0xFFFFFFB0];
	v33 =	vadd.f32 v33, v59;
	v49 =	vadd.f32 v5, v62  }
0x2d8: {  	v58 =	vmul.f32 v21, v50;
	v28 =	vmul.f32 v31, v28;
	v61 =	vadd.f32 v43, v63  }
0x2d9: {  	v50 =	vld [tilespmem:s18+$0xFFFFFFC0];
	v21 =	vsub.f32 $1.500000000e+00, v45;
	[tilespmem:s17+$0x10] =	vst v33;
	v33 =	vadd.f32 v60, v52;
	v62 =	vperm.xlane v49, v0  }
0x2da: {  	v56 =	vmul.f32 v42, v42;
	v57 =	vmul.f32 v43, v43;
	v45 =	vadd.f32 v47, v61;
	v59 =	vld [tilespmem:$0x3020]  }
0x2db: {  	v21 =	vmul.f32 v21, v46;
	v46 =	vld [tilespmem:s18+$0xFFFFFFD0];
	v52 =	vadd.f32 v62, v49;
	v60 =	vperm.xlane v33, v0  }
0x2dc: {  	v56 =	vadd.f32 v57, v56;
	v61 =	vmul.f32 v47, v47;
	v57 =	vld [tilespmem:$0x30A0];
	v45 =	vadd.f32 v48, v45  }
0x2dd: {  	v19 =	vmul.f32 v31, v19;
	v49 =	vld [tilespmem:s18+$0xFFFFFFE0];
	v33 =	vadd.f32 v60, v33;
	v60 =	vperm.xlane v52, v1  }
0x2de: {  	v56 =	vadd.f32 v61, v56;
	v61 =	vmul.f32 v48, v48;
	v62 =	vadd.f32 v50, v45  }
0x2df: {  	v45 =	vld [tilespmem:s18+$0xFFFFFFF0];
	v28 =	vmul.f32 v28, v59;
	v52 =	vadd.f32 v60, v52;
	v59 =	vperm.xlane v33, v1  }
0x2e0: {  	v56 =	vadd.f32 v61, v56;
	v60 =	vmul.f32 v50, v50;
	v61 =	vadd.f32 v46, v62  }
0x2e1: {  	v28 =	vadd.f32 v28, v57;
	v57 =	vperm.xlane v52, v2;
	v33 =	vadd.f32 v59, v33  }
0x2e2: {  	v59 =	vmul.f32 v46, v46;
	v56 =	vadd.f32 v60, v56;
	v61 =	vadd.f32 v49, v61  }
0x2e3: {  	v8 =	vmul.f32 v21, v8;
	[tilespmem:s17+$0x20] =	vst v28;
	v28 =	vadd.f32 v57, v52;
	v63 =	vperm.xlane v33, v2  }
0x2e4: {  	v60 =	vmul.f32 v49, v49;
	v56 =	vadd.f32 v59, v56;
	v61 =	vadd.f32 v45, v61;
	v59 =	vld [tilespmem:$0x3030]  }
0x2e5: {  	v8 =	vmul.f32 v8, v53;
	v33 =	vadd.f32 v63, v33;
	v52 =	vperm.xlane v28, v3  }
0x2e6: {  	v57 =	vmul.f32 v45, v45;
	v53 =	vadd.f32 v60, v56;
	v56 =	vld [tilespmem:$0x30B0];
	v62 =	vperm.xlane v61, v0  }
0x2e7: {  	[tilespmem:s20+$0xFFFFFFA0] =	vst v51;
	v54 =	vadd.f32 v8, v54;
	v60 =	vld [tilespmem:$0x30C0];
	v28 =	vadd.f32 v52, v28;
	v52 =	vperm.xlane v33, v3  }
0x2e8: {  	v9 =	vmul.f32 v16, v9;
	v16 =	vld [tilespmem:$0x3030];
	v53 =	vadd.f32 v57, v53;
	v10 =	vadd.f32 v62, v61  }
0x2e9: {  	[tilespmem:s17+$0xFFFFFF80] =	vst v54;
	v19 =	vmul.f32 v19, v59;
	v8 =	vmul.f32 $7.812500000e-03, v28;
	v28 =	vadd.f32 v52, v33  }
0x2ea: {  	v17 =	vsub.f32 v17, v23;
	[tilespmem:s20+$0x60] =	vst v55;
	v54 =	vld [tilespmem:$0x3010];
	v61 =	vperm.xlane v53, v0;
	v63 =	vperm.xlane v10, v1  }
0x2eb: {  	v33 =	vld [tilespmem:$0x3070];
	v19 =	vadd.f32 v19, v56;
	v28 =	vmul.f32 $7.812500000e-03, v28;
	v62 =	vmul.f32 v8, v8  }
0x2ec: {  	v17 =	vmul.f32 v31, v17;
	v51 =	vadd.f32 v58, v60;
	v58 =	vld [tilespmem:$0x30B0];
	v52 =	vadd.f32 v61, v53  }
0x2ed: {  	v16 =	vmul.f32 v20, v16;
	v56 =	vld [tilespmem:$0x30F0];
	v10 =	vadd.f32 v63, v10;
	[tilespmem:s17+$0x30] =	vst v19;
	v19 =	vsub.f32 v28, v62  }
0x2ee: {  	v28 =	vmul.f32 v21, v44;
	v60 =	vperm.xlane v52, v1;
	v61 =	vld [tilespmem:$0x3040]  }
0x2ef: {  	v53 =	vsub.f32 v34, v41;
	v62 =	vld [tilespmem:$0x3090];
	v63 =	vperm.xlane v10, v2;
	v19 =	vadd.f32 $9.999999970e-07, v19  }
0x2f0: {  	v9 =	vmul.f32 v33, v9;
	v28 =	vmul.f32 v28, v54;
	v52 =	vadd.f32 v60, v52;
	v54 =	vld [tilespmem:$0x30C0]  }
0x2f1: {  	v10 =	vadd.f32 v63, v10;
	v57 =	vshra.s32 v19, $0x1;
	v19 =	vmul.f32 $5.000000000e-01, v19  }
0x2f2: {  	[tilespmem:s19+$0xFFFFFFC0] =	vst v51;
	v16 =	vadd.f32 v16, v58;
	v59 =	vperm.xlane v52, v2;
	v60 =	vsub.s32 $0x5F3759DF, v57  }
0x2f3: {  	v34 =	vadd.f32 v56, v9;
	v9 =	vld [tilespmem:$0x3050];
	v17 =	vmul.f32 v17, v61;
	v61 =	vmul.f32 v60, v19  }
0x2f4: {  	v28 =	vadd.f32 v28, v62;
	v62 =	vperm.xlane v10, v3;
	v44 =	vadd.f32 v59, v52  }
0x2f5: {  	v63 =	vld [tilespmem:$0x30D0];
	[tilespmem:s20+$0xFFFFFFB0] =	vst v16;
	v17 =	vadd.f32 v17, v54;
	v20 =	vmul.f32 v60, v61  }
0x2f6: {  	[tilespmem:s17+$0xFFFFFF90] =	vst v28;
	v10 =	vadd.f32 v62, v10;
	v28 =	vperm.xlane v44, v3  }
0x2f7: {  	v40 =	vmul.f32 v21, v40;
	v33 =	vmul.f32 v21, v39;
	v59 =	vld [tilespmem:$0x3040];
	[tilespmem:s17+$0x40] =	vst v17;
	v17 =	vsub.f32 $1.500000000e+00, v20  }
0x2f8: {  	v9 =	vmul.f32 v11, v9;
	v54 =	vmul.f32 $7.812500000e-03, v10;
	v10 =	vadd.f32 v28, v44;
	v11 =	vld [tilespmem:$0x3050]  }
0x2f9: {  	v13 =	vsub.f32 v13, v23;
	v39 =	vmul.f32 v21, v38;
	v57 =	vld [tilespmem:$0x3020];
	v17 =	vmul.f32 v60, v17  }
0x2fa: {  	v9 =	vadd.f32 v9, v63;
	v16 =	vmul.f32 v54, v54;
	v58 =	vld [tilespmem:$0x30D0];
	v10 =	vmul.f32 $7.812500000e-03, v10  }
0x2fb: {  	v20 =	vld [tilespmem:$0x30A0];
	v51 =	vsub.f32 v42, v54;
	v60 =	vmul.f32 v31, v13;
	v19 =	vmul.f32 v17, v19  }
0x2fc: {  	v61 =	vld [tilespmem:$0x30C0];
	v42 =	vsub.f32 v43, v54;
	v41 =	vsub.f32 v48, v54;
	v18 =	vmul.f32 v18, v59  }
0x2fd: {  	v52 =	vld [tilespmem:$0x3000];
	[tilespmem:s19+$0xFFFFFFD0] =	vst v9;
	v10 =	vsub.f32 v10, v16;
	v9 =	vmul.f32 v60, v11;
	v16 =	vmul.f32 v19, v17  }
0x2fe: {  	v38 =	vsub.f32 v50, v54;
	v48 =	vld [tilespmem:$0x3080];
	v13 =	vmul.f32 v21, v37;
	v19 =	vmul.f32 v40, v57  }
0x2ff: {  	s10 =	simm.s32 $0x7580;
	v43 =	vld [tilespmem:$0x3060];
	v11 =	vmul.f32 v21, v36;
	v62 =	vadd.f32 v9, v58;
	v16 =	vsub.f32 $1.500000000e+00, v16  }
0x300: {  	v9 =	vmul.f32 v21, v53;
	v50 =	vadd.f32 v19, v20;
	v19 =	vadd.f32 $9.999999970e-07, v10;
	v21 =	vld [tilespmem:s10+$0x0]  }
0x301: {  	v28 =	vsub.f32 v47, v54;
	v47 =	vadd.f32 v18, v61;
	v18 =	vld [tilespmem:s10+$0x30];
	v10 =	vmul.f32 v16, v17  }
0x302: {  	v20 =	vld [tilespmem:s10+$0x10];
	[tilespmem:s17+$0x50] =	vst v62;
	v16 =	vsub.f32 v35, v8;
	v17 =	vshra.s32 v19, $0x1;
	v44 =	vmul.f32 $5.000000000e-01, v19  }
0x303: {  	v15 =	vsub.f32 v15, v23;
	v36 =	vsub.f32 v46, v54;
	v46 =	vld [tilespmem:$0x3060];
	v17 =	vsub.s32 $0x5F3759DF, v17  }
0x304: {  	v22 =	vsub.f32 v22, v23;
	v19 =	vld [tilespmem:s10+$0x20];
	v16 =	vmul.f32 v10, v16;
	v63 =	vmul.f32 v17, v44  }
0x305: {  	v15 =	vmul.f32 v31, v15;
	v35 =	vsub.f32 v49, v54;
	v49 =	vld [tilespmem:$0x30E0];
	v53 =	vadd.f32 $0.0e+00, v21  }
0x306: {  	v37 =	vsub.f32 v45, v54;
	v57 =	vld [tilespmem:$0x30E0];
	v61 =	vmul.f32 v16, v52;
	v63 =	vmul.f32 v17, v63  }
0x307: {  	v40 =	vld [tilespmem:s10+$0xFFFFFF80];
	v60 =	vmul.f32 v21, v21;
	v62 =	vmul.f32 v20, v20;
	v53 =	vadd.f32 v20, v53  }
0x308: {  	v16 =	vld [tilespmem:s10+$0x40];
	v56 =	vadd.f32 v61, v48;
	v46 =	vmul.f32 v46, v15;
	v61 =	vsub.f32 $1.500000000e+00, v63  }
0x309: {  	v45 =	vadd.f32 v62, v60;
	v60 =	vmul.f32 v19, v19;
	v15 =	vld [tilespmem:s10+$0x50];
	v53 =	vadd.f32 v19, v53  }
0x30a: {  	v14 =	vmul.f32 v43, v14;
	[tilespmem:s18+$0x0] =	vst v56;
	v46 =	vadd.f32 v49, v46;
	v43 =	vmul.f32 v17, v61;
	v17 =	vld [tilespmem:s10+$0x60]  }
0x30b: {  	v62 =	vmul.f32 v18, v18;
	v45 =	vadd.f32 v60, v45;
	v55 =	vld [tilespmem:$0x3010];
	v53 =	vadd.f32 v18, v53  }
0x30c: {  	v22 =	vmul.f32 v31, v22;
	v32 =	vsub.f32 v32, v8;
	v27 =	vsub.f32 v27, v8;
	v54 =	vld [tilespmem:$0x3090];
	[tilespmem:s17+$0x60] =	vst v46  }
0x30d: {  	v45 =	vadd.f32 v62, v45;
	v63 =	vmul.f32 v16, v16;
	v56 =	vld [tilespmem:$0x3070];
	v53 =	vadd.f32 v16, v53  }
0x30e: {  	v60 =	vmul.f32 v10, v32;
	v49 =	vadd.f32 v57, v14;
	v14 =	vld [tilespmem:s10+$0x70];
	v44 =	vmul.f32 v43, v44  }
0x30f: {  	v32 =	vld [tilespmem:s10+$0xFFFFFF90];
	v23 =	vadd.f32 v63, v45;
	v61 =	vmul.f32 v15, v15;
	v62 =	vadd.f32 v15, v53  }
0x310: {  	v58 =	vadd.f32 $0.0e+00, v40;
	v63 =	vmul.f32 v60, v55;
	v60 =	vmul.f32 v44, v43  }
0x311: {  	v23 =	vadd.f32 v61, v23;
	v31 =	vmul.f32 v17, v17;
	v44 =	vld [tilespmem:s10+$0xFFFFFFA0];
	v61 =	vadd.f32 v17, v62  }
0x312: {  	v53 =	vadd.f32 v63, v54;
	v55 =	vsub.f32 $1.500000000e+00, v60;
	v56 =	vmul.f32 v56, v22  }
0x313: {  	v46 =	vld [tilespmem:s10+$0xFFFFFFB0];
	v22 =	vadd.f32 v31, v23;
	v23 =	vmul.f32 v14, v14;
	v31 =	vadd.f32 v14, v61  }
0x314: {  	v45 =	vld [tilespmem:s10+$0xFFFFFFC0];
	v57 =	vmul.f32 v32, v32;
	v54 =	vmul.f32 v40, v40;
	[tilespmem:s18+$0x10] =	vst v53;
	v53 =	vadd.f32 v32, v58  }
0x315: {  	v55 =	vmul.f32 v55, v43;
	v59 =	vadd.f32 v23, v22;
	v58 =	vld [tilespmem:$0x3020];
	v22 =	vperm.xlane v31, v0  }
0x316: {  	v43 =	vld [tilespmem:s10+$0xFFFFFFD0];
	v54 =	vadd.f32 v57, v54;
	v60 =	vmul.f32 v44, v44;
	v53 =	vadd.f32 v44, v53  }
0x317: {  	v27 =	vmul.f32 v10, v27;
	v61 =	vld [tilespmem:$0x30A0];
	v57 =	vperm.xlane v59, v0;
	v31 =	vadd.f32 v22, v31  }
0x318: {  	v62 =	vmul.f32 v46, v46;
	v54 =	vadd.f32 v60, v54;
	v53 =	vadd.f32 v46, v53  }
0x319: {  	v26 =	vsub.f32 v26, v8;
	v23 =	vld [tilespmem:s10+$0xFFFFFFE0];
	v57 =	vadd.f32 v57, v59;
	v59 =	vperm.xlane v31, v1  }
0x31a: {  	v54 =	vadd.f32 v62, v54;
	v27 =	vmul.f32 v27, v58;
	v53 =	vadd.f32 v45, v53  }
0x31b: {  	v22 =	vld [tilespmem:s10+$0xFFFFFFF0];
	v58 =	vmul.f32 v45, v45;
	v31 =	vadd.f32 v59, v31;
	v59 =	vperm.xlane v57, v1  }
0x31c: {  	v60 =	vmul.f32 v43, v43;
	v53 =	vadd.f32 v43, v53;
	v27 =	vadd.f32 v27, v61  }
0x31d: {  	v54 =	vadd.f32 v58, v54;
	v62 =	vperm.xlane v31, v2;
	v57 =	vadd.f32 v59, v57  }
0x31e: {  	v51 =	vmul.f32 v55, v51;
	v61 =	vmul.f32 v23, v23;
	v53 =	vadd.f32 v23, v53;
	[tilespmem:s18+$0x20] =	vst v27  }
0x31f: {  	v54 =	vadd.f32 v60, v54;
	v31 =	vadd.f32 v62, v31;
	v58 =	vperm.xlane v57, v2;
	v60 =	vld [tilespmem:$0x3030]  }
0x320: {  	v51 =	vmul.f32 v51, v52;
	v27 =	vmul.f32 v22, v22;
	v53 =	vadd.f32 v22, v53  }
0x321: {  	v52 =	vadd.f32 v61, v54;
	v54 =	vperm.xlane v31, v3;
	v57 =	vadd.f32 v58, v57;
	v58 =	vld [tilespmem:$0x30B0]  }
0x322: {  	v26 =	vmul.f32 v10, v26;
	v48 =	vadd.f32 v51, v48;
	v61 =	vperm.xlane v53, v0  }
0x323: {  	[tilespmem:s17+$0xFFFFFFA0] =	vst v50;
	v59 =	vld [tilespmem:$0x30F0];
	v50 =	vadd.f32 v27, v52;
	v27 =	vadd.f32 v54, v31;
	v31 =	vperm.xlane v57, v3  }
0x324: {  	v24 =	vsub.f32 v24, v8;
	[tilespmem:s18+$0xFFFFFF80] =	vst v48;
	v53 =	vadd.f32 v61, v53;
	v26 =	vmul.f32 v26, v60  }
0x325: {  	v63 =	vperm.xlane v50, v0;
	v60 =	vld [tilespmem:$0x3010];
	v27 =	vmul.f32 $7.812500000e-03, v27;
	v31 =	vadd.f32 v31, v57  }
0x326: {  	v24 =	vmul.f32 v10, v24;
	v62 =	vld [tilespmem:$0x3090];
	v61 =	vperm.xlane v53, v1;
	v26 =	vadd.f32 v26, v58  }
0x327: {  	v52 =	vld [tilespmem:$0x3030];
	v48 =	vadd.f32 v63, v50;
	v31 =	vmul.f32 $7.812500000e-03, v31;
	v63 =	vmul.f32 v27, v27  }
0x328: {  	v42 =	vmul.f32 v55, v42;
	v51 =	vadd.f32 v59, v56;
	v53 =	vadd.f32 v61, v53;
	[tilespmem:s18+$0x30] =	vst v26  }
0x329: {  	[tilespmem:s20+$0xFFFFFFC0] =	vst v47;
	v58 =	vmul.f32 v55, v28;
	v56 =	vperm.xlane v48, v1;
	v31 =	vsub.f32 v31, v63;
	v47 =	vld [tilespmem:$0x3040]  }
0x32a: {  	v30 =	vsub.f32 v30, v8;
	v50 =	vld [tilespmem:$0x3050];
	v42 =	vmul.f32 v42, v60;
	v59 =	vperm.xlane v53, v2  }
0x32b: {  	v28 =	vmul.f32 v55, v41;
	v41 =	vld [tilespmem:$0x30C0];
	v60 =	vadd.f32 v56, v48;
	v31 =	vadd.f32 $9.999999970e-07, v31  }
0x32c: {  	v33 =	vmul.f32 v33, v52;
	v48 =	vld [tilespmem:$0x30B0];
	v42 =	vadd.f32 v42, v62;
	v52 =	vadd.f32 v59, v53  }
0x32d: {  	v53 =	vld [tilespmem:$0x30D0];
	v61 =	vperm.xlane v60, v2;
	v62 =	vshra.s32 v31, $0x1;
	v57 =	vmul.f32 $5.000000000e-01, v31  }
0x32e: {  	[tilespmem:s19+$0xFFFFFFE0] =	vst v49;
	v63 =	vperm.xlane v52, v3;
	v56 =	vsub.s32 $0x5F3759DF, v62;
	v47 =	vmul.f32 v24, v47  }
0x32f: {  	v26 =	vmul.f32 v55, v38;
	v59 =	vld [tilespmem:$0x3070];
	v38 =	vadd.f32 v61, v60;
	v60 =	vmul.f32 v56, v57  }
0x330: {  	v29 =	vmul.f32 v29, v50;
	v31 =	vld [tilespmem:$0x30F0];
	[tilespmem:s18+$0xFFFFFF90] =	vst v42;
	v61 =	vadd.f32 v63, v52;
	v41 =	vadd.f32 v47, v41  }
0x331: {  	v33 =	vadd.f32 v33, v48;
	v47 =	vld [tilespmem:$0x3020];
	v62 =	vperm.xlane v38, v3;
	v63 =	vmul.f32 v56, v60  }
0x332: {  	v24 =	vmul.f32 v55, v36;
	v52 =	vld [tilespmem:$0x30A0];
	v29 =	vadd.f32 v29, v53;
	v36 =	vmul.f32 $7.812500000e-03, v61;
	[tilespmem:s18+$0x40] =	vst v41  }
0x333: {  	v35 =	vmul.f32 v55, v35;
	[tilespmem:s17+$0xFFFFFFB0] =	vst v33;
	v60 =	vadd.f32 v62, v38;
	v61 =	vsub.f32 $1.500000000e+00, v63;
	v42 =	vld [tilespmem:$0x3050]  }
0x334: {  	v38 =	vmul.f32 v55, v37;
	v49 =	vld [tilespmem:$0x3040];
	v62 =	vmul.f32 v36, v36;
	v37 =	vsub.f32 v40, v36  }
0x335: {  	v63 =	vmul.f32 $7.812500000e-03, v60;
	v33 =	vsub.f32 v32, v36;
	v60 =	vld [tilespmem:$0x30D0];
	v50 =	vmul.f32 v56, v61  }
0x336: {  	v48 =	vld [tilespmem:$0x30C0];
	[tilespmem:s20+$0xFFFFFFD0] =	vst v29;
	v32 =	vsub.f32 v44, v36;
	v47 =	vmul.f32 v58, v47;
	v61 =	vmul.f32 v10, v30  }
0x337: {  	[tilespmem:s19+$0x70] =	vst v25;
	v44 =	vld [tilespmem:$0x3060];
	v29 =	vsub.f32 v45, v36;
	v25 =	vsub.f32 v63, v62;
	v62 =	vmul.f32 v50, v57  }
0x338: {  	[tilespmem:s20+$0x70] =	vst v34;
	v41 =	vld [tilespmem:$0x30E0];
	v30 =	vsub.f32 v46, v36;
	v47 =	vadd.f32 v47, v52;
	v63 =	vmul.f32 v61, v42  }
0x339: {  	[tilespmem:s17+$0x70] =	vst v51;
	v40 =	vld [tilespmem:$0x3080];
	v45 =	vmul.f32 v39, v49;
	v46 =	vadd.f32 $9.999999970e-07, v25;
	v34 =	vmul.f32 v62, v50  }
0x33a: {  	s12 =	simm.s32 $0x7680;
	s11 =	simm.s32 $0x8;
	v39 =	vmul.f32 v59, v12;
	v42 =	vld [tilespmem:$0x3000];
	v25 =	vsub.f32 v43, v36;
	[tilespmem:s18+$0xFFFFFFA0] =	vst v47;
	v43 =	vadd.f32 v63, v60  }
.LBB2_9:
0x33b: {  	v47 =	vld [tilespmem:s12+$0x0];
	s11 =	sadd.s32 $0x2, s11;
	v49 =	vshra.s32 v46, $0x1;
	v46 =	vmul.f32 $5.000000000e-01, v46;
	v51 =	vsub.f32 $1.500000000e+00, v34;
	v12 =	vmovc v4;
	v4 =	vmovc v9  }
0x33c: {  	v34 =	vsub.f32 v23, v36;
	v23 =	vadd.f32 v45, v48;
	v9 =	vmovc v38;
	v52 =	vld [tilespmem:s12+$0x10];
	p2 =	slt.u32 s11, $0x7E;
	v49 =	vsub.s32 $0x5F3759DF, v49;
	[tilespmem:s18+$0x50] =	vst v43  }
0x33d: {  	v54 =	vsub.f32 v21, v27;
	v43 =	vmul.f32 v49, v46;
	v45 =	vmul.f32 v51, v50;
	v48 =	vld [tilespmem:$0x3060]  }
0x33e: {  	v38 =	vsub.f32 v22, v36;
	v22 =	vsub.f32 v7, v8;
	v50 =	vld [tilespmem:s12+$0x20];
	[tilespmem:s17+$0xFFFFFFC0] =	vst v23;
	v23 =	vmul.f32 v44, v6  }
0x33f: {  	v7 =	vmovc v17;
	v31 =	vadd.f32 v31, v39;
	v43 =	vmul.f32 v49, v43;
	v44 =	vmul.f32 v45, v54;
	v51 =	vld [tilespmem:$0x30E0]  }
0x340: {  	v22 =	vmul.f32 v10, v22;
	v6 =	vmovc v11;
	v17 =	vadd.f32 $0.0e+00, v47;
	v53 =	vmul.f32 v47, v47;
	v36 =	vld [tilespmem:s12+$0x30];
	v21 =	vmovc v47  }
0x341: {  	v11 =	vmovc v35;
	v39 =	vld [tilespmem:s12+$0xFFFFFF80];
	v47 =	vmul.f32 v52, v52;
	v43 =	vsub.f32 $1.500000000e+00, v43;
	v44 =	vmul.f32 v44, v42;
	[tilespmem:s19+$0xFFFFFFF0] =	vst v31;
	s19 =	smov.u32 s20;
	s20 =	smov.u32 s17;
	s17 =	smov.u32 s18  }
0x342: {  	v23 =	vadd.f32 v41, v23;
	s18 =	smov.u32 s10;
	s10 =	smov.u32 s12;
	v17 =	vadd.f32 v52, v17;
	v35 =	vld [tilespmem:s12+$0x40];
	v22 =	vmul.f32 v48, v22  }
0x343: {  	v31 =	vadd.f32 v47, v53;
	v47 =	vmul.f32 v50, v50;
	v48 =	vld [tilespmem:s12+$0x70];
	v44 =	vadd.f32 v44, v40  }
0x344: {  	v49 =	vmul.f32 v49, v43;
	v53 =	vadd.f32 v50, v17;
	v41 =	vld [tilespmem:s12+$0x50];
	v22 =	vadd.f32 v51, v22;
	[tilespmem:s19+$0xFFFFFFE0] =	vst v23  }
0x345: {  	v23 =	vadd.f32 v47, v31;
	v31 =	vmul.f32 v36, v36;
	v17 =	vld [tilespmem:s12+$0x60];
	[tilespmem:s18+$0x0] =	vst v44  }
0x346: {  	v51 =	vadd.f32 $0.0e+00, v39;
	v54 =	vmul.f32 v39, v39;
	v43 =	vadd.f32 v36, v53;
	v47 =	vld [tilespmem:$0x3010];
	[tilespmem:s17+$0x60] =	vst v22  }
0x347: {  	v22 =	vadd.f32 v31, v23;
	v23 =	vmul.f32 v35, v35;
	v31 =	vsub.f32 v20, v27;
	v53 =	vld [tilespmem:$0x3070];
	v20 =	vmovc v52  }
0x348: {  	v58 =	vsub.f32 v5, v8;
	v5 =	vmovc v14;
	v46 =	vmul.f32 v49, v46;
	v43 =	vadd.f32 v35, v43;
	v52 =	vld [tilespmem:$0x3090]  }
0x349: {  	v14 =	vmovc v48;
	v22 =	vadd.f32 v23, v22;
	v23 =	vmul.f32 v41, v41;
	v31 =	vmul.f32 v45, v31;
	v55 =	vld [tilespmem:$0x30F0]  }
0x34a: {  	v57 =	vmul.f32 v10, v58;
	v10 =	vmovc v45;
	v56 =	vmul.f32 v46, v49;
	v44 =	vld [tilespmem:s12+$0xFFFFFF90];
	v43 =	vadd.f32 v41, v43  }
0x34b: {  	v8 =	vmovc v27;
	v45 =	vld [tilespmem:s12+$0xFFFFFFA0];
	v22 =	vadd.f32 v23, v22;
	v23 =	vmul.f32 v17, v17;
	v31 =	vmul.f32 v31, v47  }
0x34c: {  	v56 =	vsub.f32 $1.500000000e+00, v56;
	v46 =	vld [tilespmem:s12+$0xFFFFFFB0];
	v27 =	vadd.f32 v17, v43;
	v53 =	vmul.f32 v53, v57  }
0x34d: {  	v47 =	vld [tilespmem:s12+$0xFFFFFFC0];
	v22 =	vadd.f32 v23, v22;
	v31 =	vadd.f32 v31, v52  }
0x34e: {  	v52 =	vmul.f32 v48, v14;
	v43 =	vld [tilespmem:s12+$0xFFFFFFD0];
	v27 =	vadd.f32 v14, v27;
	v53 =	vadd.f32 v55, v53  }
0x34f: {  	v48 =	vmul.f32 v56, v49;
	v51 =	vadd.f32 v44, v51;
	v55 =	vmul.f32 v44, v44;
	v23 =	vld [tilespmem:s12+$0xFFFFFFE0];
	[tilespmem:s18+$0x10] =	vst v31  }
0x350: {  	v49 =	vadd.f32 v52, v22;
	v31 =	vmul.f32 v45, v45;
	v52 =	vperm.xlane v27, v0;
	v56 =	vld [tilespmem:$0x3020];
	[tilespmem:s17+$0x70] =	vst v53  }
0x351: {  	v57 =	vsub.f32 v19, v8;
	v19 =	vmovc v50;
	v51 =	vadd.f32 v45, v51;
	v53 =	vmul.f32 v46, v46;
	v22 =	vld [tilespmem:s12+$0xFFFFFFF0]  }
0x352: {  	v50 =	vadd.f32 v55, v54;
	v27 =	vadd.f32 v52, v27;
	v52 =	vperm.xlane v49, v0;
	v54 =	vld [tilespmem:$0x30A0]  }
0x353: {  	v57 =	vmul.f32 v10, v57;
	v55 =	vmul.f32 v47, v47;
	v51 =	vadd.f32 v46, v51;
	v58 =	vld [tilespmem:$0x3030]  }
0x354: {  	v31 =	vadd.f32 v31, v50;
	v50 =	vperm.xlane v27, v1;
	v52 =	vadd.f32 v52, v49;
	v59 =	vld [tilespmem:$0x30B0]  }
0x355: {  	v49 =	vadd.f32 v47, v51;
	v51 =	vmul.f32 v43, v43;
	v56 =	vmul.f32 v57, v56;
	v57 =	vld [tilespmem:$0x3050]  }
0x356: {  	v31 =	vadd.f32 v53, v31;
	v27 =	vadd.f32 v50, v27;
	v50 =	vperm.xlane v52, v1;
	v53 =	vld [tilespmem:$0x30D0]  }
0x357: {  	v61 =	vmul.f32 v23, v23;
	v60 =	vadd.f32 v43, v49;
	v54 =	vadd.f32 v56, v54;
	v49 =	vld [tilespmem:$0x3070]  }
0x358: {  	v55 =	vadd.f32 v55, v31;
	v56 =	vperm.xlane v27, v2;
	v50 =	vadd.f32 v50, v52;
	v31 =	vld [tilespmem:$0x30F0]  }
0x359: {  	v37 =	vmul.f32 v48, v37;
	v52 =	vadd.f32 v23, v60;
	v60 =	vmul.f32 v22, v22;
	[tilespmem:s18+$0x20] =	vst v54  }
0x35a: {  	v51 =	vadd.f32 v51, v55;
	v27 =	vadd.f32 v56, v27;
	v54 =	vperm.xlane v50, v2;
	v55 =	vld [tilespmem:$0x3030]  }
0x35b: {  	v37 =	vmul.f32 v37, v42;
	v42 =	vsub.f32 v18, v8;
	v18 =	vmovc v36;
	v52 =	vadd.f32 v22, v52  }
0x35c: {  	v36 =	vadd.f32 v61, v51;
	v51 =	vperm.xlane v27, v3;
	v50 =	vadd.f32 v54, v50;
	v54 =	vld [tilespmem:$0x30B0]  }
0x35d: {  	v37 =	vadd.f32 v37, v40;
	v40 =	vmul.f32 v10, v42;
	v56 =	vperm.xlane v52, v0  }
0x35e: {  	v36 =	vadd.f32 v60, v36;
	v27 =	vadd.f32 v51, v27;
	v42 =	vperm.xlane v50, v3  }
0x35f: {  	v33 =	vmul.f32 v48, v33;
	v51 =	vadd.f32 v56, v52;
	[tilespmem:s18+$0xFFFFFF80] =	vst v37;
	v37 =	vmul.f32 v40, v55  }
0x360: {  	v40 =	vperm.xlane v36, v0;
	v27 =	vmul.f32 $7.812500000e-03, v27;
	v42 =	vadd.f32 v42, v50;
	v50 =	vld [tilespmem:$0x3010]  }
0x361: {  	v56 =	vmul.f32 v48, v32;
	v52 =	vperm.xlane v51, v1;
	v55 =	vld [tilespmem:$0x3090];
	v32 =	vadd.f32 v37, v54  }
0x362: {  	v36 =	vadd.f32 v40, v36;
	v37 =	vmul.f32 $7.812500000e-03, v42;
	v40 =	vmul.f32 v27, v27  }
0x363: {  	v42 =	vadd.f32 v52, v51;
	[tilespmem:s18+$0x30] =	vst v32;
	v32 =	vmul.f32 v28, v58;
	v28 =	vmul.f32 v48, v30  }
0x364: {  	v30 =	vperm.xlane v36, v1;
	v51 =	vmul.f32 v48, v29;
	v37 =	vsub.f32 v37, v40;
	v29 =	vld [tilespmem:$0x3040]  }
0x365: {  	v40 =	vperm.xlane v42, v2;
	v33 =	vmul.f32 v33, v50;
	v50 =	vsub.f32 v16, v8;
	v16 =	vmovc v35  }
0x366: {  	v25 =	vmul.f32 v48, v25;
	v30 =	vadd.f32 v30, v36;
	v35 =	vadd.f32 $9.999999970e-07, v37;
	v36 =	vld [tilespmem:$0x30C0]  }
0x367: {  	v37 =	vadd.f32 v40, v42;
	v33 =	vadd.f32 v33, v55;
	v40 =	vmul.f32 v10, v50  }
0x368: {  	v42 =	vperm.xlane v30, v2;
	v50 =	vshra.s32 v35, $0x1;
	v52 =	vmul.f32 $5.000000000e-01, v35  }
0x369: {  	v35 =	vperm.xlane v37, v3;
	v50 =	vsub.s32 $0x5F3759DF, v50;
	[tilespmem:s18+$0xFFFFFF90] =	vst v33;
	v29 =	vmul.f32 v40, v29  }
0x36a: {  	v32 =	vadd.f32 v32, v59;
	v30 =	vadd.f32 v42, v30;
	v33 =	vmul.f32 v50, v52;
	v40 =	vld [tilespmem:$0x3020]  }
0x36b: {  	v35 =	vadd.f32 v35, v37;
	v42 =	vld [tilespmem:$0x30A0];
	v29 =	vadd.f32 v29, v36;
	v37 =	vmul.f32 v13, v57;
	v13 =	vmovc v24  }
0x36c: {  	v54 =	vperm.xlane v30, v3;
	v24 =	vmov v25;
	v33 =	vmul.f32 v50, v33;
	[tilespmem:s17+$0xFFFFFFB0] =	vst v32  }
0x36d: {  	v36 =	vmul.f32 $7.812500000e-03, v35;
	v35 =	vmul.f32 v48, v34;
	[tilespmem:s18+$0x40] =	vst v29;
	v25 =	vld [tilespmem:$0x3040];
	v29 =	vadd.f32 v37, v53  }
0x36e: {  	v38 =	vmul.f32 v48, v38;
	v30 =	vadd.f32 v54, v30;
	v32 =	vsub.f32 $1.500000000e+00, v33;
	v34 =	vld [tilespmem:$0x3050]  }
0x36f: {  	v53 =	vmul.f32 v36, v36;
	v37 =	vsub.f32 v39, v36;
	v39 =	vsub.f32 v15, v8;
	v48 =	vld [tilespmem:$0x30C0];
	[tilespmem:s20+$0xFFFFFFD0] =	vst v29  }
0x370: {  	v29 =	vmul.f32 $7.812500000e-03, v30;
	v33 =	vsub.f32 v44, v36;
	v15 =	vmovc v41;
	v50 =	vmul.f32 v50, v32;
	v54 =	vld [tilespmem:$0x30D0]  }
.Ltmp5:
0x371: {  	v40 =	vmul.f32 v56, v40;
	v32 =	vsub.f32 v45, v36;
	v39 =	vmul.f32 v10, v39;
	v44 =	vld [tilespmem:$0x3060];
	(pc) =	sbr.rel @p2 .LBB2_9-.Ltmp5, $4  }
0x372: {  	v30 =	vsub.f32 v46, v36;
	v45 =	vsub.f32 v29, v53;
	v52 =	vmul.f32 v50, v52;
	v41 =	vld [tilespmem:$0x30E0]  }
0x373: {  	v29 =	vsub.f32 v47, v36;
	v47 =	vadd.f32 v40, v42;
	v39 =	vmul.f32 v39, v34  }
0x374: {  	v46 =	vadd.f32 $9.999999970e-07, v45;
	v45 =	vmul.f32 v26, v25;
	v26 =	vmovc v51;
	v40 =	vld [tilespmem:$0x3080];
	v34 =	vmul.f32 v52, v50  }
0x375: {  	s12 =	sadd.s32 $0x100, s12;
	v25 =	vsub.f32 v43, v36;
	v42 =	vld [tilespmem:$0x3000];
	[tilespmem:s18+$0xFFFFFFA0] =	vst v47;
	v43 =	vadd.f32 v39, v54;
	v39 =	vmul.f32 v49, v12  }
0x376: {  	v12 =	vshra.s32 v46, $0x1;
	v60 =	vmul.f32 $5.000000000e-01, v46  }
0x377: {  	v12 =	vsub.s32 $0x5F3759DF, v12  }
0x378: {  	v47 =	vmul.f32 v12, v60;
	_ =	sdelay $0x1  }
0x379: {  	v47 =	vmul.f32 v12, v47;
	_ =	sdelay $0x1  }
0x37a: {  	v47 =	vsub.f32 $1.500000000e+00, v47;
	_ =	sdelay $0x1  }
0x37b: {  	v12 =	vmul.f32 v12, v47;
	_ =	sdelay $0x1  }
0x37c: {  	v46 =	vmul.f32 v12, v60  }
0x37d: {  	v34 =	vsub.f32 $1.500000000e+00, v34  }
0x37e: {  	v46 =	vmul.f32 v46, v12  }
0x37f: {  	v21 =	vsub.f32 v21, v27;
	v34 =	vmul.f32 v34, v50  }
0x380: {  	v46 =	vsub.f32 $1.500000000e+00, v46  }
0x381: {  	v21 =	vmul.f32 v34, v21  }
0x382: {  	v12 =	vmul.f32 v46, v12  }
0x383: {  	v21 =	vmul.f32 v21, v42  }
0x384: {  	v37 =	vmul.f32 v12, v37  }
0x385: {  	v21 =	vadd.f32 v21, v40  }
0x386: {  	v37 =	vmul.f32 v37, v42  }
0x387: {  	[tilespmem:s10+$0x0] =	vst v21  }
0x388: {  	v21 =	vld [tilespmem:$0x3010];
	v37 =	vadd.f32 v37, v40  }
0x389: {  	v20 =	vsub.f32 v20, v27  }
0x38a: {  	v61 =	vld [tilespmem:$0x3090];
	[tilespmem:s10+$0xFFFFFF80] =	vst v37  }
0x38b: {  	v20 =	vmul.f32 v34, v20;
	v62 =	vld [tilespmem:$0x3010];
	_ =	sdelay $0x1  }
0x38c: {  	v20 =	vmul.f32 v20, v21;
	v37 =	vld [tilespmem:$0x3090]  }
0x38d: {  	v33 =	vmul.f32 v12, v33  }
0x38e: {  	v20 =	vadd.f32 v20, v61  }
0x38f: {  	v21 =	vmul.f32 v33, v62  }
0x390: {  	[tilespmem:s10+$0x10] =	vst v20  }
0x391: {  	v20 =	vld [tilespmem:$0x3020];
	v21 =	vadd.f32 v21, v37  }
0x392: {  	v19 =	vsub.f32 v19, v27  }
0x393: {  	v63 =	vld [tilespmem:$0x30A0];
	[tilespmem:s10+$0xFFFFFF90] =	vst v21  }
0x394: {  	v19 =	vmul.f32 v34, v19;
	v37 =	vld [tilespmem:$0x3020];
	_ =	sdelay $0x1  }
0x395: {  	v19 =	vmul.f32 v19, v20;
	v21 =	vld [tilespmem:$0x30A0]  }
0x396: {  	v32 =	vmul.f32 v12, v32  }
0x397: {  	v19 =	vadd.f32 v19, v63  }
0x398: {  	v20 =	vmul.f32 v32, v37  }
0x399: {  	[tilespmem:s10+$0x20] =	vst v19  }
0x39a: {  	v19 =	vld [tilespmem:$0x3030];
	v20 =	vadd.f32 v20, v21  }
0x39b: {  	v18 =	vsub.f32 v18, v27;
	v42 =	vld [tilespmem:$0x3030]  }
0x39c: {  	v40 =	vld [tilespmem:$0x30B0];
	[tilespmem:s10+$0xFFFFFFA0] =	vst v20  }
0x39d: {  	v18 =	vmul.f32 v34, v18;
	v46 =	vld [tilespmem:$0x3030]  }
0x39e: {  	v47 =	vld [tilespmem:$0x30B0]  }
0x39f: {  	v18 =	vmul.f32 v18, v19;
	v49 =	vld [tilespmem:$0x30B0]  }
0x3a0: {  	v30 =	vmul.f32 v12, v30  }
0x3a1: {  	v50 =	vmul.f32 v28, v42;
	v18 =	vadd.f32 v18, v40  }
0x3a2: {  	v19 =	vmul.f32 v30, v46  }
0x3a3: {  	[tilespmem:s10+$0x30] =	vst v18;
	v18 =	vadd.f32 v50, v47  }
0x3a4: {  	v51 =	vld [tilespmem:$0x3040];
	v19 =	vadd.f32 v19, v49  }
0x3a5: {  	v16 =	vsub.f32 v16, v27;
	v52 =	vld [tilespmem:$0x30C0];
	[tilespmem:s18+$0xFFFFFFB0] =	vst v18  }
0x3a6: {  	v18 =	vld [tilespmem:$0x3040];
	[tilespmem:s10+$0xFFFFFFB0] =	vst v19  }
0x3a7: {  	v16 =	vmul.f32 v34, v16;
	v19 =	vld [tilespmem:$0x3040]  }
0x3a8: {  	v55 =	vadd.f32 v45, v48;
	v53 =	vld [tilespmem:$0x30C0]  }
0x3a9: {  	[tilespmem:s18+$0x50] =	vst v43;
	v16 =	vmul.f32 v16, v51;
	v54 =	vld [tilespmem:$0x30C0]  }
0x3aa: {  	v56 =	vld [tilespmem:$0x3060];
	[tilespmem:s17+$0xFFFFFFC0] =	vst v55;
	v29 =	vmul.f32 v12, v29  }
0x3ab: {  	v7 =	vsub.f32 v7, v8;
	v60 =	vld [tilespmem:$0x3050];
	v16 =	vadd.f32 v16, v52;
	v58 =	vmul.f32 v26, v18  }
0x3ac: {  	v57 =	vld [tilespmem:$0x30E0];
	v19 =	vmul.f32 v29, v19  }
0x3ad: {  	v7 =	vmul.f32 v10, v7;
	v62 =	vld [tilespmem:$0x30D0];
	[tilespmem:s10+$0x40] =	vst v16;
	v16 =	vadd.f32 v58, v53  }
0x3ae: {  	v59 =	vld [tilespmem:$0x3050];
	v19 =	vadd.f32 v19, v54  }
0x3af: {  	v15 =	vsub.f32 v15, v27;
	v7 =	vmul.f32 v56, v7;
	v61 =	vld [tilespmem:$0x30D0];
	[tilespmem:s18+$0xFFFFFFC0] =	vst v16  }
0x3b0: {  	v13 =	vmul.f32 v13, v60;
	v16 =	vld [tilespmem:$0x3050];
	[tilespmem:s10+$0xFFFFFFC0] =	vst v19  }
0x3b1: {  	v15 =	vmul.f32 v34, v15;
	v7 =	vadd.f32 v57, v7;
	v63 =	vld [tilespmem:$0x3050]  }
0x3b2: {  	v13 =	vadd.f32 v13, v62;
	v28 =	vld [tilespmem:$0x30D0]  }
0x3b3: {  	[tilespmem:s18+$0x60] =	vst v7;
	v15 =	vmul.f32 v15, v59;
	v30 =	vld [tilespmem:$0x30D0]  }
0x3b4: {  	v25 =	vmul.f32 v12, v25;
	v33 =	vld [tilespmem:$0x30F0];
	[tilespmem:s17+$0xFFFFFFD0] =	vst v13  }
0x3b5: {  	v43 =	vld [tilespmem:$0x3060];
	v37 =	vmul.f32 v24, v16;
	v29 =	vadd.f32 v15, v61  }
0x3b6: {  	v32 =	vld [tilespmem:$0x3070];
	v42 =	vmul.f32 v25, v63  }
0x3b7: {  	v46 =	vld [tilespmem:$0x30E0];
	v7 =	vadd.f32 v37, v28;
	[tilespmem:s10+$0x50] =	vst v29  }
0x3b8: {  	v40 =	vld [tilespmem:$0x3060];
	v15 =	vadd.f32 v42, v30  }
0x3b9: {  	v17 =	vsub.f32 v17, v27;
	v6 =	vmul.f32 v44, v6;
	[tilespmem:s18+$0xFFFFFFD0] =	vst v7;
	v45 =	vld [tilespmem:$0x30E0]  }
0x3ba: {  	v7 =	vld [tilespmem:$0x3060];
	[tilespmem:s10+$0xFFFFFFD0] =	vst v15  }
0x3bb: {  	v6 =	vadd.f32 v41, v6;
	v17 =	vmul.f32 v34, v17;
	v49 =	vmul.f32 v43, v11;
	v15 =	vld [tilespmem:$0x3060]  }
0x3bc: {  	v47 =	vsub.f32 v23, v36;
	v48 =	vld [tilespmem:$0x30E0]  }
0x3bd: {  	[tilespmem:s20+$0xFFFFFFE0] =	vst v6;
	v6 =	vadd.f32 v46, v49;
	v13 =	vmul.f32 v40, v17;
	v51 =	vld [tilespmem:$0x30E0]  }
0x3be: {  	v52 =	vld [tilespmem:$0x3070];
	v17 =	vmul.f32 v12, v47  }
0x3bf: {  	v53 =	vld [tilespmem:$0x30F0];
	[tilespmem:s17+$0xFFFFFFE0] =	vst v6;
	v7 =	vmul.f32 v7, v35;
	v50 =	vadd.f32 v45, v13  }
0x3c0: {  	v5 =	vsub.f32 v5, v8;
	v55 =	vld [tilespmem:$0x3070];
	v15 =	vmul.f32 v15, v17  }
0x3c1: {  	v57 =	vld [tilespmem:$0x30F0];
	v7 =	vadd.f32 v48, v7;
	[tilespmem:s10+$0x60] =	vst v50  }
0x3c2: {  	v5 =	vmul.f32 v10, v5;
	v11 =	vld [tilespmem:$0x3070];
	v13 =	vadd.f32 v51, v15  }
0x3c3: {  	v56 =	vsub.f32 v14, v27;
	[tilespmem:s18+$0xFFFFFFE0] =	vst v7;
	v54 =	vld [tilespmem:$0x30F0]  }
0x3c4: {  	v5 =	vmul.f32 v32, v5;
	v7 =	vld [tilespmem:$0x3070];
	[tilespmem:s10+$0xFFFFFFE0] =	vst v13  }
0x3c5: {  	v10 =	vmul.f32 v34, v56;
	v4 =	vmul.f32 v52, v4;
	v13 =	vld [tilespmem:$0x3070]  }
0x3c6: {  	v5 =	vadd.f32 v33, v5;
	v58 =	vsub.f32 v22, v36;
	v60 =	vld [tilespmem:$0x30F0]  }
0x3c7: {  	v4 =	vadd.f32 v53, v4;
	v10 =	vmul.f32 v11, v10;
	v61 =	vld [tilespmem:$0x30F0]  }
0x3c8: {  	[tilespmem:s18+$0x70] =	vst v5;
	v59 =	vadd.f32 v31, v39;
	v8 =	vmul.f32 v55, v9;
	v12 =	vmul.f32 v12, v58  }
0x3c9: {  	[tilespmem:s20+$0xFFFFFFF0] =	vst v4;
	v62 =	vmul.f32 v7, v38;
	v5 =	vadd.f32 v54, v10  }
0x3ca: {  	[tilespmem:s19+$0xFFFFFFF0] =	vst v59;
	v4 =	vadd.f32 v57, v8;
	v63 =	vmul.f32 v13, v12  }
.Ltmp6:
0x3cb: {  	[tilespmem:s10+$0x70] =	vst v5;
	v5 =	vadd.f32 v60, v62;
	(pc) =	sbr.rel @p1 .LBB2_14-.Ltmp6, $4  }
0x3cc: {  	[tilespmem:s17+$0xFFFFFFF0] =	vst v4;
	v4 =	vadd.f32 v61, v63  }
0x3cd: {  	s2 =	sshll.u32 s2, $0xB;
	[tilespmem:s18+$0xFFFFFFF0] =	vst v5  }
0x3ce: {  	s2 =	sadd.s32 s2, s14;
	[tilespmem:s10+$0xFFFFFFF0] =	vst v4  }
0x3cf: {  	[hbm4b:s2+s8] =	stream.linear.scatter [tilespmem:s25], [sflag:$0x2], $0x4000, $0x38;
	[tilespmem:$0x12290] =	vst v63  }
0x3d0: {  	s2 =	smul.u32 $0x600, s7  }
0x3d1: {  	_ =	swait.ge [sflag:s29], $0x4000  }
0x3d2: {  	[sflag:s29] =	ssyncset.done $0x0;
	s2 =	sshra.s32 s2, $0x2  }
0x3d3: {  	[sflag:s29] =	ssyncadd.s32 $0xFFFFC000;
	s2 =	sadd.s32 $0x200, s2  }
0x3d4: {  	[tilespmem:s25], [sflag:$0x2] =	stream.indirect.gather [hbm4b:s0+s23], $0x80, s2, s23, $0xb8;
	[tilespmem:$0x12290] =	vst v63  }
0x3d5: {  	_ =	swait.ge [sflag:s26], $0x4000  }
0x3d6: {  	s20 =	sshll.u32 s3, $0x7;
	[sflag:s26] =	ssyncset.done $0x0  }
0x3d7: {  	s3 =	sadd.s32 $0x1000, s20;
	[sflag:s26] =	ssyncadd.s32 $0xFFFFC000  }
0x3d8: {  	[tilespmem:s24], [sflag:$0x1] =	stream.indirect.gather.add.f32 [spmem:s5], $0x80, s3, s23, $0xb8;
	[tilespmem:$0x12290] =	vst v63  }
0x3d9: {  	s2 =	sadd.s32 $0x2000, s20  }
0x3da: {  	[tilespmem:s24], [sflag:$0x1] =	stream.indirect.gather.add.f32 [spmem:s6], $0x80, s2, s23, $0xb8;
	[tilespmem:$0x12290] =	vst v63  }
0x3db: {  	_ =	swait.ge [sflag:s30], $0x4000  }
0x3dc: {  	[sflag:s30] =	ssyncset.done $0x0  }
0x3dd: {  	[sflag:s30] =	ssyncadd.s32 $0xFFFFC000  }
0x3de: {  	_ =	swait.ge [sflag:s30], $0x4000  }
0x3df: {  	[sflag:s30] =	ssyncset.done $0x0  }
0x3e0: {  	s2 =	simm.s32 $0xB180;
	[sflag:s30] =	ssyncadd.s32 $0xFFFFC000  }
0x3e1: {  	v5 =	vld [tilespmem:s2+$0x0];
	_ =	sdelay $0x1  }
0x3e2: {  	v25 =	vld [tilespmem:s2+$0x10];
	_ =	sdelay $0x1  }
0x3e3: {  	v24 =	vld [tilespmem:s2+$0x20]  }
0x3e4: {  	v4 =	vadd.f32 $0.0e+00, v5  }
0x3e5: {  	v10 =	vld [tilespmem:s2+$0x30]  }
0x3e6: {  	v6 =	vmul.f32 v5, v5;
	v7 =	vmul.f32 v25, v25;
	v4 =	vadd.f32 v25, v4  }
0x3e7: {  	v12 =	vld [tilespmem:s2+$0x40]  }
0x3e8: {  	v6 =	vadd.f32 v7, v6;
	v7 =	vmul.f32 v24, v24;
	v4 =	vadd.f32 v24, v4  }
0x3e9: {  	v11 =	vld [tilespmem:s2+$0x50]  }
0x3ea: {  	v6 =	vadd.f32 v7, v6;
	v7 =	vmul.f32 v10, v10;
	v4 =	vadd.f32 v10, v4  }
0x3eb: {  	v15 =	vld [tilespmem:s2+$0x60]  }
0x3ec: {  	v6 =	vadd.f32 v7, v6;
	v7 =	vmul.f32 v12, v12;
	v8 =	vadd.f32 v12, v4  }
0x3ed: {  	v4 =	vld [tilespmem:s2+$0x70]  }
0x3ee: {  	v6 =	vadd.f32 v7, v6;
	v7 =	vmul.f32 v11, v11;
	v8 =	vadd.f32 v11, v8;
	_ =	sdelay $0x1  }
0x3ef: {  	v6 =	vadd.f32 v7, v6;
	v7 =	vmul.f32 v15, v15;
	v8 =	vadd.f32 v15, v8;
	_ =	sdelay $0x1  }
0x3f0: {  	v6 =	vadd.f32 v7, v6;
	v7 =	vadd.f32 v4, v8;
	v8 =	vmul.f32 v4, v4;
	_ =	sdelay $0x1  }
0x3f1: {  	v26 =	vld [tilespmem:s2+$0xFFFFFF80];
	v6 =	vadd.f32 v8, v6;
	v8 =	vperm.xlane v7, v0;
	_ =	sdelay $0x1  }
0x3f2: {  	v22 =	vld [tilespmem:s2+$0xFFFFFF90];
	v7 =	vadd.f32 v8, v7;
	v8 =	vperm.xlane v6, v0;
	_ =	sdelay $0x1  }
0x3f3: {  	v21 =	vld [tilespmem:s2+$0xFFFFFFA0];
	v9 =	vperm.xlane v7, v1;
	v6 =	vadd.f32 v8, v6  }
0x3f4: {  	v8 =	vadd.f32 $0.0e+00, v26  }
0x3f5: {  	v16 =	vld [tilespmem:s2+$0xFFFFFFB0];
	v7 =	vadd.f32 v9, v7;
	v9 =	vperm.xlane v6, v1  }
0x3f6: {  	v13 =	vmul.f32 v26, v26;
	v17 =	vmul.f32 v22, v22;
	v8 =	vadd.f32 v22, v8  }
0x3f7: {  	v19 =	vld [tilespmem:s2+$0xFFFFFFC0];
	v18 =	vperm.xlane v7, v2;
	v6 =	vadd.f32 v9, v6  }
0x3f8: {  	v13 =	vadd.f32 v17, v13;
	v9 =	vmul.f32 v21, v21;
	v8 =	vadd.f32 v21, v8  }
0x3f9: {  	v14 =	vld [tilespmem:s2+$0xFFFFFFD0];
	v7 =	vadd.f32 v18, v7;
	v18 =	vperm.xlane v6, v2  }
0x3fa: {  	v20 =	vmul.f32 v16, v16;
	v8 =	vadd.f32 v16, v8;
	v9 =	vadd.f32 v9, v13  }
0x3fb: {  	v17 =	vld [tilespmem:s2+$0xFFFFFFE0];
	v23 =	vperm.xlane v7, v3;
	v6 =	vadd.f32 v18, v6  }
0x3fc: {  	v18 =	vmul.f32 v19, v19;
	v8 =	vadd.f32 v19, v8;
	v9 =	vadd.f32 v20, v9  }
0x3fd: {  	v13 =	vld [tilespmem:s2+$0xFFFFFFF0];
	v7 =	vadd.f32 v23, v7;
	v20 =	vperm.xlane v6, v3  }
0x3fe: {  	v23 =	vmul.f32 v14, v14;
	v8 =	vadd.f32 v14, v8;
	v9 =	vadd.f32 v18, v9  }
0x3ff: {  	v7 =	vmul.f32 $7.812500000e-03, v7;
	v6 =	vadd.f32 v20, v6  }
0x400: {  	v18 =	vmul.f32 v17, v17;
	v8 =	vadd.f32 v17, v8;
	v9 =	vadd.f32 v23, v9  }
0x401: {  	v6 =	vmul.f32 $7.812500000e-03, v6;
	v20 =	vmul.f32 v7, v7  }
0x402: {  	v23 =	vmul.f32 v13, v13;
	v8 =	vadd.f32 v13, v8;
	v9 =	vadd.f32 v18, v9  }
0x403: {  	v6 =	vsub.f32 v6, v20  }
0x404: {  	v18 =	vperm.xlane v8, v0;
	v9 =	vadd.f32 v23, v9  }
0x405: {  	v6 =	vadd.f32 $9.999999970e-07, v6  }
0x406: {  	v8 =	vadd.f32 v18, v8;
	v18 =	vperm.xlane v9, v0  }
0x407: {  	v20 =	vshra.s32 v6, $0x1;
	v6 =	vmul.f32 $5.000000000e-01, v6  }
0x408: {  	v23 =	vperm.xlane v8, v1;
	v9 =	vadd.f32 v18, v9;
	v20 =	vsub.s32 $0x5F3759DF, v20  }
0x409: {  	v18 =	vmul.f32 v20, v6  }
0x40a: {  	v8 =	vadd.f32 v23, v8;
	v23 =	vperm.xlane v9, v1  }
0x40b: {  	v18 =	vmul.f32 v20, v18  }
0x40c: {  	v27 =	vperm.xlane v8, v2;
	v9 =	vadd.f32 v23, v9  }
0x40d: {  	v18 =	vsub.f32 $1.500000000e+00, v18  }
0x40e: {  	v8 =	vadd.f32 v27, v8;
	v23 =	vperm.xlane v9, v2  }
0x40f: {  	s3 =	simm.s32 $0xB280;
	v18 =	vmul.f32 v20, v18  }
0x410: {  	v28 =	vld [tilespmem:s3+$0x0];
	v20 =	vperm.xlane v8, v3;
	v9 =	vadd.f32 v23, v9  }
0x411: {  	v6 =	vmul.f32 v18, v6  }
0x412: {  	v27 =	vld [tilespmem:s3+$0x10];
	v8 =	vadd.f32 v20, v8;
	v20 =	vperm.xlane v9, v3  }
0x413: {  	v6 =	vmul.f32 v6, v18  }
0x414: {  	v23 =	vld [tilespmem:s3+$0x20];
	v30 =	vmul.f32 $7.812500000e-03, v8;
	v8 =	vadd.f32 v20, v9  }
0x415: {  	v31 =	vld [tilespmem:$0x3000];
	v32 =	vadd.f32 $0.0e+00, v28;
	v6 =	vsub.f32 $1.500000000e+00, v6  }
0x416: {  	v20 =	vld [tilespmem:s3+$0x30];
	v9 =	vmul.f32 v30, v30;
	v8 =	vmul.f32 $7.812500000e-03, v8  }
0x417: {  	v29 =	vld [tilespmem:$0x3080];
	v5 =	vsub.f32 v5, v7;
	v32 =	vadd.f32 v27, v32;
	v18 =	vmul.f32 v6, v18  }
0x418: {  	v33 =	vmul.f32 v27, v27;
	v6 =	vmul.f32 v28, v28;
	v9 =	vsub.f32 v8, v9;
	v8 =	vld [tilespmem:s3+$0x40]  }
0x419: {  	v32 =	vadd.f32 v23, v32;
	v5 =	vmul.f32 v18, v5  }
0x41a: {  	v34 =	vmul.f32 v23, v23;
	v33 =	vadd.f32 v33, v6;
	v9 =	vadd.f32 $9.999999970e-07, v9  }
0x41b: {  	v47 =	vmul.f32 v20, v20;
	v6 =	vld [tilespmem:s3+$0x50];
	v5 =	vmul.f32 v5, v31  }
0x41c: {  	v32 =	vadd.f32 v20, v32;
	v33 =	vadd.f32 v34, v33;
	v35 =	vshra.s32 v9, $0x1  }
0x41d: {  	v38 =	vmul.f32 $5.000000000e-01, v9;
	v48 =	vmul.f32 v8, v8;
	v36 =	vadd.f32 v5, v29;
	v5 =	vld [tilespmem:s3+$0x60]  }
0x41e: {  	v9 =	vld [tilespmem:s3+$0x70];
	v32 =	vadd.f32 v8, v32;
	v39 =	vsub.s32 $0x5F3759DF, v35;
	v33 =	vadd.f32 v47, v33  }
0x41f: {  	v37 =	vmul.f32 v39, v38;
	[tilespmem:s2+$0x0] =	vst v36;
	v36 =	vld [tilespmem:s3+$0xFFFFFF80]  }
0x420: {  	v50 =	vmul.f32 v6, v6;
	v32 =	vadd.f32 v6, v32;
	v33 =	vadd.f32 v48, v33;
	v49 =	vld [tilespmem:$0x3010]  }
0x421: {  	v25 =	vsub.f32 v25, v7;
	v24 =	vsub.f32 v24, v7;
	v41 =	vmul.f32 v39, v37;
	v37 =	vld [tilespmem:s3+$0xFFFFFF90]  }
0x422: {  	v40 =	vld [tilespmem:$0x3090];
	v33 =	vadd.f32 v50, v33;
	v51 =	vmul.f32 v5, v5;
	v32 =	vadd.f32 v5, v32  }
0x423: {  	v63 =	vsub.f32 v10, v7;
	v12 =	vsub.f32 v12, v7;
	v25 =	vmul.f32 v18, v25  }
0x424: {  	v52 =	vmul.f32 v9, v9;
	v33 =	vadd.f32 v51, v33;
	v32 =	vadd.f32 v9, v32  }
0x425: {  	v35 =	vld [tilespmem:s3+$0xFFFFFFA0];
	v41 =	vsub.f32 $1.500000000e+00, v41;
	v53 =	vadd.f32 $0.0e+00, v36;
	v25 =	vmul.f32 v25, v49  }
0x426: {  	v24 =	vmul.f32 v18, v24;
	v33 =	vadd.f32 v52, v33;
	v42 =	vperm.xlane v32, v0  }
0x427: {  	v34 =	vld [tilespmem:s3+$0xFFFFFFB0];
	v39 =	vmul.f32 v39, v41;
	v41 =	vadd.f32 v37, v53;
	v25 =	vadd.f32 v25, v40  }
0x428: {  	v40 =	vsub.f32 v26, v30;
	v42 =	vadd.f32 v42, v32;
	v26 =	vperm.xlane v33, v0  }
0x429: {  	v11 =	vsub.f32 v11, v7;
	v43 =	vmul.f32 v36, v36;
	v32 =	vld [tilespmem:s3+$0xFFFFFFC0];
	[tilespmem:s2+$0x10] =	vst v25;
	v25 =	vmul.f32 v37, v37  }
0x42a: {  	v41 =	vadd.f32 v35, v41;
	v44 =	vld [tilespmem:$0x3020];
	v45 =	vperm.xlane v42, v1;
	v33 =	vadd.f32 v26, v33  }
0x42b: {  	v46 =	vmul.f32 v35, v35;
	v38 =	vmul.f32 v39, v38;
	v26 =	vld [tilespmem:s3+$0xFFFFFFD0];
	v43 =	vadd.f32 v25, v43  }
0x42c: {  	v47 =	vld [tilespmem:$0x30A0];
	v41 =	vadd.f32 v34, v41;
	v42 =	vadd.f32 v45, v42;
	v54 =	vperm.xlane v33, v1  }
0x42d: {  	v48 =	vmul.f32 v34, v34;
	v38 =	vmul.f32 v38, v39;
	v43 =	vadd.f32 v46, v43  }
0x42e: {  	v25 =	vld [tilespmem:s3+$0xFFFFFFE0];
	v41 =	vadd.f32 v32, v41;
	v55 =	vperm.xlane v42, v2;
	v33 =	vadd.f32 v54, v33  }
0x42f: {  	v56 =	vmul.f32 v32, v32;
	v44 =	vmul.f32 v24, v44;
	v43 =	vadd.f32 v48, v43  }
0x430: {  	v24 =	vld [tilespmem:s3+$0xFFFFFFF0];
	v41 =	vadd.f32 v26, v41;
	v42 =	vadd.f32 v55, v42;
	v57 =	vperm.xlane v33, v2  }
0x431: {  	v58 =	vmul.f32 v26, v26;
	v44 =	vadd.f32 v44, v47;
	v43 =	vadd.f32 v56, v43  }
0x432: {  	v38 =	vsub.f32 $1.500000000e+00, v38;
	v59 =	vperm.xlane v42, v3;
	v33 =	vadd.f32 v57, v33  }
0x433: {  	v60 =	vmul.f32 v25, v25;
	v41 =	vadd.f32 v25, v41;
	[tilespmem:s2+$0x20] =	vst v44;
	v43 =	vadd.f32 v58, v43  }
0x434: {  	v38 =	vmul.f32 v38, v39;
	v44 =	vld [tilespmem:$0x3030];
	v42 =	vadd.f32 v59, v42;
	v61 =	vperm.xlane v33, v3  }
0x435: {  	v62 =	vmul.f32 v24, v24;
	v41 =	vadd.f32 v24, v41;
	v43 =	vadd.f32 v60, v43  }
0x436: {  	v53 =	vmul.f32 v18, v63;
	v51 =	vld [tilespmem:$0x30B0];
	v10 =	vmul.f32 $7.812500000e-03, v42;
	v33 =	vadd.f32 v61, v33  }
0x437: {  	v40 =	vmul.f32 v38, v40;
	v52 =	vperm.xlane v41, v0;
	v43 =	vadd.f32 v62, v43  }
0x438: {  	v4 =	vsub.f32 v4, v7;
	v33 =	vmul.f32 $7.812500000e-03, v33;
	v54 =	vmul.f32 v10, v10  }
0x439: {  	v55 =	vadd.f32 v52, v41;
	v56 =	vmul.f32 v53, v44;
	v57 =	vperm.xlane v43, v0  }
0x43a: {  	v22 =	vsub.f32 v22, v30;
	v31 =	vmul.f32 v40, v31;
	v33 =	vsub.f32 v33, v54  }
0x43b: {  	v58 =	vperm.xlane v55, v1;
	v41 =	vadd.f32 v56, v51;
	v42 =	vadd.f32 v57, v43  }
0x43c: {  	v29 =	vadd.f32 v31, v29;
	v33 =	vadd.f32 $9.999999970e-07, v33  }
0x43d: {  	v21 =	vsub.f32 v21, v30;
	v39 =	vadd.f32 v58, v55;
	[tilespmem:s2+$0x30] =	vst v41;
	v59 =	vperm.xlane v42, v1  }
0x43e: {  	v16 =	vsub.f32 v16, v30;
	[tilespmem:s2+$0xFFFFFF80] =	vst v29;
	v41 =	vld [tilespmem:$0x3040];
	v60 =	vshra.s32 v33, $0x1;
	v33 =	vmul.f32 $5.000000000e-01, v33  }
0x43f: {  	v49 =	vld [tilespmem:$0x3010];
	v44 =	vperm.xlane v39, v2;
	v43 =	vsub.s32 $0x5F3759DF, v60;
	v40 =	vadd.f32 v59, v42  }
0x440: {  	v19 =	vsub.f32 v19, v30;
	v14 =	vsub.f32 v14, v30;
	v61 =	vld [tilespmem:$0x30C0];
	v62 =	vmul.f32 v43, v33  }
0x441: {  	v12 =	vmul.f32 v18, v12;
	v31 =	vadd.f32 v44, v39;
	v63 =	vperm.xlane v40, v2  }
0x442: {  	v17 =	vsub.f32 v17, v30;
	v22 =	vmul.f32 v38, v22;
	v48 =	vmul.f32 v43, v62  }
0x443: {  	v29 =	vperm.xlane v31, v3;
	v12 =	vmul.f32 v12, v41;
	v39 =	vadd.f32 v63, v40  }
0x444: {  	v53 =	vmul.f32 v38, v21;
	v22 =	vmul.f32 v22, v49;
	v50 =	vsub.f32 $1.500000000e+00, v48  }
0x445: {  	s17 =	simm.s32 $0xB380;
	v51 =	vld [tilespmem:$0x3090];
	v29 =	vadd.f32 v29, v31;
	v12 =	vadd.f32 v12, v61;
	v52 =	vperm.xlane v39, v3  }
0x446: {  	v13 =	vsub.f32 v13, v30;
	v30 =	vld [tilespmem:s17+$0x0];
	v56 =	vmul.f32 v18, v11;
	v40 =	vmul.f32 v43, v50  }
0x447: {  	v58 =	vsub.f32 v28, v10;
	v28 =	vld [tilespmem:s17+$0x20];
	v31 =	vmul.f32 $7.812500000e-03, v29;
	[tilespmem:s2+$0x40] =	vst v12;
	v12 =	vadd.f32 v52, v39  }
0x448: {  	v23 =	vsub.f32 v23, v10;
	v29 =	vmul.f32 v38, v16;
	v16 =	vld [tilespmem:$0x3050];
	v21 =	vmul.f32 v40, v33  }
0x449: {  	v20 =	vsub.f32 v20, v10;
	v54 =	vmul.f32 v31, v31;
	v33 =	vld [tilespmem:s17+$0x10];
	v12 =	vmul.f32 $7.812500000e-03, v12  }
0x44a: {  	v55 =	vmul.f32 v21, v40;
	v21 =	vmul.f32 v38, v19;
	v19 =	vadd.f32 v22, v51;
	v22 =	vld [tilespmem:$0x30D0]  }
0x44b: {  	v11 =	vmul.f32 v38, v14;
	v14 =	vmul.f32 v38, v17;
	v12 =	vsub.f32 v12, v54  }
0x44c: {  	v61 =	vmul.f32 v30, v30;
	v50 =	vsub.f32 v27, v10;
	v47 =	vsub.f32 v36, v31  }
0x44d: {  	v44 =	vld [tilespmem:$0x3000];
	v39 =	vsub.f32 $1.500000000e+00, v55;
	v17 =	vmul.f32 v56, v16;
	v57 =	vadd.f32 $9.999999970e-07, v12  }
0x44e: {  	[tilespmem:s2+$0xFFFFFF90] =	vst v19;
	v19 =	vld [tilespmem:s17+$0x30];
	v12 =	vmul.f32 v38, v13;
	v13 =	vadd.f32 $0.0e+00, v30;
	v62 =	vmul.f32 v33, v33  }
0x44f: {  	v60 =	vld [tilespmem:$0x3020];
	v56 =	vmul.f32 v28, v28;
	v16 =	vmul.f32 v39, v40;
	v22 =	vadd.f32 v17, v22  }
0x450: {  	v41 =	vld [tilespmem:$0x3080];
	v17 =	vshra.s32 v57, $0x1;
	v13 =	vadd.f32 v33, v13;
	v42 =	vmul.f32 $5.000000000e-01, v57  }
0x451: {  	v39 =	vadd.f32 v62, v61;
	v59 =	vmul.f32 v16, v58;
	v63 =	vsub.s32 $0x5F3759DF, v17;
	v17 =	vld [tilespmem:s17+$0x40]  }
0x452: {  	v36 =	vsub.f32 v37, v31;
	v57 =	vadd.f32 v28, v13  }
0x453: {  	[tilespmem:s2+$0x50] =	vst v22;
	v22 =	vmul.f32 v63, v42;
	v13 =	vld [tilespmem:s17+$0x50];
	v39 =	vadd.f32 v56, v39;
	v37 =	vmul.f32 v59, v44  }
0x454: {  	v58 =	vmul.f32 v19, v19;
	v49 =	vmul.f32 v53, v60;
	v46 =	vadd.f32 v19, v57  }
0x455: {  	v59 =	vsub.f32 v15, v7;
	v15 =	vld [tilespmem:s17+$0x60];
	v22 =	vmul.f32 v63, v22;
	v37 =	vadd.f32 v37, v41  }
0x456: {  	v27 =	vld [tilespmem:s17+$0xFFFFFF80];
	v39 =	vadd.f32 v58, v39;
	v60 =	vmul.f32 v17, v17;
	v61 =	vadd.f32 v17, v46  }
0x457: {  	v8 =	vsub.f32 v8, v10;
	v62 =	vsub.f32 $1.500000000e+00, v22;
	v22 =	vld [tilespmem:s17+$0x70];
	[tilespmem:s3+$0x0] =	vst v37  }
0x458: {  	v52 =	vmul.f32 v13, v13;
	v37 =	vld [tilespmem:$0x3010];
	v40 =	vadd.f32 v60, v39;
	v43 =	vadd.f32 v13, v61  }
0x459: {  	v23 =	vmul.f32 v16, v23;
	v48 =	vld [tilespmem:$0x3060];
	v38 =	vmul.f32 v18, v59;
	v39 =	vsub.f32 v34, v31  }
0x45a: {  	v51 =	vld [tilespmem:$0x3090];
	v58 =	vmul.f32 v15, v15;
	v57 =	vadd.f32 v52, v40;
	v43 =	vadd.f32 v15, v43  }
0x45b: {  	v56 =	vld [tilespmem:$0x30E0];
	v34 =	vmul.f32 v63, v62;
	v63 =	vmul.f32 v16, v50;
	v40 =	vsub.f32 v32, v31  }
0x45c: {  	v32 =	vld [tilespmem:s17+$0xFFFFFF90];
	v59 =	vmul.f32 v22, v22;
	v50 =	vadd.f32 v58, v57;
	v43 =	vadd.f32 v22, v43  }
0x45d: {  	v6 =	vsub.f32 v6, v10;
	v53 =	vmul.f32 v27, v27;
	v45 =	vmul.f32 v63, v37  }
0x45e: {  	v38 =	vmul.f32 v48, v38;
	v37 =	vld [tilespmem:s17+$0xFFFFFFA0];
	v50 =	vadd.f32 v59, v50;
	v61 =	vperm.xlane v43, v0  }
0x45f: {  	v60 =	vadd.f32 $0.0e+00, v27;
	v42 =	vmul.f32 v34, v42;
	v45 =	vadd.f32 v45, v51  }
0x460: {  	v52 =	vadd.f32 v56, v38;
	v38 =	vld [tilespmem:s17+$0xFFFFFFB0];
	v51 =	vadd.f32 v61, v43;
	v54 =	vperm.xlane v50, v0  }
0x461: {  	v5 =	vsub.f32 v5, v10;
	v46 =	vld [tilespmem:s17+$0xFFFFFFC0];
	v42 =	vmul.f32 v42, v34;
	v55 =	vmul.f32 v32, v32;
	[tilespmem:s3+$0x10] =	vst v45  }
0x462: {  	v62 =	vadd.f32 v32, v60;
	v48 =	vld [tilespmem:$0x3020];
	v57 =	vperm.xlane v51, v1;
	v50 =	vadd.f32 v54, v50  }
0x463: {  	v42 =	vsub.f32 $1.500000000e+00, v42;
	v45 =	vld [tilespmem:s17+$0xFFFFFFD0];
	v53 =	vadd.f32 v55, v53;
	v60 =	vmul.f32 v37, v37  }
0x464: {  	v63 =	vadd.f32 v37, v62;
	v56 =	vld [tilespmem:$0x30A0];
	v51 =	vadd.f32 v57, v51;
	v62 =	vperm.xlane v50, v1  }
0x465: {  	v58 =	vmul.f32 v38, v38;
	v43 =	vmul.f32 v42, v34;
	v53 =	vadd.f32 v60, v53  }
0x466: {  	v42 =	vld [tilespmem:s17+$0xFFFFFFE0];
	v61 =	vadd.f32 v38, v63;
	v59 =	vperm.xlane v51, v2;
	v50 =	vadd.f32 v62, v50  }
0x467: {  	v60 =	vmul.f32 v46, v46;
	v53 =	vadd.f32 v58, v53;
	v23 =	vmul.f32 v23, v48  }
0x468: {  	v63 =	vadd.f32 v46, v61;
	v51 =	vadd.f32 v59, v51;
	v61 =	vperm.xlane v50, v2  }
0x469: {  	v34 =	vld [tilespmem:s17+$0xFFFFFFF0];
	v62 =	vmul.f32 v45, v45;
	v53 =	vadd.f32 v60, v53;
	v23 =	vadd.f32 v23, v56  }
0x46a: {  	v48 =	vadd.f32 v45, v63;
	v50 =	vadd.f32 v61, v50  }
0x46b: {  	v63 =	vmul.f32 v42, v42;
	v60 =	vperm.xlane v51, v3;
	v53 =	vadd.f32 v62, v53;
	[tilespmem:s3+$0x20] =	vst v23  }
0x46c: {  	v20 =	vmul.f32 v16, v20;
	v23 =	vadd.f32 v42, v48;
	v48 =	vld [tilespmem:$0x3030];
	v62 =	vperm.xlane v50, v3  }
0x46d: {  	v47 =	vmul.f32 v43, v47;
	v51 =	vadd.f32 v60, v51;
	v53 =	vadd.f32 v63, v53  }
0x46e: {  	v61 =	vmul.f32 v34, v34;
	v57 =	vld [tilespmem:$0x30B0];
	v56 =	vadd.f32 v34, v23;
	v63 =	vadd.f32 v62, v50  }
0x46f: {  	v9 =	vsub.f32 v9, v10;
	[tilespmem:s2+$0x60] =	vst v52;
	v44 =	vmul.f32 v47, v44;
	v23 =	vmul.f32 $7.812500000e-03, v51  }
0x470: {  	v59 =	vld [tilespmem:$0x3070];
	v61 =	vadd.f32 v61, v53;
	v60 =	vperm.xlane v56, v0;
	v7 =	vmul.f32 $7.812500000e-03, v63  }
0x471: {  	v35 =	vsub.f32 v35, v31;
	v58 =	vld [tilespmem:$0x30A0];
	v62 =	vmul.f32 v23, v23;
	v20 =	vmul.f32 v20, v48  }
0x472: {  	v41 =	vadd.f32 v44, v41;
	v53 =	vperm.xlane v61, v0;
	v63 =	vadd.f32 v60, v56  }
0x473: {  	v4 =	vmul.f32 v18, v4;
	v7 =	vsub.f32 v7, v62;
	v18 =	vadd.f32 v20, v57  }
0x474: {  	v26 =	vsub.f32 v26, v31;
	[tilespmem:s3+$0xFFFFFF80] =	vst v41;
	v55 =	vadd.f32 v53, v61;
	v54 =	vperm.xlane v63, v1  }
0x475: {  	v8 =	vmul.f32 v16, v8;
	v4 =	vmul.f32 v59, v4;
	v48 =	vld [tilespmem:$0x3010];
	v7 =	vadd.f32 $9.999999970e-07, v7;
	[tilespmem:s3+$0x30] =	vst v18  }
0x476: {  	v20 =	vadd.f32 v49, v58;
	v57 =	vperm.xlane v55, v1;
	v56 =	vadd.f32 v54, v63;
	v58 =	vld [tilespmem:$0x3040]  }
0x477: {  	v59 =	vld [tilespmem:$0x3090];
	v18 =	vmul.f32 v43, v36;
	v60 =	vshra.s32 v7, $0x1;
	v7 =	vmul.f32 $5.000000000e-01, v7  }
0x478: {  	[tilespmem:s2+$0xFFFFFFA0] =	vst v20;
	v41 =	vadd.f32 v57, v55;
	v61 =	vld [tilespmem:$0x30C0];
	v20 =	vperm.xlane v56, v2;
	v50 =	vsub.s32 $0x5F3759DF, v60  }
0x479: {  	v6 =	vmul.f32 v16, v6;
	v52 =	vsub.f32 v25, v31;
	v25 =	vld [tilespmem:$0x3030];
	v62 =	vmul.f32 v50, v7  }
0x47a: {  	v63 =	vld [tilespmem:$0x30F0];
	v18 =	vmul.f32 v18, v48;
	v20 =	vadd.f32 v20, v56;
	v56 =	vperm.xlane v41, v2  }
0x47b: {  	v48 =	vsub.f32 v24, v31;
	v24 =	vld [tilespmem:$0x30B0];
	v31 =	vmul.f32 v50, v62;
	v8 =	vmul.f32 v8, v58  }
0x47c: {  	v18 =	vadd.f32 v18, v59;
	v57 =	vperm.xlane v20, v3;
	v36 =	vadd.f32 v56, v41  }
0x47d: {  	v58 =	vmul.f32 v43, v35;
	v31 =	vsub.f32 $1.500000000e+00, v31;
	v8 =	vadd.f32 v8, v61  }
0x47e: {  	v29 =	vmul.f32 v29, v25;
	[tilespmem:s3+$0xFFFFFF90] =	vst v18;
	v18 =	vadd.f32 v57, v20;
	v59 =	vperm.xlane v36, v3  }
0x47f: {  	v25 =	vadd.f32 v63, v4;
	v4 =	vld [tilespmem:$0x3020];
	v20 =	vmul.f32 v43, v39;
	v31 =	vmul.f32 v50, v31;
	[tilespmem:s3+$0x40] =	vst v8  }
0x480: {  	v8 =	vadd.f32 v29, v24;
	v41 =	vmul.f32 $7.812500000e-03, v18;
	v24 =	vadd.f32 v59, v36;
	v60 =	vld [tilespmem:$0x3050]  }
0x481: {  	v33 =	vsub.f32 v33, v23;
	v61 =	vld [tilespmem:$0x30A0];
	v18 =	vmul.f32 v43, v40;
	v7 =	vmul.f32 v31, v7  }
0x482: {  	s18 =	simm.s32 $0xB480;
	[tilespmem:s2+$0xFFFFFFB0] =	vst v8;
	v62 =	vmul.f32 v41, v41;
	v8 =	vsub.f32 v27, v41;
	v24 =	vmul.f32 $7.812500000e-03, v24;
	v27 =	vld [tilespmem:$0x30D0]  }
0x483: {  	v44 =	vsub.f32 v32, v41;
	v40 =	vsub.f32 v37, v41;
	v32 =	vld [tilespmem:s18+$0x10];
	v7 =	vmul.f32 v7, v31  }
0x484: {  	v35 =	vld [tilespmem:s18+$0x0];
	v29 =	vmul.f32 v43, v26;
	v39 =	vsub.f32 v38, v41;
	v24 =	vsub.f32 v24, v62  }
0x485: {  	v53 =	vld [tilespmem:$0x3000];
	v38 =	vsub.f32 v46, v41;
	v7 =	vsub.f32 $1.500000000e+00, v7;
	v6 =	vmul.f32 v6, v60  }
0x486: {  	v54 =	vld [tilespmem:$0x3080];
	v4 =	vmul.f32 v58, v4;
	v37 =	vsub.f32 v45, v41;
	v24 =	vadd.f32 $9.999999970e-07, v24  }
0x487: {  	v31 =	vmul.f32 v7, v31;
	v7 =	vsub.f32 v30, v23;
	v6 =	vadd.f32 v6, v27;
	v27 =	vld [tilespmem:s18+$0x20]  }
0x488: {  	v26 =	vld [tilespmem:s18+$0x30];
	v36 =	vsub.f32 v42, v41;
	v51 =	vadd.f32 v4, v61;
	v30 =	vmul.f32 v32, v32  }
0x489: {  	v42 =	vld [tilespmem:s18+$0xFFFFFF80];
	v4 =	vshra.s32 v24, $0x1;
	[tilespmem:s3+$0x50] =	vst v6;
	v6 =	vmul.f32 v31, v7;
	v7 =	vadd.f32 $0.0e+00, v35  }
0x48a: {  	v50 =	vld [tilespmem:$0x3040];
	v45 =	vmul.f32 $5.000000000e-01, v24;
	v46 =	vsub.s32 $0x5F3759DF, v4;
	v4 =	vmul.f32 v35, v35  }
0x48b: {  	v28 =	vsub.f32 v28, v23;
	v24 =	vld [tilespmem:s18+$0x40];
	v63 =	vmul.f32 v6, v53;
	v7 =	vadd.f32 v32, v7  }
0x48c: {  	v60 =	vmul.f32 v46, v45;
	v47 =	vld [tilespmem:$0x3060];
	v4 =	vadd.f32 v30, v4;
	v61 =	vmul.f32 v27, v27  }
0x48d: {  	v30 =	vld [tilespmem:s18+$0x50];
	v62 =	vadd.f32 v63, v54;
	v63 =	vadd.f32 v27, v7  }
0x48e: {  	v55 =	vld [tilespmem:$0x30E0];
	v49 =	vmul.f32 v46, v60;
	v60 =	vmul.f32 v26, v26;
	v56 =	vadd.f32 v61, v4  }
0x48f: {  	v19 =	vsub.f32 v19, v23;
	v7 =	vld [tilespmem:s18+$0x60];
	v4 =	vmul.f32 v43, v48;
	[tilespmem:s17+$0x0] =	vst v62;
	v61 =	vadd.f32 v26, v63  }
0x490: {  	v48 =	vsub.f32 $1.500000000e+00, v49;
	v63 =	vmul.f32 v24, v24;
	v49 =	vld [tilespmem:$0x3010];
	v62 =	vadd.f32 v60, v56  }
0x491: {  	v33 =	vmul.f32 v31, v33;
	v60 =	vmul.f32 v16, v5;
	v5 =	vld [tilespmem:s18+$0x70];
	v61 =	vadd.f32 v24, v61  }
0x492: {  	v46 =	vmul.f32 v46, v48;
	v59 =	vld [tilespmem:$0x3090];
	v62 =	vadd.f32 v63, v62;
	v63 =	vmul.f32 v30, v30  }
0x493: {  	v6 =	vmul.f32 v43, v52;
	v43 =	vld [tilespmem:s18+$0xFFFFFF90];
	v47 =	vmul.f32 v47, v60;
	v60 =	vadd.f32 v30, v61  }
0x494: {  	v45 =	vmul.f32 v46, v45;
	v61 =	vmul.f32 v7, v7;
	v48 =	vadd.f32 v63, v62  }
0x495: {  	v55 =	vadd.f32 v55, v47;
	v47 =	vld [tilespmem:s18+$0xFFFFFFA0];
	v33 =	vmul.f32 v33, v49;
	v62 =	vadd.f32 v7, v60  }
0x496: {  	v63 =	vadd.f32 $0.0e+00, v42;
	v45 =	vmul.f32 v45, v46;
	v52 =	vadd.f32 v61, v48  }
0x497: {  	v60 =	vmul.f32 v5, v5;
	v48 =	vld [tilespmem:s18+$0xFFFFFFB0];
	v33 =	vadd.f32 v33, v59;
	v49 =	vadd.f32 v5, v62  }
0x498: {  	v58 =	vmul.f32 v21, v50;
	v28 =	vmul.f32 v31, v28;
	v61 =	vadd.f32 v43, v63  }
0x499: {  	v50 =	vld [tilespmem:s18+$0xFFFFFFC0];
	v21 =	vsub.f32 $1.500000000e+00, v45;
	[tilespmem:s17+$0x10] =	vst v33;
	v33 =	vadd.f32 v60, v52;
	v62 =	vperm.xlane v49, v0  }
0x49a: {  	v56 =	vmul.f32 v42, v42;
	v57 =	vmul.f32 v43, v43;
	v45 =	vadd.f32 v47, v61;
	v59 =	vld [tilespmem:$0x3020]  }
0x49b: {  	v21 =	vmul.f32 v21, v46;
	v46 =	vld [tilespmem:s18+$0xFFFFFFD0];
	v52 =	vadd.f32 v62, v49;
	v60 =	vperm.xlane v33, v0  }
0x49c: {  	v56 =	vadd.f32 v57, v56;
	v61 =	vmul.f32 v47, v47;
	v57 =	vld [tilespmem:$0x30A0];
	v45 =	vadd.f32 v48, v45  }
0x49d: {  	v19 =	vmul.f32 v31, v19;
	v49 =	vld [tilespmem:s18+$0xFFFFFFE0];
	v33 =	vadd.f32 v60, v33;
	v60 =	vperm.xlane v52, v1  }
0x49e: {  	v56 =	vadd.f32 v61, v56;
	v61 =	vmul.f32 v48, v48;
	v62 =	vadd.f32 v50, v45  }
0x49f: {  	v45 =	vld [tilespmem:s18+$0xFFFFFFF0];
	v28 =	vmul.f32 v28, v59;
	v52 =	vadd.f32 v60, v52;
	v59 =	vperm.xlane v33, v1  }
0x4a0: {  	v56 =	vadd.f32 v61, v56;
	v60 =	vmul.f32 v50, v50;
	v61 =	vadd.f32 v46, v62  }
0x4a1: {  	v28 =	vadd.f32 v28, v57;
	v57 =	vperm.xlane v52, v2;
	v33 =	vadd.f32 v59, v33  }
0x4a2: {  	v59 =	vmul.f32 v46, v46;
	v56 =	vadd.f32 v60, v56;
	v61 =	vadd.f32 v49, v61  }
0x4a3: {  	v8 =	vmul.f32 v21, v8;
	[tilespmem:s17+$0x20] =	vst v28;
	v28 =	vadd.f32 v57, v52;
	v63 =	vperm.xlane v33, v2  }
0x4a4: {  	v60 =	vmul.f32 v49, v49;
	v56 =	vadd.f32 v59, v56;
	v61 =	vadd.f32 v45, v61;
	v59 =	vld [tilespmem:$0x3030]  }
0x4a5: {  	v8 =	vmul.f32 v8, v53;
	v33 =	vadd.f32 v63, v33;
	v52 =	vperm.xlane v28, v3  }
0x4a6: {  	v57 =	vmul.f32 v45, v45;
	v53 =	vadd.f32 v60, v56;
	v56 =	vld [tilespmem:$0x30B0];
	v62 =	vperm.xlane v61, v0  }
0x4a7: {  	[tilespmem:s3+$0xFFFFFFA0] =	vst v51;
	v54 =	vadd.f32 v8, v54;
	v60 =	vld [tilespmem:$0x30C0];
	v28 =	vadd.f32 v52, v28;
	v52 =	vperm.xlane v33, v3  }
0x4a8: {  	v9 =	vmul.f32 v16, v9;
	v16 =	vld [tilespmem:$0x3030];
	v53 =	vadd.f32 v57, v53;
	v10 =	vadd.f32 v62, v61  }
0x4a9: {  	[tilespmem:s17+$0xFFFFFF80] =	vst v54;
	v19 =	vmul.f32 v19, v59;
	v8 =	vmul.f32 $7.812500000e-03, v28;
	v28 =	vadd.f32 v52, v33  }
0x4aa: {  	v17 =	vsub.f32 v17, v23;
	[tilespmem:s3+$0x60] =	vst v55;
	v54 =	vld [tilespmem:$0x3010];
	v61 =	vperm.xlane v53, v0;
	v63 =	vperm.xlane v10, v1  }
0x4ab: {  	v33 =	vld [tilespmem:$0x3070];
	v19 =	vadd.f32 v19, v56;
	v28 =	vmul.f32 $7.812500000e-03, v28;
	v62 =	vmul.f32 v8, v8  }
0x4ac: {  	v17 =	vmul.f32 v31, v17;
	v51 =	vadd.f32 v58, v60;
	v58 =	vld [tilespmem:$0x30B0];
	v52 =	vadd.f32 v61, v53  }
0x4ad: {  	v16 =	vmul.f32 v20, v16;
	v56 =	vld [tilespmem:$0x30F0];
	v10 =	vadd.f32 v63, v10;
	[tilespmem:s17+$0x30] =	vst v19;
	v19 =	vsub.f32 v28, v62  }
0x4ae: {  	v28 =	vmul.f32 v21, v44;
	v60 =	vperm.xlane v52, v1;
	v61 =	vld [tilespmem:$0x3040]  }
0x4af: {  	v53 =	vsub.f32 v34, v41;
	v62 =	vld [tilespmem:$0x3090];
	v63 =	vperm.xlane v10, v2;
	v19 =	vadd.f32 $9.999999970e-07, v19  }
0x4b0: {  	v9 =	vmul.f32 v33, v9;
	v28 =	vmul.f32 v28, v54;
	v52 =	vadd.f32 v60, v52;
	v54 =	vld [tilespmem:$0x30C0]  }
0x4b1: {  	v10 =	vadd.f32 v63, v10;
	v57 =	vshra.s32 v19, $0x1;
	v19 =	vmul.f32 $5.000000000e-01, v19  }
0x4b2: {  	[tilespmem:s2+$0xFFFFFFC0] =	vst v51;
	v16 =	vadd.f32 v16, v58;
	v59 =	vperm.xlane v52, v2;
	v60 =	vsub.s32 $0x5F3759DF, v57  }
0x4b3: {  	v34 =	vadd.f32 v56, v9;
	v9 =	vld [tilespmem:$0x3050];
	v17 =	vmul.f32 v17, v61;
	v61 =	vmul.f32 v60, v19  }
0x4b4: {  	v28 =	vadd.f32 v28, v62;
	v62 =	vperm.xlane v10, v3;
	v44 =	vadd.f32 v59, v52  }
0x4b5: {  	v63 =	vld [tilespmem:$0x30D0];
	[tilespmem:s3+$0xFFFFFFB0] =	vst v16;
	v17 =	vadd.f32 v17, v54;
	v20 =	vmul.f32 v60, v61  }
0x4b6: {  	[tilespmem:s17+$0xFFFFFF90] =	vst v28;
	v10 =	vadd.f32 v62, v10;
	v28 =	vperm.xlane v44, v3  }
0x4b7: {  	v40 =	vmul.f32 v21, v40;
	v33 =	vmul.f32 v21, v39;
	v59 =	vld [tilespmem:$0x3040];
	[tilespmem:s17+$0x40] =	vst v17;
	v17 =	vsub.f32 $1.500000000e+00, v20  }
0x4b8: {  	v9 =	vmul.f32 v11, v9;
	v54 =	vmul.f32 $7.812500000e-03, v10;
	v10 =	vadd.f32 v28, v44;
	v11 =	vld [tilespmem:$0x3050]  }
0x4b9: {  	v13 =	vsub.f32 v13, v23;
	v39 =	vmul.f32 v21, v38;
	v57 =	vld [tilespmem:$0x3020];
	v17 =	vmul.f32 v60, v17  }
0x4ba: {  	v9 =	vadd.f32 v9, v63;
	v16 =	vmul.f32 v54, v54;
	v58 =	vld [tilespmem:$0x30D0];
	v10 =	vmul.f32 $7.812500000e-03, v10  }
0x4bb: {  	v20 =	vld [tilespmem:$0x30A0];
	v51 =	vsub.f32 v42, v54;
	v60 =	vmul.f32 v31, v13;
	v19 =	vmul.f32 v17, v19  }
0x4bc: {  	v61 =	vld [tilespmem:$0x30C0];
	v42 =	vsub.f32 v43, v54;
	v41 =	vsub.f32 v48, v54;
	v18 =	vmul.f32 v18, v59  }
0x4bd: {  	v52 =	vld [tilespmem:$0x3000];
	[tilespmem:s2+$0xFFFFFFD0] =	vst v9;
	v10 =	vsub.f32 v10, v16;
	v9 =	vmul.f32 v60, v11;
	v16 =	vmul.f32 v19, v17  }
0x4be: {  	v38 =	vsub.f32 v50, v54;
	v48 =	vld [tilespmem:$0x3080];
	v13 =	vmul.f32 v21, v37;
	v19 =	vmul.f32 v40, v57  }
0x4bf: {  	s10 =	simm.s32 $0xB580;
	v43 =	vld [tilespmem:$0x3060];
	v11 =	vmul.f32 v21, v36;
	v62 =	vadd.f32 v9, v58;
	v16 =	vsub.f32 $1.500000000e+00, v16  }
0x4c0: {  	v9 =	vmul.f32 v21, v53;
	v50 =	vadd.f32 v19, v20;
	v19 =	vadd.f32 $9.999999970e-07, v10;
	v21 =	vld [tilespmem:s10+$0x0]  }
0x4c1: {  	v28 =	vsub.f32 v47, v54;
	v47 =	vadd.f32 v18, v61;
	v18 =	vld [tilespmem:s10+$0x30];
	v10 =	vmul.f32 v16, v17  }
0x4c2: {  	v20 =	vld [tilespmem:s10+$0x10];
	[tilespmem:s17+$0x50] =	vst v62;
	v16 =	vsub.f32 v35, v8;
	v17 =	vshra.s32 v19, $0x1;
	v44 =	vmul.f32 $5.000000000e-01, v19  }
0x4c3: {  	v15 =	vsub.f32 v15, v23;
	v36 =	vsub.f32 v46, v54;
	v46 =	vld [tilespmem:$0x3060];
	v17 =	vsub.s32 $0x5F3759DF, v17  }
0x4c4: {  	v22 =	vsub.f32 v22, v23;
	v19 =	vld [tilespmem:s10+$0x20];
	v16 =	vmul.f32 v10, v16;
	v63 =	vmul.f32 v17, v44  }
0x4c5: {  	v15 =	vmul.f32 v31, v15;
	v35 =	vsub.f32 v49, v54;
	v49 =	vld [tilespmem:$0x30E0];
	v53 =	vadd.f32 $0.0e+00, v21  }
0x4c6: {  	v37 =	vsub.f32 v45, v54;
	v57 =	vld [tilespmem:$0x30E0];
	v61 =	vmul.f32 v16, v52;
	v63 =	vmul.f32 v17, v63  }
0x4c7: {  	v40 =	vld [tilespmem:s10+$0xFFFFFF80];
	v60 =	vmul.f32 v21, v21;
	v62 =	vmul.f32 v20, v20;
	v53 =	vadd.f32 v20, v53  }
0x4c8: {  	v16 =	vld [tilespmem:s10+$0x40];
	v56 =	vadd.f32 v61, v48;
	v46 =	vmul.f32 v46, v15;
	v61 =	vsub.f32 $1.500000000e+00, v63  }
0x4c9: {  	v45 =	vadd.f32 v62, v60;
	v60 =	vmul.f32 v19, v19;
	v15 =	vld [tilespmem:s10+$0x50];
	v53 =	vadd.f32 v19, v53  }
0x4ca: {  	v14 =	vmul.f32 v43, v14;
	[tilespmem:s18+$0x0] =	vst v56;
	v46 =	vadd.f32 v49, v46;
	v43 =	vmul.f32 v17, v61;
	v17 =	vld [tilespmem:s10+$0x60]  }
0x4cb: {  	v62 =	vmul.f32 v18, v18;
	v45 =	vadd.f32 v60, v45;
	v55 =	vld [tilespmem:$0x3010];
	v53 =	vadd.f32 v18, v53  }
0x4cc: {  	v22 =	vmul.f32 v31, v22;
	v32 =	vsub.f32 v32, v8;
	v27 =	vsub.f32 v27, v8;
	v54 =	vld [tilespmem:$0x3090];
	[tilespmem:s17+$0x60] =	vst v46  }
0x4cd: {  	v45 =	vadd.f32 v62, v45;
	v63 =	vmul.f32 v16, v16;
	v56 =	vld [tilespmem:$0x3070];
	v53 =	vadd.f32 v16, v53  }
0x4ce: {  	v60 =	vmul.f32 v10, v32;
	v49 =	vadd.f32 v57, v14;
	v14 =	vld [tilespmem:s10+$0x70];
	v44 =	vmul.f32 v43, v44  }
0x4cf: {  	v32 =	vld [tilespmem:s10+$0xFFFFFF90];
	v23 =	vadd.f32 v63, v45;
	v61 =	vmul.f32 v15, v15;
	v62 =	vadd.f32 v15, v53  }
0x4d0: {  	v58 =	vadd.f32 $0.0e+00, v40;
	v63 =	vmul.f32 v60, v55;
	v60 =	vmul.f32 v44, v43  }
0x4d1: {  	v23 =	vadd.f32 v61, v23;
	v31 =	vmul.f32 v17, v17;
	v44 =	vld [tilespmem:s10+$0xFFFFFFA0];
	v61 =	vadd.f32 v17, v62  }
0x4d2: {  	v53 =	vadd.f32 v63, v54;
	v55 =	vsub.f32 $1.500000000e+00, v60;
	v56 =	vmul.f32 v56, v22  }
0x4d3: {  	v46 =	vld [tilespmem:s10+$0xFFFFFFB0];
	v22 =	vadd.f32 v31, v23;
	v23 =	vmul.f32 v14, v14;
	v31 =	vadd.f32 v14, v61  }
0x4d4: {  	v45 =	vld [tilespmem:s10+$0xFFFFFFC0];
	v57 =	vmul.f32 v32, v32;
	v54 =	vmul.f32 v40, v40;
	[tilespmem:s18+$0x10] =	vst v53;
	v53 =	vadd.f32 v32, v58  }
0x4d5: {  	v55 =	vmul.f32 v55, v43;
	v59 =	vadd.f32 v23, v22;
	v58 =	vld [tilespmem:$0x3020];
	v22 =	vperm.xlane v31, v0  }
0x4d6: {  	v43 =	vld [tilespmem:s10+$0xFFFFFFD0];
	v54 =	vadd.f32 v57, v54;
	v60 =	vmul.f32 v44, v44;
	v53 =	vadd.f32 v44, v53  }
0x4d7: {  	v27 =	vmul.f32 v10, v27;
	v61 =	vld [tilespmem:$0x30A0];
	v57 =	vperm.xlane v59, v0;
	v31 =	vadd.f32 v22, v31  }
0x4d8: {  	v62 =	vmul.f32 v46, v46;
	v54 =	vadd.f32 v60, v54;
	v53 =	vadd.f32 v46, v53  }
0x4d9: {  	v26 =	vsub.f32 v26, v8;
	v23 =	vld [tilespmem:s10+$0xFFFFFFE0];
	v57 =	vadd.f32 v57, v59;
	v59 =	vperm.xlane v31, v1  }
0x4da: {  	v54 =	vadd.f32 v62, v54;
	v27 =	vmul.f32 v27, v58;
	v53 =	vadd.f32 v45, v53  }
0x4db: {  	v22 =	vld [tilespmem:s10+$0xFFFFFFF0];
	v58 =	vmul.f32 v45, v45;
	v31 =	vadd.f32 v59, v31;
	v59 =	vperm.xlane v57, v1  }
0x4dc: {  	v60 =	vmul.f32 v43, v43;
	v53 =	vadd.f32 v43, v53;
	v27 =	vadd.f32 v27, v61  }
0x4dd: {  	v54 =	vadd.f32 v58, v54;
	v62 =	vperm.xlane v31, v2;
	v57 =	vadd.f32 v59, v57  }
0x4de: {  	v51 =	vmul.f32 v55, v51;
	v61 =	vmul.f32 v23, v23;
	v53 =	vadd.f32 v23, v53;
	[tilespmem:s18+$0x20] =	vst v27  }
0x4df: {  	v54 =	vadd.f32 v60, v54;
	v31 =	vadd.f32 v62, v31;
	v58 =	vperm.xlane v57, v2;
	v60 =	vld [tilespmem:$0x3030]  }
0x4e0: {  	v51 =	vmul.f32 v51, v52;
	v27 =	vmul.f32 v22, v22;
	v53 =	vadd.f32 v22, v53  }
0x4e1: {  	v52 =	vadd.f32 v61, v54;
	v54 =	vperm.xlane v31, v3;
	v57 =	vadd.f32 v58, v57;
	v58 =	vld [tilespmem:$0x30B0]  }
0x4e2: {  	v26 =	vmul.f32 v10, v26;
	v48 =	vadd.f32 v51, v48;
	v61 =	vperm.xlane v53, v0  }
0x4e3: {  	[tilespmem:s17+$0xFFFFFFA0] =	vst v50;
	v59 =	vld [tilespmem:$0x30F0];
	v50 =	vadd.f32 v27, v52;
	v27 =	vadd.f32 v54, v31;
	v31 =	vperm.xlane v57, v3  }
0x4e4: {  	v24 =	vsub.f32 v24, v8;
	[tilespmem:s18+$0xFFFFFF80] =	vst v48;
	v53 =	vadd.f32 v61, v53;
	v26 =	vmul.f32 v26, v60  }
0x4e5: {  	v63 =	vperm.xlane v50, v0;
	v60 =	vld [tilespmem:$0x3010];
	v27 =	vmul.f32 $7.812500000e-03, v27;
	v31 =	vadd.f32 v31, v57  }
0x4e6: {  	v24 =	vmul.f32 v10, v24;
	v62 =	vld [tilespmem:$0x3090];
	v61 =	vperm.xlane v53, v1;
	v26 =	vadd.f32 v26, v58  }
0x4e7: {  	v52 =	vld [tilespmem:$0x3030];
	v48 =	vadd.f32 v63, v50;
	v31 =	vmul.f32 $7.812500000e-03, v31;
	v63 =	vmul.f32 v27, v27  }
0x4e8: {  	v42 =	vmul.f32 v55, v42;
	v51 =	vadd.f32 v59, v56;
	v53 =	vadd.f32 v61, v53;
	[tilespmem:s18+$0x30] =	vst v26  }
0x4e9: {  	[tilespmem:s3+$0xFFFFFFC0] =	vst v47;
	v58 =	vmul.f32 v55, v28;
	v56 =	vperm.xlane v48, v1;
	v31 =	vsub.f32 v31, v63;
	v47 =	vld [tilespmem:$0x3040]  }
0x4ea: {  	v30 =	vsub.f32 v30, v8;
	v50 =	vld [tilespmem:$0x3050];
	v42 =	vmul.f32 v42, v60;
	v59 =	vperm.xlane v53, v2  }
0x4eb: {  	v28 =	vmul.f32 v55, v41;
	v41 =	vld [tilespmem:$0x30C0];
	v60 =	vadd.f32 v56, v48;
	v31 =	vadd.f32 $9.999999970e-07, v31  }
0x4ec: {  	v33 =	vmul.f32 v33, v52;
	v48 =	vld [tilespmem:$0x30B0];
	v42 =	vadd.f32 v42, v62;
	v52 =	vadd.f32 v59, v53  }
0x4ed: {  	v53 =	vld [tilespmem:$0x30D0];
	v61 =	vperm.xlane v60, v2;
	v62 =	vshra.s32 v31, $0x1;
	v57 =	vmul.f32 $5.000000000e-01, v31  }
0x4ee: {  	[tilespmem:s2+$0xFFFFFFE0] =	vst v49;
	v63 =	vperm.xlane v52, v3;
	v56 =	vsub.s32 $0x5F3759DF, v62;
	v47 =	vmul.f32 v24, v47  }
0x4ef: {  	v26 =	vmul.f32 v55, v38;
	v59 =	vld [tilespmem:$0x3070];
	v38 =	vadd.f32 v61, v60;
	v60 =	vmul.f32 v56, v57  }
0x4f0: {  	v29 =	vmul.f32 v29, v50;
	v31 =	vld [tilespmem:$0x30F0];
	[tilespmem:s18+$0xFFFFFF90] =	vst v42;
	v61 =	vadd.f32 v63, v52;
	v41 =	vadd.f32 v47, v41  }
0x4f1: {  	v33 =	vadd.f32 v33, v48;
	v47 =	vld [tilespmem:$0x3020];
	v62 =	vperm.xlane v38, v3;
	v63 =	vmul.f32 v56, v60  }
0x4f2: {  	v24 =	vmul.f32 v55, v36;
	v52 =	vld [tilespmem:$0x30A0];
	v29 =	vadd.f32 v29, v53;
	v36 =	vmul.f32 $7.812500000e-03, v61;
	[tilespmem:s18+$0x40] =	vst v41  }
0x4f3: {  	v35 =	vmul.f32 v55, v35;
	[tilespmem:s17+$0xFFFFFFB0] =	vst v33;
	v60 =	vadd.f32 v62, v38;
	v61 =	vsub.f32 $1.500000000e+00, v63;
	v42 =	vld [tilespmem:$0x3050]  }
0x4f4: {  	v38 =	vmul.f32 v55, v37;
	v49 =	vld [tilespmem:$0x3040];
	v62 =	vmul.f32 v36, v36;
	v37 =	vsub.f32 v40, v36  }
0x4f5: {  	v63 =	vmul.f32 $7.812500000e-03, v60;
	v33 =	vsub.f32 v32, v36;
	v60 =	vld [tilespmem:$0x30D0];
	v50 =	vmul.f32 v56, v61  }
0x4f6: {  	v48 =	vld [tilespmem:$0x30C0];
	[tilespmem:s3+$0xFFFFFFD0] =	vst v29;
	v32 =	vsub.f32 v44, v36;
	v47 =	vmul.f32 v58, v47;
	v61 =	vmul.f32 v10, v30  }
0x4f7: {  	[tilespmem:s2+$0x70] =	vst v25;
	v44 =	vld [tilespmem:$0x3060];
	v29 =	vsub.f32 v45, v36;
	v25 =	vsub.f32 v63, v62;
	v62 =	vmul.f32 v50, v57  }
0x4f8: {  	[tilespmem:s3+$0x70] =	vst v34;
	v41 =	vld [tilespmem:$0x30E0];
	v30 =	vsub.f32 v46, v36;
	v47 =	vadd.f32 v47, v52;
	v63 =	vmul.f32 v61, v42  }
0x4f9: {  	[tilespmem:s17+$0x70] =	vst v51;
	v40 =	vld [tilespmem:$0x3080];
	v45 =	vmul.f32 v39, v49;
	v46 =	vadd.f32 $9.999999970e-07, v25;
	v34 =	vmul.f32 v62, v50  }
0x4fa: {  	s11 =	simm.s32 $0x8;
	s12 =	simm.s32 $0xB680;
	v39 =	vmul.f32 v59, v12;
	v42 =	vld [tilespmem:$0x3000];
	v25 =	vsub.f32 v43, v36;
	[tilespmem:s18+$0xFFFFFFA0] =	vst v47;
	v43 =	vadd.f32 v63, v60  }
.LBB2_12:
0x4fb: {  	v47 =	vld [tilespmem:s12+$0x0];
	s11 =	sadd.s32 $0x2, s11;
	v49 =	vshra.s32 v46, $0x1;
	v46 =	vmul.f32 $5.000000000e-01, v46;
	v51 =	vsub.f32 $1.500000000e+00, v34;
	v12 =	vmovc v4;
	v4 =	vmovc v9  }
0x4fc: {  	v34 =	vsub.f32 v23, v36;
	v23 =	vadd.f32 v45, v48;
	v9 =	vmovc v38;
	v52 =	vld [tilespmem:s12+$0x10];
	p1 =	slt.u32 s11, $0x7E;
	v49 =	vsub.s32 $0x5F3759DF, v49;
	[tilespmem:s18+$0x50] =	vst v43  }
0x4fd: {  	v54 =	vsub.f32 v21, v27;
	v43 =	vmul.f32 v49, v46;
	v45 =	vmul.f32 v51, v50;
	v48 =	vld [tilespmem:$0x3060]  }
0x4fe: {  	v38 =	vsub.f32 v22, v36;
	v22 =	vsub.f32 v7, v8;
	v50 =	vld [tilespmem:s12+$0x20];
	[tilespmem:s17+$0xFFFFFFC0] =	vst v23;
	v23 =	vmul.f32 v44, v6  }
0x4ff: {  	v7 =	vmovc v17;
	v31 =	vadd.f32 v31, v39;
	v43 =	vmul.f32 v49, v43;
	v44 =	vmul.f32 v45, v54;
	v51 =	vld [tilespmem:$0x30E0]  }
0x500: {  	v22 =	vmul.f32 v10, v22;
	v6 =	vmovc v11;
	v17 =	vadd.f32 $0.0e+00, v47;
	v53 =	vmul.f32 v47, v47;
	v36 =	vld [tilespmem:s12+$0x30];
	v21 =	vmovc v47  }
0x501: {  	v11 =	vmovc v35;
	v39 =	vld [tilespmem:s12+$0xFFFFFF80];
	v47 =	vmul.f32 v52, v52;
	v43 =	vsub.f32 $1.500000000e+00, v43;
	v44 =	vmul.f32 v44, v42;
	[tilespmem:s2+$0xFFFFFFF0] =	vst v31;
	s2 =	smov.u32 s3;
	s3 =	smov.u32 s17;
	s17 =	smov.u32 s18  }
0x502: {  	v23 =	vadd.f32 v41, v23;
	s18 =	smov.u32 s10;
	s10 =	smov.u32 s12;
	v17 =	vadd.f32 v52, v17;
	v35 =	vld [tilespmem:s12+$0x40];
	v22 =	vmul.f32 v48, v22  }
0x503: {  	v31 =	vadd.f32 v47, v53;
	v47 =	vmul.f32 v50, v50;
	v48 =	vld [tilespmem:s12+$0x70];
	v44 =	vadd.f32 v44, v40  }
0x504: {  	v49 =	vmul.f32 v49, v43;
	v53 =	vadd.f32 v50, v17;
	v41 =	vld [tilespmem:s12+$0x50];
	v22 =	vadd.f32 v51, v22;
	[tilespmem:s2+$0xFFFFFFE0] =	vst v23  }
0x505: {  	v23 =	vadd.f32 v47, v31;
	v31 =	vmul.f32 v36, v36;
	v17 =	vld [tilespmem:s12+$0x60];
	[tilespmem:s18+$0x0] =	vst v44  }
0x506: {  	v51 =	vadd.f32 $0.0e+00, v39;
	v54 =	vmul.f32 v39, v39;
	v43 =	vadd.f32 v36, v53;
	v47 =	vld [tilespmem:$0x3010];
	[tilespmem:s17+$0x60] =	vst v22  }
0x507: {  	v22 =	vadd.f32 v31, v23;
	v23 =	vmul.f32 v35, v35;
	v31 =	vsub.f32 v20, v27;
	v53 =	vld [tilespmem:$0x3070];
	v20 =	vmovc v52  }
0x508: {  	v58 =	vsub.f32 v5, v8;
	v5 =	vmovc v14;
	v46 =	vmul.f32 v49, v46;
	v43 =	vadd.f32 v35, v43;
	v52 =	vld [tilespmem:$0x3090]  }
0x509: {  	v14 =	vmovc v48;
	v22 =	vadd.f32 v23, v22;
	v23 =	vmul.f32 v41, v41;
	v31 =	vmul.f32 v45, v31;
	v55 =	vld [tilespmem:$0x30F0]  }
0x50a: {  	v57 =	vmul.f32 v10, v58;
	v10 =	vmovc v45;
	v56 =	vmul.f32 v46, v49;
	v44 =	vld [tilespmem:s12+$0xFFFFFF90];
	v43 =	vadd.f32 v41, v43  }
0x50b: {  	v8 =	vmovc v27;
	v45 =	vld [tilespmem:s12+$0xFFFFFFA0];
	v22 =	vadd.f32 v23, v22;
	v23 =	vmul.f32 v17, v17;
	v31 =	vmul.f32 v31, v47  }
0x50c: {  	v56 =	vsub.f32 $1.500000000e+00, v56;
	v46 =	vld [tilespmem:s12+$0xFFFFFFB0];
	v27 =	vadd.f32 v17, v43;
	v53 =	vmul.f32 v53, v57  }
0x50d: {  	v47 =	vld [tilespmem:s12+$0xFFFFFFC0];
	v22 =	vadd.f32 v23, v22;
	v31 =	vadd.f32 v31, v52  }
0x50e: {  	v52 =	vmul.f32 v48, v14;
	v43 =	vld [tilespmem:s12+$0xFFFFFFD0];
	v27 =	vadd.f32 v14, v27;
	v53 =	vadd.f32 v55, v53  }
0x50f: {  	v48 =	vmul.f32 v56, v49;
	v51 =	vadd.f32 v44, v51;
	v55 =	vmul.f32 v44, v44;
	v23 =	vld [tilespmem:s12+$0xFFFFFFE0];
	[tilespmem:s18+$0x10] =	vst v31  }
0x510: {  	v49 =	vadd.f32 v52, v22;
	v31 =	vmul.f32 v45, v45;
	v52 =	vperm.xlane v27, v0;
	v56 =	vld [tilespmem:$0x3020];
	[tilespmem:s17+$0x70] =	vst v53  }
0x511: {  	v57 =	vsub.f32 v19, v8;
	v19 =	vmovc v50;
	v51 =	vadd.f32 v45, v51;
	v53 =	vmul.f32 v46, v46;
	v22 =	vld [tilespmem:s12+$0xFFFFFFF0]  }
0x512: {  	v50 =	vadd.f32 v55, v54;
	v27 =	vadd.f32 v52, v27;
	v52 =	vperm.xlane v49, v0;
	v54 =	vld [tilespmem:$0x30A0]  }
0x513: {  	v57 =	vmul.f32 v10, v57;
	v55 =	vmul.f32 v47, v47;
	v51 =	vadd.f32 v46, v51;
	v58 =	vld [tilespmem:$0x3030]  }
0x514: {  	v31 =	vadd.f32 v31, v50;
	v50 =	vperm.xlane v27, v1;
	v52 =	vadd.f32 v52, v49;
	v59 =	vld [tilespmem:$0x30B0]  }
0x515: {  	v49 =	vadd.f32 v47, v51;
	v51 =	vmul.f32 v43, v43;
	v56 =	vmul.f32 v57, v56;
	v57 =	vld [tilespmem:$0x3050]  }
0x516: {  	v31 =	vadd.f32 v53, v31;
	v27 =	vadd.f32 v50, v27;
	v50 =	vperm.xlane v52, v1;
	v53 =	vld [tilespmem:$0x30D0]  }
0x517: {  	v61 =	vmul.f32 v23, v23;
	v60 =	vadd.f32 v43, v49;
	v54 =	vadd.f32 v56, v54;
	v49 =	vld [tilespmem:$0x3070]  }
0x518: {  	v55 =	vadd.f32 v55, v31;
	v56 =	vperm.xlane v27, v2;
	v50 =	vadd.f32 v50, v52;
	v31 =	vld [tilespmem:$0x30F0]  }
0x519: {  	v37 =	vmul.f32 v48, v37;
	v52 =	vadd.f32 v23, v60;
	v60 =	vmul.f32 v22, v22;
	[tilespmem:s18+$0x20] =	vst v54  }
0x51a: {  	v51 =	vadd.f32 v51, v55;
	v27 =	vadd.f32 v56, v27;
	v54 =	vperm.xlane v50, v2;
	v55 =	vld [tilespmem:$0x3030]  }
0x51b: {  	v37 =	vmul.f32 v37, v42;
	v42 =	vsub.f32 v18, v8;
	v18 =	vmovc v36;
	v52 =	vadd.f32 v22, v52  }
0x51c: {  	v36 =	vadd.f32 v61, v51;
	v51 =	vperm.xlane v27, v3;
	v50 =	vadd.f32 v54, v50;
	v54 =	vld [tilespmem:$0x30B0]  }
0x51d: {  	v37 =	vadd.f32 v37, v40;
	v40 =	vmul.f32 v10, v42;
	v56 =	vperm.xlane v52, v0  }
0x51e: {  	v36 =	vadd.f32 v60, v36;
	v27 =	vadd.f32 v51, v27;
	v42 =	vperm.xlane v50, v3  }
0x51f: {  	v33 =	vmul.f32 v48, v33;
	v51 =	vadd.f32 v56, v52;
	[tilespmem:s18+$0xFFFFFF80] =	vst v37;
	v37 =	vmul.f32 v40, v55  }
0x520: {  	v40 =	vperm.xlane v36, v0;
	v27 =	vmul.f32 $7.812500000e-03, v27;
	v42 =	vadd.f32 v42, v50;
	v50 =	vld [tilespmem:$0x3010]  }
0x521: {  	v56 =	vmul.f32 v48, v32;
	v52 =	vperm.xlane v51, v1;
	v55 =	vld [tilespmem:$0x3090];
	v32 =	vadd.f32 v37, v54  }
0x522: {  	v36 =	vadd.f32 v40, v36;
	v37 =	vmul.f32 $7.812500000e-03, v42;
	v40 =	vmul.f32 v27, v27  }
0x523: {  	v42 =	vadd.f32 v52, v51;
	[tilespmem:s18+$0x30] =	vst v32;
	v32 =	vmul.f32 v28, v58;
	v28 =	vmul.f32 v48, v30  }
0x524: {  	v30 =	vperm.xlane v36, v1;
	v51 =	vmul.f32 v48, v29;
	v37 =	vsub.f32 v37, v40;
	v29 =	vld [tilespmem:$0x3040]  }
0x525: {  	v40 =	vperm.xlane v42, v2;
	v33 =	vmul.f32 v33, v50;
	v50 =	vsub.f32 v16, v8;
	v16 =	vmovc v35  }
0x526: {  	v25 =	vmul.f32 v48, v25;
	v30 =	vadd.f32 v30, v36;
	v35 =	vadd.f32 $9.999999970e-07, v37;
	v36 =	vld [tilespmem:$0x30C0]  }
0x527: {  	v37 =	vadd.f32 v40, v42;
	v33 =	vadd.f32 v33, v55;
	v40 =	vmul.f32 v10, v50  }
0x528: {  	v42 =	vperm.xlane v30, v2;
	v50 =	vshra.s32 v35, $0x1;
	v52 =	vmul.f32 $5.000000000e-01, v35  }
0x529: {  	v35 =	vperm.xlane v37, v3;
	v50 =	vsub.s32 $0x5F3759DF, v50;
	[tilespmem:s18+$0xFFFFFF90] =	vst v33;
	v29 =	vmul.f32 v40, v29  }
0x52a: {  	v32 =	vadd.f32 v32, v59;
	v30 =	vadd.f32 v42, v30;
	v33 =	vmul.f32 v50, v52;
	v40 =	vld [tilespmem:$0x3020]  }
0x52b: {  	v35 =	vadd.f32 v35, v37;
	v42 =	vld [tilespmem:$0x30A0];
	v29 =	vadd.f32 v29, v36;
	v37 =	vmul.f32 v13, v57;
	v13 =	vmovc v24  }
0x52c: {  	v54 =	vperm.xlane v30, v3;
	v24 =	vmov v25;
	v33 =	vmul.f32 v50, v33;
	[tilespmem:s17+$0xFFFFFFB0] =	vst v32  }
0x52d: {  	v36 =	vmul.f32 $7.812500000e-03, v35;
	v35 =	vmul.f32 v48, v34;
	[tilespmem:s18+$0x40] =	vst v29;
	v25 =	vld [tilespmem:$0x3040];
	v29 =	vadd.f32 v37, v53  }
0x52e: {  	v38 =	vmul.f32 v48, v38;
	v30 =	vadd.f32 v54, v30;
	v32 =	vsub.f32 $1.500000000e+00, v33;
	v34 =	vld [tilespmem:$0x3050]  }
0x52f: {  	v53 =	vmul.f32 v36, v36;
	v37 =	vsub.f32 v39, v36;
	v39 =	vsub.f32 v15, v8;
	v48 =	vld [tilespmem:$0x30C0];
	[tilespmem:s3+$0xFFFFFFD0] =	vst v29  }
0x530: {  	v29 =	vmul.f32 $7.812500000e-03, v30;
	v33 =	vsub.f32 v44, v36;
	v15 =	vmovc v41;
	v50 =	vmul.f32 v50, v32;
	v54 =	vld [tilespmem:$0x30D0]  }
.Ltmp7:
0x531: {  	v40 =	vmul.f32 v56, v40;
	v32 =	vsub.f32 v45, v36;
	v39 =	vmul.f32 v10, v39;
	v44 =	vld [tilespmem:$0x3060];
	(pc) =	sbr.rel @p1 .LBB2_12-.Ltmp7, $4  }
0x532: {  	v30 =	vsub.f32 v46, v36;
	v45 =	vsub.f32 v29, v53;
	v52 =	vmul.f32 v50, v52;
	v41 =	vld [tilespmem:$0x30E0]  }
0x533: {  	v29 =	vsub.f32 v47, v36;
	v47 =	vadd.f32 v40, v42;
	v39 =	vmul.f32 v39, v34  }
0x534: {  	v46 =	vadd.f32 $9.999999970e-07, v45;
	v45 =	vmul.f32 v26, v25;
	v26 =	vmovc v51;
	v40 =	vld [tilespmem:$0x3080];
	v34 =	vmul.f32 v52, v50  }
0x535: {  	s12 =	sadd.s32 $0x100, s12;
	v25 =	vsub.f32 v43, v36;
	v42 =	vld [tilespmem:$0x3000];
	[tilespmem:s18+$0xFFFFFFA0] =	vst v47;
	v43 =	vadd.f32 v39, v54;
	v39 =	vmul.f32 v49, v12  }
0x536: {  	v12 =	vshra.s32 v46, $0x1;
	v60 =	vmul.f32 $5.000000000e-01, v46  }
0x537: {  	v12 =	vsub.s32 $0x5F3759DF, v12  }
0x538: {  	v47 =	vmul.f32 v12, v60;
	_ =	sdelay $0x1  }
0x539: {  	v47 =	vmul.f32 v12, v47;
	_ =	sdelay $0x1  }
0x53a: {  	v47 =	vsub.f32 $1.500000000e+00, v47;
	_ =	sdelay $0x1  }
0x53b: {  	v12 =	vmul.f32 v12, v47;
	_ =	sdelay $0x1  }
0x53c: {  	v46 =	vmul.f32 v12, v60  }
0x53d: {  	v34 =	vsub.f32 $1.500000000e+00, v34  }
0x53e: {  	v46 =	vmul.f32 v46, v12  }
0x53f: {  	v21 =	vsub.f32 v21, v27;
	v34 =	vmul.f32 v34, v50  }
0x540: {  	v46 =	vsub.f32 $1.500000000e+00, v46  }
0x541: {  	v21 =	vmul.f32 v34, v21  }
0x542: {  	v12 =	vmul.f32 v46, v12  }
0x543: {  	v21 =	vmul.f32 v21, v42  }
0x544: {  	v37 =	vmul.f32 v12, v37  }
0x545: {  	v21 =	vadd.f32 v21, v40  }
0x546: {  	v37 =	vmul.f32 v37, v42  }
0x547: {  	[tilespmem:s10+$0x0] =	vst v21  }
0x548: {  	v21 =	vld [tilespmem:$0x3010];
	v37 =	vadd.f32 v37, v40  }
0x549: {  	v20 =	vsub.f32 v20, v27  }
0x54a: {  	v61 =	vld [tilespmem:$0x3090];
	[tilespmem:s10+$0xFFFFFF80] =	vst v37  }
0x54b: {  	v20 =	vmul.f32 v34, v20;
	v62 =	vld [tilespmem:$0x3010];
	_ =	sdelay $0x1  }
0x54c: {  	v20 =	vmul.f32 v20, v21;
	v37 =	vld [tilespmem:$0x3090]  }
0x54d: {  	v33 =	vmul.f32 v12, v33  }
0x54e: {  	v20 =	vadd.f32 v20, v61  }
0x54f: {  	v21 =	vmul.f32 v33, v62  }
0x550: {  	[tilespmem:s10+$0x10] =	vst v20  }
0x551: {  	v20 =	vld [tilespmem:$0x3020];
	v21 =	vadd.f32 v21, v37  }
0x552: {  	v19 =	vsub.f32 v19, v27  }
0x553: {  	v63 =	vld [tilespmem:$0x30A0];
	[tilespmem:s10+$0xFFFFFF90] =	vst v21  }
0x554: {  	v19 =	vmul.f32 v34, v19;
	v37 =	vld [tilespmem:$0x3020];
	_ =	sdelay $0x1  }
0x555: {  	v19 =	vmul.f32 v19, v20;
	v21 =	vld [tilespmem:$0x30A0]  }
0x556: {  	v32 =	vmul.f32 v12, v32  }
0x557: {  	v19 =	vadd.f32 v19, v63  }
0x558: {  	v20 =	vmul.f32 v32, v37  }
0x559: {  	[tilespmem:s10+$0x20] =	vst v19  }
0x55a: {  	v19 =	vld [tilespmem:$0x3030];
	v20 =	vadd.f32 v20, v21  }
0x55b: {  	v18 =	vsub.f32 v18, v27;
	v42 =	vld [tilespmem:$0x3030]  }
0x55c: {  	v40 =	vld [tilespmem:$0x30B0];
	[tilespmem:s10+$0xFFFFFFA0] =	vst v20  }
0x55d: {  	v18 =	vmul.f32 v34, v18;
	v46 =	vld [tilespmem:$0x3030]  }
0x55e: {  	v47 =	vld [tilespmem:$0x30B0]  }
0x55f: {  	v18 =	vmul.f32 v18, v19;
	v49 =	vld [tilespmem:$0x30B0]  }
0x560: {  	v30 =	vmul.f32 v12, v30  }
0x561: {  	v50 =	vmul.f32 v28, v42;
	v18 =	vadd.f32 v18, v40  }
0x562: {  	v19 =	vmul.f32 v30, v46  }
0x563: {  	[tilespmem:s10+$0x30] =	vst v18;
	v18 =	vadd.f32 v50, v47  }
0x564: {  	v51 =	vld [tilespmem:$0x3040];
	v19 =	vadd.f32 v19, v49  }
0x565: {  	v16 =	vsub.f32 v16, v27;
	v52 =	vld [tilespmem:$0x30C0];
	[tilespmem:s18+$0xFFFFFFB0] =	vst v18  }
0x566: {  	v18 =	vld [tilespmem:$0x3040];
	[tilespmem:s10+$0xFFFFFFB0] =	vst v19  }
0x567: {  	v16 =	vmul.f32 v34, v16;
	v19 =	vld [tilespmem:$0x3040]  }
0x568: {  	v55 =	vadd.f32 v45, v48;
	v53 =	vld [tilespmem:$0x30C0]  }
0x569: {  	[tilespmem:s18+$0x50] =	vst v43;
	v16 =	vmul.f32 v16, v51;
	v54 =	vld [tilespmem:$0x30C0]  }
0x56a: {  	v56 =	vld [tilespmem:$0x3060];
	[tilespmem:s17+$0xFFFFFFC0] =	vst v55;
	v29 =	vmul.f32 v12, v29  }
0x56b: {  	v7 =	vsub.f32 v7, v8;
	v60 =	vld [tilespmem:$0x3050];
	v16 =	vadd.f32 v16, v52;
	v58 =	vmul.f32 v26, v18  }
0x56c: {  	v57 =	vld [tilespmem:$0x30E0];
	v19 =	vmul.f32 v29, v19  }
0x56d: {  	v7 =	vmul.f32 v10, v7;
	v62 =	vld [tilespmem:$0x30D0];
	[tilespmem:s10+$0x40] =	vst v16;
	v16 =	vadd.f32 v58, v53  }
0x56e: {  	v59 =	vld [tilespmem:$0x3050];
	v19 =	vadd.f32 v19, v54  }
0x56f: {  	v15 =	vsub.f32 v15, v27;
	v7 =	vmul.f32 v56, v7;
	v61 =	vld [tilespmem:$0x30D0];
	[tilespmem:s18+$0xFFFFFFC0] =	vst v16  }
0x570: {  	v13 =	vmul.f32 v13, v60;
	v16 =	vld [tilespmem:$0x3050];
	[tilespmem:s10+$0xFFFFFFC0] =	vst v19  }
0x571: {  	v15 =	vmul.f32 v34, v15;
	v7 =	vadd.f32 v57, v7;
	v63 =	vld [tilespmem:$0x3050]  }
0x572: {  	v13 =	vadd.f32 v13, v62;
	v28 =	vld [tilespmem:$0x30D0]  }
0x573: {  	[tilespmem:s18+$0x60] =	vst v7;
	v15 =	vmul.f32 v15, v59;
	v30 =	vld [tilespmem:$0x30D0]  }
0x574: {  	v25 =	vmul.f32 v12, v25;
	v33 =	vld [tilespmem:$0x30F0];
	[tilespmem:s17+$0xFFFFFFD0] =	vst v13  }
0x575: {  	v43 =	vld [tilespmem:$0x3060];
	v37 =	vmul.f32 v24, v16;
	v29 =	vadd.f32 v15, v61  }
0x576: {  	v32 =	vld [tilespmem:$0x3070];
	v42 =	vmul.f32 v25, v63  }
0x577: {  	v46 =	vld [tilespmem:$0x30E0];
	v7 =	vadd.f32 v37, v28;
	[tilespmem:s10+$0x50] =	vst v29  }
0x578: {  	v40 =	vld [tilespmem:$0x3060];
	v15 =	vadd.f32 v42, v30  }
0x579: {  	v17 =	vsub.f32 v17, v27;
	v6 =	vmul.f32 v44, v6;
	[tilespmem:s18+$0xFFFFFFD0] =	vst v7;
	v45 =	vld [tilespmem:$0x30E0]  }
0x57a: {  	v7 =	vld [tilespmem:$0x3060];
	[tilespmem:s10+$0xFFFFFFD0] =	vst v15  }
0x57b: {  	v6 =	vadd.f32 v41, v6;
	v17 =	vmul.f32 v34, v17;
	v49 =	vmul.f32 v43, v11;
	v15 =	vld [tilespmem:$0x3060]  }
0x57c: {  	v47 =	vsub.f32 v23, v36;
	v48 =	vld [tilespmem:$0x30E0]  }
0x57d: {  	[tilespmem:s3+$0xFFFFFFE0] =	vst v6;
	v6 =	vadd.f32 v46, v49;
	v13 =	vmul.f32 v40, v17;
	v51 =	vld [tilespmem:$0x30E0]  }
0x57e: {  	v52 =	vld [tilespmem:$0x3070];
	v17 =	vmul.f32 v12, v47  }
0x57f: {  	v53 =	vld [tilespmem:$0x30F0];
	[tilespmem:s17+$0xFFFFFFE0] =	vst v6;
	v7 =	vmul.f32 v7, v35;
	v50 =	vadd.f32 v45, v13  }
0x580: {  	v5 =	vsub.f32 v5, v8;
	v55 =	vld [tilespmem:$0x3070];
	v15 =	vmul.f32 v15, v17  }
0x581: {  	v57 =	vld [tilespmem:$0x30F0];
	v7 =	vadd.f32 v48, v7;
	[tilespmem:s10+$0x60] =	vst v50  }
0x582: {  	v5 =	vmul.f32 v10, v5;
	v11 =	vld [tilespmem:$0x3070];
	v13 =	vadd.f32 v51, v15  }
0x583: {  	v56 =	vsub.f32 v14, v27;
	[tilespmem:s18+$0xFFFFFFE0] =	vst v7;
	v54 =	vld [tilespmem:$0x30F0]  }
0x584: {  	v5 =	vmul.f32 v32, v5;
	v7 =	vld [tilespmem:$0x3070];
	[tilespmem:s10+$0xFFFFFFE0] =	vst v13  }
0x585: {  	v10 =	vmul.f32 v34, v56;
	v4 =	vmul.f32 v52, v4;
	v13 =	vld [tilespmem:$0x3070]  }
0x586: {  	v5 =	vadd.f32 v33, v5;
	v58 =	vsub.f32 v22, v36;
	v60 =	vld [tilespmem:$0x30F0]  }
0x587: {  	v4 =	vadd.f32 v53, v4;
	v10 =	vmul.f32 v11, v10;
	v61 =	vld [tilespmem:$0x30F0]  }
0x588: {  	[tilespmem:s18+$0x70] =	vst v5;
	v59 =	vadd.f32 v31, v39;
	v8 =	vmul.f32 v55, v9;
	v12 =	vmul.f32 v12, v58  }
0x589: {  	[tilespmem:s3+$0xFFFFFFF0] =	vst v4;
	v62 =	vmul.f32 v7, v38;
	v5 =	vadd.f32 v54, v10  }
0x58a: {  	[tilespmem:s2+$0xFFFFFFF0] =	vst v59;
	v4 =	vadd.f32 v57, v8;
	v63 =	vmul.f32 v13, v12  }
.Ltmp8:
0x58b: {  	[tilespmem:s10+$0x70] =	vst v5;
	v5 =	vadd.f32 v60, v62;
	(pc) =	sbr.rel .LBB2_2-.Ltmp8, $4  }
0x58c: {  	[tilespmem:s17+$0xFFFFFFF0] =	vst v4;
	v4 =	vadd.f32 v61, v63  }
0x58d: {  	s1 =	sshll.u32 s1, $0xB;
	[tilespmem:s18+$0xFFFFFFF0] =	vst v5  }
0x58e: {  	s7 =	sadd.s32 $0x1, s7;
	s1 =	sadd.s32 s1, s14;
	[tilespmem:s10+$0xFFFFFFF0] =	vst v4  }
0x58f: {  	[hbm4b:s1+s8] =	stream.linear.scatter [tilespmem:s28], [sflag:$0x3], $0x4000, $0x38;
	[tilespmem:$0x12290] =	vst v63  }
.LBB2_15:
0x590: {  	_ =	sfence.sel $0x180000  }
0x591: {  	[bflag:$0x0] =	sbarrier.arrive $0xFFFF  }
0x592: {  	_ =	strace $0x90000047  }
0x593: {  	[bflag:$0x2] =	sbarrier.arrive $0xFFFF  }
0x594: {  	s0 =	rddreg [dreg:$0x8]  }
0x595: {  	s0 =	sadd.s32 @!p0 $0x100000, s0  }
0x596: {  	[sflag:s0] =	ssyncadd.tile.s32 @!p0 $0x1;
	_ =	shalt  }
.Lfunc_end2:
_tile_overlayer_lowered:
.L_overlay_start_2:
0x597: {  	(tag) =	ssettag $0x2  }
0x598: {  	s0 =	rddreg [dreg:$0x0];
	s2 =	stileid.u32  }
0x599: {  	s1 =	rddreg [dreg:$0x1];
	p0 =	sne.s32 s2, $0x0  }
0x59a: {  	s3 =	rddreg [dreg:$0x2];
	[bflag:$0x3] =	sbarrier.arrive $0xFFFF;
	s2 =	simm.s32 @!p0 $0x1C04  }
0x59b: {  	[timem:s3], [sflag:s2] =	dma.local @!p0 [hbm:s0], s1  }
0x59c: {  	s0 =	simm.s32 @!p0 $0x4  }
0x59d: {  	_ =	swait.ge @!p0 [sflag:s0], s1  }
0x59e: {  	s1 =	ssub.s32 @!p0 $0x0, s1;
	[sflag:s0] =	ssyncset.done @!p0 $0x0  }
0x59f: {  	[sflag:s0] =	ssyncadd.s32 @!p0 s1  }
0x5a0: {  	[bflag:$0x3] =	sbarrier.arrive $0xFFFF  }
0x5a1: {  	_ =	shalt  }

</sc_bundles>
